<compile_context>
chip_gen: v7x
topology: tpu7x:2x2x1
jax: 0.10.2.dev20260603
libtpu: 0.0.44.dev20260713+nightly
codegen_flags: <defaults>
</compile_context>

<pallas_src>
import functools

import jax
import jax.numpy as jnp
from jax import lax
from jax.experimental import pallas as pl
from jax.experimental.pallas import tpu as pltpu
from jax.experimental.pallas import tpu_sc as plsc

N_NODES = 2097152
N_GRAPHS = 16384
N_ELEM = 100
NF = 6
MF = 2

NC, NS, L = 2, 16, 16
NW = NC * NS
NT = N_NODES // NW
CH = 4096
NCHUNK = NT // CH
GT = N_GRAPHS // NW

_mesh = plsc.VectorSubcoreMesh(
    core_axis_name="c", subcore_axis_name="s", num_cores=NC, num_subcores=NS
)


@functools.partial(
    pl.kernel,
    out_type=(
        jax.ShapeDtypeStruct((NF, N_NODES), jnp.float32),
        jax.ShapeDtypeStruct((N_GRAPHS * MF,), jnp.float32),
    ),
    mesh=_mesh,
    compiler_params=pltpu.CompilerParams(needs_layout_passes=False, use_tc_tiling_on_sc=True),
    scratch_types=[
        pltpu.VMEM((CH,), jnp.int32),
        pltpu.VMEM((CH,), jnp.int32),
        pltpu.VMEM((NF, CH), jnp.float32),
        pltpu.VMEM((NF, CH), jnp.float32),
        pltpu.VMEM((NF * 112,), jnp.float32),
        pltpu.VMEM((L,), jnp.float32),
        pltpu.VMEM((L,), jnp.float32),
        pltpu.VMEM((GT,), jnp.float32),
        pltpu.VMEM((GT,), jnp.float32),
        pltpu.VMEM((GT * MF,), jnp.float32),
        pltpu.SemaphoreType.DMA,
        pltpu.SemaphoreType.DMA,
        pltpu.SemaphoreType.DMA,
        pltpu.SemaphoreType.DMA,
    ],
)
def _featurize(x_hbm, na_hbm, rad_hbm, tab_hbm, nstd_hbm, gstd_hbm,
               node_out, mol_out,
               x_a, x_b, out_a, out_b, tab_v, nstd_v, gstd_v,
               na_v, rad_v, molo_v, sem_a, sem_b, sx_a, sx_b):
    wid = lax.axis_index("s") * NC + lax.axis_index("c")
    nbase = wid * NT
    gbase = wid * GT

    pltpu.sync_copy(tab_hbm, tab_v)
    pltpu.sync_copy(nstd_hbm, nstd_v.at[pl.ds(0, NF * 2)])
    pltpu.sync_copy(gstd_hbm, gstd_v.at[pl.ds(0, MF * 2)])
    pltpu.sync_copy(na_hbm.at[pl.ds(gbase, GT)], na_v)
    pltpu.sync_copy(rad_hbm.at[pl.ds(gbase, GT)], rad_v)

    nv = nstd_v[pl.ds(0, L)]
    gv = gstd_v[pl.ds(0, L)]
    rnv = 1.0 / nv
    rgv = 1.0 / gv
    means = [jnp.full((L,), nv[2 * j]) for j in range(NF)]
    rstds = [jnp.full((L,), rnv[2 * j + 1]) for j in range(NF)]

    m_na = jnp.full((L,), gv[0])
    rs_na = jnp.full((L,), rgv[1])
    m_r = jnp.full((L,), gv[2])
    rs_r = jnp.full((L,), rgv[3])

    for j in range(NF):
        for g in range(7):
            sl = pl.ds(j * 112 + g * L, L)
            tab_v[sl] = (tab_v[sl] - means[j]) * rstds[j]

    def mol_body(g, carry):
        na = (na_v[pl.ds(g * L, L)] - m_na) * rs_na
        rd = (rad_v[pl.ds(g * L, L)] - m_r) * rs_r
        molo_v[pl.ds(g * L, L)] = na
        molo_v[pl.ds(GT + g * L, L)] = rd
        return carry

    lax.fori_loop(0, GT // L, mol_body, 0)
    pltpu.sync_copy(molo_v.at[pl.ds(0, GT)], mol_out.at[pl.ds(gbase, GT)])
    pltpu.sync_copy(molo_v.at[pl.ds(GT, GT)],
                    mol_out.at[pl.ds(N_GRAPHS + gbase, GT)])

    def run_chunk(xbuf, buf):
        @plsc.parallel_loop(0, CH, step=L, unroll=4)
        def _(i):
            xv = xbuf[pl.ds(i, L)]
            for j in range(NF):
                buf[j, pl.ds(i, L)] = plsc.load_gather(
                    tab_v, [xv + 112 * j] if j else [xv])

    bufs = (out_a, out_b)
    sems = (sem_a, sem_b)
    xbufs = (x_a, x_b)
    xsems = (sx_a, sx_b)
    pending = [None, None]
    xpend = [None, None]
    xpend[0] = pltpu.async_copy(x_hbm.at[pl.ds(nbase, CH)], x_a, sx_a)
    for ch in range(NCHUNK):
        b = ch % 2
        if ch + 1 < NCHUNK:
            nb2 = (ch + 1) % 2
            xpend[nb2] = pltpu.async_copy(
                x_hbm.at[pl.ds(nbase + (ch + 1) * CH, CH)],
                xbufs[nb2], xsems[nb2])
        xpend[b].wait()
        if pending[b] is not None:
            for d in pending[b]:
                d.wait()
        run_chunk(xbufs[b], bufs[b])
        col0 = nbase + ch * CH
        pending[b] = [
            pltpu.async_copy(bufs[b],
                             node_out.at[:, pl.ds(col0, CH)],
                             sems[b])
        ]
    for p in pending:
        for d in p:
            d.wait()


def kernel(x, num_atoms, radius, atom_properties_tensor,
           node_standardization_tensor, graph_standardization_tensor):
    node_cm, mol_flat = _featurize(
        x, num_atoms, radius,
        jnp.pad(atom_properties_tensor.T, ((0, 0), (0, 112 - N_ELEM))).reshape(-1),
        node_standardization_tensor.reshape(-1),
        graph_standardization_tensor.reshape(-1))
    return (node_cm.T,
            mol_flat.reshape(MF, N_GRAPHS).T)

# --- scband reference (transcript-rebuilt; emitter-appended) ---
"""Pipeline reference for scband-base-graph-model-31842887533088 (READ-ONLY COPY).

The authoritative reference and input builder live on the scoring server;
editing this copy changes nothing except your own understanding.
"""

import jax, jax.numpy as jnp
import numpy as np

N_NODES = 2097152   # total atoms across batched graphs
N_GRAPHS = 16384    # number of molecules in batch
N_ELEM = 100        # periodic table size (len(VDW_RADII))
N_ATOM_FEATS = 6    # atomic-number idx + 5 property columns
N_MOL_FEATS = 2     # num_atoms, radius


def setup_inputs(seed: int = 0) -> dict:
    key = jax.random.key(seed)
    ks = jax.random.split(key, 8)
    x = jax.random.randint(ks[0], (N_NODES,), 0, N_ELEM, dtype=jnp.int32)
    num_atoms = jax.random.uniform(ks[1], (N_GRAPHS,), jnp.float32, 5.0, 50.0)
    radius = jax.random.uniform(ks[2], (N_GRAPHS,), jnp.float32, 1.0, 10.0)
    # stacked atom property embedding table: column 0 is arange(N_ELEM), rest are element properties
    props = jax.random.normal(ks[3], (N_ELEM, N_ATOM_FEATS - 1), jnp.float32)
    atom_properties_tensor = jnp.concatenate(
        [jnp.arange(N_ELEM, dtype=jnp.float32)[:, None], props], axis=1
    )
    node_mean = jax.random.normal(ks[4], (N_ATOM_FEATS,), jnp.float32) * 0.1
    node_std = jax.random.uniform(ks[5], (N_ATOM_FEATS,), jnp.float32, 0.5, 1.5)
    node_standardization_tensor = jnp.stack([node_mean, node_std], axis=1)
    graph_mean = jax.random.normal(ks[6], (N_MOL_FEATS,), jnp.float32) * 0.1
    graph_std = jax.random.uniform(ks[7], (N_MOL_FEATS,), jnp.float32, 0.5, 1.5)
    graph_standardization_tensor = jnp.stack([graph_mean, graph_std], axis=1)
    return {
        "x": x,
        "num_atoms": num_atoms,
        "radius": radius,
        "atom_properties_tensor": atom_properties_tensor,
        "node_standardization_tensor": node_standardization_tensor,
        "graph_standardization_tensor": graph_standardization_tensor,
    }


def reference(x, num_atoms, radius, atom_properties_tensor,
              node_standardization_tensor, graph_standardization_tensor):
    # featurize_input_graph: embedding lookup of per-element property rows
    node_x = jnp.take(atom_properties_tensor, x, axis=0)          # [N_NODES, 6]
    # standardize (node-level)
    node_x = (node_x - node_standardization_tensor[:, 0]) / node_standardization_tensor[:, 1]
    # mol_x = torch.stack([num_atoms, radius]).T
    mol_x = jnp.stack([num_atoms, radius], axis=0).T              # [N_GRAPHS, 2]
    # standardize (graph-level)
    mol_x = (mol_x - graph_standardization_tensor[:, 0]) / graph_standardization_tensor[:, 1]
    return (node_x, mol_x)

if __name__ == "__main__":
    import jax
    _d = setup_inputs()
    print(jax.jit(kernel)(*tuple(_d.values())))

</pallas_src>

<mosaic_0001>
#map = affine_map<(d0, d1) -> (0)>
#map1 = affine_map<(d0, d1) -> (0, 0)>
module attributes {stable_mosaic.version = 14 : i64} {
  func.func @_featurize(%arg0: i32, %arg1: i32, %arg2: memref<2097152xi32, #tpu.memory_space<hbm>>, %arg3: memref<16384xf32, #tpu.memory_space<hbm>>, %arg4: memref<16384xf32, #tpu.memory_space<hbm>>, %arg5: memref<672xf32, #tpu.memory_space<hbm>>, %arg6: memref<12xf32, #tpu.memory_space<hbm>>, %arg7: memref<4xf32, #tpu.memory_space<hbm>>, %arg8: memref<6x2097152xf32, #tpu.memory_space<hbm>>, %arg9: memref<32768xf32, #tpu.memory_space<hbm>>, %arg10: memref<4096xi32, #tpu.memory_space<vmem>>, %arg11: memref<4096xi32, #tpu.memory_space<vmem>>, %arg12: memref<6x4096xf32, #tpu.memory_space<vmem>>, %arg13: memref<6x4096xf32, #tpu.memory_space<vmem>>, %arg14: memref<672xf32, #tpu.memory_space<vmem>>, %arg15: memref<16xf32, #tpu.memory_space<vmem>>, %arg16: memref<16xf32, #tpu.memory_space<vmem>>, %arg17: memref<512xf32, #tpu.memory_space<vmem>>, %arg18: memref<512xf32, #tpu.memory_space<vmem>>, %arg19: memref<1024xf32, #tpu.memory_space<vmem>>, %arg20: memref<!tpu.dma_semaphore, #tpu.memory_space<semaphore_mem>>, %arg21: memref<!tpu.dma_semaphore, #tpu.memory_space<semaphore_mem>>, %arg22: memref<!tpu.dma_semaphore, #tpu.memory_space<semaphore_mem>>, %arg23: memref<!tpu.dma_semaphore, #tpu.memory_space<semaphore_mem>>) attributes {dimension_semantics = [#tpu.dimension_semantics<core_parallel>, #tpu.dimension_semantics<subcore_parallel>], iteration_bounds = array<i64: 2, 16>, scalar_prefetch = 0 : i64, scratch_operands = 14 : i64, tpu.core_type = #tpu.core_type<sc_vector_subcore>, window_params = [{transform_indices = #map}, {transform_indices = #map}, {transform_indices = #map}, {transform_indices = #map}, {transform_indices = #map}, {transform_indices = #map}, {transform_indices = #map1}, {transform_indices = #map}]} {
    %mul3A = arith.constant 2 : i32
    %mul3A_0 = arith.muli %arg1, %mul3A : i32
    %add3A = arith.addi %mul3A_0, %arg0 : i32
    %mul3A_1 = arith.constant 65536 : i32
    %mul3A_2 = arith.muli %add3A, %mul3A_1 : i32
    %mul3A_3 = arith.constant 512 : i32
    %mul3A_4 = arith.muli %add3A, %mul3A_3 : i32
    "tpu.region"() ({
      %run_scoped3A = tpu.sem_alloc : memref<!tpu.dma_semaphore, #tpu.memory_space<semaphore_mem>>
      tpu.enqueue_dma source(%arg5 : memref<672xf32, #tpu.memory_space<hbm>>) target(%arg14 : memref<672xf32, #tpu.memory_space<vmem>>) target_semaphore(%run_scoped3A : memref<!tpu.dma_semaphore, #tpu.memory_space<semaphore_mem>>)
      tpu.wait_dma2 semaphore(%run_scoped3A : memref<!tpu.dma_semaphore, #tpu.memory_space<semaphore_mem>>) src(%arg5 : memref<672xf32, #tpu.memory_space<hbm>>) dst(%arg14 : memref<672xf32, #tpu.memory_space<vmem>>)
      tpu.yield
    }) : () -> ()
    "tpu.region"() ({
      %run_scoped3A = tpu.sem_alloc : memref<!tpu.dma_semaphore, #tpu.memory_space<semaphore_mem>>
      %dma_start3A_614 = arith.constant 0 : i32
      %dma_start3A_615 = tpu.memref_slice %arg15[%dma_start3A_614] : memref<16xf32, #tpu.memory_space<vmem>> -> memref<12xf32, #tpu.memory_space<vmem>>
      %dma_start3A_616 = arith.constant 0 : i32
      %dma_start3A_617 = tpu.memref_slice %arg15[%dma_start3A_616] : memref<16xf32, #tpu.memory_space<vmem>> -> memref<12xf32, #tpu.memory_space<vmem>>
      tpu.enqueue_dma source(%arg6 : memref<12xf32, #tpu.memory_space<hbm>>) target(%dma_start3A_617 : memref<12xf32, #tpu.memory_space<vmem>>) target_semaphore(%run_scoped3A : memref<!tpu.dma_semaphore, #tpu.memory_space<semaphore_mem>>)
      %dma_wait3A_618 = arith.constant 0 : i32
      %dma_wait3A_619 = tpu.memref_slice %arg15[%dma_wait3A_618] : memref<16xf32, #tpu.memory_space<vmem>> -> memref<12xf32, #tpu.memory_space<vmem>>
      %dma_wait3A_620 = arith.constant 0 : i32
      %dma_wait3A_621 = tpu.memref_slice %arg15[%dma_wait3A_620] : memref<16xf32, #tpu.memory_space<vmem>> -> memref<12xf32, #tpu.memory_space<vmem>>
      tpu.wait_dma2 semaphore(%run_scoped3A : memref<!tpu.dma_semaphore, #tpu.memory_space<semaphore_mem>>) src(%arg6 : memref<12xf32, #tpu.memory_space<hbm>>) dst(%dma_wait3A_621 : memref<12xf32, #tpu.memory_space<vmem>>)
      tpu.yield
    }) : () -> ()
    "tpu.region"() ({
      %run_scoped3A = tpu.sem_alloc : memref<!tpu.dma_semaphore, #tpu.memory_space<semaphore_mem>>
      %dma_start3A_614 = arith.constant 0 : i32
      %dma_start3A_615 = tpu.memref_slice %arg16[%dma_start3A_614] : memref<16xf32, #tpu.memory_space<vmem>> -> memref<4xf32, #tpu.memory_space<vmem>>
      %dma_start3A_616 = arith.constant 0 : i32
      %dma_start3A_617 = tpu.memref_slice %arg16[%dma_start3A_616] : memref<16xf32, #tpu.memory_space<vmem>> -> memref<4xf32, #tpu.memory_space<vmem>>
      tpu.enqueue_dma source(%arg7 : memref<4xf32, #tpu.memory_space<hbm>>) target(%dma_start3A_617 : memref<4xf32, #tpu.memory_space<vmem>>) target_semaphore(%run_scoped3A : memref<!tpu.dma_semaphore, #tpu.memory_space<semaphore_mem>>)
      %dma_wait3A_618 = arith.constant 0 : i32
      %dma_wait3A_619 = tpu.memref_slice %arg16[%dma_wait3A_618] : memref<16xf32, #tpu.memory_space<vmem>> -> memref<4xf32, #tpu.memory_space<vmem>>
      %dma_wait3A_620 = arith.constant 0 : i32
      %dma_wait3A_621 = tpu.memref_slice %arg16[%dma_wait3A_620] : memref<16xf32, #tpu.memory_space<vmem>> -> memref<4xf32, #tpu.memory_space<vmem>>
      tpu.wait_dma2 semaphore(%run_scoped3A : memref<!tpu.dma_semaphore, #tpu.memory_space<semaphore_mem>>) src(%arg7 : memref<4xf32, #tpu.memory_space<hbm>>) dst(%dma_wait3A_621 : memref<4xf32, #tpu.memory_space<vmem>>)
      tpu.yield
    }) : () -> ()
    "tpu.region"() ({
      %run_scoped3A = tpu.sem_alloc : memref<!tpu.dma_semaphore, #tpu.memory_space<semaphore_mem>>
      %dma_start3A_614 = tpu.memref_slice %arg3[%mul3A_4] : memref<16384xf32, #tpu.memory_space<hbm>> -> memref<512xf32, #tpu.memory_space<hbm>>
      %dma_start3A_615 = tpu.memref_slice %arg3[%mul3A_4] : memref<16384xf32, #tpu.memory_space<hbm>> -> memref<512xf32, #tpu.memory_space<hbm>>
      tpu.enqueue_dma source(%dma_start3A_615 : memref<512xf32, #tpu.memory_space<hbm>>) target(%arg17 : memref<512xf32, #tpu.memory_space<vmem>>) target_semaphore(%run_scoped3A : memref<!tpu.dma_semaphore, #tpu.memory_space<semaphore_mem>>)
      %dma_wait3A_616 = tpu.memref_slice %arg3[%mul3A_4] : memref<16384xf32, #tpu.memory_space<hbm>> -> memref<512xf32, #tpu.memory_space<hbm>>
      %dma_wait3A_617 = tpu.memref_slice %arg3[%mul3A_4] : memref<16384xf32, #tpu.memory_space<hbm>> -> memref<512xf32, #tpu.memory_space<hbm>>
      tpu.wait_dma2 semaphore(%run_scoped3A : memref<!tpu.dma_semaphore, #tpu.memory_space<semaphore_mem>>) src(%dma_wait3A_617 : memref<512xf32, #tpu.memory_space<hbm>>) dst(%arg17 : memref<512xf32, #tpu.memory_space<vmem>>)
      tpu.yield
    }) : () -> ()
    "tpu.region"() ({
      %run_scoped3A = tpu.sem_alloc : memref<!tpu.dma_semaphore, #tpu.memory_space<semaphore_mem>>
      %dma_start3A_614 = tpu.memref_slice %arg4[%mul3A_4] : memref<16384xf32, #tpu.memory_space<hbm>> -> memref<512xf32, #tpu.memory_space<hbm>>
      %dma_start3A_615 = tpu.memref_slice %arg4[%mul3A_4] : memref<16384xf32, #tpu.memory_space<hbm>> -> memref<512xf32, #tpu.memory_space<hbm>>
      tpu.enqueue_dma source(%dma_start3A_615 : memref<512xf32, #tpu.memory_space<hbm>>) target(%arg18 : memref<512xf32, #tpu.memory_space<vmem>>) target_semaphore(%run_scoped3A : memref<!tpu.dma_semaphore, #tpu.memory_space<semaphore_mem>>)
      %dma_wait3A_616 = tpu.memref_slice %arg4[%mul3A_4] : memref<16384xf32, #tpu.memory_space<hbm>> -> memref<512xf32, #tpu.memory_space<hbm>>
      %dma_wait3A_617 = tpu.memref_slice %arg4[%mul3A_4] : memref<16384xf32, #tpu.memory_space<hbm>> -> memref<512xf32, #tpu.memory_space<hbm>>
      tpu.wait_dma2 semaphore(%run_scoped3A : memref<!tpu.dma_semaphore, #tpu.memory_space<semaphore_mem>>) src(%dma_wait3A_617 : memref<512xf32, #tpu.memory_space<hbm>>) dst(%arg18 : memref<512xf32, #tpu.memory_space<vmem>>)
      tpu.yield
    }) : () -> ()
    %get3A = arith.constant 0 : index
    %get3A_5 = tpu.vector_load %arg15[%get3A] {strides = array<i32>} : memref<16xf32, #tpu.memory_space<vmem>>, vector<16xf32>,
    %get3A_6 = arith.constant 0 : index
    %get3A_7 = tpu.vector_load %arg16[%get3A_6] {strides = array<i32>} : memref<16xf32, #tpu.memory_space<vmem>>, vector<16xf32>,
    %div3A = arith.constant 1.000000e+00 : f32
    %div3A_8 = vector.broadcast %div3A : f32 to vector<16xf32>
    %div3A_9 = arith.divf %div3A_8, %get3A_5 : vector<16xf32>
    %div3A_10 = arith.constant 1.000000e+00 : f32
    %div3A_11 = vector.broadcast %div3A_10 : f32 to vector<16xf32>
    %div3A_12 = arith.divf %div3A_11, %get3A_7 : vector<16xf32>
    %slice3A = vector.extract_strided_slice %get3A_5 {offsets = [0], sizes = [1], strides = [1]} : vector<16xf32> to vector<1xf32>
    %squeeze3A = vector.extract %slice3A[0] : f32 from vector<1xf32>
    %broadcast_in_dim3A = vector.broadcast %squeeze3A : f32 to vector<16xf32>
    %slice3A_13 = vector.extract_strided_slice %get3A_5 {offsets = [2], sizes = [1], strides = [1]} : vector<16xf32> to vector<1xf32>
    %squeeze3A_14 = vector.extract %slice3A_13[0] : f32 from vector<1xf32>
    %broadcast_in_dim3A_15 = vector.broadcast %squeeze3A_14 : f32 to vector<16xf32>
    %slice3A_16 = vector.extract_strided_slice %get3A_5 {offsets = [4], sizes = [1], strides = [1]} : vector<16xf32> to vector<1xf32>
    %squeeze3A_17 = vector.extract %slice3A_16[0] : f32 from vector<1xf32>
    %broadcast_in_dim3A_18 = vector.broadcast %squeeze3A_17 : f32 to vector<16xf32>
    %slice3A_19 = vector.extract_strided_slice %get3A_5 {offsets = [6], sizes = [1], strides = [1]} : vector<16xf32> to vector<1xf32>
    %squeeze3A_20 = vector.extract %slice3A_19[0] : f32 from vector<1xf32>
    %broadcast_in_dim3A_21 = vector.broadcast %squeeze3A_20 : f32 to vector<16xf32>
    %slice3A_22 = vector.extract_strided_slice %get3A_5 {offsets = [8], sizes = [1], strides = [1]} : vector<16xf32> to vector<1xf32>
    %squeeze3A_23 = vector.extract %slice3A_22[0] : f32 from vector<1xf32>
    %broadcast_in_dim3A_24 = vector.broadcast %squeeze3A_23 : f32 to vector<16xf32>
    %slice3A_25 = vector.extract_strided_slice %get3A_5 {offsets = [10], sizes = [1], strides = [1]} : vector<16xf32> to vector<1xf32>
    %squeeze3A_26 = vector.extract %slice3A_25[0] : f32 from vector<1xf32>
    %broadcast_in_dim3A_27 = vector.broadcast %squeeze3A_26 : f32 to vector<16xf32>
    %slice3A_28 = vector.extract_strided_slice %div3A_9 {offsets = [1], sizes = [1], strides = [1]} : vector<16xf32> to vector<1xf32>
    %squeeze3A_29 = vector.extract %slice3A_28[0] : f32 from vector<1xf32>
    %broadcast_in_dim3A_30 = vector.broadcast %squeeze3A_29 : f32 to vector<16xf32>
    %slice3A_31 = vector.extract_strided_slice %div3A_9 {offsets = [3], sizes = [1], strides = [1]} : vector<16xf32> to vector<1xf32>
    %squeeze3A_32 = vector.extract %slice3A_31[0] : f32 from vector<1xf32>
    %broadcast_in_dim3A_33 = vector.broadcast %squeeze3A_32 : f32 to vector<16xf32>
    %slice3A_34 = vector.extract_strided_slice %div3A_9 {offsets = [5], sizes = [1], strides = [1]} : vector<16xf32> to vector<1xf32>
    %squeeze3A_35 = vector.extract %slice3A_34[0] : f32 from vector<1xf32>
    %broadcast_in_dim3A_36 = vector.broadcast %squeeze3A_35 : f32 to vector<16xf32>
    %slice3A_37 = vector.extract_strided_slice %div3A_9 {offsets = [7], sizes = [1], strides = [1]} : vector<16xf32> to vector<1xf32>
    %squeeze3A_38 = vector.extract %slice3A_37[0] : f32 from vector<1xf32>
    %broadcast_in_dim3A_39 = vector.broadcast %squeeze3A_38 : f32 to vector<16xf32>
    %slice3A_40 = vector.extract_strided_slice %div3A_9 {offsets = [9], sizes = [1], strides = [1]} : vector<16xf32> to vector<1xf32>
    %squeeze3A_41 = vector.extract %slice3A_40[0] : f32 from vector<1xf32>
    %broadcast_in_dim3A_42 = vector.broadcast %squeeze3A_41 : f32 to vector<16xf32>
    %slice3A_43 = vector.extract_strided_slice %div3A_9 {offsets = [11], sizes = [1], strides = [1]} : vector<16xf32> to vector<1xf32>
    %squeeze3A_44 = vector.extract %slice3A_43[0] : f32 from vector<1xf32>
    %broadcast_in_dim3A_45 = vector.broadcast %squeeze3A_44 : f32 to vector<16xf32>
    %slice3A_46 = vector.extract_strided_slice %get3A_7 {offsets = [0], sizes = [1], strides = [1]} : vector<16xf32> to vector<1xf32>
    %squeeze3A_47 = vector.extract %slice3A_46[0] : f32 from vector<1xf32>
    %broadcast_in_dim3A_48 = vector.broadcast %squeeze3A_47 : f32 to vector<16xf32>
    %slice3A_49 = vector.extract_strided_slice %div3A_12 {offsets = [1], sizes = [1], strides = [1]} : vector<16xf32> to vector<1xf32>
    %squeeze3A_50 = vector.extract %slice3A_49[0] : f32 from vector<1xf32>
    %broadcast_in_dim3A_51 = vector.broadcast %squeeze3A_50 : f32 to vector<16xf32>
    %slice3A_52 = vector.extract_strided_slice %get3A_7 {offsets = [2], sizes = [1], strides = [1]} : vector<16xf32> to vector<1xf32>
    %squeeze3A_53 = vector.extract %slice3A_52[0] : f32 from vector<1xf32>
    %broadcast_in_dim3A_54 = vector.broadcast %squeeze3A_53 : f32 to vector<16xf32>
    %slice3A_55 = vector.extract_strided_slice %div3A_12 {offsets = [3], sizes = [1], strides = [1]} : vector<16xf32> to vector<1xf32>
    %squeeze3A_56 = vector.extract %slice3A_55[0] : f32 from vector<1xf32>
    %broadcast_in_dim3A_57 = vector.broadcast %squeeze3A_56 : f32 to vector<16xf32>
    %get3A_58 = arith.constant 0 : index
    %get3A_59 = tpu.vector_load %arg14[%get3A_58] {strides = array<i32>} : memref<672xf32, #tpu.memory_space<vmem>>, vector<16xf32>,
    %sub3A = arith.subf %get3A_59, %broadcast_in_dim3A : vector<16xf32>
    %mul3A_60 = arith.mulf %sub3A, %broadcast_in_dim3A_30 : vector<16xf32>
    %swap3A = arith.constant 0 : index
    %swap3A_61 = tpu.vector_load %arg14[%swap3A] {strides = array<i32>} : memref<672xf32, #tpu.memory_space<vmem>>, vector<16xf32>,
    tpu.vector_store %arg14[%swap3A], %mul3A_60 {strides = array<i32>} : memref<672xf32, #tpu.memory_space<vmem>>, vector<16xf32>,
    %get3A_62 = arith.constant 16 : index
    %get3A_63 = tpu.vector_load %arg14[%get3A_62] {strides = array<i32>} : memref<672xf32, #tpu.memory_space<vmem>>, vector<16xf32>,
    %sub3A_64 = arith.subf %get3A_63, %broadcast_in_dim3A : vector<16xf32>
    %mul3A_65 = arith.mulf %sub3A_64, %broadcast_in_dim3A_30 : vector<16xf32>
    %swap3A_66 = arith.constant 16 : index
    %swap3A_67 = tpu.vector_load %arg14[%swap3A_66] {strides = array<i32>} : memref<672xf32, #tpu.memory_space<vmem>>, vector<16xf32>,
    tpu.vector_store %arg14[%swap3A_66], %mul3A_65 {strides = array<i32>} : memref<672xf32, #tpu.memory_space<vmem>>, vector<16xf32>,
    %get3A_68 = arith.constant 32 : index
    %get3A_69 = tpu.vector_load %arg14[%get3A_68] {strides = array<i32>} : memref<672xf32, #tpu.memory_space<vmem>>, vector<16xf32>,
    %sub3A_70 = arith.subf %get3A_69, %broadcast_in_dim3A : vector<16xf32>
    %mul3A_71 = arith.mulf %sub3A_70, %broadcast_in_dim3A_30 : vector<16xf32>
    %swap3A_72 = arith.constant 32 : index
    %swap3A_73 = tpu.vector_load %arg14[%swap3A_72] {strides = array<i32>} : memref<672xf32, #tpu.memory_space<vmem>>, vector<16xf32>,
    tpu.vector_store %arg14[%swap3A_72], %mul3A_71 {strides = array<i32>} : memref<672xf32, #tpu.memory_space<vmem>>, vector<16xf32>,
    %get3A_74 = arith.constant 48 : index
    %get3A_75 = tpu.vector_load %arg14[%get3A_74] {strides = array<i32>} : memref<672xf32, #tpu.memory_space<vmem>>, vector<16xf32>,
    %sub3A_76 = arith.subf %get3A_75, %broadcast_in_dim3A : vector<16xf32>
    %mul3A_77 = arith.mulf %sub3A_76, %broadcast_in_dim3A_30 : vector<16xf32>
    %swap3A_78 = arith.constant 48 : index
    %swap3A_79 = tpu.vector_load %arg14[%swap3A_78] {strides = array<i32>} : memref<672xf32, #tpu.memory_space<vmem>>, vector<16xf32>,
    tpu.vector_store %arg14[%swap3A_78], %mul3A_77 {strides = array<i32>} : memref<672xf32, #tpu.memory_space<vmem>>, vector<16xf32>,
    %get3A_80 = arith.constant 64 : index
    %get3A_81 = tpu.vector_load %arg14[%get3A_80] {strides = array<i32>} : memref<672xf32, #tpu.memory_space<vmem>>, vector<16xf32>,
    %sub3A_82 = arith.subf %get3A_81, %broadcast_in_dim3A : vector<16xf32>
    %mul3A_83 = arith.mulf %sub3A_82, %broadcast_in_dim3A_30 : vector<16xf32>
    %swap3A_84 = arith.constant 64 : index
    %swap3A_85 = tpu.vector_load %arg14[%swap3A_84] {strides = array<i32>} : memref<672xf32, #tpu.memory_space<vmem>>, vector<16xf32>,
    tpu.vector_store %arg14[%swap3A_84], %mul3A_83 {strides = array<i32>} : memref<672xf32, #tpu.memory_space<vmem>>, vector<16xf32>,
    %get3A_86 = arith.constant 80 : index
    %get3A_87 = tpu.vector_load %arg14[%get3A_86] {strides = array<i32>} : memref<672xf32, #tpu.memory_space<vmem>>, vector<16xf32>,
    %sub3A_88 = arith.subf %get3A_87, %broadcast_in_dim3A : vector<16xf32>
    %mul3A_89 = arith.mulf %sub3A_88, %broadcast_in_dim3A_30 : vector<16xf32>
    %swap3A_90 = arith.constant 80 : index
    %swap3A_91 = tpu.vector_load %arg14[%swap3A_90] {strides = array<i32>} : memref<672xf32, #tpu.memory_space<vmem>>, vector<16xf32>,
    tpu.vector_store %arg14[%swap3A_90], %mul3A_89 {strides = array<i32>} : memref<672xf32, #tpu.memory_space<vmem>>, vector<16xf32>,
    %get3A_92 = arith.constant 96 : index
    %get3A_93 = tpu.vector_load %arg14[%get3A_92] {strides = array<i32>} : memref<672xf32, #tpu.memory_space<vmem>>, vector<16xf32>,
    %sub3A_94 = arith.subf %get3A_93, %broadcast_in_dim3A : vector<16xf32>
    %mul3A_95 = arith.mulf %sub3A_94, %broadcast_in_dim3A_30 : vector<16xf32>
    %swap3A_96 = arith.constant 96 : index
    %swap3A_97 = tpu.vector_load %arg14[%swap3A_96] {strides = array<i32>} : memref<672xf32, #tpu.memory_space<vmem>>, vector<16xf32>,
    tpu.vector_store %arg14[%swap3A_96], %mul3A_95 {strides = array<i32>} : memref<672xf32, #tpu.memory_space<vmem>>, vector<16xf32>,
    %get3A_98 = arith.constant 112 : index
    %get3A_99 = tpu.vector_load %arg14[%get3A_98] {strides = array<i32>} : memref<672xf32, #tpu.memory_space<vmem>>, vector<16xf32>,
    %sub3A_100 = arith.subf %get3A_99, %broadcast_in_dim3A_15 : vector<16xf32>
    %mul3A_101 = arith.mulf %sub3A_100, %broadcast_in_dim3A_33 : vector<16xf32>
    %swap3A_102 = arith.constant 112 : index
    %swap3A_103 = tpu.vector_load %arg14[%swap3A_102] {strides = array<i32>} : memref<672xf32, #tpu.memory_space<vmem>>, vector<16xf32>,
    tpu.vector_store %arg14[%swap3A_102], %mul3A_101 {strides = array<i32>} : memref<672xf32, #tpu.memory_space<vmem>>, vector<16xf32>,
    %get3A_104 = arith.constant 128 : index
    %get3A_105 = tpu.vector_load %arg14[%get3A_104] {strides = array<i32>} : memref<672xf32, #tpu.memory_space<vmem>>, vector<16xf32>,
    %sub3A_106 = arith.subf %get3A_105, %broadcast_in_dim3A_15 : vector<16xf32>
    %mul3A_107 = arith.mulf %sub3A_106, %broadcast_in_dim3A_33 : vector<16xf32>
    %swap3A_108 = arith.constant 128 : index
    %swap3A_109 = tpu.vector_load %arg14[%swap3A_108] {strides = array<i32>} : memref<672xf32, #tpu.memory_space<vmem>>, vector<16xf32>,
    tpu.vector_store %arg14[%swap3A_108], %mul3A_107 {strides = array<i32>} : memref<672xf32, #tpu.memory_space<vmem>>, vector<16xf32>,
    %get3A_110 = arith.constant 144 : index
    %get3A_111 = tpu.vector_load %arg14[%get3A_110] {strides = array<i32>} : memref<672xf32, #tpu.memory_space<vmem>>, vector<16xf32>,
    %sub3A_112 = arith.subf %get3A_111, %broadcast_in_dim3A_15 : vector<16xf32>
    %mul3A_113 = arith.mulf %sub3A_112, %broadcast_in_dim3A_33 : vector<16xf32>
    %swap3A_114 = arith.constant 144 : index
    %swap3A_115 = tpu.vector_load %arg14[%swap3A_114] {strides = array<i32>} : memref<672xf32, #tpu.memory_space<vmem>>, vector<16xf32>,
    tpu.vector_store %arg14[%swap3A_114], %mul3A_113 {strides = array<i32>} : memref<672xf32, #tpu.memory_space<vmem>>, vector<16xf32>,
    %get3A_116 = arith.constant 160 : index
    %get3A_117 = tpu.vector_load %arg14[%get3A_116] {strides = array<i32>} : memref<672xf32, #tpu.memory_space<vmem>>, vector<16xf32>,
    %sub3A_118 = arith.subf %get3A_117, %broadcast_in_dim3A_15 : vector<16xf32>
    %mul3A_119 = arith.mulf %sub3A_118, %broadcast_in_dim3A_33 : vector<16xf32>
    %swap3A_120 = arith.constant 160 : index
    %swap3A_121 = tpu.vector_load %arg14[%swap3A_120] {strides = array<i32>} : memref<672xf32, #tpu.memory_space<vmem>>, vector<16xf32>,
    tpu.vector_store %arg14[%swap3A_120], %mul3A_119 {strides = array<i32>} : memref<672xf32, #tpu.memory_space<vmem>>, vector<16xf32>,
    %get3A_122 = arith.constant 176 : index
    %get3A_123 = tpu.vector_load %arg14[%get3A_122] {strides = array<i32>} : memref<672xf32, #tpu.memory_space<vmem>>, vector<16xf32>,
    %sub3A_124 = arith.subf %get3A_123, %broadcast_in_dim3A_15 : vector<16xf32>
    %mul3A_125 = arith.mulf %sub3A_124, %broadcast_in_dim3A_33 : vector<16xf32>
    %swap3A_126 = arith.constant 176 : index
    %swap3A_127 = tpu.vector_load %arg14[%swap3A_126] {strides = array<i32>} : memref<672xf32, #tpu.memory_space<vmem>>, vector<16xf32>,
    tpu.vector_store %arg14[%swap3A_126], %mul3A_125 {strides = array<i32>} : memref<672xf32, #tpu.memory_space<vmem>>, vector<16xf32>,
    %get3A_128 = arith.constant 192 : index
    %get3A_129 = tpu.vector_load %arg14[%get3A_128] {strides = array<i32>} : memref<672xf32, #tpu.memory_space<vmem>>, vector<16xf32>,
    %sub3A_130 = arith.subf %get3A_129, %broadcast_in_dim3A_15 : vector<16xf32>
    %mul3A_131 = arith.mulf %sub3A_130, %broadcast_in_dim3A_33 : vector<16xf32>
    %swap3A_132 = arith.constant 192 : index
    %swap3A_133 = tpu.vector_load %arg14[%swap3A_132] {strides = array<i32>} : memref<672xf32, #tpu.memory_space<vmem>>, vector<16xf32>,
    tpu.vector_store %arg14[%swap3A_132], %mul3A_131 {strides = array<i32>} : memref<672xf32, #tpu.memory_space<vmem>>, vector<16xf32>,
    %get3A_134 = arith.constant 208 : index
    %get3A_135 = tpu.vector_load %arg14[%get3A_134] {strides = array<i32>} : memref<672xf32, #tpu.memory_space<vmem>>, vector<16xf32>,
    %sub3A_136 = arith.subf %get3A_135, %broadcast_in_dim3A_15 : vector<16xf32>
    %mul3A_137 = arith.mulf %sub3A_136, %broadcast_in_dim3A_33 : vector<16xf32>
    %swap3A_138 = arith.constant 208 : index
    %swap3A_139 = tpu.vector_load %arg14[%swap3A_138] {strides = array<i32>} : memref<672xf32, #tpu.memory_space<vmem>>, vector<16xf32>,
    tpu.vector_store %arg14[%swap3A_138], %mul3A_137 {strides = array<i32>} : memref<672xf32, #tpu.memory_space<vmem>>, vector<16xf32>,
    %get3A_140 = arith.constant 224 : index
    %get3A_141 = tpu.vector_load %arg14[%get3A_140] {strides = array<i32>} : memref<672xf32, #tpu.memory_space<vmem>>, vector<16xf32>,
    %sub3A_142 = arith.subf %get3A_141, %broadcast_in_dim3A_18 : vector<16xf32>
    %mul3A_143 = arith.mulf %sub3A_142, %broadcast_in_dim3A_36 : vector<16xf32>
    %swap3A_144 = arith.constant 224 : index
    %swap3A_145 = tpu.vector_load %arg14[%swap3A_144] {strides = array<i32>} : memref<672xf32, #tpu.memory_space<vmem>>, vector<16xf32>,
    tpu.vector_store %arg14[%swap3A_144], %mul3A_143 {strides = array<i32>} : memref<672xf32, #tpu.memory_space<vmem>>, vector<16xf32>,
    %get3A_146 = arith.constant 240 : index
    %get3A_147 = tpu.vector_load %arg14[%get3A_146] {strides = array<i32>} : memref<672xf32, #tpu.memory_space<vmem>>, vector<16xf32>,
    %sub3A_148 = arith.subf %get3A_147, %broadcast_in_dim3A_18 : vector<16xf32>
    %mul3A_149 = arith.mulf %sub3A_148, %broadcast_in_dim3A_36 : vector<16xf32>
    %swap3A_150 = arith.constant 240 : index
    %swap3A_151 = tpu.vector_load %arg14[%swap3A_150] {strides = array<i32>} : memref<672xf32, #tpu.memory_space<vmem>>, vector<16xf32>,
    tpu.vector_store %arg14[%swap3A_150], %mul3A_149 {strides = array<i32>} : memref<672xf32, #tpu.memory_space<vmem>>, vector<16xf32>,
    %get3A_152 = arith.constant 256 : index
    %get3A_153 = tpu.vector_load %arg14[%get3A_152] {strides = array<i32>} : memref<672xf32, #tpu.memory_space<vmem>>, vector<16xf32>,
    %sub3A_154 = arith.subf %get3A_153, %broadcast_in_dim3A_18 : vector<16xf32>
    %mul3A_155 = arith.mulf %sub3A_154, %broadcast_in_dim3A_36 : vector<16xf32>
    %swap3A_156 = arith.constant 256 : index
    %swap3A_157 = tpu.vector_load %arg14[%swap3A_156] {strides = array<i32>} : memref<672xf32, #tpu.memory_space<vmem>>, vector<16xf32>,
    tpu.vector_store %arg14[%swap3A_156], %mul3A_155 {strides = array<i32>} : memref<672xf32, #tpu.memory_space<vmem>>, vector<16xf32>,
    %get3A_158 = arith.constant 272 : index
    %get3A_159 = tpu.vector_load %arg14[%get3A_158] {strides = array<i32>} : memref<672xf32, #tpu.memory_space<vmem>>, vector<16xf32>,
    %sub3A_160 = arith.subf %get3A_159, %broadcast_in_dim3A_18 : vector<16xf32>
    %mul3A_161 = arith.mulf %sub3A_160, %broadcast_in_dim3A_36 : vector<16xf32>
    %swap3A_162 = arith.constant 272 : index
    %swap3A_163 = tpu.vector_load %arg14[%swap3A_162] {strides = array<i32>} : memref<672xf32, #tpu.memory_space<vmem>>, vector<16xf32>,
    tpu.vector_store %arg14[%swap3A_162], %mul3A_161 {strides = array<i32>} : memref<672xf32, #tpu.memory_space<vmem>>, vector<16xf32>,
    %get3A_164 = arith.constant 288 : index
    %get3A_165 = tpu.vector_load %arg14[%get3A_164] {strides = array<i32>} : memref<672xf32, #tpu.memory_space<vmem>>, vector<16xf32>,
    %sub3A_166 = arith.subf %get3A_165, %broadcast_in_dim3A_18 : vector<16xf32>
    %mul3A_167 = arith.mulf %sub3A_166, %broadcast_in_dim3A_36 : vector<16xf32>
    %swap3A_168 = arith.constant 288 : index
    %swap3A_169 = tpu.vector_load %arg14[%swap3A_168] {strides = array<i32>} : memref<672xf32, #tpu.memory_space<vmem>>, vector<16xf32>,
    tpu.vector_store %arg14[%swap3A_168], %mul3A_167 {strides = array<i32>} : memref<672xf32, #tpu.memory_space<vmem>>, vector<16xf32>,
    %get3A_170 = arith.constant 304 : index
    %get3A_171 = tpu.vector_load %arg14[%get3A_170] {strides = array<i32>} : memref<672xf32, #tpu.memory_space<vmem>>, vector<16xf32>,
    %sub3A_172 = arith.subf %get3A_171, %broadcast_in_dim3A_18 : vector<16xf32>
    %mul3A_173 = arith.mulf %sub3A_172, %broadcast_in_dim3A_36 : vector<16xf32>
    %swap3A_174 = arith.constant 304 : index
    %swap3A_175 = tpu.vector_load %arg14[%swap3A_174] {strides = array<i32>} : memref<672xf32, #tpu.memory_space<vmem>>, vector<16xf32>,
    tpu.vector_store %arg14[%swap3A_174], %mul3A_173 {strides = array<i32>} : memref<672xf32, #tpu.memory_space<vmem>>, vector<16xf32>,
    %get3A_176 = arith.constant 320 : index
    %get3A_177 = tpu.vector_load %arg14[%get3A_176] {strides = array<i32>} : memref<672xf32, #tpu.memory_space<vmem>>, vector<16xf32>,
    %sub3A_178 = arith.subf %get3A_177, %broadcast_in_dim3A_18 : vector<16xf32>
    %mul3A_179 = arith.mulf %sub3A_178, %broadcast_in_dim3A_36 : vector<16xf32>
    %swap3A_180 = arith.constant 320 : index
    %swap3A_181 = tpu.vector_load %arg14[%swap3A_180] {strides = array<i32>} : memref<672xf32, #tpu.memory_space<vmem>>, vector<16xf32>,
    tpu.vector_store %arg14[%swap3A_180], %mul3A_179 {strides = array<i32>} : memref<672xf32, #tpu.memory_space<vmem>>, vector<16xf32>,
    %get3A_182 = arith.constant 336 : index
    %get3A_183 = tpu.vector_load %arg14[%get3A_182] {strides = array<i32>} : memref<672xf32, #tpu.memory_space<vmem>>, vector<16xf32>,
    %sub3A_184 = arith.subf %get3A_183, %broadcast_in_dim3A_21 : vector<16xf32>
    %mul3A_185 = arith.mulf %sub3A_184, %broadcast_in_dim3A_39 : vector<16xf32>
    %swap3A_186 = arith.constant 336 : index
    %swap3A_187 = tpu.vector_load %arg14[%swap3A_186] {strides = array<i32>} : memref<672xf32, #tpu.memory_space<vmem>>, vector<16xf32>,
    tpu.vector_store %arg14[%swap3A_186], %mul3A_185 {strides = array<i32>} : memref<672xf32, #tpu.memory_space<vmem>>, vector<16xf32>,
    %get3A_188 = arith.constant 352 : index
    %get3A_189 = tpu.vector_load %arg14[%get3A_188] {strides = array<i32>} : memref<672xf32, #tpu.memory_space<vmem>>, vector<16xf32>,
    %sub3A_190 = arith.subf %get3A_189, %broadcast_in_dim3A_21 : vector<16xf32>
    %mul3A_191 = arith.mulf %sub3A_190, %broadcast_in_dim3A_39 : vector<16xf32>
    %swap3A_192 = arith.constant 352 : index
    %swap3A_193 = tpu.vector_load %arg14[%swap3A_192] {strides = array<i32>} : memref<672xf32, #tpu.memory_space<vmem>>, vector<16xf32>,
    tpu.vector_store %arg14[%swap3A_192], %mul3A_191 {strides = array<i32>} : memref<672xf32, #tpu.memory_space<vmem>>, vector<16xf32>,
    %get3A_194 = arith.constant 368 : index
    %get3A_195 = tpu.vector_load %arg14[%get3A_194] {strides = array<i32>} : memref<672xf32, #tpu.memory_space<vmem>>, vector<16xf32>,
    %sub3A_196 = arith.subf %get3A_195, %broadcast_in_dim3A_21 : vector<16xf32>
    %mul3A_197 = arith.mulf %sub3A_196, %broadcast_in_dim3A_39 : vector<16xf32>
    %swap3A_198 = arith.constant 368 : index
    %swap3A_199 = tpu.vector_load %arg14[%swap3A_198] {strides = array<i32>} : memref<672xf32, #tpu.memory_space<vmem>>, vector<16xf32>,
    tpu.vector_store %arg14[%swap3A_198], %mul3A_197 {strides = array<i32>} : memref<672xf32, #tpu.memory_space<vmem>>, vector<16xf32>,
    %get3A_200 = arith.constant 384 : index
    %get3A_201 = tpu.vector_load %arg14[%get3A_200] {strides = array<i32>} : memref<672xf32, #tpu.memory_space<vmem>>, vector<16xf32>,
    %sub3A_202 = arith.subf %get3A_201, %broadcast_in_dim3A_21 : vector<16xf32>
    %mul3A_203 = arith.mulf %sub3A_202, %broadcast_in_dim3A_39 : vector<16xf32>
    %swap3A_204 = arith.constant 384 : index
    %swap3A_205 = tpu.vector_load %arg14[%swap3A_204] {strides = array<i32>} : memref<672xf32, #tpu.memory_space<vmem>>, vector<16xf32>,
    tpu.vector_store %arg14[%swap3A_204], %mul3A_203 {strides = array<i32>} : memref<672xf32, #tpu.memory_space<vmem>>, vector<16xf32>,
    %get3A_206 = arith.constant 400 : index
    %get3A_207 = tpu.vector_load %arg14[%get3A_206] {strides = array<i32>} : memref<672xf32, #tpu.memory_space<vmem>>, vector<16xf32>,
    %sub3A_208 = arith.subf %get3A_207, %broadcast_in_dim3A_21 : vector<16xf32>
    %mul3A_209 = arith.mulf %sub3A_208, %broadcast_in_dim3A_39 : vector<16xf32>
    %swap3A_210 = arith.constant 400 : index
    %swap3A_211 = tpu.vector_load %arg14[%swap3A_210] {strides = array<i32>} : memref<672xf32, #tpu.memory_space<vmem>>, vector<16xf32>,
    tpu.vector_store %arg14[%swap3A_210], %mul3A_209 {strides = array<i32>} : memref<672xf32, #tpu.memory_space<vmem>>, vector<16xf32>,
    %get3A_212 = arith.constant 416 : index
    %get3A_213 = tpu.vector_load %arg14[%get3A_212] {strides = array<i32>} : memref<672xf32, #tpu.memory_space<vmem>>, vector<16xf32>,
    %sub3A_214 = arith.subf %get3A_213, %broadcast_in_dim3A_21 : vector<16xf32>
    %mul3A_215 = arith.mulf %sub3A_214, %broadcast_in_dim3A_39 : vector<16xf32>
    %swap3A_216 = arith.constant 416 : index
    %swap3A_217 = tpu.vector_load %arg14[%swap3A_216] {strides = array<i32>} : memref<672xf32, #tpu.memory_space<vmem>>, vector<16xf32>,
    tpu.vector_store %arg14[%swap3A_216], %mul3A_215 {strides = array<i32>} : memref<672xf32, #tpu.memory_space<vmem>>, vector<16xf32>,
    %get3A_218 = arith.constant 432 : index
    %get3A_219 = tpu.vector_load %arg14[%get3A_218] {strides = array<i32>} : memref<672xf32, #tpu.memory_space<vmem>>, vector<16xf32>,
    %sub3A_220 = arith.subf %get3A_219, %broadcast_in_dim3A_21 : vector<16xf32>
    %mul3A_221 = arith.mulf %sub3A_220, %broadcast_in_dim3A_39 : vector<16xf32>
    %swap3A_222 = arith.constant 432 : index
    %swap3A_223 = tpu.vector_load %arg14[%swap3A_222] {strides = array<i32>} : memref<672xf32, #tpu.memory_space<vmem>>, vector<16xf32>,
    tpu.vector_store %arg14[%swap3A_222], %mul3A_221 {strides = array<i32>} : memref<672xf32, #tpu.memory_space<vmem>>, vector<16xf32>,
    %get3A_224 = arith.constant 448 : index
    %get3A_225 = tpu.vector_load %arg14[%get3A_224] {strides = array<i32>} : memref<672xf32, #tpu.memory_space<vmem>>, vector<16xf32>,
    %sub3A_226 = arith.subf %get3A_225, %broadcast_in_dim3A_24 : vector<16xf32>
    %mul3A_227 = arith.mulf %sub3A_226, %broadcast_in_dim3A_42 : vector<16xf32>
    %swap3A_228 = arith.constant 448 : index
    %swap3A_229 = tpu.vector_load %arg14[%swap3A_228] {strides = array<i32>} : memref<672xf32, #tpu.memory_space<vmem>>, vector<16xf32>,
    tpu.vector_store %arg14[%swap3A_228], %mul3A_227 {strides = array<i32>} : memref<672xf32, #tpu.memory_space<vmem>>, vector<16xf32>,
    %get3A_230 = arith.constant 464 : index
    %get3A_231 = tpu.vector_load %arg14[%get3A_230] {strides = array<i32>} : memref<672xf32, #tpu.memory_space<vmem>>, vector<16xf32>,
    %sub3A_232 = arith.subf %get3A_231, %broadcast_in_dim3A_24 : vector<16xf32>
    %mul3A_233 = arith.mulf %sub3A_232, %broadcast_in_dim3A_42 : vector<16xf32>
    %swap3A_234 = arith.constant 464 : index
    %swap3A_235 = tpu.vector_load %arg14[%swap3A_234] {strides = array<i32>} : memref<672xf32, #tpu.memory_space<vmem>>, vector<16xf32>,
    tpu.vector_store %arg14[%swap3A_234], %mul3A_233 {strides = array<i32>} : memref<672xf32, #tpu.memory_space<vmem>>, vector<16xf32>,
    %get3A_236 = arith.constant 480 : index
    %get3A_237 = tpu.vector_load %arg14[%get3A_236] {strides = array<i32>} : memref<672xf32, #tpu.memory_space<vmem>>, vector<16xf32>,
    %sub3A_238 = arith.subf %get3A_237, %broadcast_in_dim3A_24 : vector<16xf32>
    %mul3A_239 = arith.mulf %sub3A_238, %broadcast_in_dim3A_42 : vector<16xf32>
    %swap3A_240 = arith.constant 480 : index
    %swap3A_241 = tpu.vector_load %arg14[%swap3A_240] {strides = array<i32>} : memref<672xf32, #tpu.memory_space<vmem>>, vector<16xf32>,
    tpu.vector_store %arg14[%swap3A_240], %mul3A_239 {strides = array<i32>} : memref<672xf32, #tpu.memory_space<vmem>>, vector<16xf32>,
    %get3A_242 = arith.constant 496 : index
    %get3A_243 = tpu.vector_load %arg14[%get3A_242] {strides = array<i32>} : memref<672xf32, #tpu.memory_space<vmem>>, vector<16xf32>,
    %sub3A_244 = arith.subf %get3A_243, %broadcast_in_dim3A_24 : vector<16xf32>
    %mul3A_245 = arith.mulf %sub3A_244, %broadcast_in_dim3A_42 : vector<16xf32>
    %swap3A_246 = arith.constant 496 : index
    %swap3A_247 = tpu.vector_load %arg14[%swap3A_246] {strides = array<i32>} : memref<672xf32, #tpu.memory_space<vmem>>, vector<16xf32>,
    tpu.vector_store %arg14[%swap3A_246], %mul3A_245 {strides = array<i32>} : memref<672xf32, #tpu.memory_space<vmem>>, vector<16xf32>,
    %get3A_248 = arith.constant 512 : index
    %get3A_249 = tpu.vector_load %arg14[%get3A_248] {strides = array<i32>} : memref<672xf32, #tpu.memory_space<vmem>>, vector<16xf32>,
    %sub3A_250 = arith.subf %get3A_249, %broadcast_in_dim3A_24 : vector<16xf32>
    %mul3A_251 = arith.mulf %sub3A_250, %broadcast_in_dim3A_42 : vector<16xf32>
    %swap3A_252 = arith.constant 512 : index
    %swap3A_253 = tpu.vector_load %arg14[%swap3A_252] {strides = array<i32>} : memref<672xf32, #tpu.memory_space<vmem>>, vector<16xf32>,
    tpu.vector_store %arg14[%swap3A_252], %mul3A_251 {strides = array<i32>} : memref<672xf32, #tpu.memory_space<vmem>>, vector<16xf32>,
    %get3A_254 = arith.constant 528 : index
    %get3A_255 = tpu.vector_load %arg14[%get3A_254] {strides = array<i32>} : memref<672xf32, #tpu.memory_space<vmem>>, vector<16xf32>,
    %sub3A_256 = arith.subf %get3A_255, %broadcast_in_dim3A_24 : vector<16xf32>
    %mul3A_257 = arith.mulf %sub3A_256, %broadcast_in_dim3A_42 : vector<16xf32>
    %swap3A_258 = arith.constant 528 : index
    %swap3A_259 = tpu.vector_load %arg14[%swap3A_258] {strides = array<i32>} : memref<672xf32, #tpu.memory_space<vmem>>, vector<16xf32>,
    tpu.vector_store %arg14[%swap3A_258], %mul3A_257 {strides = array<i32>} : memref<672xf32, #tpu.memory_space<vmem>>, vector<16xf32>,
    %get3A_260 = arith.constant 544 : index
    %get3A_261 = tpu.vector_load %arg14[%get3A_260] {strides = array<i32>} : memref<672xf32, #tpu.memory_space<vmem>>, vector<16xf32>,
    %sub3A_262 = arith.subf %get3A_261, %broadcast_in_dim3A_24 : vector<16xf32>
    %mul3A_263 = arith.mulf %sub3A_262, %broadcast_in_dim3A_42 : vector<16xf32>
    %swap3A_264 = arith.constant 544 : index
    %swap3A_265 = tpu.vector_load %arg14[%swap3A_264] {strides = array<i32>} : memref<672xf32, #tpu.memory_space<vmem>>, vector<16xf32>,
    tpu.vector_store %arg14[%swap3A_264], %mul3A_263 {strides = array<i32>} : memref<672xf32, #tpu.memory_space<vmem>>, vector<16xf32>,
    %get3A_266 = arith.constant 560 : index
    %get3A_267 = tpu.vector_load %arg14[%get3A_266] {strides = array<i32>} : memref<672xf32, #tpu.memory_space<vmem>>, vector<16xf32>,
    %sub3A_268 = arith.subf %get3A_267, %broadcast_in_dim3A_27 : vector<16xf32>
    %mul3A_269 = arith.mulf %sub3A_268, %broadcast_in_dim3A_45 : vector<16xf32>
    %swap3A_270 = arith.constant 560 : index
    %swap3A_271 = tpu.vector_load %arg14[%swap3A_270] {strides = array<i32>} : memref<672xf32, #tpu.memory_space<vmem>>, vector<16xf32>,
    tpu.vector_store %arg14[%swap3A_270], %mul3A_269 {strides = array<i32>} : memref<672xf32, #tpu.memory_space<vmem>>, vector<16xf32>,
    %get3A_272 = arith.constant 576 : index
    %get3A_273 = tpu.vector_load %arg14[%get3A_272] {strides = array<i32>} : memref<672xf32, #tpu.memory_space<vmem>>, vector<16xf32>,
    %sub3A_274 = arith.subf %get3A_273, %broadcast_in_dim3A_27 : vector<16xf32>
    %mul3A_275 = arith.mulf %sub3A_274, %broadcast_in_dim3A_45 : vector<16xf32>
    %swap3A_276 = arith.constant 576 : index
    %swap3A_277 = tpu.vector_load %arg14[%swap3A_276] {strides = array<i32>} : memref<672xf32, #tpu.memory_space<vmem>>, vector<16xf32>,
    tpu.vector_store %arg14[%swap3A_276], %mul3A_275 {strides = array<i32>} : memref<672xf32, #tpu.memory_space<vmem>>, vector<16xf32>,
    %get3A_278 = arith.constant 592 : index
    %get3A_279 = tpu.vector_load %arg14[%get3A_278] {strides = array<i32>} : memref<672xf32, #tpu.memory_space<vmem>>, vector<16xf32>,
    %sub3A_280 = arith.subf %get3A_279, %broadcast_in_dim3A_27 : vector<16xf32>
    %mul3A_281 = arith.mulf %sub3A_280, %broadcast_in_dim3A_45 : vector<16xf32>
    %swap3A_282 = arith.constant 592 : index
    %swap3A_283 = tpu.vector_load %arg14[%swap3A_282] {strides = array<i32>} : memref<672xf32, #tpu.memory_space<vmem>>, vector<16xf32>,
    tpu.vector_store %arg14[%swap3A_282], %mul3A_281 {strides = array<i32>} : memref<672xf32, #tpu.memory_space<vmem>>, vector<16xf32>,
    %get3A_284 = arith.constant 608 : index
    %get3A_285 = tpu.vector_load %arg14[%get3A_284] {strides = array<i32>} : memref<672xf32, #tpu.memory_space<vmem>>, vector<16xf32>,
    %sub3A_286 = arith.subf %get3A_285, %broadcast_in_dim3A_27 : vector<16xf32>
    %mul3A_287 = arith.mulf %sub3A_286, %broadcast_in_dim3A_45 : vector<16xf32>
    %swap3A_288 = arith.constant 608 : index
    %swap3A_289 = tpu.vector_load %arg14[%swap3A_288] {strides = array<i32>} : memref<672xf32, #tpu.memory_space<vmem>>, vector<16xf32>,
    tpu.vector_store %arg14[%swap3A_288], %mul3A_287 {strides = array<i32>} : memref<672xf32, #tpu.memory_space<vmem>>, vector<16xf32>,
    %get3A_290 = arith.constant 624 : index
    %get3A_291 = tpu.vector_load %arg14[%get3A_290] {strides = array<i32>} : memref<672xf32, #tpu.memory_space<vmem>>, vector<16xf32>,
    %sub3A_292 = arith.subf %get3A_291, %broadcast_in_dim3A_27 : vector<16xf32>
    %mul3A_293 = arith.mulf %sub3A_292, %broadcast_in_dim3A_45 : vector<16xf32>
    %swap3A_294 = arith.constant 624 : index
    %swap3A_295 = tpu.vector_load %arg14[%swap3A_294] {strides = array<i32>} : memref<672xf32, #tpu.memory_space<vmem>>, vector<16xf32>,
    tpu.vector_store %arg14[%swap3A_294], %mul3A_293 {strides = array<i32>} : memref<672xf32, #tpu.memory_space<vmem>>, vector<16xf32>,
    %get3A_296 = arith.constant 640 : index
    %get3A_297 = tpu.vector_load %arg14[%get3A_296] {strides = array<i32>} : memref<672xf32, #tpu.memory_space<vmem>>, vector<16xf32>,
    %sub3A_298 = arith.subf %get3A_297, %broadcast_in_dim3A_27 : vector<16xf32>
    %mul3A_299 = arith.mulf %sub3A_298, %broadcast_in_dim3A_45 : vector<16xf32>
    %swap3A_300 = arith.constant 640 : index
    %swap3A_301 = tpu.vector_load %arg14[%swap3A_300] {strides = array<i32>} : memref<672xf32, #tpu.memory_space<vmem>>, vector<16xf32>,
    tpu.vector_store %arg14[%swap3A_300], %mul3A_299 {strides = array<i32>} : memref<672xf32, #tpu.memory_space<vmem>>, vector<16xf32>,
    %get3A_302 = arith.constant 656 : index
    %get3A_303 = tpu.vector_load %arg14[%get3A_302] {strides = array<i32>} : memref<672xf32, #tpu.memory_space<vmem>>, vector<16xf32>,
    %sub3A_304 = arith.subf %get3A_303, %broadcast_in_dim3A_27 : vector<16xf32>
    %mul3A_305 = arith.mulf %sub3A_304, %broadcast_in_dim3A_45 : vector<16xf32>
    %swap3A_306 = arith.constant 656 : index
    %swap3A_307 = tpu.vector_load %arg14[%swap3A_306] {strides = array<i32>} : memref<672xf32, #tpu.memory_space<vmem>>, vector<16xf32>,
    tpu.vector_store %arg14[%swap3A_306], %mul3A_305 {strides = array<i32>} : memref<672xf32, #tpu.memory_space<vmem>>, vector<16xf32>,
    %scan3A = arith.constant 0 : i32
    %scan3A_308 = arith.constant 0 : i32
    %scan3A_309 = arith.constant 32 : i32
    %scan3A_310 = arith.addi %scan3A_308, %scan3A_309 : i32
    %scan3A_311 = arith.constant 1 : i32
    scf.for %scan3A_614 = %scan3A_308 to %scan3A_310 step %scan3A_311  : i32 {
      %mul3A_615 = arith.constant 16 : i32
      %mul3A_616 = arith.muli %scan3A_614, %mul3A_615 : i32
      %get3A_617 = arith.index_cast %mul3A_616 : i32 to index
      %get3A_618 = tpu.vector_load %arg17[%get3A_617] {strides = array<i32>} : memref<512xf32, #tpu.memory_space<vmem>>, vector<16xf32>,
      %sub3A_619 = arith.subf %get3A_618, %broadcast_in_dim3A_48 : vector<16xf32>
      %mul3A_620 = arith.mulf %sub3A_619, %broadcast_in_dim3A_51 : vector<16xf32>
      %mul3A_621 = arith.constant 16 : i32
      %mul3A_622 = arith.muli %scan3A_614, %mul3A_621 : i32
      %get3A_623 = arith.index_cast %mul3A_622 : i32 to index
      %get3A_624 = tpu.vector_load %arg18[%get3A_623] {strides = array<i32>} : memref<512xf32, #tpu.memory_space<vmem>>, vector<16xf32>,
      %sub3A_625 = arith.subf %get3A_624, %broadcast_in_dim3A_54 : vector<16xf32>
      %mul3A_626 = arith.mulf %sub3A_625, %broadcast_in_dim3A_57 : vector<16xf32>
      %mul3A_627 = arith.constant 16 : i32
      %mul3A_628 = arith.muli %scan3A_614, %mul3A_627 : i32
      %swap3A_629 = arith.index_cast %mul3A_628 : i32 to index
      %swap3A_630 = tpu.vector_load %arg19[%swap3A_629] {strides = array<i32>} : memref<1024xf32, #tpu.memory_space<vmem>>, vector<16xf32>,
      tpu.vector_store %arg19[%swap3A_629], %mul3A_620 {strides = array<i32>} : memref<1024xf32, #tpu.memory_space<vmem>>, vector<16xf32>,
      %mul3A_631 = arith.constant 16 : i32
      %mul3A_632 = arith.muli %scan3A_614, %mul3A_631 : i32
      %add3A_633 = arith.constant 512 : i32
      %add3A_634 = arith.addi %add3A_633, %mul3A_632 : i32
      %swap3A_635 = arith.index_cast %add3A_634 : i32 to index
      %swap3A_636 = tpu.vector_load %arg19[%swap3A_635] {strides = array<i32>} : memref<1024xf32, #tpu.memory_space<vmem>>, vector<16xf32>,
      tpu.vector_store %arg19[%swap3A_635], %mul3A_626 {strides = array<i32>} : memref<1024xf32, #tpu.memory_space<vmem>>, vector<16xf32>,
    }
    %scan3A_312 = arith.constant 32 : i32
    "tpu.region"() ({
      %run_scoped3A = tpu.sem_alloc : memref<!tpu.dma_semaphore, #tpu.memory_space<semaphore_mem>>
      %dma_start3A_614 = arith.constant 0 : i32
      %dma_start3A_615 = tpu.memref_slice %arg19[%dma_start3A_614] : memref<1024xf32, #tpu.memory_space<vmem>> -> memref<512xf32, #tpu.memory_space<vmem>>
      %dma_start3A_616 = tpu.memref_slice %arg9[%mul3A_4] : memref<32768xf32, #tpu.memory_space<hbm>> -> memref<512xf32, #tpu.memory_space<hbm>>
      %dma_start3A_617 = tpu.memref_slice %arg9[%mul3A_4] : memref<32768xf32, #tpu.memory_space<hbm>> -> memref<512xf32, #tpu.memory_space<hbm>>
      %dma_start3A_618 = arith.constant 0 : i32
      %dma_start3A_619 = tpu.memref_slice %arg19[%dma_start3A_618] : memref<1024xf32, #tpu.memory_space<vmem>> -> memref<512xf32, #tpu.memory_space<vmem>>
      tpu.enqueue_dma source(%dma_start3A_619 : memref<512xf32, #tpu.memory_space<vmem>>) target(%dma_start3A_617 : memref<512xf32, #tpu.memory_space<hbm>>) target_semaphore(%run_scoped3A : memref<!tpu.dma_semaphore, #tpu.memory_space<semaphore_mem>>)
      %dma_wait3A_620 = arith.constant 0 : i32
      %dma_wait3A_621 = tpu.memref_slice %arg19[%dma_wait3A_620] : memref<1024xf32, #tpu.memory_space<vmem>> -> memref<512xf32, #tpu.memory_space<vmem>>
      %dma_wait3A_622 = tpu.memref_slice %arg9[%mul3A_4] : memref<32768xf32, #tpu.memory_space<hbm>> -> memref<512xf32, #tpu.memory_space<hbm>>
      %dma_wait3A_623 = tpu.memref_slice %arg9[%mul3A_4] : memref<32768xf32, #tpu.memory_space<hbm>> -> memref<512xf32, #tpu.memory_space<hbm>>
      %dma_wait3A_624 = arith.constant 0 : i32
      %dma_wait3A_625 = tpu.memref_slice %arg19[%dma_wait3A_624] : memref<1024xf32, #tpu.memory_space<vmem>> -> memref<512xf32, #tpu.memory_space<vmem>>
      tpu.wait_dma2 semaphore(%run_scoped3A : memref<!tpu.dma_semaphore, #tpu.memory_space<semaphore_mem>>) src(%dma_wait3A_625 : memref<512xf32, #tpu.memory_space<vmem>>) dst(%dma_wait3A_623 : memref<512xf32, #tpu.memory_space<hbm>>)
      tpu.yield
    }) : () -> ()
    %add3A_313 = arith.constant 16384 : i32
    %add3A_314 = arith.addi %add3A_313, %mul3A_4 : i32
    "tpu.region"() ({
      %run_scoped3A = tpu.sem_alloc : memref<!tpu.dma_semaphore, #tpu.memory_space<semaphore_mem>>
      %dma_start3A_614 = arith.constant 512 : i32
      %dma_start3A_615 = tpu.memref_slice %arg19[%dma_start3A_614] : memref<1024xf32, #tpu.memory_space<vmem>> -> memref<512xf32, #tpu.memory_space<vmem>>
      %dma_start3A_616 = tpu.memref_slice %arg9[%add3A_314] : memref<32768xf32, #tpu.memory_space<hbm>> -> memref<512xf32, #tpu.memory_space<hbm>>
      %dma_start3A_617 = tpu.memref_slice %arg9[%add3A_314] : memref<32768xf32, #tpu.memory_space<hbm>> -> memref<512xf32, #tpu.memory_space<hbm>>
      %dma_start3A_618 = arith.constant 512 : i32
      %dma_start3A_619 = tpu.memref_slice %arg19[%dma_start3A_618] : memref<1024xf32, #tpu.memory_space<vmem>> -> memref<512xf32, #tpu.memory_space<vmem>>
      tpu.enqueue_dma source(%dma_start3A_619 : memref<512xf32, #tpu.memory_space<vmem>>) target(%dma_start3A_617 : memref<512xf32, #tpu.memory_space<hbm>>) target_semaphore(%run_scoped3A : memref<!tpu.dma_semaphore, #tpu.memory_space<semaphore_mem>>)
      %dma_wait3A_620 = arith.constant 512 : i32
      %dma_wait3A_621 = tpu.memref_slice %arg19[%dma_wait3A_620] : memref<1024xf32, #tpu.memory_space<vmem>> -> memref<512xf32, #tpu.memory_space<vmem>>
      %dma_wait3A_622 = tpu.memref_slice %arg9[%add3A_314] : memref<32768xf32, #tpu.memory_space<hbm>> -> memref<512xf32, #tpu.memory_space<hbm>>
      %dma_wait3A_623 = tpu.memref_slice %arg9[%add3A_314] : memref<32768xf32, #tpu.memory_space<hbm>> -> memref<512xf32, #tpu.memory_space<hbm>>
      %dma_wait3A_624 = arith.constant 512 : i32
      %dma_wait3A_625 = tpu.memref_slice %arg19[%dma_wait3A_624] : memref<1024xf32, #tpu.memory_space<vmem>> -> memref<512xf32, #tpu.memory_space<vmem>>
      tpu.wait_dma2 semaphore(%run_scoped3A : memref<!tpu.dma_semaphore, #tpu.memory_space<semaphore_mem>>) src(%dma_wait3A_625 : memref<512xf32, #tpu.memory_space<vmem>>) dst(%dma_wait3A_623 : memref<512xf32, #tpu.memory_space<hbm>>)
      tpu.yield
    }) : () -> ()
    %dma_start3A = tpu.memref_slice %arg2[%mul3A_2] : memref<2097152xi32, #tpu.memory_space<hbm>> -> memref<4096xi32, #tpu.memory_space<hbm>>
    %dma_start3A_315 = tpu.memref_slice %arg2[%mul3A_2] : memref<2097152xi32, #tpu.memory_space<hbm>> -> memref<4096xi32, #tpu.memory_space<hbm>>
    tpu.enqueue_dma source(%dma_start3A_315 : memref<4096xi32, #tpu.memory_space<hbm>>) target(%arg10 : memref<4096xi32, #tpu.memory_space<vmem>>) target_semaphore(%arg22 : memref<!tpu.dma_semaphore, #tpu.memory_space<semaphore_mem>>)
    %add3A_316 = arith.constant 4096 : i32
    %add3A_317 = arith.addi %mul3A_2, %add3A_316 : i32
    %dma_start3A_318 = tpu.memref_slice %arg2[%add3A_317] : memref<2097152xi32, #tpu.memory_space<hbm>> -> memref<4096xi32, #tpu.memory_space<hbm>>
    %dma_start3A_319 = tpu.memref_slice %arg2[%add3A_317] : memref<2097152xi32, #tpu.memory_space<hbm>> -> memref<4096xi32, #tpu.memory_space<hbm>>
    tpu.enqueue_dma source(%dma_start3A_319 : memref<4096xi32, #tpu.memory_space<hbm>>) target(%arg11 : memref<4096xi32, #tpu.memory_space<vmem>>) target_semaphore(%arg23 : memref<!tpu.dma_semaphore, #tpu.memory_space<semaphore_mem>>)
    %dma_wait3A = tpu.memref_slice %arg2[%mul3A_2] : memref<2097152xi32, #tpu.memory_space<hbm>> -> memref<4096xi32, #tpu.memory_space<hbm>>
    %dma_wait3A_320 = tpu.memref_slice %arg2[%mul3A_2] : memref<2097152xi32, #tpu.memory_space<hbm>> -> memref<4096xi32, #tpu.memory_space<hbm>>
    tpu.wait_dma2 semaphore(%arg22 : memref<!tpu.dma_semaphore, #tpu.memory_space<semaphore_mem>>) src(%dma_wait3A_320 : memref<4096xi32, #tpu.memory_space<hbm>>) dst(%arg10 : memref<4096xi32, #tpu.memory_space<vmem>>)
    %parallel_loop3A = arith.constant 0 : i32
    %parallel_loop3A_321 = arith.constant 4096 : i32
    %parallel_loop3A_322 = arith.constant 16 : i32
    scf.for %parallel_loop3A_614 = %parallel_loop3A to %parallel_loop3A_321 step %parallel_loop3A_322  : i32 {
      %parallel_loop3A_615 = arith.index_cast %parallel_loop3A_614 : i32 to index
      %parallel_loop3A_616 = tpu.vector_load %arg10[%parallel_loop3A_615] {strides = array<i32>} : memref<4096xi32, #tpu.memory_space<vmem>>, vector<16xi32>,
      %parallel_loop3A_617 = tpu.vector_load_idx %arg14[%parallel_loop3A_616] : memref<672xf32, #tpu.memory_space<vmem>>[vector<16xi32>], vector<16xf32>,
      %parallel_loop3A_618 = arith.constant 0 : i32
      %parallel_loop3A_619 = arith.index_cast %parallel_loop3A_618 : i32 to index
      %parallel_loop3A_620 = arith.index_cast %parallel_loop3A_614 : i32 to index
      %parallel_loop3A_621 = tpu.vector_load %arg12[%parallel_loop3A_619, %parallel_loop3A_620] {strides = array<i32>} : memref<6x4096xf32, #tpu.memory_space<vmem>>, vector<16xf32>,
      tpu.vector_store %arg12[%parallel_loop3A_619, %parallel_loop3A_620], %parallel_loop3A_617 {strides = array<i32>} : memref<6x4096xf32, #tpu.memory_space<vmem>>, vector<16xf32>,
      %parallel_loop3A_622 = arith.constant 112 : i32
      %parallel_loop3A_623 = vector.broadcast %parallel_loop3A_622 : i32 to vector<16xi32>
      %parallel_loop3A_624 = arith.addi %parallel_loop3A_616, %parallel_loop3A_623 : vector<16xi32>
      %parallel_loop3A_625 = tpu.vector_load_idx %arg14[%parallel_loop3A_624] : memref<672xf32, #tpu.memory_space<vmem>>[vector<16xi32>], vector<16xf32>,
      %parallel_loop3A_626 = arith.constant 1 : i32
      %parallel_loop3A_627 = arith.index_cast %parallel_loop3A_626 : i32 to index
      %parallel_loop3A_628 = arith.index_cast %parallel_loop3A_614 : i32 to index
      %parallel_loop3A_629 = tpu.vector_load %arg12[%parallel_loop3A_627, %parallel_loop3A_628] {strides = array<i32>} : memref<6x4096xf32, #tpu.memory_space<vmem>>, vector<16xf32>,
      tpu.vector_store %arg12[%parallel_loop3A_627, %parallel_loop3A_628], %parallel_loop3A_625 {strides = array<i32>} : memref<6x4096xf32, #tpu.memory_space<vmem>>, vector<16xf32>,
      %parallel_loop3A_630 = arith.constant 224 : i32
      %parallel_loop3A_631 = vector.broadcast %parallel_loop3A_630 : i32 to vector<16xi32>
      %parallel_loop3A_632 = arith.addi %parallel_loop3A_616, %parallel_loop3A_631 : vector<16xi32>
      %parallel_loop3A_633 = tpu.vector_load_idx %arg14[%parallel_loop3A_632] : memref<672xf32, #tpu.memory_space<vmem>>[vector<16xi32>], vector<16xf32>,
      %parallel_loop3A_634 = arith.constant 2 : i32
      %parallel_loop3A_635 = arith.index_cast %parallel_loop3A_634 : i32 to index
      %parallel_loop3A_636 = arith.index_cast %parallel_loop3A_614 : i32 to index
      %parallel_loop3A_637 = tpu.vector_load %arg12[%parallel_loop3A_635, %parallel_loop3A_636] {strides = array<i32>} : memref<6x4096xf32, #tpu.memory_space<vmem>>, vector<16xf32>,
      tpu.vector_store %arg12[%parallel_loop3A_635, %parallel_loop3A_636], %parallel_loop3A_633 {strides = array<i32>} : memref<6x4096xf32, #tpu.memory_space<vmem>>, vector<16xf32>,
      %parallel_loop3A_638 = arith.constant 336 : i32
      %parallel_loop3A_639 = vector.broadcast %parallel_loop3A_638 : i32 to vector<16xi32>
      %parallel_loop3A_640 = arith.addi %parallel_loop3A_616, %parallel_loop3A_639 : vector<16xi32>
      %parallel_loop3A_641 = tpu.vector_load_idx %arg14[%parallel_loop3A_640] : memref<672xf32, #tpu.memory_space<vmem>>[vector<16xi32>], vector<16xf32>,
      %parallel_loop3A_642 = arith.constant 3 : i32
      %parallel_loop3A_643 = arith.index_cast %parallel_loop3A_642 : i32 to index
      %parallel_loop3A_644 = arith.index_cast %parallel_loop3A_614 : i32 to index
      %parallel_loop3A_645 = tpu.vector_load %arg12[%parallel_loop3A_643, %parallel_loop3A_644] {strides = array<i32>} : memref<6x4096xf32, #tpu.memory_space<vmem>>, vector<16xf32>,
      tpu.vector_store %arg12[%parallel_loop3A_643, %parallel_loop3A_644], %parallel_loop3A_641 {strides = array<i32>} : memref<6x4096xf32, #tpu.memory_space<vmem>>, vector<16xf32>,
      %parallel_loop3A_646 = arith.constant 448 : i32
      %parallel_loop3A_647 = vector.broadcast %parallel_loop3A_646 : i32 to vector<16xi32>
      %parallel_loop3A_648 = arith.addi %parallel_loop3A_616, %parallel_loop3A_647 : vector<16xi32>
      %parallel_loop3A_649 = tpu.vector_load_idx %arg14[%parallel_loop3A_648] : memref<672xf32, #tpu.memory_space<vmem>>[vector<16xi32>], vector<16xf32>,
      %parallel_loop3A_650 = arith.constant 4 : i32
      %parallel_loop3A_651 = arith.index_cast %parallel_loop3A_650 : i32 to index
      %parallel_loop3A_652 = arith.index_cast %parallel_loop3A_614 : i32 to index
      %parallel_loop3A_653 = tpu.vector_load %arg12[%parallel_loop3A_651, %parallel_loop3A_652] {strides = array<i32>} : memref<6x4096xf32, #tpu.memory_space<vmem>>, vector<16xf32>,
      tpu.vector_store %arg12[%parallel_loop3A_651, %parallel_loop3A_652], %parallel_loop3A_649 {strides = array<i32>} : memref<6x4096xf32, #tpu.memory_space<vmem>>, vector<16xf32>,
      %parallel_loop3A_654 = arith.constant 560 : i32
      %parallel_loop3A_655 = vector.broadcast %parallel_loop3A_654 : i32 to vector<16xi32>
      %parallel_loop3A_656 = arith.addi %parallel_loop3A_616, %parallel_loop3A_655 : vector<16xi32>
      %parallel_loop3A_657 = tpu.vector_load_idx %arg14[%parallel_loop3A_656] : memref<672xf32, #tpu.memory_space<vmem>>[vector<16xi32>], vector<16xf32>,
      %parallel_loop3A_658 = arith.constant 5 : i32
      %parallel_loop3A_659 = arith.index_cast %parallel_loop3A_658 : i32 to index
      %parallel_loop3A_660 = arith.index_cast %parallel_loop3A_614 : i32 to index
      %parallel_loop3A_661 = tpu.vector_load %arg12[%parallel_loop3A_659, %parallel_loop3A_660] {strides = array<i32>} : memref<6x4096xf32, #tpu.memory_space<vmem>>, vector<16xf32>,
      tpu.vector_store %arg12[%parallel_loop3A_659, %parallel_loop3A_660], %parallel_loop3A_657 {strides = array<i32>} : memref<6x4096xf32, #tpu.memory_space<vmem>>, vector<16xf32>,
    } {sc.loop_unroll_factor = 4 : i64, sc.parallel_access}
    %add3A_323 = arith.constant 0 : i32
    %add3A_324 = arith.addi %mul3A_2, %add3A_323 : i32
    %dma_start3A_325 = arith.constant 0 : i32
    %dma_start3A_326 = tpu.memref_slice %arg8[%dma_start3A_325, %add3A_324] : memref<6x2097152xf32, #tpu.memory_space<hbm>> -> memref<6x4096xf32, #tpu.memory_space<hbm>>
    %dma_start3A_327 = arith.constant 0 : i32
    %dma_start3A_328 = tpu.memref_slice %arg8[%dma_start3A_327, %add3A_324] : memref<6x2097152xf32, #tpu.memory_space<hbm>> -> memref<6x4096xf32, #tpu.memory_space<hbm>>
    tpu.enqueue_dma source(%arg12 : memref<6x4096xf32, #tpu.memory_space<vmem>>) target(%dma_start3A_328 : memref<6x4096xf32, #tpu.memory_space<hbm>>) target_semaphore(%arg20 : memref<!tpu.dma_semaphore, #tpu.memory_space<semaphore_mem>>)
    %add3A_329 = arith.constant 8192 : i32
    %add3A_330 = arith.addi %mul3A_2, %add3A_329 : i32
    %dma_start3A_331 = tpu.memref_slice %arg2[%add3A_330] : memref<2097152xi32, #tpu.memory_space<hbm>> -> memref<4096xi32, #tpu.memory_space<hbm>>
    %dma_start3A_332 = tpu.memref_slice %arg2[%add3A_330] : memref<2097152xi32, #tpu.memory_space<hbm>> -> memref<4096xi32, #tpu.memory_space<hbm>>
    tpu.enqueue_dma source(%dma_start3A_332 : memref<4096xi32, #tpu.memory_space<hbm>>) target(%arg10 : memref<4096xi32, #tpu.memory_space<vmem>>) target_semaphore(%arg22 : memref<!tpu.dma_semaphore, #tpu.memory_space<semaphore_mem>>)
    %dma_wait3A_333 = tpu.memref_slice %arg2[%add3A_317] : memref<2097152xi32, #tpu.memory_space<hbm>> -> memref<4096xi32, #tpu.memory_space<hbm>>
    %dma_wait3A_334 = tpu.memref_slice %arg2[%add3A_317] : memref<2097152xi32, #tpu.memory_space<hbm>> -> memref<4096xi32, #tpu.memory_space<hbm>>
    tpu.wait_dma2 semaphore(%arg23 : memref<!tpu.dma_semaphore, #tpu.memory_space<semaphore_mem>>) src(%dma_wait3A_334 : memref<4096xi32, #tpu.memory_space<hbm>>) dst(%arg11 : memref<4096xi32, #tpu.memory_space<vmem>>)
    %parallel_loop3A_335 = arith.constant 0 : i32
    %parallel_loop3A_336 = arith.constant 4096 : i32
    %parallel_loop3A_337 = arith.constant 16 : i32
    scf.for %parallel_loop3A_614 = %parallel_loop3A_335 to %parallel_loop3A_336 step %parallel_loop3A_337  : i32 {
      %parallel_loop3A_615 = arith.index_cast %parallel_loop3A_614 : i32 to index
      %parallel_loop3A_616 = tpu.vector_load %arg11[%parallel_loop3A_615] {strides = array<i32>} : memref<4096xi32, #tpu.memory_space<vmem>>, vector<16xi32>,
      %parallel_loop3A_617 = tpu.vector_load_idx %arg14[%parallel_loop3A_616] : memref<672xf32, #tpu.memory_space<vmem>>[vector<16xi32>], vector<16xf32>,
      %parallel_loop3A_618 = arith.constant 0 : i32
      %parallel_loop3A_619 = arith.index_cast %parallel_loop3A_618 : i32 to index
      %parallel_loop3A_620 = arith.index_cast %parallel_loop3A_614 : i32 to index
      %parallel_loop3A_621 = tpu.vector_load %arg13[%parallel_loop3A_619, %parallel_loop3A_620] {strides = array<i32>} : memref<6x4096xf32, #tpu.memory_space<vmem>>, vector<16xf32>,
      tpu.vector_store %arg13[%parallel_loop3A_619, %parallel_loop3A_620], %parallel_loop3A_617 {strides = array<i32>} : memref<6x4096xf32, #tpu.memory_space<vmem>>, vector<16xf32>,
      %parallel_loop3A_622 = arith.constant 112 : i32
      %parallel_loop3A_623 = vector.broadcast %parallel_loop3A_622 : i32 to vector<16xi32>
      %parallel_loop3A_624 = arith.addi %parallel_loop3A_616, %parallel_loop3A_623 : vector<16xi32>
      %parallel_loop3A_625 = tpu.vector_load_idx %arg14[%parallel_loop3A_624] : memref<672xf32, #tpu.memory_space<vmem>>[vector<16xi32>], vector<16xf32>,
      %parallel_loop3A_626 = arith.constant 1 : i32
      %parallel_loop3A_627 = arith.index_cast %parallel_loop3A_626 : i32 to index
      %parallel_loop3A_628 = arith.index_cast %parallel_loop3A_614 : i32 to index
      %parallel_loop3A_629 = tpu.vector_load %arg13[%parallel_loop3A_627, %parallel_loop3A_628] {strides = array<i32>} : memref<6x4096xf32, #tpu.memory_space<vmem>>, vector<16xf32>,
      tpu.vector_store %arg13[%parallel_loop3A_627, %parallel_loop3A_628], %parallel_loop3A_625 {strides = array<i32>} : memref<6x4096xf32, #tpu.memory_space<vmem>>, vector<16xf32>,
      %parallel_loop3A_630 = arith.constant 224 : i32
      %parallel_loop3A_631 = vector.broadcast %parallel_loop3A_630 : i32 to vector<16xi32>
      %parallel_loop3A_632 = arith.addi %parallel_loop3A_616, %parallel_loop3A_631 : vector<16xi32>
      %parallel_loop3A_633 = tpu.vector_load_idx %arg14[%parallel_loop3A_632] : memref<672xf32, #tpu.memory_space<vmem>>[vector<16xi32>], vector<16xf32>,
      %parallel_loop3A_634 = arith.constant 2 : i32
      %parallel_loop3A_635 = arith.index_cast %parallel_loop3A_634 : i32 to index
      %parallel_loop3A_636 = arith.index_cast %parallel_loop3A_614 : i32 to index
      %parallel_loop3A_637 = tpu.vector_load %arg13[%parallel_loop3A_635, %parallel_loop3A_636] {strides = array<i32>} : memref<6x4096xf32, #tpu.memory_space<vmem>>, vector<16xf32>,
      tpu.vector_store %arg13[%parallel_loop3A_635, %parallel_loop3A_636], %parallel_loop3A_633 {strides = array<i32>} : memref<6x4096xf32, #tpu.memory_space<vmem>>, vector<16xf32>,
      %parallel_loop3A_638 = arith.constant 336 : i32
      %parallel_loop3A_639 = vector.broadcast %parallel_loop3A_638 : i32 to vector<16xi32>
      %parallel_loop3A_640 = arith.addi %parallel_loop3A_616, %parallel_loop3A_639 : vector<16xi32>
      %parallel_loop3A_641 = tpu.vector_load_idx %arg14[%parallel_loop3A_640] : memref<672xf32, #tpu.memory_space<vmem>>[vector<16xi32>], vector<16xf32>,
      %parallel_loop3A_642 = arith.constant 3 : i32
      %parallel_loop3A_643 = arith.index_cast %parallel_loop3A_642 : i32 to index
      %parallel_loop3A_644 = arith.index_cast %parallel_loop3A_614 : i32 to index
      %parallel_loop3A_645 = tpu.vector_load %arg13[%parallel_loop3A_643, %parallel_loop3A_644] {strides = array<i32>} : memref<6x4096xf32, #tpu.memory_space<vmem>>, vector<16xf32>,
      tpu.vector_store %arg13[%parallel_loop3A_643, %parallel_loop3A_644], %parallel_loop3A_641 {strides = array<i32>} : memref<6x4096xf32, #tpu.memory_space<vmem>>, vector<16xf32>,
      %parallel_loop3A_646 = arith.constant 448 : i32
      %parallel_loop3A_647 = vector.broadcast %parallel_loop3A_646 : i32 to vector<16xi32>
      %parallel_loop3A_648 = arith.addi %parallel_loop3A_616, %parallel_loop3A_647 : vector<16xi32>
      %parallel_loop3A_649 = tpu.vector_load_idx %arg14[%parallel_loop3A_648] : memref<672xf32, #tpu.memory_space<vmem>>[vector<16xi32>], vector<16xf32>,
      %parallel_loop3A_650 = arith.constant 4 : i32
      %parallel_loop3A_651 = arith.index_cast %parallel_loop3A_650 : i32 to index
      %parallel_loop3A_652 = arith.index_cast %parallel_loop3A_614 : i32 to index
      %parallel_loop3A_653 = tpu.vector_load %arg13[%parallel_loop3A_651, %parallel_loop3A_652] {strides = array<i32>} : memref<6x4096xf32, #tpu.memory_space<vmem>>, vector<16xf32>,
      tpu.vector_store %arg13[%parallel_loop3A_651, %parallel_loop3A_652], %parallel_loop3A_649 {strides = array<i32>} : memref<6x4096xf32, #tpu.memory_space<vmem>>, vector<16xf32>,
      %parallel_loop3A_654 = arith.constant 560 : i32
      %parallel_loop3A_655 = vector.broadcast %parallel_loop3A_654 : i32 to vector<16xi32>
      %parallel_loop3A_656 = arith.addi %parallel_loop3A_616, %parallel_loop3A_655 : vector<16xi32>
      %parallel_loop3A_657 = tpu.vector_load_idx %arg14[%parallel_loop3A_656] : memref<672xf32, #tpu.memory_space<vmem>>[vector<16xi32>], vector<16xf32>,
      %parallel_loop3A_658 = arith.constant 5 : i32
      %parallel_loop3A_659 = arith.index_cast %parallel_loop3A_658 : i32 to index
      %parallel_loop3A_660 = arith.index_cast %parallel_loop3A_614 : i32 to index
      %parallel_loop3A_661 = tpu.vector_load %arg13[%parallel_loop3A_659, %parallel_loop3A_660] {strides = array<i32>} : memref<6x4096xf32, #tpu.memory_space<vmem>>, vector<16xf32>,
      tpu.vector_store %arg13[%parallel_loop3A_659, %parallel_loop3A_660], %parallel_loop3A_657 {strides = array<i32>} : memref<6x4096xf32, #tpu.memory_space<vmem>>, vector<16xf32>,
    } {sc.loop_unroll_factor = 4 : i64, sc.parallel_access}
    %add3A_338 = arith.constant 4096 : i32
    %add3A_339 = arith.addi %mul3A_2, %add3A_338 : i32
    %dma_start3A_340 = arith.constant 0 : i32
    %dma_start3A_341 = tpu.memref_slice %arg8[%dma_start3A_340, %add3A_339] : memref<6x2097152xf32, #tpu.memory_space<hbm>> -> memref<6x4096xf32, #tpu.memory_space<hbm>>
    %dma_start3A_342 = arith.constant 0 : i32
    %dma_start3A_343 = tpu.memref_slice %arg8[%dma_start3A_342, %add3A_339] : memref<6x2097152xf32, #tpu.memory_space<hbm>> -> memref<6x4096xf32, #tpu.memory_space<hbm>>
    tpu.enqueue_dma source(%arg13 : memref<6x4096xf32, #tpu.memory_space<vmem>>) target(%dma_start3A_343 : memref<6x4096xf32, #tpu.memory_space<hbm>>) target_semaphore(%arg21 : memref<!tpu.dma_semaphore, #tpu.memory_space<semaphore_mem>>)
    %add3A_344 = arith.constant 12288 : i32
    %add3A_345 = arith.addi %mul3A_2, %add3A_344 : i32
    %dma_start3A_346 = tpu.memref_slice %arg2[%add3A_345] : memref<2097152xi32, #tpu.memory_space<hbm>> -> memref<4096xi32, #tpu.memory_space<hbm>>
    %dma_start3A_347 = tpu.memref_slice %arg2[%add3A_345] : memref<2097152xi32, #tpu.memory_space<hbm>> -> memref<4096xi32, #tpu.memory_space<hbm>>
    tpu.enqueue_dma source(%dma_start3A_347 : memref<4096xi32, #tpu.memory_space<hbm>>) target(%arg11 : memref<4096xi32, #tpu.memory_space<vmem>>) target_semaphore(%arg23 : memref<!tpu.dma_semaphore, #tpu.memory_space<semaphore_mem>>)
    %dma_wait3A_348 = tpu.memref_slice %arg2[%add3A_330] : memref<2097152xi32, #tpu.memory_space<hbm>> -> memref<4096xi32, #tpu.memory_space<hbm>>
    %dma_wait3A_349 = tpu.memref_slice %arg2[%add3A_330] : memref<2097152xi32, #tpu.memory_space<hbm>> -> memref<4096xi32, #tpu.memory_space<hbm>>
    tpu.wait_dma2 semaphore(%arg22 : memref<!tpu.dma_semaphore, #tpu.memory_space<semaphore_mem>>) src(%dma_wait3A_349 : memref<4096xi32, #tpu.memory_space<hbm>>) dst(%arg10 : memref<4096xi32, #tpu.memory_space<vmem>>)
    %dma_wait3A_350 = arith.constant 0 : i32
    %dma_wait3A_351 = tpu.memref_slice %arg8[%dma_wait3A_350, %add3A_324] : memref<6x2097152xf32, #tpu.memory_space<hbm>> -> memref<6x4096xf32, #tpu.memory_space<hbm>>
    %dma_wait3A_352 = arith.constant 0 : i32
    %dma_wait3A_353 = tpu.memref_slice %arg8[%dma_wait3A_352, %add3A_324] : memref<6x2097152xf32, #tpu.memory_space<hbm>> -> memref<6x4096xf32, #tpu.memory_space<hbm>>
    tpu.wait_dma2 semaphore(%arg20 : memref<!tpu.dma_semaphore, #tpu.memory_space<semaphore_mem>>) src(%arg12 : memref<6x4096xf32, #tpu.memory_space<vmem>>) dst(%dma_wait3A_353 : memref<6x4096xf32, #tpu.memory_space<hbm>>)
    %parallel_loop3A_354 = arith.constant 0 : i32
    %parallel_loop3A_355 = arith.constant 4096 : i32
    %parallel_loop3A_356 = arith.constant 16 : i32
    scf.for %parallel_loop3A_614 = %parallel_loop3A_354 to %parallel_loop3A_355 step %parallel_loop3A_356  : i32 {
      %parallel_loop3A_615 = arith.index_cast %parallel_loop3A_614 : i32 to index
      %parallel_loop3A_616 = tpu.vector_load %arg10[%parallel_loop3A_615] {strides = array<i32>} : memref<4096xi32, #tpu.memory_space<vmem>>, vector<16xi32>,
      %parallel_loop3A_617 = tpu.vector_load_idx %arg14[%parallel_loop3A_616] : memref<672xf32, #tpu.memory_space<vmem>>[vector<16xi32>], vector<16xf32>,
      %parallel_loop3A_618 = arith.constant 0 : i32
      %parallel_loop3A_619 = arith.index_cast %parallel_loop3A_618 : i32 to index
      %parallel_loop3A_620 = arith.index_cast %parallel_loop3A_614 : i32 to index
      %parallel_loop3A_621 = tpu.vector_load %arg12[%parallel_loop3A_619, %parallel_loop3A_620] {strides = array<i32>} : memref<6x4096xf32, #tpu.memory_space<vmem>>, vector<16xf32>,
      tpu.vector_store %arg12[%parallel_loop3A_619, %parallel_loop3A_620], %parallel_loop3A_617 {strides = array<i32>} : memref<6x4096xf32, #tpu.memory_space<vmem>>, vector<16xf32>,
      %parallel_loop3A_622 = arith.constant 112 : i32
      %parallel_loop3A_623 = vector.broadcast %parallel_loop3A_622 : i32 to vector<16xi32>
      %parallel_loop3A_624 = arith.addi %parallel_loop3A_616, %parallel_loop3A_623 : vector<16xi32>
      %parallel_loop3A_625 = tpu.vector_load_idx %arg14[%parallel_loop3A_624] : memref<672xf32, #tpu.memory_space<vmem>>[vector<16xi32>], vector<16xf32>,
      %parallel_loop3A_626 = arith.constant 1 : i32
      %parallel_loop3A_627 = arith.index_cast %parallel_loop3A_626 : i32 to index
      %parallel_loop3A_628 = arith.index_cast %parallel_loop3A_614 : i32 to index
      %parallel_loop3A_629 = tpu.vector_load %arg12[%parallel_loop3A_627, %parallel_loop3A_628] {strides = array<i32>} : memref<6x4096xf32, #tpu.memory_space<vmem>>, vector<16xf32>,
      tpu.vector_store %arg12[%parallel_loop3A_627, %parallel_loop3A_628], %parallel_loop3A_625 {strides = array<i32>} : memref<6x4096xf32, #tpu.memory_space<vmem>>, vector<16xf32>,
      %parallel_loop3A_630 = arith.constant 224 : i32
      %parallel_loop3A_631 = vector.broadcast %parallel_loop3A_630 : i32 to vector<16xi32>
      %parallel_loop3A_632 = arith.addi %parallel_loop3A_616, %parallel_loop3A_631 : vector<16xi32>
      %parallel_loop3A_633 = tpu.vector_load_idx %arg14[%parallel_loop3A_632] : memref<672xf32, #tpu.memory_space<vmem>>[vector<16xi32>], vector<16xf32>,
      %parallel_loop3A_634 = arith.constant 2 : i32
      %parallel_loop3A_635 = arith.index_cast %parallel_loop3A_634 : i32 to index
      %parallel_loop3A_636 = arith.index_cast %parallel_loop3A_614 : i32 to index
      %parallel_loop3A_637 = tpu.vector_load %arg12[%parallel_loop3A_635, %parallel_loop3A_636] {strides = array<i32>} : memref<6x4096xf32, #tpu.memory_space<vmem>>, vector<16xf32>,
      tpu.vector_store %arg12[%parallel_loop3A_635, %parallel_loop3A_636], %parallel_loop3A_633 {strides = array<i32>} : memref<6x4096xf32, #tpu.memory_space<vmem>>, vector<16xf32>,
      %parallel_loop3A_638 = arith.constant 336 : i32
      %parallel_loop3A_639 = vector.broadcast %parallel_loop3A_638 : i32 to vector<16xi32>
      %parallel_loop3A_640 = arith.addi %parallel_loop3A_616, %parallel_loop3A_639 : vector<16xi32>
      %parallel_loop3A_641 = tpu.vector_load_idx %arg14[%parallel_loop3A_640] : memref<672xf32, #tpu.memory_space<vmem>>[vector<16xi32>], vector<16xf32>,
      %parallel_loop3A_642 = arith.constant 3 : i32
      %parallel_loop3A_643 = arith.index_cast %parallel_loop3A_642 : i32 to index
      %parallel_loop3A_644 = arith.index_cast %parallel_loop3A_614 : i32 to index
      %parallel_loop3A_645 = tpu.vector_load %arg12[%parallel_loop3A_643, %parallel_loop3A_644] {strides = array<i32>} : memref<6x4096xf32, #tpu.memory_space<vmem>>, vector<16xf32>,
      tpu.vector_store %arg12[%parallel_loop3A_643, %parallel_loop3A_644], %parallel_loop3A_641 {strides = array<i32>} : memref<6x4096xf32, #tpu.memory_space<vmem>>, vector<16xf32>,
      %parallel_loop3A_646 = arith.constant 448 : i32
      %parallel_loop3A_647 = vector.broadcast %parallel_loop3A_646 : i32 to vector<16xi32>
      %parallel_loop3A_648 = arith.addi %parallel_loop3A_616, %parallel_loop3A_647 : vector<16xi32>
      %parallel_loop3A_649 = tpu.vector_load_idx %arg14[%parallel_loop3A_648] : memref<672xf32, #tpu.memory_space<vmem>>[vector<16xi32>], vector<16xf32>,
      %parallel_loop3A_650 = arith.constant 4 : i32
      %parallel_loop3A_651 = arith.index_cast %parallel_loop3A_650 : i32 to index
      %parallel_loop3A_652 = arith.index_cast %parallel_loop3A_614 : i32 to index
      %parallel_loop3A_653 = tpu.vector_load %arg12[%parallel_loop3A_651, %parallel_loop3A_652] {strides = array<i32>} : memref<6x4096xf32, #tpu.memory_space<vmem>>, vector<16xf32>,
      tpu.vector_store %arg12[%parallel_loop3A_651, %parallel_loop3A_652], %parallel_loop3A_649 {strides = array<i32>} : memref<6x4096xf32, #tpu.memory_space<vmem>>, vector<16xf32>,
      %parallel_loop3A_654 = arith.constant 560 : i32
      %parallel_loop3A_655 = vector.broadcast %parallel_loop3A_654 : i32 to vector<16xi32>
      %parallel_loop3A_656 = arith.addi %parallel_loop3A_616, %parallel_loop3A_655 : vector<16xi32>
      %parallel_loop3A_657 = tpu.vector_load_idx %arg14[%parallel_loop3A_656] : memref<672xf32, #tpu.memory_space<vmem>>[vector<16xi32>], vector<16xf32>,
      %parallel_loop3A_658 = arith.constant 5 : i32
      %parallel_loop3A_659 = arith.index_cast %parallel_loop3A_658 : i32 to index
      %parallel_loop3A_660 = arith.index_cast %parallel_loop3A_614 : i32 to index
      %parallel_loop3A_661 = tpu.vector_load %arg12[%parallel_loop3A_659, %parallel_loop3A_660] {strides = array<i32>} : memref<6x4096xf32, #tpu.memory_space<vmem>>, vector<16xf32>,
      tpu.vector_store %arg12[%parallel_loop3A_659, %parallel_loop3A_660], %parallel_loop3A_657 {strides = array<i32>} : memref<6x4096xf32, #tpu.memory_space<vmem>>, vector<16xf32>,
    } {sc.loop_unroll_factor = 4 : i64, sc.parallel_access}
    %add3A_357 = arith.constant 8192 : i32
    %add3A_358 = arith.addi %mul3A_2, %add3A_357 : i32
    %dma_start3A_359 = arith.constant 0 : i32
    %dma_start3A_360 = tpu.memref_slice %arg8[%dma_start3A_359, %add3A_358] : memref<6x2097152xf32, #tpu.memory_space<hbm>> -> memref<6x4096xf32, #tpu.memory_space<hbm>>
    %dma_start3A_361 = arith.constant 0 : i32
    %dma_start3A_362 = tpu.memref_slice %arg8[%dma_start3A_361, %add3A_358] : memref<6x2097152xf32, #tpu.memory_space<hbm>> -> memref<6x4096xf32, #tpu.memory_space<hbm>>
    tpu.enqueue_dma source(%arg12 : memref<6x4096xf32, #tpu.memory_space<vmem>>) target(%dma_start3A_362 : memref<6x4096xf32, #tpu.memory_space<hbm>>) target_semaphore(%arg20 : memref<!tpu.dma_semaphore, #tpu.memory_space<semaphore_mem>>)
    %add3A_363 = arith.constant 16384 : i32
    %add3A_364 = arith.addi %mul3A_2, %add3A_363 : i32
    %dma_start3A_365 = tpu.memref_slice %arg2[%add3A_364] : memref<2097152xi32, #tpu.memory_space<hbm>> -> memref<4096xi32, #tpu.memory_space<hbm>>
    %dma_start3A_366 = tpu.memref_slice %arg2[%add3A_364] : memref<2097152xi32, #tpu.memory_space<hbm>> -> memref<4096xi32, #tpu.memory_space<hbm>>
    tpu.enqueue_dma source(%dma_start3A_366 : memref<4096xi32, #tpu.memory_space<hbm>>) target(%arg10 : memref<4096xi32, #tpu.memory_space<vmem>>) target_semaphore(%arg22 : memref<!tpu.dma_semaphore, #tpu.memory_space<semaphore_mem>>)
    %dma_wait3A_367 = tpu.memref_slice %arg2[%add3A_345] : memref<2097152xi32, #tpu.memory_space<hbm>> -> memref<4096xi32, #tpu.memory_space<hbm>>
    %dma_wait3A_368 = tpu.memref_slice %arg2[%add3A_345] : memref<2097152xi32, #tpu.memory_space<hbm>> -> memref<4096xi32, #tpu.memory_space<hbm>>
    tpu.wait_dma2 semaphore(%arg23 : memref<!tpu.dma_semaphore, #tpu.memory_space<semaphore_mem>>) src(%dma_wait3A_368 : memref<4096xi32, #tpu.memory_space<hbm>>) dst(%arg11 : memref<4096xi32, #tpu.memory_space<vmem>>)
    %dma_wait3A_369 = arith.constant 0 : i32
    %dma_wait3A_370 = tpu.memref_slice %arg8[%dma_wait3A_369, %add3A_339] : memref<6x2097152xf32, #tpu.memory_space<hbm>> -> memref<6x4096xf32, #tpu.memory_space<hbm>>
    %dma_wait3A_371 = arith.constant 0 : i32
    %dma_wait3A_372 = tpu.memref_slice %arg8[%dma_wait3A_371, %add3A_339] : memref<6x2097152xf32, #tpu.memory_space<hbm>> -> memref<6x4096xf32, #tpu.memory_space<hbm>>
    tpu.wait_dma2 semaphore(%arg21 : memref<!tpu.dma_semaphore, #tpu.memory_space<semaphore_mem>>) src(%arg13 : memref<6x4096xf32, #tpu.memory_space<vmem>>) dst(%dma_wait3A_372 : memref<6x4096xf32, #tpu.memory_space<hbm>>)
    %parallel_loop3A_373 = arith.constant 0 : i32
    %parallel_loop3A_374 = arith.constant 4096 : i32
    %parallel_loop3A_375 = arith.constant 16 : i32
    scf.for %parallel_loop3A_614 = %parallel_loop3A_373 to %parallel_loop3A_374 step %parallel_loop3A_375  : i32 {
      %parallel_loop3A_615 = arith.index_cast %parallel_loop3A_614 : i32 to index
      %parallel_loop3A_616 = tpu.vector_load %arg11[%parallel_loop3A_615] {strides = array<i32>} : memref<4096xi32, #tpu.memory_space<vmem>>, vector<16xi32>,
      %parallel_loop3A_617 = tpu.vector_load_idx %arg14[%parallel_loop3A_616] : memref<672xf32, #tpu.memory_space<vmem>>[vector<16xi32>], vector<16xf32>,
      %parallel_loop3A_618 = arith.constant 0 : i32
      %parallel_loop3A_619 = arith.index_cast %parallel_loop3A_618 : i32 to index
      %parallel_loop3A_620 = arith.index_cast %parallel_loop3A_614 : i32 to index
      %parallel_loop3A_621 = tpu.vector_load %arg13[%parallel_loop3A_619, %parallel_loop3A_620] {strides = array<i32>} : memref<6x4096xf32, #tpu.memory_space<vmem>>, vector<16xf32>,
      tpu.vector_store %arg13[%parallel_loop3A_619, %parallel_loop3A_620], %parallel_loop3A_617 {strides = array<i32>} : memref<6x4096xf32, #tpu.memory_space<vmem>>, vector<16xf32>,
      %parallel_loop3A_622 = arith.constant 112 : i32
      %parallel_loop3A_623 = vector.broadcast %parallel_loop3A_622 : i32 to vector<16xi32>
      %parallel_loop3A_624 = arith.addi %parallel_loop3A_616, %parallel_loop3A_623 : vector<16xi32>
      %parallel_loop3A_625 = tpu.vector_load_idx %arg14[%parallel_loop3A_624] : memref<672xf32, #tpu.memory_space<vmem>>[vector<16xi32>], vector<16xf32>,
      %parallel_loop3A_626 = arith.constant 1 : i32
      %parallel_loop3A_627 = arith.index_cast %parallel_loop3A_626 : i32 to index
      %parallel_loop3A_628 = arith.index_cast %parallel_loop3A_614 : i32 to index
      %parallel_loop3A_629 = tpu.vector_load %arg13[%parallel_loop3A_627, %parallel_loop3A_628] {strides = array<i32>} : memref<6x4096xf32, #tpu.memory_space<vmem>>, vector<16xf32>,
      tpu.vector_store %arg13[%parallel_loop3A_627, %parallel_loop3A_628], %parallel_loop3A_625 {strides = array<i32>} : memref<6x4096xf32, #tpu.memory_space<vmem>>, vector<16xf32>,
      %parallel_loop3A_630 = arith.constant 224 : i32
      %parallel_loop3A_631 = vector.broadcast %parallel_loop3A_630 : i32 to vector<16xi32>
      %parallel_loop3A_632 = arith.addi %parallel_loop3A_616, %parallel_loop3A_631 : vector<16xi32>
      %parallel_loop3A_633 = tpu.vector_load_idx %arg14[%parallel_loop3A_632] : memref<672xf32, #tpu.memory_space<vmem>>[vector<16xi32>], vector<16xf32>,
      %parallel_loop3A_634 = arith.constant 2 : i32
      %parallel_loop3A_635 = arith.index_cast %parallel_loop3A_634 : i32 to index
      %parallel_loop3A_636 = arith.index_cast %parallel_loop3A_614 : i32 to index
      %parallel_loop3A_637 = tpu.vector_load %arg13[%parallel_loop3A_635, %parallel_loop3A_636] {strides = array<i32>} : memref<6x4096xf32, #tpu.memory_space<vmem>>, vector<16xf32>,
      tpu.vector_store %arg13[%parallel_loop3A_635, %parallel_loop3A_636], %parallel_loop3A_633 {strides = array<i32>} : memref<6x4096xf32, #tpu.memory_space<vmem>>, vector<16xf32>,
      %parallel_loop3A_638 = arith.constant 336 : i32
      %parallel_loop3A_639 = vector.broadcast %parallel_loop3A_638 : i32 to vector<16xi32>
      %parallel_loop3A_640 = arith.addi %parallel_loop3A_616, %parallel_loop3A_639 : vector<16xi32>
      %parallel_loop3A_641 = tpu.vector_load_idx %arg14[%parallel_loop3A_640] : memref<672xf32, #tpu.memory_space<vmem>>[vector<16xi32>], vector<16xf32>,
      %parallel_loop3A_642 = arith.constant 3 : i32
      %parallel_loop3A_643 = arith.index_cast %parallel_loop3A_642 : i32 to index
      %parallel_loop3A_644 = arith.index_cast %parallel_loop3A_614 : i32 to index
      %parallel_loop3A_645 = tpu.vector_load %arg13[%parallel_loop3A_643, %parallel_loop3A_644] {strides = array<i32>} : memref<6x4096xf32, #tpu.memory_space<vmem>>, vector<16xf32>,
      tpu.vector_store %arg13[%parallel_loop3A_643, %parallel_loop3A_644], %parallel_loop3A_641 {strides = array<i32>} : memref<6x4096xf32, #tpu.memory_space<vmem>>, vector<16xf32>,
      %parallel_loop3A_646 = arith.constant 448 : i32
      %parallel_loop3A_647 = vector.broadcast %parallel_loop3A_646 : i32 to vector<16xi32>
      %parallel_loop3A_648 = arith.addi %parallel_loop3A_616, %parallel_loop3A_647 : vector<16xi32>
      %parallel_loop3A_649 = tpu.vector_load_idx %arg14[%parallel_loop3A_648] : memref<672xf32, #tpu.memory_space<vmem>>[vector<16xi32>], vector<16xf32>,
      %parallel_loop3A_650 = arith.constant 4 : i32
      %parallel_loop3A_651 = arith.index_cast %parallel_loop3A_650 : i32 to index
      %parallel_loop3A_652 = arith.index_cast %parallel_loop3A_614 : i32 to index
      %parallel_loop3A_653 = tpu.vector_load %arg13[%parallel_loop3A_651, %parallel_loop3A_652] {strides = array<i32>} : memref<6x4096xf32, #tpu.memory_space<vmem>>, vector<16xf32>,
      tpu.vector_store %arg13[%parallel_loop3A_651, %parallel_loop3A_652], %parallel_loop3A_649 {strides = array<i32>} : memref<6x4096xf32, #tpu.memory_space<vmem>>, vector<16xf32>,
      %parallel_loop3A_654 = arith.constant 560 : i32
      %parallel_loop3A_655 = vector.broadcast %parallel_loop3A_654 : i32 to vector<16xi32>
      %parallel_loop3A_656 = arith.addi %parallel_loop3A_616, %parallel_loop3A_655 : vector<16xi32>
      %parallel_loop3A_657 = tpu.vector_load_idx %arg14[%parallel_loop3A_656] : memref<672xf32, #tpu.memory_space<vmem>>[vector<16xi32>], vector<16xf32>,
      %parallel_loop3A_658 = arith.constant 5 : i32
      %parallel_loop3A_659 = arith.index_cast %parallel_loop3A_658 : i32 to index
      %parallel_loop3A_660 = arith.index_cast %parallel_loop3A_614 : i32 to index
      %parallel_loop3A_661 = tpu.vector_load %arg13[%parallel_loop3A_659, %parallel_loop3A_660] {strides = array<i32>} : memref<6x4096xf32, #tpu.memory_space<vmem>>, vector<16xf32>,
      tpu.vector_store %arg13[%parallel_loop3A_659, %parallel_loop3A_660], %parallel_loop3A_657 {strides = array<i32>} : memref<6x4096xf32, #tpu.memory_space<vmem>>, vector<16xf32>,
    } {sc.loop_unroll_factor = 4 : i64, sc.parallel_access}
    %add3A_376 = arith.constant 12288 : i32
    %add3A_377 = arith.addi %mul3A_2, %add3A_376 : i32
    %dma_start3A_378 = arith.constant 0 : i32
    %dma_start3A_379 = tpu.memref_slice %arg8[%dma_start3A_378, %add3A_377] : memref<6x2097152xf32, #tpu.memory_space<hbm>> -> memref<6x4096xf32, #tpu.memory_space<hbm>>
    %dma_start3A_380 = arith.constant 0 : i32
    %dma_start3A_381 = tpu.memref_slice %arg8[%dma_start3A_380, %add3A_377] : memref<6x2097152xf32, #tpu.memory_space<hbm>> -> memref<6x4096xf32, #tpu.memory_space<hbm>>
    tpu.enqueue_dma source(%arg13 : memref<6x4096xf32, #tpu.memory_space<vmem>>) target(%dma_start3A_381 : memref<6x4096xf32, #tpu.memory_space<hbm>>) target_semaphore(%arg21 : memref<!tpu.dma_semaphore, #tpu.memory_space<semaphore_mem>>)
    %add3A_382 = arith.constant 20480 : i32
    %add3A_383 = arith.addi %mul3A_2, %add3A_382 : i32
    %dma_start3A_384 = tpu.memref_slice %arg2[%add3A_383] : memref<2097152xi32, #tpu.memory_space<hbm>> -> memref<4096xi32, #tpu.memory_space<hbm>>
    %dma_start3A_385 = tpu.memref_slice %arg2[%add3A_383] : memref<2097152xi32, #tpu.memory_space<hbm>> -> memref<4096xi32, #tpu.memory_space<hbm>>
    tpu.enqueue_dma source(%dma_start3A_385 : memref<4096xi32, #tpu.memory_space<hbm>>) target(%arg11 : memref<4096xi32, #tpu.memory_space<vmem>>) target_semaphore(%arg23 : memref<!tpu.dma_semaphore, #tpu.memory_space<semaphore_mem>>)
    %dma_wait3A_386 = tpu.memref_slice %arg2[%add3A_364] : memref<2097152xi32, #tpu.memory_space<hbm>> -> memref<4096xi32, #tpu.memory_space<hbm>>
    %dma_wait3A_387 = tpu.memref_slice %arg2[%add3A_364] : memref<2097152xi32, #tpu.memory_space<hbm>> -> memref<4096xi32, #tpu.memory_space<hbm>>
    tpu.wait_dma2 semaphore(%arg22 : memref<!tpu.dma_semaphore, #tpu.memory_space<semaphore_mem>>) src(%dma_wait3A_387 : memref<4096xi32, #tpu.memory_space<hbm>>) dst(%arg10 : memref<4096xi32, #tpu.memory_space<vmem>>)
    %dma_wait3A_388 = arith.constant 0 : i32
    %dma_wait3A_389 = tpu.memref_slice %arg8[%dma_wait3A_388, %add3A_358] : memref<6x2097152xf32, #tpu.memory_space<hbm>> -> memref<6x4096xf32, #tpu.memory_space<hbm>>
    %dma_wait3A_390 = arith.constant 0 : i32
    %dma_wait3A_391 = tpu.memref_slice %arg8[%dma_wait3A_390, %add3A_358] : memref<6x2097152xf32, #tpu.memory_space<hbm>> -> memref<6x4096xf32, #tpu.memory_space<hbm>>
    tpu.wait_dma2 semaphore(%arg20 : memref<!tpu.dma_semaphore, #tpu.memory_space<semaphore_mem>>) src(%arg12 : memref<6x4096xf32, #tpu.memory_space<vmem>>) dst(%dma_wait3A_391 : memref<6x4096xf32, #tpu.memory_space<hbm>>)
    %parallel_loop3A_392 = arith.constant 0 : i32
    %parallel_loop3A_393 = arith.constant 4096 : i32
    %parallel_loop3A_394 = arith.constant 16 : i32
    scf.for %parallel_loop3A_614 = %parallel_loop3A_392 to %parallel_loop3A_393 step %parallel_loop3A_394  : i32 {
      %parallel_loop3A_615 = arith.index_cast %parallel_loop3A_614 : i32 to index
      %parallel_loop3A_616 = tpu.vector_load %arg10[%parallel_loop3A_615] {strides = array<i32>} : memref<4096xi32, #tpu.memory_space<vmem>>, vector<16xi32>,
      %parallel_loop3A_617 = tpu.vector_load_idx %arg14[%parallel_loop3A_616] : memref<672xf32, #tpu.memory_space<vmem>>[vector<16xi32>], vector<16xf32>,
      %parallel_loop3A_618 = arith.constant 0 : i32
      %parallel_loop3A_619 = arith.index_cast %parallel_loop3A_618 : i32 to index
      %parallel_loop3A_620 = arith.index_cast %parallel_loop3A_614 : i32 to index
      %parallel_loop3A_621 = tpu.vector_load %arg12[%parallel_loop3A_619, %parallel_loop3A_620] {strides = array<i32>} : memref<6x4096xf32, #tpu.memory_space<vmem>>, vector<16xf32>,
      tpu.vector_store %arg12[%parallel_loop3A_619, %parallel_loop3A_620], %parallel_loop3A_617 {strides = array<i32>} : memref<6x4096xf32, #tpu.memory_space<vmem>>, vector<16xf32>,
      %parallel_loop3A_622 = arith.constant 112 : i32
      %parallel_loop3A_623 = vector.broadcast %parallel_loop3A_622 : i32 to vector<16xi32>
      %parallel_loop3A_624 = arith.addi %parallel_loop3A_616, %parallel_loop3A_623 : vector<16xi32>
      %parallel_loop3A_625 = tpu.vector_load_idx %arg14[%parallel_loop3A_624] : memref<672xf32, #tpu.memory_space<vmem>>[vector<16xi32>], vector<16xf32>,
      %parallel_loop3A_626 = arith.constant 1 : i32
      %parallel_loop3A_627 = arith.index_cast %parallel_loop3A_626 : i32 to index
      %parallel_loop3A_628 = arith.index_cast %parallel_loop3A_614 : i32 to index
      %parallel_loop3A_629 = tpu.vector_load %arg12[%parallel_loop3A_627, %parallel_loop3A_628] {strides = array<i32>} : memref<6x4096xf32, #tpu.memory_space<vmem>>, vector<16xf32>,
      tpu.vector_store %arg12[%parallel_loop3A_627, %parallel_loop3A_628], %parallel_loop3A_625 {strides = array<i32>} : memref<6x4096xf32, #tpu.memory_space<vmem>>, vector<16xf32>,
      %parallel_loop3A_630 = arith.constant 224 : i32
      %parallel_loop3A_631 = vector.broadcast %parallel_loop3A_630 : i32 to vector<16xi32>
      %parallel_loop3A_632 = arith.addi %parallel_loop3A_616, %parallel_loop3A_631 : vector<16xi32>
      %parallel_loop3A_633 = tpu.vector_load_idx %arg14[%parallel_loop3A_632] : memref<672xf32, #tpu.memory_space<vmem>>[vector<16xi32>], vector<16xf32>,
      %parallel_loop3A_634 = arith.constant 2 : i32
      %parallel_loop3A_635 = arith.index_cast %parallel_loop3A_634 : i32 to index
      %parallel_loop3A_636 = arith.index_cast %parallel_loop3A_614 : i32 to index
      %parallel_loop3A_637 = tpu.vector_load %arg12[%parallel_loop3A_635, %parallel_loop3A_636] {strides = array<i32>} : memref<6x4096xf32, #tpu.memory_space<vmem>>, vector<16xf32>,
      tpu.vector_store %arg12[%parallel_loop3A_635, %parallel_loop3A_636], %parallel_loop3A_633 {strides = array<i32>} : memref<6x4096xf32, #tpu.memory_space<vmem>>, vector<16xf32>,
      %parallel_loop3A_638 = arith.constant 336 : i32
      %parallel_loop3A_639 = vector.broadcast %parallel_loop3A_638 : i32 to vector<16xi32>
      %parallel_loop3A_640 = arith.addi %parallel_loop3A_616, %parallel_loop3A_639 : vector<16xi32>
      %parallel_loop3A_641 = tpu.vector_load_idx %arg14[%parallel_loop3A_640] : memref<672xf32, #tpu.memory_space<vmem>>[vector<16xi32>], vector<16xf32>,
      %parallel_loop3A_642 = arith.constant 3 : i32
      %parallel_loop3A_643 = arith.index_cast %parallel_loop3A_642 : i32 to index
      %parallel_loop3A_644 = arith.index_cast %parallel_loop3A_614 : i32 to index
      %parallel_loop3A_645 = tpu.vector_load %arg12[%parallel_loop3A_643, %parallel_loop3A_644] {strides = array<i32>} : memref<6x4096xf32, #tpu.memory_space<vmem>>, vector<16xf32>,
      tpu.vector_store %arg12[%parallel_loop3A_643, %parallel_loop3A_644], %parallel_loop3A_641 {strides = array<i32>} : memref<6x4096xf32, #tpu.memory_space<vmem>>, vector<16xf32>,
      %parallel_loop3A_646 = arith.constant 448 : i32
      %parallel_loop3A_647 = vector.broadcast %parallel_loop3A_646 : i32 to vector<16xi32>
      %parallel_loop3A_648 = arith.addi %parallel_loop3A_616, %parallel_loop3A_647 : vector<16xi32>
      %parallel_loop3A_649 = tpu.vector_load_idx %arg14[%parallel_loop3A_648] : memref<672xf32, #tpu.memory_space<vmem>>[vector<16xi32>], vector<16xf32>,
      %parallel_loop3A_650 = arith.constant 4 : i32
      %parallel_loop3A_651 = arith.index_cast %parallel_loop3A_650 : i32 to index
      %parallel_loop3A_652 = arith.index_cast %parallel_loop3A_614 : i32 to index
      %parallel_loop3A_653 = tpu.vector_load %arg12[%parallel_loop3A_651, %parallel_loop3A_652] {strides = array<i32>} : memref<6x4096xf32, #tpu.memory_space<vmem>>, vector<16xf32>,
      tpu.vector_store %arg12[%parallel_loop3A_651, %parallel_loop3A_652], %parallel_loop3A_649 {strides = array<i32>} : memref<6x4096xf32, #tpu.memory_space<vmem>>, vector<16xf32>,
      %parallel_loop3A_654 = arith.constant 560 : i32
      %parallel_loop3A_655 = vector.broadcast %parallel_loop3A_654 : i32 to vector<16xi32>
      %parallel_loop3A_656 = arith.addi %parallel_loop3A_616, %parallel_loop3A_655 : vector<16xi32>
      %parallel_loop3A_657 = tpu.vector_load_idx %arg14[%parallel_loop3A_656] : memref<672xf32, #tpu.memory_space<vmem>>[vector<16xi32>], vector<16xf32>,
      %parallel_loop3A_658 = arith.constant 5 : i32
      %parallel_loop3A_659 = arith.index_cast %parallel_loop3A_658 : i32 to index
      %parallel_loop3A_660 = arith.index_cast %parallel_loop3A_614 : i32 to index
      %parallel_loop3A_661 = tpu.vector_load %arg12[%parallel_loop3A_659, %parallel_loop3A_660] {strides = array<i32>} : memref<6x4096xf32, #tpu.memory_space<vmem>>, vector<16xf32>,
      tpu.vector_store %arg12[%parallel_loop3A_659, %parallel_loop3A_660], %parallel_loop3A_657 {strides = array<i32>} : memref<6x4096xf32, #tpu.memory_space<vmem>>, vector<16xf32>,
    } {sc.loop_unroll_factor = 4 : i64, sc.parallel_access}
    %add3A_395 = arith.constant 16384 : i32
    %add3A_396 = arith.addi %mul3A_2, %add3A_395 : i32
    %dma_start3A_397 = arith.constant 0 : i32
    %dma_start3A_398 = tpu.memref_slice %arg8[%dma_start3A_397, %add3A_396] : memref<6x2097152xf32, #tpu.memory_space<hbm>> -> memref<6x4096xf32, #tpu.memory_space<hbm>>
    %dma_start3A_399 = arith.constant 0 : i32
    %dma_start3A_400 = tpu.memref_slice %arg8[%dma_start3A_399, %add3A_396] : memref<6x2097152xf32, #tpu.memory_space<hbm>> -> memref<6x4096xf32, #tpu.memory_space<hbm>>
    tpu.enqueue_dma source(%arg12 : memref<6x4096xf32, #tpu.memory_space<vmem>>) target(%dma_start3A_400 : memref<6x4096xf32, #tpu.memory_space<hbm>>) target_semaphore(%arg20 : memref<!tpu.dma_semaphore, #tpu.memory_space<semaphore_mem>>)
    %add3A_401 = arith.constant 24576 : i32
    %add3A_402 = arith.addi %mul3A_2, %add3A_401 : i32
    %dma_start3A_403 = tpu.memref_slice %arg2[%add3A_402] : memref<2097152xi32, #tpu.memory_space<hbm>> -> memref<4096xi32, #tpu.memory_space<hbm>>
    %dma_start3A_404 = tpu.memref_slice %arg2[%add3A_402] : memref<2097152xi32, #tpu.memory_space<hbm>> -> memref<4096xi32, #tpu.memory_space<hbm>>
    tpu.enqueue_dma source(%dma_start3A_404 : memref<4096xi32, #tpu.memory_space<hbm>>) target(%arg10 : memref<4096xi32, #tpu.memory_space<vmem>>) target_semaphore(%arg22 : memref<!tpu.dma_semaphore, #tpu.memory_space<semaphore_mem>>)
    %dma_wait3A_405 = tpu.memref_slice %arg2[%add3A_383] : memref<2097152xi32, #tpu.memory_space<hbm>> -> memref<4096xi32, #tpu.memory_space<hbm>>
    %dma_wait3A_406 = tpu.memref_slice %arg2[%add3A_383] : memref<2097152xi32, #tpu.memory_space<hbm>> -> memref<4096xi32, #tpu.memory_space<hbm>>
    tpu.wait_dma2 semaphore(%arg23 : memref<!tpu.dma_semaphore, #tpu.memory_space<semaphore_mem>>) src(%dma_wait3A_406 : memref<4096xi32, #tpu.memory_space<hbm>>) dst(%arg11 : memref<4096xi32, #tpu.memory_space<vmem>>)
    %dma_wait3A_407 = arith.constant 0 : i32
    %dma_wait3A_408 = tpu.memref_slice %arg8[%dma_wait3A_407, %add3A_377] : memref<6x2097152xf32, #tpu.memory_space<hbm>> -> memref<6x4096xf32, #tpu.memory_space<hbm>>
    %dma_wait3A_409 = arith.constant 0 : i32
    %dma_wait3A_410 = tpu.memref_slice %arg8[%dma_wait3A_409, %add3A_377] : memref<6x2097152xf32, #tpu.memory_space<hbm>> -> memref<6x4096xf32, #tpu.memory_space<hbm>>
    tpu.wait_dma2 semaphore(%arg21 : memref<!tpu.dma_semaphore, #tpu.memory_space<semaphore_mem>>) src(%arg13 : memref<6x4096xf32, #tpu.memory_space<vmem>>) dst(%dma_wait3A_410 : memref<6x4096xf32, #tpu.memory_space<hbm>>)
    %parallel_loop3A_411 = arith.constant 0 : i32
    %parallel_loop3A_412 = arith.constant 4096 : i32
    %parallel_loop3A_413 = arith.constant 16 : i32
    scf.for %parallel_loop3A_614 = %parallel_loop3A_411 to %parallel_loop3A_412 step %parallel_loop3A_413  : i32 {
      %parallel_loop3A_615 = arith.index_cast %parallel_loop3A_614 : i32 to index
      %parallel_loop3A_616 = tpu.vector_load %arg11[%parallel_loop3A_615] {strides = array<i32>} : memref<4096xi32, #tpu.memory_space<vmem>>, vector<16xi32>,
      %parallel_loop3A_617 = tpu.vector_load_idx %arg14[%parallel_loop3A_616] : memref<672xf32, #tpu.memory_space<vmem>>[vector<16xi32>], vector<16xf32>,
      %parallel_loop3A_618 = arith.constant 0 : i32
      %parallel_loop3A_619 = arith.index_cast %parallel_loop3A_618 : i32 to index
      %parallel_loop3A_620 = arith.index_cast %parallel_loop3A_614 : i32 to index
      %parallel_loop3A_621 = tpu.vector_load %arg13[%parallel_loop3A_619, %parallel_loop3A_620] {strides = array<i32>} : memref<6x4096xf32, #tpu.memory_space<vmem>>, vector<16xf32>,
      tpu.vector_store %arg13[%parallel_loop3A_619, %parallel_loop3A_620], %parallel_loop3A_617 {strides = array<i32>} : memref<6x4096xf32, #tpu.memory_space<vmem>>, vector<16xf32>,
      %parallel_loop3A_622 = arith.constant 112 : i32
      %parallel_loop3A_623 = vector.broadcast %parallel_loop3A_622 : i32 to vector<16xi32>
      %parallel_loop3A_624 = arith.addi %parallel_loop3A_616, %parallel_loop3A_623 : vector<16xi32>
      %parallel_loop3A_625 = tpu.vector_load_idx %arg14[%parallel_loop3A_624] : memref<672xf32, #tpu.memory_space<vmem>>[vector<16xi32>], vector<16xf32>,
      %parallel_loop3A_626 = arith.constant 1 : i32
      %parallel_loop3A_627 = arith.index_cast %parallel_loop3A_626 : i32 to index
      %parallel_loop3A_628 = arith.index_cast %parallel_loop3A_614 : i32 to index
      %parallel_loop3A_629 = tpu.vector_load %arg13[%parallel_loop3A_627, %parallel_loop3A_628] {strides = array<i32>} : memref<6x4096xf32, #tpu.memory_space<vmem>>, vector<16xf32>,
      tpu.vector_store %arg13[%parallel_loop3A_627, %parallel_loop3A_628], %parallel_loop3A_625 {strides = array<i32>} : memref<6x4096xf32, #tpu.memory_space<vmem>>, vector<16xf32>,
      %parallel_loop3A_630 = arith.constant 224 : i32
      %parallel_loop3A_631 = vector.broadcast %parallel_loop3A_630 : i32 to vector<16xi32>
      %parallel_loop3A_632 = arith.addi %parallel_loop3A_616, %parallel_loop3A_631 : vector<16xi32>
      %parallel_loop3A_633 = tpu.vector_load_idx %arg14[%parallel_loop3A_632] : memref<672xf32, #tpu.memory_space<vmem>>[vector<16xi32>], vector<16xf32>,
      %parallel_loop3A_634 = arith.constant 2 : i32
      %parallel_loop3A_635 = arith.index_cast %parallel_loop3A_634 : i32 to index
      %parallel_loop3A_636 = arith.index_cast %parallel_loop3A_614 : i32 to index
      %parallel_loop3A_637 = tpu.vector_load %arg13[%parallel_loop3A_635, %parallel_loop3A_636] {strides = array<i32>} : memref<6x4096xf32, #tpu.memory_space<vmem>>, vector<16xf32>,
      tpu.vector_store %arg13[%parallel_loop3A_635, %parallel_loop3A_636], %parallel_loop3A_633 {strides = array<i32>} : memref<6x4096xf32, #tpu.memory_space<vmem>>, vector<16xf32>,
      %parallel_loop3A_638 = arith.constant 336 : i32
      %parallel_loop3A_639 = vector.broadcast %parallel_loop3A_638 : i32 to vector<16xi32>
      %parallel_loop3A_640 = arith.addi %parallel_loop3A_616, %parallel_loop3A_639 : vector<16xi32>
      %parallel_loop3A_641 = tpu.vector_load_idx %arg14[%parallel_loop3A_640] : memref<672xf32, #tpu.memory_space<vmem>>[vector<16xi32>], vector<16xf32>,
      %parallel_loop3A_642 = arith.constant 3 : i32
      %parallel_loop3A_643 = arith.index_cast %parallel_loop3A_642 : i32 to index
      %parallel_loop3A_644 = arith.index_cast %parallel_loop3A_614 : i32 to index
      %parallel_loop3A_645 = tpu.vector_load %arg13[%parallel_loop3A_643, %parallel_loop3A_644] {strides = array<i32>} : memref<6x4096xf32, #tpu.memory_space<vmem>>, vector<16xf32>,
      tpu.vector_store %arg13[%parallel_loop3A_643, %parallel_loop3A_644], %parallel_loop3A_641 {strides = array<i32>} : memref<6x4096xf32, #tpu.memory_space<vmem>>, vector<16xf32>,
      %parallel_loop3A_646 = arith.constant 448 : i32
      %parallel_loop3A_647 = vector.broadcast %parallel_loop3A_646 : i32 to vector<16xi32>
      %parallel_loop3A_648 = arith.addi %parallel_loop3A_616, %parallel_loop3A_647 : vector<16xi32>
      %parallel_loop3A_649 = tpu.vector_load_idx %arg14[%parallel_loop3A_648] : memref<672xf32, #tpu.memory_space<vmem>>[vector<16xi32>], vector<16xf32>,
      %parallel_loop3A_650 = arith.constant 4 : i32
      %parallel_loop3A_651 = arith.index_cast %parallel_loop3A_650 : i32 to index
      %parallel_loop3A_652 = arith.index_cast %parallel_loop3A_614 : i32 to index
      %parallel_loop3A_653 = tpu.vector_load %arg13[%parallel_loop3A_651, %parallel_loop3A_652] {strides = array<i32>} : memref<6x4096xf32, #tpu.memory_space<vmem>>, vector<16xf32>,
      tpu.vector_store %arg13[%parallel_loop3A_651, %parallel_loop3A_652], %parallel_loop3A_649 {strides = array<i32>} : memref<6x4096xf32, #tpu.memory_space<vmem>>, vector<16xf32>,
      %parallel_loop3A_654 = arith.constant 560 : i32
      %parallel_loop3A_655 = vector.broadcast %parallel_loop3A_654 : i32 to vector<16xi32>
      %parallel_loop3A_656 = arith.addi %parallel_loop3A_616, %parallel_loop3A_655 : vector<16xi32>
      %parallel_loop3A_657 = tpu.vector_load_idx %arg14[%parallel_loop3A_656] : memref<672xf32, #tpu.memory_space<vmem>>[vector<16xi32>], vector<16xf32>,
      %parallel_loop3A_658 = arith.constant 5 : i32
      %parallel_loop3A_659 = arith.index_cast %parallel_loop3A_658 : i32 to index
      %parallel_loop3A_660 = arith.index_cast %parallel_loop3A_614 : i32 to index
      %parallel_loop3A_661 = tpu.vector_load %arg13[%parallel_loop3A_659, %parallel_loop3A_660] {strides = array<i32>} : memref<6x4096xf32, #tpu.memory_space<vmem>>, vector<16xf32>,
      tpu.vector_store %arg13[%parallel_loop3A_659, %parallel_loop3A_660], %parallel_loop3A_657 {strides = array<i32>} : memref<6x4096xf32, #tpu.memory_space<vmem>>, vector<16xf32>,
    } {sc.loop_unroll_factor = 4 : i64, sc.parallel_access}
    %add3A_414 = arith.constant 20480 : i32
    %add3A_415 = arith.addi %mul3A_2, %add3A_414 : i32
    %dma_start3A_416 = arith.constant 0 : i32
    %dma_start3A_417 = tpu.memref_slice %arg8[%dma_start3A_416, %add3A_415] : memref<6x2097152xf32, #tpu.memory_space<hbm>> -> memref<6x4096xf32, #tpu.memory_space<hbm>>
    %dma_start3A_418 = arith.constant 0 : i32
    %dma_start3A_419 = tpu.memref_slice %arg8[%dma_start3A_418, %add3A_415] : memref<6x2097152xf32, #tpu.memory_space<hbm>> -> memref<6x4096xf32, #tpu.memory_space<hbm>>
    tpu.enqueue_dma source(%arg13 : memref<6x4096xf32, #tpu.memory_space<vmem>>) target(%dma_start3A_419 : memref<6x4096xf32, #tpu.memory_space<hbm>>) target_semaphore(%arg21 : memref<!tpu.dma_semaphore, #tpu.memory_space<semaphore_mem>>)
    %add3A_420 = arith.constant 28672 : i32
    %add3A_421 = arith.addi %mul3A_2, %add3A_420 : i32
    %dma_start3A_422 = tpu.memref_slice %arg2[%add3A_421] : memref<2097152xi32, #tpu.memory_space<hbm>> -> memref<4096xi32, #tpu.memory_space<hbm>>
    %dma_start3A_423 = tpu.memref_slice %arg2[%add3A_421] : memref<2097152xi32, #tpu.memory_space<hbm>> -> memref<4096xi32, #tpu.memory_space<hbm>>
    tpu.enqueue_dma source(%dma_start3A_423 : memref<4096xi32, #tpu.memory_space<hbm>>) target(%arg11 : memref<4096xi32, #tpu.memory_space<vmem>>) target_semaphore(%arg23 : memref<!tpu.dma_semaphore, #tpu.memory_space<semaphore_mem>>)
    %dma_wait3A_424 = tpu.memref_slice %arg2[%add3A_402] : memref<2097152xi32, #tpu.memory_space<hbm>> -> memref<4096xi32, #tpu.memory_space<hbm>>
    %dma_wait3A_425 = tpu.memref_slice %arg2[%add3A_402] : memref<2097152xi32, #tpu.memory_space<hbm>> -> memref<4096xi32, #tpu.memory_space<hbm>>
    tpu.wait_dma2 semaphore(%arg22 : memref<!tpu.dma_semaphore, #tpu.memory_space<semaphore_mem>>) src(%dma_wait3A_425 : memref<4096xi32, #tpu.memory_space<hbm>>) dst(%arg10 : memref<4096xi32, #tpu.memory_space<vmem>>)
    %dma_wait3A_426 = arith.constant 0 : i32
    %dma_wait3A_427 = tpu.memref_slice %arg8[%dma_wait3A_426, %add3A_396] : memref<6x2097152xf32, #tpu.memory_space<hbm>> -> memref<6x4096xf32, #tpu.memory_space<hbm>>
    %dma_wait3A_428 = arith.constant 0 : i32
    %dma_wait3A_429 = tpu.memref_slice %arg8[%dma_wait3A_428, %add3A_396] : memref<6x2097152xf32, #tpu.memory_space<hbm>> -> memref<6x4096xf32, #tpu.memory_space<hbm>>
    tpu.wait_dma2 semaphore(%arg20 : memref<!tpu.dma_semaphore, #tpu.memory_space<semaphore_mem>>) src(%arg12 : memref<6x4096xf32, #tpu.memory_space<vmem>>) dst(%dma_wait3A_429 : memref<6x4096xf32, #tpu.memory_space<hbm>>)
    %parallel_loop3A_430 = arith.constant 0 : i32
    %parallel_loop3A_431 = arith.constant 4096 : i32
    %parallel_loop3A_432 = arith.constant 16 : i32
    scf.for %parallel_loop3A_614 = %parallel_loop3A_430 to %parallel_loop3A_431 step %parallel_loop3A_432  : i32 {
      %parallel_loop3A_615 = arith.index_cast %parallel_loop3A_614 : i32 to index
      %parallel_loop3A_616 = tpu.vector_load %arg10[%parallel_loop3A_615] {strides = array<i32>} : memref<4096xi32, #tpu.memory_space<vmem>>, vector<16xi32>,
      %parallel_loop3A_617 = tpu.vector_load_idx %arg14[%parallel_loop3A_616] : memref<672xf32, #tpu.memory_space<vmem>>[vector<16xi32>], vector<16xf32>,
      %parallel_loop3A_618 = arith.constant 0 : i32
      %parallel_loop3A_619 = arith.index_cast %parallel_loop3A_618 : i32 to index
      %parallel_loop3A_620 = arith.index_cast %parallel_loop3A_614 : i32 to index
      %parallel_loop3A_621 = tpu.vector_load %arg12[%parallel_loop3A_619, %parallel_loop3A_620] {strides = array<i32>} : memref<6x4096xf32, #tpu.memory_space<vmem>>, vector<16xf32>,
      tpu.vector_store %arg12[%parallel_loop3A_619, %parallel_loop3A_620], %parallel_loop3A_617 {strides = array<i32>} : memref<6x4096xf32, #tpu.memory_space<vmem>>, vector<16xf32>,
      %parallel_loop3A_622 = arith.constant 112 : i32
      %parallel_loop3A_623 = vector.broadcast %parallel_loop3A_622 : i32 to vector<16xi32>
      %parallel_loop3A_624 = arith.addi %parallel_loop3A_616, %parallel_loop3A_623 : vector<16xi32>
      %parallel_loop3A_625 = tpu.vector_load_idx %arg14[%parallel_loop3A_624] : memref<672xf32, #tpu.memory_space<vmem>>[vector<16xi32>], vector<16xf32>,
      %parallel_loop3A_626 = arith.constant 1 : i32
      %parallel_loop3A_627 = arith.index_cast %parallel_loop3A_626 : i32 to index
      %parallel_loop3A_628 = arith.index_cast %parallel_loop3A_614 : i32 to index
      %parallel_loop3A_629 = tpu.vector_load %arg12[%parallel_loop3A_627, %parallel_loop3A_628] {strides = array<i32>} : memref<6x4096xf32, #tpu.memory_space<vmem>>, vector<16xf32>,
      tpu.vector_store %arg12[%parallel_loop3A_627, %parallel_loop3A_628], %parallel_loop3A_625 {strides = array<i32>} : memref<6x4096xf32, #tpu.memory_space<vmem>>, vector<16xf32>,
      %parallel_loop3A_630 = arith.constant 224 : i32
      %parallel_loop3A_631 = vector.broadcast %parallel_loop3A_630 : i32 to vector<16xi32>
      %parallel_loop3A_632 = arith.addi %parallel_loop3A_616, %parallel_loop3A_631 : vector<16xi32>
      %parallel_loop3A_633 = tpu.vector_load_idx %arg14[%parallel_loop3A_632] : memref<672xf32, #tpu.memory_space<vmem>>[vector<16xi32>], vector<16xf32>,
      %parallel_loop3A_634 = arith.constant 2 : i32
      %parallel_loop3A_635 = arith.index_cast %parallel_loop3A_634 : i32 to index
      %parallel_loop3A_636 = arith.index_cast %parallel_loop3A_614 : i32 to index
      %parallel_loop3A_637 = tpu.vector_load %arg12[%parallel_loop3A_635, %parallel_loop3A_636] {strides = array<i32>} : memref<6x4096xf32, #tpu.memory_space<vmem>>, vector<16xf32>,
      tpu.vector_store %arg12[%parallel_loop3A_635, %parallel_loop3A_636], %parallel_loop3A_633 {strides = array<i32>} : memref<6x4096xf32, #tpu.memory_space<vmem>>, vector<16xf32>,
      %parallel_loop3A_638 = arith.constant 336 : i32
      %parallel_loop3A_639 = vector.broadcast %parallel_loop3A_638 : i32 to vector<16xi32>
      %parallel_loop3A_640 = arith.addi %parallel_loop3A_616, %parallel_loop3A_639 : vector<16xi32>
      %parallel_loop3A_641 = tpu.vector_load_idx %arg14[%parallel_loop3A_640] : memref<672xf32, #tpu.memory_space<vmem>>[vector<16xi32>], vector<16xf32>,
      %parallel_loop3A_642 = arith.constant 3 : i32
      %parallel_loop3A_643 = arith.index_cast %parallel_loop3A_642 : i32 to index
      %parallel_loop3A_644 = arith.index_cast %parallel_loop3A_614 : i32 to index
      %parallel_loop3A_645 = tpu.vector_load %arg12[%parallel_loop3A_643, %parallel_loop3A_644] {strides = array<i32>} : memref<6x4096xf32, #tpu.memory_space<vmem>>, vector<16xf32>,
      tpu.vector_store %arg12[%parallel_loop3A_643, %parallel_loop3A_644], %parallel_loop3A_641 {strides = array<i32>} : memref<6x4096xf32, #tpu.memory_space<vmem>>, vector<16xf32>,
      %parallel_loop3A_646 = arith.constant 448 : i32
      %parallel_loop3A_647 = vector.broadcast %parallel_loop3A_646 : i32 to vector<16xi32>
      %parallel_loop3A_648 = arith.addi %parallel_loop3A_616, %parallel_loop3A_647 : vector<16xi32>
      %parallel_loop3A_649 = tpu.vector_load_idx %arg14[%parallel_loop3A_648] : memref<672xf32, #tpu.memory_space<vmem>>[vector<16xi32>], vector<16xf32>,
      %parallel_loop3A_650 = arith.constant 4 : i32
      %parallel_loop3A_651 = arith.index_cast %parallel_loop3A_650 : i32 to index
      %parallel_loop3A_652 = arith.index_cast %parallel_loop3A_614 : i32 to index
      %parallel_loop3A_653 = tpu.vector_load %arg12[%parallel_loop3A_651, %parallel_loop3A_652] {strides = array<i32>} : memref<6x4096xf32, #tpu.memory_space<vmem>>, vector<16xf32>,
      tpu.vector_store %arg12[%parallel_loop3A_651, %parallel_loop3A_652], %parallel_loop3A_649 {strides = array<i32>} : memref<6x4096xf32, #tpu.memory_space<vmem>>, vector<16xf32>,
      %parallel_loop3A_654 = arith.constant 560 : i32
      %parallel_loop3A_655 = vector.broadcast %parallel_loop3A_654 : i32 to vector<16xi32>
      %parallel_loop3A_656 = arith.addi %parallel_loop3A_616, %parallel_loop3A_655 : vector<16xi32>
      %parallel_loop3A_657 = tpu.vector_load_idx %arg14[%parallel_loop3A_656] : memref<672xf32, #tpu.memory_space<vmem>>[vector<16xi32>], vector<16xf32>,
      %parallel_loop3A_658 = arith.constant 5 : i32
      %parallel_loop3A_659 = arith.index_cast %parallel_loop3A_658 : i32 to index
      %parallel_loop3A_660 = arith.index_cast %parallel_loop3A_614 : i32 to index
      %parallel_loop3A_661 = tpu.vector_load %arg12[%parallel_loop3A_659, %parallel_loop3A_660] {strides = array<i32>} : memref<6x4096xf32, #tpu.memory_space<vmem>>, vector<16xf32>,
      tpu.vector_store %arg12[%parallel_loop3A_659, %parallel_loop3A_660], %parallel_loop3A_657 {strides = array<i32>} : memref<6x4096xf32, #tpu.memory_space<vmem>>, vector<16xf32>,
    } {sc.loop_unroll_factor = 4 : i64, sc.parallel_access}
    %add3A_433 = arith.constant 24576 : i32
    %add3A_434 = arith.addi %mul3A_2, %add3A_433 : i32
    %dma_start3A_435 = arith.constant 0 : i32
    %dma_start3A_436 = tpu.memref_slice %arg8[%dma_start3A_435, %add3A_434] : memref<6x2097152xf32, #tpu.memory_space<hbm>> -> memref<6x4096xf32, #tpu.memory_space<hbm>>
    %dma_start3A_437 = arith.constant 0 : i32
    %dma_start3A_438 = tpu.memref_slice %arg8[%dma_start3A_437, %add3A_434] : memref<6x2097152xf32, #tpu.memory_space<hbm>> -> memref<6x4096xf32, #tpu.memory_space<hbm>>
    tpu.enqueue_dma source(%arg12 : memref<6x4096xf32, #tpu.memory_space<vmem>>) target(%dma_start3A_438 : memref<6x4096xf32, #tpu.memory_space<hbm>>) target_semaphore(%arg20 : memref<!tpu.dma_semaphore, #tpu.memory_space<semaphore_mem>>)
    %add3A_439 = arith.constant 32768 : i32
    %add3A_440 = arith.addi %mul3A_2, %add3A_439 : i32
    %dma_start3A_441 = tpu.memref_slice %arg2[%add3A_440] : memref<2097152xi32, #tpu.memory_space<hbm>> -> memref<4096xi32, #tpu.memory_space<hbm>>
    %dma_start3A_442 = tpu.memref_slice %arg2[%add3A_440] : memref<2097152xi32, #tpu.memory_space<hbm>> -> memref<4096xi32, #tpu.memory_space<hbm>>
    tpu.enqueue_dma source(%dma_start3A_442 : memref<4096xi32, #tpu.memory_space<hbm>>) target(%arg10 : memref<4096xi32, #tpu.memory_space<vmem>>) target_semaphore(%arg22 : memref<!tpu.dma_semaphore, #tpu.memory_space<semaphore_mem>>)
    %dma_wait3A_443 = tpu.memref_slice %arg2[%add3A_421] : memref<2097152xi32, #tpu.memory_space<hbm>> -> memref<4096xi32, #tpu.memory_space<hbm>>
    %dma_wait3A_444 = tpu.memref_slice %arg2[%add3A_421] : memref<2097152xi32, #tpu.memory_space<hbm>> -> memref<4096xi32, #tpu.memory_space<hbm>>
    tpu.wait_dma2 semaphore(%arg23 : memref<!tpu.dma_semaphore, #tpu.memory_space<semaphore_mem>>) src(%dma_wait3A_444 : memref<4096xi32, #tpu.memory_space<hbm>>) dst(%arg11 : memref<4096xi32, #tpu.memory_space<vmem>>)
    %dma_wait3A_445 = arith.constant 0 : i32
    %dma_wait3A_446 = tpu.memref_slice %arg8[%dma_wait3A_445, %add3A_415] : memref<6x2097152xf32, #tpu.memory_space<hbm>> -> memref<6x4096xf32, #tpu.memory_space<hbm>>
    %dma_wait3A_447 = arith.constant 0 : i32
    %dma_wait3A_448 = tpu.memref_slice %arg8[%dma_wait3A_447, %add3A_415] : memref<6x2097152xf32, #tpu.memory_space<hbm>> -> memref<6x4096xf32, #tpu.memory_space<hbm>>
    tpu.wait_dma2 semaphore(%arg21 : memref<!tpu.dma_semaphore, #tpu.memory_space<semaphore_mem>>) src(%arg13 : memref<6x4096xf32, #tpu.memory_space<vmem>>) dst(%dma_wait3A_448 : memref<6x4096xf32, #tpu.memory_space<hbm>>)
    %parallel_loop3A_449 = arith.constant 0 : i32
    %parallel_loop3A_450 = arith.constant 4096 : i32
    %parallel_loop3A_451 = arith.constant 16 : i32
    scf.for %parallel_loop3A_614 = %parallel_loop3A_449 to %parallel_loop3A_450 step %parallel_loop3A_451  : i32 {
      %parallel_loop3A_615 = arith.index_cast %parallel_loop3A_614 : i32 to index
      %parallel_loop3A_616 = tpu.vector_load %arg11[%parallel_loop3A_615] {strides = array<i32>} : memref<4096xi32, #tpu.memory_space<vmem>>, vector<16xi32>,
      %parallel_loop3A_617 = tpu.vector_load_idx %arg14[%parallel_loop3A_616] : memref<672xf32, #tpu.memory_space<vmem>>[vector<16xi32>], vector<16xf32>,
      %parallel_loop3A_618 = arith.constant 0 : i32
      %parallel_loop3A_619 = arith.index_cast %parallel_loop3A_618 : i32 to index
      %parallel_loop3A_620 = arith.index_cast %parallel_loop3A_614 : i32 to index
      %parallel_loop3A_621 = tpu.vector_load %arg13[%parallel_loop3A_619, %parallel_loop3A_620] {strides = array<i32>} : memref<6x4096xf32, #tpu.memory_space<vmem>>, vector<16xf32>,
      tpu.vector_store %arg13[%parallel_loop3A_619, %parallel_loop3A_620], %parallel_loop3A_617 {strides = array<i32>} : memref<6x4096xf32, #tpu.memory_space<vmem>>, vector<16xf32>,
      %parallel_loop3A_622 = arith.constant 112 : i32
      %parallel_loop3A_623 = vector.broadcast %parallel_loop3A_622 : i32 to vector<16xi32>
      %parallel_loop3A_624 = arith.addi %parallel_loop3A_616, %parallel_loop3A_623 : vector<16xi32>
      %parallel_loop3A_625 = tpu.vector_load_idx %arg14[%parallel_loop3A_624] : memref<672xf32, #tpu.memory_space<vmem>>[vector<16xi32>], vector<16xf32>,
      %parallel_loop3A_626 = arith.constant 1 : i32
      %parallel_loop3A_627 = arith.index_cast %parallel_loop3A_626 : i32 to index
      %parallel_loop3A_628 = arith.index_cast %parallel_loop3A_614 : i32 to index
      %parallel_loop3A_629 = tpu.vector_load %arg13[%parallel_loop3A_627, %parallel_loop3A_628] {strides = array<i32>} : memref<6x4096xf32, #tpu.memory_space<vmem>>, vector<16xf32>,
      tpu.vector_store %arg13[%parallel_loop3A_627, %parallel_loop3A_628], %parallel_loop3A_625 {strides = array<i32>} : memref<6x4096xf32, #tpu.memory_space<vmem>>, vector<16xf32>,
      %parallel_loop3A_630 = arith.constant 224 : i32
      %parallel_loop3A_631 = vector.broadcast %parallel_loop3A_630 : i32 to vector<16xi32>
      %parallel_loop3A_632 = arith.addi %parallel_loop3A_616, %parallel_loop3A_631 : vector<16xi32>
      %parallel_loop3A_633 = tpu.vector_load_idx %arg14[%parallel_loop3A_632] : memref<672xf32, #tpu.memory_space<vmem>>[vector<16xi32>], vector<16xf32>,
      %parallel_loop3A_634 = arith.constant 2 : i32
      %parallel_loop3A_635 = arith.index_cast %parallel_loop3A_634 : i32 to index
      %parallel_loop3A_636 = arith.index_cast %parallel_loop3A_614 : i32 to index
      %parallel_loop3A_637 = tpu.vector_load %arg13[%parallel_loop3A_635, %parallel_loop3A_636] {strides = array<i32>} : memref<6x4096xf32, #tpu.memory_space<vmem>>, vector<16xf32>,
      tpu.vector_store %arg13[%parallel_loop3A_635, %parallel_loop3A_636], %parallel_loop3A_633 {strides = array<i32>} : memref<6x4096xf32, #tpu.memory_space<vmem>>, vector<16xf32>,
      %parallel_loop3A_638 = arith.constant 336 : i32
      %parallel_loop3A_639 = vector.broadcast %parallel_loop3A_638 : i32 to vector<16xi32>
      %parallel_loop3A_640 = arith.addi %parallel_loop3A_616, %parallel_loop3A_639 : vector<16xi32>
      %parallel_loop3A_641 = tpu.vector_load_idx %arg14[%parallel_loop3A_640] : memref<672xf32, #tpu.memory_space<vmem>>[vector<16xi32>], vector<16xf32>,
      %parallel_loop3A_642 = arith.constant 3 : i32
      %parallel_loop3A_643 = arith.index_cast %parallel_loop3A_642 : i32 to index
      %parallel_loop3A_644 = arith.index_cast %parallel_loop3A_614 : i32 to index
      %parallel_loop3A_645 = tpu.vector_load %arg13[%parallel_loop3A_643, %parallel_loop3A_644] {strides = array<i32>} : memref<6x4096xf32, #tpu.memory_space<vmem>>, vector<16xf32>,
      tpu.vector_store %arg13[%parallel_loop3A_643, %parallel_loop3A_644], %parallel_loop3A_641 {strides = array<i32>} : memref<6x4096xf32, #tpu.memory_space<vmem>>, vector<16xf32>,
      %parallel_loop3A_646 = arith.constant 448 : i32
      %parallel_loop3A_647 = vector.broadcast %parallel_loop3A_646 : i32 to vector<16xi32>
      %parallel_loop3A_648 = arith.addi %parallel_loop3A_616, %parallel_loop3A_647 : vector<16xi32>
      %parallel_loop3A_649 = tpu.vector_load_idx %arg14[%parallel_loop3A_648] : memref<672xf32, #tpu.memory_space<vmem>>[vector<16xi32>], vector<16xf32>,
      %parallel_loop3A_650 = arith.constant 4 : i32
      %parallel_loop3A_651 = arith.index_cast %parallel_loop3A_650 : i32 to index
      %parallel_loop3A_652 = arith.index_cast %parallel_loop3A_614 : i32 to index
      %parallel_loop3A_653 = tpu.vector_load %arg13[%parallel_loop3A_651, %parallel_loop3A_652] {strides = array<i32>} : memref<6x4096xf32, #tpu.memory_space<vmem>>, vector<16xf32>,
      tpu.vector_store %arg13[%parallel_loop3A_651, %parallel_loop3A_652], %parallel_loop3A_649 {strides = array<i32>} : memref<6x4096xf32, #tpu.memory_space<vmem>>, vector<16xf32>,
      %parallel_loop3A_654 = arith.constant 560 : i32
      %parallel_loop3A_655 = vector.broadcast %parallel_loop3A_654 : i32 to vector<16xi32>
      %parallel_loop3A_656 = arith.addi %parallel_loop3A_616, %parallel_loop3A_655 : vector<16xi32>
      %parallel_loop3A_657 = tpu.vector_load_idx %arg14[%parallel_loop3A_656] : memref<672xf32, #tpu.memory_space<vmem>>[vector<16xi32>], vector<16xf32>,
      %parallel_loop3A_658 = arith.constant 5 : i32
      %parallel_loop3A_659 = arith.index_cast %parallel_loop3A_658 : i32 to index
      %parallel_loop3A_660 = arith.index_cast %parallel_loop3A_614 : i32 to index
      %parallel_loop3A_661 = tpu.vector_load %arg13[%parallel_loop3A_659, %parallel_loop3A_660] {strides = array<i32>} : memref<6x4096xf32, #tpu.memory_space<vmem>>, vector<16xf32>,
      tpu.vector_store %arg13[%parallel_loop3A_659, %parallel_loop3A_660], %parallel_loop3A_657 {strides = array<i32>} : memref<6x4096xf32, #tpu.memory_space<vmem>>, vector<16xf32>,
    } {sc.loop_unroll_factor = 4 : i64, sc.parallel_access}
    %add3A_452 = arith.constant 28672 : i32
    %add3A_453 = arith.addi %mul3A_2, %add3A_452 : i32
    %dma_start3A_454 = arith.constant 0 : i32
    %dma_start3A_455 = tpu.memref_slice %arg8[%dma_start3A_454, %add3A_453] : memref<6x2097152xf32, #tpu.memory_space<hbm>> -> memref<6x4096xf32, #tpu.memory_space<hbm>>
    %dma_start3A_456 = arith.constant 0 : i32
    %dma_start3A_457 = tpu.memref_slice %arg8[%dma_start3A_456, %add3A_453] : memref<6x2097152xf32, #tpu.memory_space<hbm>> -> memref<6x4096xf32, #tpu.memory_space<hbm>>
    tpu.enqueue_dma source(%arg13 : memref<6x4096xf32, #tpu.memory_space<vmem>>) target(%dma_start3A_457 : memref<6x4096xf32, #tpu.memory_space<hbm>>) target_semaphore(%arg21 : memref<!tpu.dma_semaphore, #tpu.memory_space<semaphore_mem>>)
    %add3A_458 = arith.constant 36864 : i32
    %add3A_459 = arith.addi %mul3A_2, %add3A_458 : i32
    %dma_start3A_460 = tpu.memref_slice %arg2[%add3A_459] : memref<2097152xi32, #tpu.memory_space<hbm>> -> memref<4096xi32, #tpu.memory_space<hbm>>
    %dma_start3A_461 = tpu.memref_slice %arg2[%add3A_459] : memref<2097152xi32, #tpu.memory_space<hbm>> -> memref<4096xi32, #tpu.memory_space<hbm>>
    tpu.enqueue_dma source(%dma_start3A_461 : memref<4096xi32, #tpu.memory_space<hbm>>) target(%arg11 : memref<4096xi32, #tpu.memory_space<vmem>>) target_semaphore(%arg23 : memref<!tpu.dma_semaphore, #tpu.memory_space<semaphore_mem>>)
    %dma_wait3A_462 = tpu.memref_slice %arg2[%add3A_440] : memref<2097152xi32, #tpu.memory_space<hbm>> -> memref<4096xi32, #tpu.memory_space<hbm>>
    %dma_wait3A_463 = tpu.memref_slice %arg2[%add3A_440] : memref<2097152xi32, #tpu.memory_space<hbm>> -> memref<4096xi32, #tpu.memory_space<hbm>>
    tpu.wait_dma2 semaphore(%arg22 : memref<!tpu.dma_semaphore, #tpu.memory_space<semaphore_mem>>) src(%dma_wait3A_463 : memref<4096xi32, #tpu.memory_space<hbm>>) dst(%arg10 : memref<4096xi32, #tpu.memory_space<vmem>>)
    %dma_wait3A_464 = arith.constant 0 : i32
    %dma_wait3A_465 = tpu.memref_slice %arg8[%dma_wait3A_464, %add3A_434] : memref<6x2097152xf32, #tpu.memory_space<hbm>> -> memref<6x4096xf32, #tpu.memory_space<hbm>>
    %dma_wait3A_466 = arith.constant 0 : i32
    %dma_wait3A_467 = tpu.memref_slice %arg8[%dma_wait3A_466, %add3A_434] : memref<6x2097152xf32, #tpu.memory_space<hbm>> -> memref<6x4096xf32, #tpu.memory_space<hbm>>
    tpu.wait_dma2 semaphore(%arg20 : memref<!tpu.dma_semaphore, #tpu.memory_space<semaphore_mem>>) src(%arg12 : memref<6x4096xf32, #tpu.memory_space<vmem>>) dst(%dma_wait3A_467 : memref<6x4096xf32, #tpu.memory_space<hbm>>)
    %parallel_loop3A_468 = arith.constant 0 : i32
    %parallel_loop3A_469 = arith.constant 4096 : i32
    %parallel_loop3A_470 = arith.constant 16 : i32
    scf.for %parallel_loop3A_614 = %parallel_loop3A_468 to %parallel_loop3A_469 step %parallel_loop3A_470  : i32 {
      %parallel_loop3A_615 = arith.index_cast %parallel_loop3A_614 : i32 to index
      %parallel_loop3A_616 = tpu.vector_load %arg10[%parallel_loop3A_615] {strides = array<i32>} : memref<4096xi32, #tpu.memory_space<vmem>>, vector<16xi32>,
      %parallel_loop3A_617 = tpu.vector_load_idx %arg14[%parallel_loop3A_616] : memref<672xf32, #tpu.memory_space<vmem>>[vector<16xi32>], vector<16xf32>,
      %parallel_loop3A_618 = arith.constant 0 : i32
      %parallel_loop3A_619 = arith.index_cast %parallel_loop3A_618 : i32 to index
      %parallel_loop3A_620 = arith.index_cast %parallel_loop3A_614 : i32 to index
      %parallel_loop3A_621 = tpu.vector_load %arg12[%parallel_loop3A_619, %parallel_loop3A_620] {strides = array<i32>} : memref<6x4096xf32, #tpu.memory_space<vmem>>, vector<16xf32>,
      tpu.vector_store %arg12[%parallel_loop3A_619, %parallel_loop3A_620], %parallel_loop3A_617 {strides = array<i32>} : memref<6x4096xf32, #tpu.memory_space<vmem>>, vector<16xf32>,
      %parallel_loop3A_622 = arith.constant 112 : i32
      %parallel_loop3A_623 = vector.broadcast %parallel_loop3A_622 : i32 to vector<16xi32>
      %parallel_loop3A_624 = arith.addi %parallel_loop3A_616, %parallel_loop3A_623 : vector<16xi32>
      %parallel_loop3A_625 = tpu.vector_load_idx %arg14[%parallel_loop3A_624] : memref<672xf32, #tpu.memory_space<vmem>>[vector<16xi32>], vector<16xf32>,
      %parallel_loop3A_626 = arith.constant 1 : i32
      %parallel_loop3A_627 = arith.index_cast %parallel_loop3A_626 : i32 to index
      %parallel_loop3A_628 = arith.index_cast %parallel_loop3A_614 : i32 to index
      %parallel_loop3A_629 = tpu.vector_load %arg12[%parallel_loop3A_627, %parallel_loop3A_628] {strides = array<i32>} : memref<6x4096xf32, #tpu.memory_space<vmem>>, vector<16xf32>,
      tpu.vector_store %arg12[%parallel_loop3A_627, %parallel_loop3A_628], %parallel_loop3A_625 {strides = array<i32>} : memref<6x4096xf32, #tpu.memory_space<vmem>>, vector<16xf32>,
      %parallel_loop3A_630 = arith.constant 224 : i32
      %parallel_loop3A_631 = vector.broadcast %parallel_loop3A_630 : i32 to vector<16xi32>
      %parallel_loop3A_632 = arith.addi %parallel_loop3A_616, %parallel_loop3A_631 : vector<16xi32>
      %parallel_loop3A_633 = tpu.vector_load_idx %arg14[%parallel_loop3A_632] : memref<672xf32, #tpu.memory_space<vmem>>[vector<16xi32>], vector<16xf32>,
      %parallel_loop3A_634 = arith.constant 2 : i32
      %parallel_loop3A_635 = arith.index_cast %parallel_loop3A_634 : i32 to index
      %parallel_loop3A_636 = arith.index_cast %parallel_loop3A_614 : i32 to index
      %parallel_loop3A_637 = tpu.vector_load %arg12[%parallel_loop3A_635, %parallel_loop3A_636] {strides = array<i32>} : memref<6x4096xf32, #tpu.memory_space<vmem>>, vector<16xf32>,
      tpu.vector_store %arg12[%parallel_loop3A_635, %parallel_loop3A_636], %parallel_loop3A_633 {strides = array<i32>} : memref<6x4096xf32, #tpu.memory_space<vmem>>, vector<16xf32>,
      %parallel_loop3A_638 = arith.constant 336 : i32
      %parallel_loop3A_639 = vector.broadcast %parallel_loop3A_638 : i32 to vector<16xi32>
      %parallel_loop3A_640 = arith.addi %parallel_loop3A_616, %parallel_loop3A_639 : vector<16xi32>
      %parallel_loop3A_641 = tpu.vector_load_idx %arg14[%parallel_loop3A_640] : memref<672xf32, #tpu.memory_space<vmem>>[vector<16xi32>], vector<16xf32>,
      %parallel_loop3A_642 = arith.constant 3 : i32
      %parallel_loop3A_643 = arith.index_cast %parallel_loop3A_642 : i32 to index
      %parallel_loop3A_644 = arith.index_cast %parallel_loop3A_614 : i32 to index
      %parallel_loop3A_645 = tpu.vector_load %arg12[%parallel_loop3A_643, %parallel_loop3A_644] {strides = array<i32>} : memref<6x4096xf32, #tpu.memory_space<vmem>>, vector<16xf32>,
      tpu.vector_store %arg12[%parallel_loop3A_643, %parallel_loop3A_644], %parallel_loop3A_641 {strides = array<i32>} : memref<6x4096xf32, #tpu.memory_space<vmem>>, vector<16xf32>,
      %parallel_loop3A_646 = arith.constant 448 : i32
      %parallel_loop3A_647 = vector.broadcast %parallel_loop3A_646 : i32 to vector<16xi32>
      %parallel_loop3A_648 = arith.addi %parallel_loop3A_616, %parallel_loop3A_647 : vector<16xi32>
      %parallel_loop3A_649 = tpu.vector_load_idx %arg14[%parallel_loop3A_648] : memref<672xf32, #tpu.memory_space<vmem>>[vector<16xi32>], vector<16xf32>,
      %parallel_loop3A_650 = arith.constant 4 : i32
      %parallel_loop3A_651 = arith.index_cast %parallel_loop3A_650 : i32 to index
      %parallel_loop3A_652 = arith.index_cast %parallel_loop3A_614 : i32 to index
      %parallel_loop3A_653 = tpu.vector_load %arg12[%parallel_loop3A_651, %parallel_loop3A_652] {strides = array<i32>} : memref<6x4096xf32, #tpu.memory_space<vmem>>, vector<16xf32>,
      tpu.vector_store %arg12[%parallel_loop3A_651, %parallel_loop3A_652], %parallel_loop3A_649 {strides = array<i32>} : memref<6x4096xf32, #tpu.memory_space<vmem>>, vector<16xf32>,
      %parallel_loop3A_654 = arith.constant 560 : i32
      %parallel_loop3A_655 = vector.broadcast %parallel_loop3A_654 : i32 to vector<16xi32>
      %parallel_loop3A_656 = arith.addi %parallel_loop3A_616, %parallel_loop3A_655 : vector<16xi32>
      %parallel_loop3A_657 = tpu.vector_load_idx %arg14[%parallel_loop3A_656] : memref<672xf32, #tpu.memory_space<vmem>>[vector<16xi32>], vector<16xf32>,
      %parallel_loop3A_658 = arith.constant 5 : i32
      %parallel_loop3A_659 = arith.index_cast %parallel_loop3A_658 : i32 to index
      %parallel_loop3A_660 = arith.index_cast %parallel_loop3A_614 : i32 to index
      %parallel_loop3A_661 = tpu.vector_load %arg12[%parallel_loop3A_659, %parallel_loop3A_660] {strides = array<i32>} : memref<6x4096xf32, #tpu.memory_space<vmem>>, vector<16xf32>,
      tpu.vector_store %arg12[%parallel_loop3A_659, %parallel_loop3A_660], %parallel_loop3A_657 {strides = array<i32>} : memref<6x4096xf32, #tpu.memory_space<vmem>>, vector<16xf32>,
    } {sc.loop_unroll_factor = 4 : i64, sc.parallel_access}
    %add3A_471 = arith.constant 32768 : i32
    %add3A_472 = arith.addi %mul3A_2, %add3A_471 : i32
    %dma_start3A_473 = arith.constant 0 : i32
    %dma_start3A_474 = tpu.memref_slice %arg8[%dma_start3A_473, %add3A_472] : memref<6x2097152xf32, #tpu.memory_space<hbm>> -> memref<6x4096xf32, #tpu.memory_space<hbm>>
    %dma_start3A_475 = arith.constant 0 : i32
    %dma_start3A_476 = tpu.memref_slice %arg8[%dma_start3A_475, %add3A_472] : memref<6x2097152xf32, #tpu.memory_space<hbm>> -> memref<6x4096xf32, #tpu.memory_space<hbm>>
    tpu.enqueue_dma source(%arg12 : memref<6x4096xf32, #tpu.memory_space<vmem>>) target(%dma_start3A_476 : memref<6x4096xf32, #tpu.memory_space<hbm>>) target_semaphore(%arg20 : memref<!tpu.dma_semaphore, #tpu.memory_space<semaphore_mem>>)
    %add3A_477 = arith.constant 40960 : i32
    %add3A_478 = arith.addi %mul3A_2, %add3A_477 : i32
    %dma_start3A_479 = tpu.memref_slice %arg2[%add3A_478] : memref<2097152xi32, #tpu.memory_space<hbm>> -> memref<4096xi32, #tpu.memory_space<hbm>>
    %dma_start3A_480 = tpu.memref_slice %arg2[%add3A_478] : memref<2097152xi32, #tpu.memory_space<hbm>> -> memref<4096xi32, #tpu.memory_space<hbm>>
    tpu.enqueue_dma source(%dma_start3A_480 : memref<4096xi32, #tpu.memory_space<hbm>>) target(%arg10 : memref<4096xi32, #tpu.memory_space<vmem>>) target_semaphore(%arg22 : memref<!tpu.dma_semaphore, #tpu.memory_space<semaphore_mem>>)
    %dma_wait3A_481 = tpu.memref_slice %arg2[%add3A_459] : memref<2097152xi32, #tpu.memory_space<hbm>> -> memref<4096xi32, #tpu.memory_space<hbm>>
    %dma_wait3A_482 = tpu.memref_slice %arg2[%add3A_459] : memref<2097152xi32, #tpu.memory_space<hbm>> -> memref<4096xi32, #tpu.memory_space<hbm>>
    tpu.wait_dma2 semaphore(%arg23 : memref<!tpu.dma_semaphore, #tpu.memory_space<semaphore_mem>>) src(%dma_wait3A_482 : memref<4096xi32, #tpu.memory_space<hbm>>) dst(%arg11 : memref<4096xi32, #tpu.memory_space<vmem>>)
    %dma_wait3A_483 = arith.constant 0 : i32
    %dma_wait3A_484 = tpu.memref_slice %arg8[%dma_wait3A_483, %add3A_453] : memref<6x2097152xf32, #tpu.memory_space<hbm>> -> memref<6x4096xf32, #tpu.memory_space<hbm>>
    %dma_wait3A_485 = arith.constant 0 : i32
    %dma_wait3A_486 = tpu.memref_slice %arg8[%dma_wait3A_485, %add3A_453] : memref<6x2097152xf32, #tpu.memory_space<hbm>> -> memref<6x4096xf32, #tpu.memory_space<hbm>>
    tpu.wait_dma2 semaphore(%arg21 : memref<!tpu.dma_semaphore, #tpu.memory_space<semaphore_mem>>) src(%arg13 : memref<6x4096xf32, #tpu.memory_space<vmem>>) dst(%dma_wait3A_486 : memref<6x4096xf32, #tpu.memory_space<hbm>>)
    %parallel_loop3A_487 = arith.constant 0 : i32
    %parallel_loop3A_488 = arith.constant 4096 : i32
    %parallel_loop3A_489 = arith.constant 16 : i32
    scf.for %parallel_loop3A_614 = %parallel_loop3A_487 to %parallel_loop3A_488 step %parallel_loop3A_489  : i32 {
      %parallel_loop3A_615 = arith.index_cast %parallel_loop3A_614 : i32 to index
      %parallel_loop3A_616 = tpu.vector_load %arg11[%parallel_loop3A_615] {strides = array<i32>} : memref<4096xi32, #tpu.memory_space<vmem>>, vector<16xi32>,
      %parallel_loop3A_617 = tpu.vector_load_idx %arg14[%parallel_loop3A_616] : memref<672xf32, #tpu.memory_space<vmem>>[vector<16xi32>], vector<16xf32>,
      %parallel_loop3A_618 = arith.constant 0 : i32
      %parallel_loop3A_619 = arith.index_cast %parallel_loop3A_618 : i32 to index
      %parallel_loop3A_620 = arith.index_cast %parallel_loop3A_614 : i32 to index
      %parallel_loop3A_621 = tpu.vector_load %arg13[%parallel_loop3A_619, %parallel_loop3A_620] {strides = array<i32>} : memref<6x4096xf32, #tpu.memory_space<vmem>>, vector<16xf32>,
      tpu.vector_store %arg13[%parallel_loop3A_619, %parallel_loop3A_620], %parallel_loop3A_617 {strides = array<i32>} : memref<6x4096xf32, #tpu.memory_space<vmem>>, vector<16xf32>,
      %parallel_loop3A_622 = arith.constant 112 : i32
      %parallel_loop3A_623 = vector.broadcast %parallel_loop3A_622 : i32 to vector<16xi32>
      %parallel_loop3A_624 = arith.addi %parallel_loop3A_616, %parallel_loop3A_623 : vector<16xi32>
      %parallel_loop3A_625 = tpu.vector_load_idx %arg14[%parallel_loop3A_624] : memref<672xf32, #tpu.memory_space<vmem>>[vector<16xi32>], vector<16xf32>,
      %parallel_loop3A_626 = arith.constant 1 : i32
      %parallel_loop3A_627 = arith.index_cast %parallel_loop3A_626 : i32 to index
      %parallel_loop3A_628 = arith.index_cast %parallel_loop3A_614 : i32 to index
      %parallel_loop3A_629 = tpu.vector_load %arg13[%parallel_loop3A_627, %parallel_loop3A_628] {strides = array<i32>} : memref<6x4096xf32, #tpu.memory_space<vmem>>, vector<16xf32>,
      tpu.vector_store %arg13[%parallel_loop3A_627, %parallel_loop3A_628], %parallel_loop3A_625 {strides = array<i32>} : memref<6x4096xf32, #tpu.memory_space<vmem>>, vector<16xf32>,
      %parallel_loop3A_630 = arith.constant 224 : i32
      %parallel_loop3A_631 = vector.broadcast %parallel_loop3A_630 : i32 to vector<16xi32>
      %parallel_loop3A_632 = arith.addi %parallel_loop3A_616, %parallel_loop3A_631 : vector<16xi32>
      %parallel_loop3A_633 = tpu.vector_load_idx %arg14[%parallel_loop3A_632] : memref<672xf32, #tpu.memory_space<vmem>>[vector<16xi32>], vector<16xf32>,
      %parallel_loop3A_634 = arith.constant 2 : i32
      %parallel_loop3A_635 = arith.index_cast %parallel_loop3A_634 : i32 to index
      %parallel_loop3A_636 = arith.index_cast %parallel_loop3A_614 : i32 to index
      %parallel_loop3A_637 = tpu.vector_load %arg13[%parallel_loop3A_635, %parallel_loop3A_636] {strides = array<i32>} : memref<6x4096xf32, #tpu.memory_space<vmem>>, vector<16xf32>,
      tpu.vector_store %arg13[%parallel_loop3A_635, %parallel_loop3A_636], %parallel_loop3A_633 {strides = array<i32>} : memref<6x4096xf32, #tpu.memory_space<vmem>>, vector<16xf32>,
      %parallel_loop3A_638 = arith.constant 336 : i32
      %parallel_loop3A_639 = vector.broadcast %parallel_loop3A_638 : i32 to vector<16xi32>
      %parallel_loop3A_640 = arith.addi %parallel_loop3A_616, %parallel_loop3A_639 : vector<16xi32>
      %parallel_loop3A_641 = tpu.vector_load_idx %arg14[%parallel_loop3A_640] : memref<672xf32, #tpu.memory_space<vmem>>[vector<16xi32>], vector<16xf32>,
      %parallel_loop3A_642 = arith.constant 3 : i32
      %parallel_loop3A_643 = arith.index_cast %parallel_loop3A_642 : i32 to index
      %parallel_loop3A_644 = arith.index_cast %parallel_loop3A_614 : i32 to index
      %parallel_loop3A_645 = tpu.vector_load %arg13[%parallel_loop3A_643, %parallel_loop3A_644] {strides = array<i32>} : memref<6x4096xf32, #tpu.memory_space<vmem>>, vector<16xf32>,
      tpu.vector_store %arg13[%parallel_loop3A_643, %parallel_loop3A_644], %parallel_loop3A_641 {strides = array<i32>} : memref<6x4096xf32, #tpu.memory_space<vmem>>, vector<16xf32>,
      %parallel_loop3A_646 = arith.constant 448 : i32
      %parallel_loop3A_647 = vector.broadcast %parallel_loop3A_646 : i32 to vector<16xi32>
      %parallel_loop3A_648 = arith.addi %parallel_loop3A_616, %parallel_loop3A_647 : vector<16xi32>
      %parallel_loop3A_649 = tpu.vector_load_idx %arg14[%parallel_loop3A_648] : memref<672xf32, #tpu.memory_space<vmem>>[vector<16xi32>], vector<16xf32>,
      %parallel_loop3A_650 = arith.constant 4 : i32
      %parallel_loop3A_651 = arith.index_cast %parallel_loop3A_650 : i32 to index
      %parallel_loop3A_652 = arith.index_cast %parallel_loop3A_614 : i32 to index
      %parallel_loop3A_653 = tpu.vector_load %arg13[%parallel_loop3A_651, %parallel_loop3A_652] {strides = array<i32>} : memref<6x4096xf32, #tpu.memory_space<vmem>>, vector<16xf32>,
      tpu.vector_store %arg13[%parallel_loop3A_651, %parallel_loop3A_652], %parallel_loop3A_649 {strides = array<i32>} : memref<6x4096xf32, #tpu.memory_space<vmem>>, vector<16xf32>,
      %parallel_loop3A_654 = arith.constant 560 : i32
      %parallel_loop3A_655 = vector.broadcast %parallel_loop3A_654 : i32 to vector<16xi32>
      %parallel_loop3A_656 = arith.addi %parallel_loop3A_616, %parallel_loop3A_655 : vector<16xi32>
      %parallel_loop3A_657 = tpu.vector_load_idx %arg14[%parallel_loop3A_656] : memref<672xf32, #tpu.memory_space<vmem>>[vector<16xi32>], vector<16xf32>,
      %parallel_loop3A_658 = arith.constant 5 : i32
      %parallel_loop3A_659 = arith.index_cast %parallel_loop3A_658 : i32 to index
      %parallel_loop3A_660 = arith.index_cast %parallel_loop3A_614 : i32 to index
      %parallel_loop3A_661 = tpu.vector_load %arg13[%parallel_loop3A_659, %parallel_loop3A_660] {strides = array<i32>} : memref<6x4096xf32, #tpu.memory_space<vmem>>, vector<16xf32>,
      tpu.vector_store %arg13[%parallel_loop3A_659, %parallel_loop3A_660], %parallel_loop3A_657 {strides = array<i32>} : memref<6x4096xf32, #tpu.memory_space<vmem>>, vector<16xf32>,
    } {sc.loop_unroll_factor = 4 : i64, sc.parallel_access}
    %add3A_490 = arith.constant 36864 : i32
    %add3A_491 = arith.addi %mul3A_2, %add3A_490 : i32
    %dma_start3A_492 = arith.constant 0 : i32
    %dma_start3A_493 = tpu.memref_slice %arg8[%dma_start3A_492, %add3A_491] : memref<6x2097152xf32, #tpu.memory_space<hbm>> -> memref<6x4096xf32, #tpu.memory_space<hbm>>
    %dma_start3A_494 = arith.constant 0 : i32
    %dma_start3A_495 = tpu.memref_slice %arg8[%dma_start3A_494, %add3A_491] : memref<6x2097152xf32, #tpu.memory_space<hbm>> -> memref<6x4096xf32, #tpu.memory_space<hbm>>
    tpu.enqueue_dma source(%arg13 : memref<6x4096xf32, #tpu.memory_space<vmem>>) target(%dma_start3A_495 : memref<6x4096xf32, #tpu.memory_space<hbm>>) target_semaphore(%arg21 : memref<!tpu.dma_semaphore, #tpu.memory_space<semaphore_mem>>)
    %add3A_496 = arith.constant 45056 : i32
    %add3A_497 = arith.addi %mul3A_2, %add3A_496 : i32
    %dma_start3A_498 = tpu.memref_slice %arg2[%add3A_497] : memref<2097152xi32, #tpu.memory_space<hbm>> -> memref<4096xi32, #tpu.memory_space<hbm>>
    %dma_start3A_499 = tpu.memref_slice %arg2[%add3A_497] : memref<2097152xi32, #tpu.memory_space<hbm>> -> memref<4096xi32, #tpu.memory_space<hbm>>
    tpu.enqueue_dma source(%dma_start3A_499 : memref<4096xi32, #tpu.memory_space<hbm>>) target(%arg11 : memref<4096xi32, #tpu.memory_space<vmem>>) target_semaphore(%arg23 : memref<!tpu.dma_semaphore, #tpu.memory_space<semaphore_mem>>)
    %dma_wait3A_500 = tpu.memref_slice %arg2[%add3A_478] : memref<2097152xi32, #tpu.memory_space<hbm>> -> memref<4096xi32, #tpu.memory_space<hbm>>
    %dma_wait3A_501 = tpu.memref_slice %arg2[%add3A_478] : memref<2097152xi32, #tpu.memory_space<hbm>> -> memref<4096xi32, #tpu.memory_space<hbm>>
    tpu.wait_dma2 semaphore(%arg22 : memref<!tpu.dma_semaphore, #tpu.memory_space<semaphore_mem>>) src(%dma_wait3A_501 : memref<4096xi32, #tpu.memory_space<hbm>>) dst(%arg10 : memref<4096xi32, #tpu.memory_space<vmem>>)
    %dma_wait3A_502 = arith.constant 0 : i32
    %dma_wait3A_503 = tpu.memref_slice %arg8[%dma_wait3A_502, %add3A_472] : memref<6x2097152xf32, #tpu.memory_space<hbm>> -> memref<6x4096xf32, #tpu.memory_space<hbm>>
    %dma_wait3A_504 = arith.constant 0 : i32
    %dma_wait3A_505 = tpu.memref_slice %arg8[%dma_wait3A_504, %add3A_472] : memref<6x2097152xf32, #tpu.memory_space<hbm>> -> memref<6x4096xf32, #tpu.memory_space<hbm>>
    tpu.wait_dma2 semaphore(%arg20 : memref<!tpu.dma_semaphore, #tpu.memory_space<semaphore_mem>>) src(%arg12 : memref<6x4096xf32, #tpu.memory_space<vmem>>) dst(%dma_wait3A_505 : memref<6x4096xf32, #tpu.memory_space<hbm>>)
    %parallel_loop3A_506 = arith.constant 0 : i32
    %parallel_loop3A_507 = arith.constant 4096 : i32
    %parallel_loop3A_508 = arith.constant 16 : i32
    scf.for %parallel_loop3A_614 = %parallel_loop3A_506 to %parallel_loop3A_507 step %parallel_loop3A_508  : i32 {
      %parallel_loop3A_615 = arith.index_cast %parallel_loop3A_614 : i32 to index
      %parallel_loop3A_616 = tpu.vector_load %arg10[%parallel_loop3A_615] {strides = array<i32>} : memref<4096xi32, #tpu.memory_space<vmem>>, vector<16xi32>,
      %parallel_loop3A_617 = tpu.vector_load_idx %arg14[%parallel_loop3A_616] : memref<672xf32, #tpu.memory_space<vmem>>[vector<16xi32>], vector<16xf32>,
      %parallel_loop3A_618 = arith.constant 0 : i32
      %parallel_loop3A_619 = arith.index_cast %parallel_loop3A_618 : i32 to index
      %parallel_loop3A_620 = arith.index_cast %parallel_loop3A_614 : i32 to index
      %parallel_loop3A_621 = tpu.vector_load %arg12[%parallel_loop3A_619, %parallel_loop3A_620] {strides = array<i32>} : memref<6x4096xf32, #tpu.memory_space<vmem>>, vector<16xf32>,
      tpu.vector_store %arg12[%parallel_loop3A_619, %parallel_loop3A_620], %parallel_loop3A_617 {strides = array<i32>} : memref<6x4096xf32, #tpu.memory_space<vmem>>, vector<16xf32>,
      %parallel_loop3A_622 = arith.constant 112 : i32
      %parallel_loop3A_623 = vector.broadcast %parallel_loop3A_622 : i32 to vector<16xi32>
      %parallel_loop3A_624 = arith.addi %parallel_loop3A_616, %parallel_loop3A_623 : vector<16xi32>
      %parallel_loop3A_625 = tpu.vector_load_idx %arg14[%parallel_loop3A_624] : memref<672xf32, #tpu.memory_space<vmem>>[vector<16xi32>], vector<16xf32>,
      %parallel_loop3A_626 = arith.constant 1 : i32
      %parallel_loop3A_627 = arith.index_cast %parallel_loop3A_626 : i32 to index
      %parallel_loop3A_628 = arith.index_cast %parallel_loop3A_614 : i32 to index
      %parallel_loop3A_629 = tpu.vector_load %arg12[%parallel_loop3A_627, %parallel_loop3A_628] {strides = array<i32>} : memref<6x4096xf32, #tpu.memory_space<vmem>>, vector<16xf32>,
      tpu.vector_store %arg12[%parallel_loop3A_627, %parallel_loop3A_628], %parallel_loop3A_625 {strides = array<i32>} : memref<6x4096xf32, #tpu.memory_space<vmem>>, vector<16xf32>,
      %parallel_loop3A_630 = arith.constant 224 : i32
      %parallel_loop3A_631 = vector.broadcast %parallel_loop3A_630 : i32 to vector<16xi32>
      %parallel_loop3A_632 = arith.addi %parallel_loop3A_616, %parallel_loop3A_631 : vector<16xi32>
      %parallel_loop3A_633 = tpu.vector_load_idx %arg14[%parallel_loop3A_632] : memref<672xf32, #tpu.memory_space<vmem>>[vector<16xi32>], vector<16xf32>,
      %parallel_loop3A_634 = arith.constant 2 : i32
      %parallel_loop3A_635 = arith.index_cast %parallel_loop3A_634 : i32 to index
      %parallel_loop3A_636 = arith.index_cast %parallel_loop3A_614 : i32 to index
      %parallel_loop3A_637 = tpu.vector_load %arg12[%parallel_loop3A_635, %parallel_loop3A_636] {strides = array<i32>} : memref<6x4096xf32, #tpu.memory_space<vmem>>, vector<16xf32>,
      tpu.vector_store %arg12[%parallel_loop3A_635, %parallel_loop3A_636], %parallel_loop3A_633 {strides = array<i32>} : memref<6x4096xf32, #tpu.memory_space<vmem>>, vector<16xf32>,
      %parallel_loop3A_638 = arith.constant 336 : i32
      %parallel_loop3A_639 = vector.broadcast %parallel_loop3A_638 : i32 to vector<16xi32>
      %parallel_loop3A_640 = arith.addi %parallel_loop3A_616, %parallel_loop3A_639 : vector<16xi32>
      %parallel_loop3A_641 = tpu.vector_load_idx %arg14[%parallel_loop3A_640] : memref<672xf32, #tpu.memory_space<vmem>>[vector<16xi32>], vector<16xf32>,
      %parallel_loop3A_642 = arith.constant 3 : i32
      %parallel_loop3A_643 = arith.index_cast %parallel_loop3A_642 : i32 to index
      %parallel_loop3A_644 = arith.index_cast %parallel_loop3A_614 : i32 to index
      %parallel_loop3A_645 = tpu.vector_load %arg12[%parallel_loop3A_643, %parallel_loop3A_644] {strides = array<i32>} : memref<6x4096xf32, #tpu.memory_space<vmem>>, vector<16xf32>,
      tpu.vector_store %arg12[%parallel_loop3A_643, %parallel_loop3A_644], %parallel_loop3A_641 {strides = array<i32>} : memref<6x4096xf32, #tpu.memory_space<vmem>>, vector<16xf32>,
      %parallel_loop3A_646 = arith.constant 448 : i32
      %parallel_loop3A_647 = vector.broadcast %parallel_loop3A_646 : i32 to vector<16xi32>
      %parallel_loop3A_648 = arith.addi %parallel_loop3A_616, %parallel_loop3A_647 : vector<16xi32>
      %parallel_loop3A_649 = tpu.vector_load_idx %arg14[%parallel_loop3A_648] : memref<672xf32, #tpu.memory_space<vmem>>[vector<16xi32>], vector<16xf32>,
      %parallel_loop3A_650 = arith.constant 4 : i32
      %parallel_loop3A_651 = arith.index_cast %parallel_loop3A_650 : i32 to index
      %parallel_loop3A_652 = arith.index_cast %parallel_loop3A_614 : i32 to index
      %parallel_loop3A_653 = tpu.vector_load %arg12[%parallel_loop3A_651, %parallel_loop3A_652] {strides = array<i32>} : memref<6x4096xf32, #tpu.memory_space<vmem>>, vector<16xf32>,
      tpu.vector_store %arg12[%parallel_loop3A_651, %parallel_loop3A_652], %parallel_loop3A_649 {strides = array<i32>} : memref<6x4096xf32, #tpu.memory_space<vmem>>, vector<16xf32>,
      %parallel_loop3A_654 = arith.constant 560 : i32
      %parallel_loop3A_655 = vector.broadcast %parallel_loop3A_654 : i32 to vector<16xi32>
      %parallel_loop3A_656 = arith.addi %parallel_loop3A_616, %parallel_loop3A_655 : vector<16xi32>
      %parallel_loop3A_657 = tpu.vector_load_idx %arg14[%parallel_loop3A_656] : memref<672xf32, #tpu.memory_space<vmem>>[vector<16xi32>], vector<16xf32>,
      %parallel_loop3A_658 = arith.constant 5 : i32
      %parallel_loop3A_659 = arith.index_cast %parallel_loop3A_658 : i32 to index
      %parallel_loop3A_660 = arith.index_cast %parallel_loop3A_614 : i32 to index
      %parallel_loop3A_661 = tpu.vector_load %arg12[%parallel_loop3A_659, %parallel_loop3A_660] {strides = array<i32>} : memref<6x4096xf32, #tpu.memory_space<vmem>>, vector<16xf32>,
      tpu.vector_store %arg12[%parallel_loop3A_659, %parallel_loop3A_660], %parallel_loop3A_657 {strides = array<i32>} : memref<6x4096xf32, #tpu.memory_space<vmem>>, vector<16xf32>,
    } {sc.loop_unroll_factor = 4 : i64, sc.parallel_access}
    %add3A_509 = arith.constant 40960 : i32
    %add3A_510 = arith.addi %mul3A_2, %add3A_509 : i32
    %dma_start3A_511 = arith.constant 0 : i32
    %dma_start3A_512 = tpu.memref_slice %arg8[%dma_start3A_511, %add3A_510] : memref<6x2097152xf32, #tpu.memory_space<hbm>> -> memref<6x4096xf32, #tpu.memory_space<hbm>>
    %dma_start3A_513 = arith.constant 0 : i32
    %dma_start3A_514 = tpu.memref_slice %arg8[%dma_start3A_513, %add3A_510] : memref<6x2097152xf32, #tpu.memory_space<hbm>> -> memref<6x4096xf32, #tpu.memory_space<hbm>>
    tpu.enqueue_dma source(%arg12 : memref<6x4096xf32, #tpu.memory_space<vmem>>) target(%dma_start3A_514 : memref<6x4096xf32, #tpu.memory_space<hbm>>) target_semaphore(%arg20 : memref<!tpu.dma_semaphore, #tpu.memory_space<semaphore_mem>>)
    %add3A_515 = arith.constant 49152 : i32
    %add3A_516 = arith.addi %mul3A_2, %add3A_515 : i32
    %dma_start3A_517 = tpu.memref_slice %arg2[%add3A_516] : memref<2097152xi32, #tpu.memory_space<hbm>> -> memref<4096xi32, #tpu.memory_space<hbm>>
    %dma_start3A_518 = tpu.memref_slice %arg2[%add3A_516] : memref<2097152xi32, #tpu.memory_space<hbm>> -> memref<4096xi32, #tpu.memory_space<hbm>>
    tpu.enqueue_dma source(%dma_start3A_518 : memref<4096xi32, #tpu.memory_space<hbm>>) target(%arg10 : memref<4096xi32, #tpu.memory_space<vmem>>) target_semaphore(%arg22 : memref<!tpu.dma_semaphore, #tpu.memory_space<semaphore_mem>>)
    %dma_wait3A_519 = tpu.memref_slice %arg2[%add3A_497] : memref<2097152xi32, #tpu.memory_space<hbm>> -> memref<4096xi32, #tpu.memory_space<hbm>>
    %dma_wait3A_520 = tpu.memref_slice %arg2[%add3A_497] : memref<2097152xi32, #tpu.memory_space<hbm>> -> memref<4096xi32, #tpu.memory_space<hbm>>
    tpu.wait_dma2 semaphore(%arg23 : memref<!tpu.dma_semaphore, #tpu.memory_space<semaphore_mem>>) src(%dma_wait3A_520 : memref<4096xi32, #tpu.memory_space<hbm>>) dst(%arg11 : memref<4096xi32, #tpu.memory_space<vmem>>)
    %dma_wait3A_521 = arith.constant 0 : i32
    %dma_wait3A_522 = tpu.memref_slice %arg8[%dma_wait3A_521, %add3A_491] : memref<6x2097152xf32, #tpu.memory_space<hbm>> -> memref<6x4096xf32, #tpu.memory_space<hbm>>
    %dma_wait3A_523 = arith.constant 0 : i32
    %dma_wait3A_524 = tpu.memref_slice %arg8[%dma_wait3A_523, %add3A_491] : memref<6x2097152xf32, #tpu.memory_space<hbm>> -> memref<6x4096xf32, #tpu.memory_space<hbm>>
    tpu.wait_dma2 semaphore(%arg21 : memref<!tpu.dma_semaphore, #tpu.memory_space<semaphore_mem>>) src(%arg13 : memref<6x4096xf32, #tpu.memory_space<vmem>>) dst(%dma_wait3A_524 : memref<6x4096xf32, #tpu.memory_space<hbm>>)
    %parallel_loop3A_525 = arith.constant 0 : i32
    %parallel_loop3A_526 = arith.constant 4096 : i32
    %parallel_loop3A_527 = arith.constant 16 : i32
    scf.for %parallel_loop3A_614 = %parallel_loop3A_525 to %parallel_loop3A_526 step %parallel_loop3A_527  : i32 {
      %parallel_loop3A_615 = arith.index_cast %parallel_loop3A_614 : i32 to index
      %parallel_loop3A_616 = tpu.vector_load %arg11[%parallel_loop3A_615] {strides = array<i32>} : memref<4096xi32, #tpu.memory_space<vmem>>, vector<16xi32>,
      %parallel_loop3A_617 = tpu.vector_load_idx %arg14[%parallel_loop3A_616] : memref<672xf32, #tpu.memory_space<vmem>>[vector<16xi32>], vector<16xf32>,
      %parallel_loop3A_618 = arith.constant 0 : i32
      %parallel_loop3A_619 = arith.index_cast %parallel_loop3A_618 : i32 to index
      %parallel_loop3A_620 = arith.index_cast %parallel_loop3A_614 : i32 to index
      %parallel_loop3A_621 = tpu.vector_load %arg13[%parallel_loop3A_619, %parallel_loop3A_620] {strides = array<i32>} : memref<6x4096xf32, #tpu.memory_space<vmem>>, vector<16xf32>,
      tpu.vector_store %arg13[%parallel_loop3A_619, %parallel_loop3A_620], %parallel_loop3A_617 {strides = array<i32>} : memref<6x4096xf32, #tpu.memory_space<vmem>>, vector<16xf32>,
      %parallel_loop3A_622 = arith.constant 112 : i32
      %parallel_loop3A_623 = vector.broadcast %parallel_loop3A_622 : i32 to vector<16xi32>
      %parallel_loop3A_624 = arith.addi %parallel_loop3A_616, %parallel_loop3A_623 : vector<16xi32>
      %parallel_loop3A_625 = tpu.vector_load_idx %arg14[%parallel_loop3A_624] : memref<672xf32, #tpu.memory_space<vmem>>[vector<16xi32>], vector<16xf32>,
      %parallel_loop3A_626 = arith.constant 1 : i32
      %parallel_loop3A_627 = arith.index_cast %parallel_loop3A_626 : i32 to index
      %parallel_loop3A_628 = arith.index_cast %parallel_loop3A_614 : i32 to index
      %parallel_loop3A_629 = tpu.vector_load %arg13[%parallel_loop3A_627, %parallel_loop3A_628] {strides = array<i32>} : memref<6x4096xf32, #tpu.memory_space<vmem>>, vector<16xf32>,
      tpu.vector_store %arg13[%parallel_loop3A_627, %parallel_loop3A_628], %parallel_loop3A_625 {strides = array<i32>} : memref<6x4096xf32, #tpu.memory_space<vmem>>, vector<16xf32>,
      %parallel_loop3A_630 = arith.constant 224 : i32
      %parallel_loop3A_631 = vector.broadcast %parallel_loop3A_630 : i32 to vector<16xi32>
      %parallel_loop3A_632 = arith.addi %parallel_loop3A_616, %parallel_loop3A_631 : vector<16xi32>
      %parallel_loop3A_633 = tpu.vector_load_idx %arg14[%parallel_loop3A_632] : memref<672xf32, #tpu.memory_space<vmem>>[vector<16xi32>], vector<16xf32>,
      %parallel_loop3A_634 = arith.constant 2 : i32
      %parallel_loop3A_635 = arith.index_cast %parallel_loop3A_634 : i32 to index
      %parallel_loop3A_636 = arith.index_cast %parallel_loop3A_614 : i32 to index
      %parallel_loop3A_637 = tpu.vector_load %arg13[%parallel_loop3A_635, %parallel_loop3A_636] {strides = array<i32>} : memref<6x4096xf32, #tpu.memory_space<vmem>>, vector<16xf32>,
      tpu.vector_store %arg13[%parallel_loop3A_635, %parallel_loop3A_636], %parallel_loop3A_633 {strides = array<i32>} : memref<6x4096xf32, #tpu.memory_space<vmem>>, vector<16xf32>,
      %parallel_loop3A_638 = arith.constant 336 : i32
      %parallel_loop3A_639 = vector.broadcast %parallel_loop3A_638 : i32 to vector<16xi32>
      %parallel_loop3A_640 = arith.addi %parallel_loop3A_616, %parallel_loop3A_639 : vector<16xi32>
      %parallel_loop3A_641 = tpu.vector_load_idx %arg14[%parallel_loop3A_640] : memref<672xf32, #tpu.memory_space<vmem>>[vector<16xi32>], vector<16xf32>,
      %parallel_loop3A_642 = arith.constant 3 : i32
      %parallel_loop3A_643 = arith.index_cast %parallel_loop3A_642 : i32 to index
      %parallel_loop3A_644 = arith.index_cast %parallel_loop3A_614 : i32 to index
      %parallel_loop3A_645 = tpu.vector_load %arg13[%parallel_loop3A_643, %parallel_loop3A_644] {strides = array<i32>} : memref<6x4096xf32, #tpu.memory_space<vmem>>, vector<16xf32>,
      tpu.vector_store %arg13[%parallel_loop3A_643, %parallel_loop3A_644], %parallel_loop3A_641 {strides = array<i32>} : memref<6x4096xf32, #tpu.memory_space<vmem>>, vector<16xf32>,
      %parallel_loop3A_646 = arith.constant 448 : i32
      %parallel_loop3A_647 = vector.broadcast %parallel_loop3A_646 : i32 to vector<16xi32>
      %parallel_loop3A_648 = arith.addi %parallel_loop3A_616, %parallel_loop3A_647 : vector<16xi32>
      %parallel_loop3A_649 = tpu.vector_load_idx %arg14[%parallel_loop3A_648] : memref<672xf32, #tpu.memory_space<vmem>>[vector<16xi32>], vector<16xf32>,
      %parallel_loop3A_650 = arith.constant 4 : i32
      %parallel_loop3A_651 = arith.index_cast %parallel_loop3A_650 : i32 to index
      %parallel_loop3A_652 = arith.index_cast %parallel_loop3A_614 : i32 to index
      %parallel_loop3A_653 = tpu.vector_load %arg13[%parallel_loop3A_651, %parallel_loop3A_652] {strides = array<i32>} : memref<6x4096xf32, #tpu.memory_space<vmem>>, vector<16xf32>,
      tpu.vector_store %arg13[%parallel_loop3A_651, %parallel_loop3A_652], %parallel_loop3A_649 {strides = array<i32>} : memref<6x4096xf32, #tpu.memory_space<vmem>>, vector<16xf32>,
      %parallel_loop3A_654 = arith.constant 560 : i32
      %parallel_loop3A_655 = vector.broadcast %parallel_loop3A_654 : i32 to vector<16xi32>
      %parallel_loop3A_656 = arith.addi %parallel_loop3A_616, %parallel_loop3A_655 : vector<16xi32>
      %parallel_loop3A_657 = tpu.vector_load_idx %arg14[%parallel_loop3A_656] : memref<672xf32, #tpu.memory_space<vmem>>[vector<16xi32>], vector<16xf32>,
      %parallel_loop3A_658 = arith.constant 5 : i32
      %parallel_loop3A_659 = arith.index_cast %parallel_loop3A_658 : i32 to index
      %parallel_loop3A_660 = arith.index_cast %parallel_loop3A_614 : i32 to index
      %parallel_loop3A_661 = tpu.vector_load %arg13[%parallel_loop3A_659, %parallel_loop3A_660] {strides = array<i32>} : memref<6x4096xf32, #tpu.memory_space<vmem>>, vector<16xf32>,
      tpu.vector_store %arg13[%parallel_loop3A_659, %parallel_loop3A_660], %parallel_loop3A_657 {strides = array<i32>} : memref<6x4096xf32, #tpu.memory_space<vmem>>, vector<16xf32>,
    } {sc.loop_unroll_factor = 4 : i64, sc.parallel_access}
    %add3A_528 = arith.constant 45056 : i32
    %add3A_529 = arith.addi %mul3A_2, %add3A_528 : i32
    %dma_start3A_530 = arith.constant 0 : i32
    %dma_start3A_531 = tpu.memref_slice %arg8[%dma_start3A_530, %add3A_529] : memref<6x2097152xf32, #tpu.memory_space<hbm>> -> memref<6x4096xf32, #tpu.memory_space<hbm>>
    %dma_start3A_532 = arith.constant 0 : i32
    %dma_start3A_533 = tpu.memref_slice %arg8[%dma_start3A_532, %add3A_529] : memref<6x2097152xf32, #tpu.memory_space<hbm>> -> memref<6x4096xf32, #tpu.memory_space<hbm>>
    tpu.enqueue_dma source(%arg13 : memref<6x4096xf32, #tpu.memory_space<vmem>>) target(%dma_start3A_533 : memref<6x4096xf32, #tpu.memory_space<hbm>>) target_semaphore(%arg21 : memref<!tpu.dma_semaphore, #tpu.memory_space<semaphore_mem>>)
    %add3A_534 = arith.constant 53248 : i32
    %add3A_535 = arith.addi %mul3A_2, %add3A_534 : i32
    %dma_start3A_536 = tpu.memref_slice %arg2[%add3A_535] : memref<2097152xi32, #tpu.memory_space<hbm>> -> memref<4096xi32, #tpu.memory_space<hbm>>
    %dma_start3A_537 = tpu.memref_slice %arg2[%add3A_535] : memref<2097152xi32, #tpu.memory_space<hbm>> -> memref<4096xi32, #tpu.memory_space<hbm>>
    tpu.enqueue_dma source(%dma_start3A_537 : memref<4096xi32, #tpu.memory_space<hbm>>) target(%arg11 : memref<4096xi32, #tpu.memory_space<vmem>>) target_semaphore(%arg23 : memref<!tpu.dma_semaphore, #tpu.memory_space<semaphore_mem>>)
    %dma_wait3A_538 = tpu.memref_slice %arg2[%add3A_516] : memref<2097152xi32, #tpu.memory_space<hbm>> -> memref<4096xi32, #tpu.memory_space<hbm>>
    %dma_wait3A_539 = tpu.memref_slice %arg2[%add3A_516] : memref<2097152xi32, #tpu.memory_space<hbm>> -> memref<4096xi32, #tpu.memory_space<hbm>>
    tpu.wait_dma2 semaphore(%arg22 : memref<!tpu.dma_semaphore, #tpu.memory_space<semaphore_mem>>) src(%dma_wait3A_539 : memref<4096xi32, #tpu.memory_space<hbm>>) dst(%arg10 : memref<4096xi32, #tpu.memory_space<vmem>>)
    %dma_wait3A_540 = arith.constant 0 : i32
    %dma_wait3A_541 = tpu.memref_slice %arg8[%dma_wait3A_540, %add3A_510] : memref<6x2097152xf32, #tpu.memory_space<hbm>> -> memref<6x4096xf32, #tpu.memory_space<hbm>>
    %dma_wait3A_542 = arith.constant 0 : i32
    %dma_wait3A_543 = tpu.memref_slice %arg8[%dma_wait3A_542, %add3A_510] : memref<6x2097152xf32, #tpu.memory_space<hbm>> -> memref<6x4096xf32, #tpu.memory_space<hbm>>
    tpu.wait_dma2 semaphore(%arg20 : memref<!tpu.dma_semaphore, #tpu.memory_space<semaphore_mem>>) src(%arg12 : memref<6x4096xf32, #tpu.memory_space<vmem>>) dst(%dma_wait3A_543 : memref<6x4096xf32, #tpu.memory_space<hbm>>)
    %parallel_loop3A_544 = arith.constant 0 : i32
    %parallel_loop3A_545 = arith.constant 4096 : i32
    %parallel_loop3A_546 = arith.constant 16 : i32
    scf.for %parallel_loop3A_614 = %parallel_loop3A_544 to %parallel_loop3A_545 step %parallel_loop3A_546  : i32 {
      %parallel_loop3A_615 = arith.index_cast %parallel_loop3A_614 : i32 to index
      %parallel_loop3A_616 = tpu.vector_load %arg10[%parallel_loop3A_615] {strides = array<i32>} : memref<4096xi32, #tpu.memory_space<vmem>>, vector<16xi32>,
      %parallel_loop3A_617 = tpu.vector_load_idx %arg14[%parallel_loop3A_616] : memref<672xf32, #tpu.memory_space<vmem>>[vector<16xi32>], vector<16xf32>,
      %parallel_loop3A_618 = arith.constant 0 : i32
      %parallel_loop3A_619 = arith.index_cast %parallel_loop3A_618 : i32 to index
      %parallel_loop3A_620 = arith.index_cast %parallel_loop3A_614 : i32 to index
      %parallel_loop3A_621 = tpu.vector_load %arg12[%parallel_loop3A_619, %parallel_loop3A_620] {strides = array<i32>} : memref<6x4096xf32, #tpu.memory_space<vmem>>, vector<16xf32>,
      tpu.vector_store %arg12[%parallel_loop3A_619, %parallel_loop3A_620], %parallel_loop3A_617 {strides = array<i32>} : memref<6x4096xf32, #tpu.memory_space<vmem>>, vector<16xf32>,
      %parallel_loop3A_622 = arith.constant 112 : i32
      %parallel_loop3A_623 = vector.broadcast %parallel_loop3A_622 : i32 to vector<16xi32>
      %parallel_loop3A_624 = arith.addi %parallel_loop3A_616, %parallel_loop3A_623 : vector<16xi32>
      %parallel_loop3A_625 = tpu.vector_load_idx %arg14[%parallel_loop3A_624] : memref<672xf32, #tpu.memory_space<vmem>>[vector<16xi32>], vector<16xf32>,
      %parallel_loop3A_626 = arith.constant 1 : i32
      %parallel_loop3A_627 = arith.index_cast %parallel_loop3A_626 : i32 to index
      %parallel_loop3A_628 = arith.index_cast %parallel_loop3A_614 : i32 to index
      %parallel_loop3A_629 = tpu.vector_load %arg12[%parallel_loop3A_627, %parallel_loop3A_628] {strides = array<i32>} : memref<6x4096xf32, #tpu.memory_space<vmem>>, vector<16xf32>,
      tpu.vector_store %arg12[%parallel_loop3A_627, %parallel_loop3A_628], %parallel_loop3A_625 {strides = array<i32>} : memref<6x4096xf32, #tpu.memory_space<vmem>>, vector<16xf32>,
      %parallel_loop3A_630 = arith.constant 224 : i32
      %parallel_loop3A_631 = vector.broadcast %parallel_loop3A_630 : i32 to vector<16xi32>
      %parallel_loop3A_632 = arith.addi %parallel_loop3A_616, %parallel_loop3A_631 : vector<16xi32>
      %parallel_loop3A_633 = tpu.vector_load_idx %arg14[%parallel_loop3A_632] : memref<672xf32, #tpu.memory_space<vmem>>[vector<16xi32>], vector<16xf32>,
      %parallel_loop3A_634 = arith.constant 2 : i32
      %parallel_loop3A_635 = arith.index_cast %parallel_loop3A_634 : i32 to index
      %parallel_loop3A_636 = arith.index_cast %parallel_loop3A_614 : i32 to index
      %parallel_loop3A_637 = tpu.vector_load %arg12[%parallel_loop3A_635, %parallel_loop3A_636] {strides = array<i32>} : memref<6x4096xf32, #tpu.memory_space<vmem>>, vector<16xf32>,
      tpu.vector_store %arg12[%parallel_loop3A_635, %parallel_loop3A_636], %parallel_loop3A_633 {strides = array<i32>} : memref<6x4096xf32, #tpu.memory_space<vmem>>, vector<16xf32>,
      %parallel_loop3A_638 = arith.constant 336 : i32
      %parallel_loop3A_639 = vector.broadcast %parallel_loop3A_638 : i32 to vector<16xi32>
      %parallel_loop3A_640 = arith.addi %parallel_loop3A_616, %parallel_loop3A_639 : vector<16xi32>
      %parallel_loop3A_641 = tpu.vector_load_idx %arg14[%parallel_loop3A_640] : memref<672xf32, #tpu.memory_space<vmem>>[vector<16xi32>], vector<16xf32>,
      %parallel_loop3A_642 = arith.constant 3 : i32
      %parallel_loop3A_643 = arith.index_cast %parallel_loop3A_642 : i32 to index
      %parallel_loop3A_644 = arith.index_cast %parallel_loop3A_614 : i32 to index
      %parallel_loop3A_645 = tpu.vector_load %arg12[%parallel_loop3A_643, %parallel_loop3A_644] {strides = array<i32>} : memref<6x4096xf32, #tpu.memory_space<vmem>>, vector<16xf32>,
      tpu.vector_store %arg12[%parallel_loop3A_643, %parallel_loop3A_644], %parallel_loop3A_641 {strides = array<i32>} : memref<6x4096xf32, #tpu.memory_space<vmem>>, vector<16xf32>,
      %parallel_loop3A_646 = arith.constant 448 : i32
      %parallel_loop3A_647 = vector.broadcast %parallel_loop3A_646 : i32 to vector<16xi32>
      %parallel_loop3A_648 = arith.addi %parallel_loop3A_616, %parallel_loop3A_647 : vector<16xi32>
      %parallel_loop3A_649 = tpu.vector_load_idx %arg14[%parallel_loop3A_648] : memref<672xf32, #tpu.memory_space<vmem>>[vector<16xi32>], vector<16xf32>,
      %parallel_loop3A_650 = arith.constant 4 : i32
      %parallel_loop3A_651 = arith.index_cast %parallel_loop3A_650 : i32 to index
      %parallel_loop3A_652 = arith.index_cast %parallel_loop3A_614 : i32 to index
      %parallel_loop3A_653 = tpu.vector_load %arg12[%parallel_loop3A_651, %parallel_loop3A_652] {strides = array<i32>} : memref<6x4096xf32, #tpu.memory_space<vmem>>, vector<16xf32>,
      tpu.vector_store %arg12[%parallel_loop3A_651, %parallel_loop3A_652], %parallel_loop3A_649 {strides = array<i32>} : memref<6x4096xf32, #tpu.memory_space<vmem>>, vector<16xf32>,
      %parallel_loop3A_654 = arith.constant 560 : i32
      %parallel_loop3A_655 = vector.broadcast %parallel_loop3A_654 : i32 to vector<16xi32>
      %parallel_loop3A_656 = arith.addi %parallel_loop3A_616, %parallel_loop3A_655 : vector<16xi32>
      %parallel_loop3A_657 = tpu.vector_load_idx %arg14[%parallel_loop3A_656] : memref<672xf32, #tpu.memory_space<vmem>>[vector<16xi32>], vector<16xf32>,
      %parallel_loop3A_658 = arith.constant 5 : i32
      %parallel_loop3A_659 = arith.index_cast %parallel_loop3A_658 : i32 to index
      %parallel_loop3A_660 = arith.index_cast %parallel_loop3A_614 : i32 to index
      %parallel_loop3A_661 = tpu.vector_load %arg12[%parallel_loop3A_659, %parallel_loop3A_660] {strides = array<i32>} : memref<6x4096xf32, #tpu.memory_space<vmem>>, vector<16xf32>,
      tpu.vector_store %arg12[%parallel_loop3A_659, %parallel_loop3A_660], %parallel_loop3A_657 {strides = array<i32>} : memref<6x4096xf32, #tpu.memory_space<vmem>>, vector<16xf32>,
    } {sc.loop_unroll_factor = 4 : i64, sc.parallel_access}
    %add3A_547 = arith.constant 49152 : i32
    %add3A_548 = arith.addi %mul3A_2, %add3A_547 : i32
    %dma_start3A_549 = arith.constant 0 : i32
    %dma_start3A_550 = tpu.memref_slice %arg8[%dma_start3A_549, %add3A_548] : memref<6x2097152xf32, #tpu.memory_space<hbm>> -> memref<6x4096xf32, #tpu.memory_space<hbm>>
    %dma_start3A_551 = arith.constant 0 : i32
    %dma_start3A_552 = tpu.memref_slice %arg8[%dma_start3A_551, %add3A_548] : memref<6x2097152xf32, #tpu.memory_space<hbm>> -> memref<6x4096xf32, #tpu.memory_space<hbm>>
    tpu.enqueue_dma source(%arg12 : memref<6x4096xf32, #tpu.memory_space<vmem>>) target(%dma_start3A_552 : memref<6x4096xf32, #tpu.memory_space<hbm>>) target_semaphore(%arg20 : memref<!tpu.dma_semaphore, #tpu.memory_space<semaphore_mem>>)
    %add3A_553 = arith.constant 57344 : i32
    %add3A_554 = arith.addi %mul3A_2, %add3A_553 : i32
    %dma_start3A_555 = tpu.memref_slice %arg2[%add3A_554] : memref<2097152xi32, #tpu.memory_space<hbm>> -> memref<4096xi32, #tpu.memory_space<hbm>>
    %dma_start3A_556 = tpu.memref_slice %arg2[%add3A_554] : memref<2097152xi32, #tpu.memory_space<hbm>> -> memref<4096xi32, #tpu.memory_space<hbm>>
    tpu.enqueue_dma source(%dma_start3A_556 : memref<4096xi32, #tpu.memory_space<hbm>>) target(%arg10 : memref<4096xi32, #tpu.memory_space<vmem>>) target_semaphore(%arg22 : memref<!tpu.dma_semaphore, #tpu.memory_space<semaphore_mem>>)
    %dma_wait3A_557 = tpu.memref_slice %arg2[%add3A_535] : memref<2097152xi32, #tpu.memory_space<hbm>> -> memref<4096xi32, #tpu.memory_space<hbm>>
    %dma_wait3A_558 = tpu.memref_slice %arg2[%add3A_535] : memref<2097152xi32, #tpu.memory_space<hbm>> -> memref<4096xi32, #tpu.memory_space<hbm>>
    tpu.wait_dma2 semaphore(%arg23 : memref<!tpu.dma_semaphore, #tpu.memory_space<semaphore_mem>>) src(%dma_wait3A_558 : memref<4096xi32, #tpu.memory_space<hbm>>) dst(%arg11 : memref<4096xi32, #tpu.memory_space<vmem>>)
    %dma_wait3A_559 = arith.constant 0 : i32
    %dma_wait3A_560 = tpu.memref_slice %arg8[%dma_wait3A_559, %add3A_529] : memref<6x2097152xf32, #tpu.memory_space<hbm>> -> memref<6x4096xf32, #tpu.memory_space<hbm>>
    %dma_wait3A_561 = arith.constant 0 : i32
    %dma_wait3A_562 = tpu.memref_slice %arg8[%dma_wait3A_561, %add3A_529] : memref<6x2097152xf32, #tpu.memory_space<hbm>> -> memref<6x4096xf32, #tpu.memory_space<hbm>>
    tpu.wait_dma2 semaphore(%arg21 : memref<!tpu.dma_semaphore, #tpu.memory_space<semaphore_mem>>) src(%arg13 : memref<6x4096xf32, #tpu.memory_space<vmem>>) dst(%dma_wait3A_562 : memref<6x4096xf32, #tpu.memory_space<hbm>>)
    %parallel_loop3A_563 = arith.constant 0 : i32
    %parallel_loop3A_564 = arith.constant 4096 : i32
    %parallel_loop3A_565 = arith.constant 16 : i32
    scf.for %parallel_loop3A_614 = %parallel_loop3A_563 to %parallel_loop3A_564 step %parallel_loop3A_565  : i32 {
      %parallel_loop3A_615 = arith.index_cast %parallel_loop3A_614 : i32 to index
      %parallel_loop3A_616 = tpu.vector_load %arg11[%parallel_loop3A_615] {strides = array<i32>} : memref<4096xi32, #tpu.memory_space<vmem>>, vector<16xi32>,
      %parallel_loop3A_617 = tpu.vector_load_idx %arg14[%parallel_loop3A_616] : memref<672xf32, #tpu.memory_space<vmem>>[vector<16xi32>], vector<16xf32>,
      %parallel_loop3A_618 = arith.constant 0 : i32
      %parallel_loop3A_619 = arith.index_cast %parallel_loop3A_618 : i32 to index
      %parallel_loop3A_620 = arith.index_cast %parallel_loop3A_614 : i32 to index
      %parallel_loop3A_621 = tpu.vector_load %arg13[%parallel_loop3A_619, %parallel_loop3A_620] {strides = array<i32>} : memref<6x4096xf32, #tpu.memory_space<vmem>>, vector<16xf32>,
      tpu.vector_store %arg13[%parallel_loop3A_619, %parallel_loop3A_620], %parallel_loop3A_617 {strides = array<i32>} : memref<6x4096xf32, #tpu.memory_space<vmem>>, vector<16xf32>,
      %parallel_loop3A_622 = arith.constant 112 : i32
      %parallel_loop3A_623 = vector.broadcast %parallel_loop3A_622 : i32 to vector<16xi32>
      %parallel_loop3A_624 = arith.addi %parallel_loop3A_616, %parallel_loop3A_623 : vector<16xi32>
      %parallel_loop3A_625 = tpu.vector_load_idx %arg14[%parallel_loop3A_624] : memref<672xf32, #tpu.memory_space<vmem>>[vector<16xi32>], vector<16xf32>,
      %parallel_loop3A_626 = arith.constant 1 : i32
      %parallel_loop3A_627 = arith.index_cast %parallel_loop3A_626 : i32 to index
      %parallel_loop3A_628 = arith.index_cast %parallel_loop3A_614 : i32 to index
      %parallel_loop3A_629 = tpu.vector_load %arg13[%parallel_loop3A_627, %parallel_loop3A_628] {strides = array<i32>} : memref<6x4096xf32, #tpu.memory_space<vmem>>, vector<16xf32>,
      tpu.vector_store %arg13[%parallel_loop3A_627, %parallel_loop3A_628], %parallel_loop3A_625 {strides = array<i32>} : memref<6x4096xf32, #tpu.memory_space<vmem>>, vector<16xf32>,
      %parallel_loop3A_630 = arith.constant 224 : i32
      %parallel_loop3A_631 = vector.broadcast %parallel_loop3A_630 : i32 to vector<16xi32>
      %parallel_loop3A_632 = arith.addi %parallel_loop3A_616, %parallel_loop3A_631 : vector<16xi32>
      %parallel_loop3A_633 = tpu.vector_load_idx %arg14[%parallel_loop3A_632] : memref<672xf32, #tpu.memory_space<vmem>>[vector<16xi32>], vector<16xf32>,
      %parallel_loop3A_634 = arith.constant 2 : i32
      %parallel_loop3A_635 = arith.index_cast %parallel_loop3A_634 : i32 to index
      %parallel_loop3A_636 = arith.index_cast %parallel_loop3A_614 : i32 to index
      %parallel_loop3A_637 = tpu.vector_load %arg13[%parallel_loop3A_635, %parallel_loop3A_636] {strides = array<i32>} : memref<6x4096xf32, #tpu.memory_space<vmem>>, vector<16xf32>,
      tpu.vector_store %arg13[%parallel_loop3A_635, %parallel_loop3A_636], %parallel_loop3A_633 {strides = array<i32>} : memref<6x4096xf32, #tpu.memory_space<vmem>>, vector<16xf32>,
      %parallel_loop3A_638 = arith.constant 336 : i32
      %parallel_loop3A_639 = vector.broadcast %parallel_loop3A_638 : i32 to vector<16xi32>
      %parallel_loop3A_640 = arith.addi %parallel_loop3A_616, %parallel_loop3A_639 : vector<16xi32>
      %parallel_loop3A_641 = tpu.vector_load_idx %arg14[%parallel_loop3A_640] : memref<672xf32, #tpu.memory_space<vmem>>[vector<16xi32>], vector<16xf32>,
      %parallel_loop3A_642 = arith.constant 3 : i32
      %parallel_loop3A_643 = arith.index_cast %parallel_loop3A_642 : i32 to index
      %parallel_loop3A_644 = arith.index_cast %parallel_loop3A_614 : i32 to index
      %parallel_loop3A_645 = tpu.vector_load %arg13[%parallel_loop3A_643, %parallel_loop3A_644] {strides = array<i32>} : memref<6x4096xf32, #tpu.memory_space<vmem>>, vector<16xf32>,
      tpu.vector_store %arg13[%parallel_loop3A_643, %parallel_loop3A_644], %parallel_loop3A_641 {strides = array<i32>} : memref<6x4096xf32, #tpu.memory_space<vmem>>, vector<16xf32>,
      %parallel_loop3A_646 = arith.constant 448 : i32
      %parallel_loop3A_647 = vector.broadcast %parallel_loop3A_646 : i32 to vector<16xi32>
      %parallel_loop3A_648 = arith.addi %parallel_loop3A_616, %parallel_loop3A_647 : vector<16xi32>
      %parallel_loop3A_649 = tpu.vector_load_idx %arg14[%parallel_loop3A_648] : memref<672xf32, #tpu.memory_space<vmem>>[vector<16xi32>], vector<16xf32>,
      %parallel_loop3A_650 = arith.constant 4 : i32
      %parallel_loop3A_651 = arith.index_cast %parallel_loop3A_650 : i32 to index
      %parallel_loop3A_652 = arith.index_cast %parallel_loop3A_614 : i32 to index
      %parallel_loop3A_653 = tpu.vector_load %arg13[%parallel_loop3A_651, %parallel_loop3A_652] {strides = array<i32>} : memref<6x4096xf32, #tpu.memory_space<vmem>>, vector<16xf32>,
      tpu.vector_store %arg13[%parallel_loop3A_651, %parallel_loop3A_652], %parallel_loop3A_649 {strides = array<i32>} : memref<6x4096xf32, #tpu.memory_space<vmem>>, vector<16xf32>,
      %parallel_loop3A_654 = arith.constant 560 : i32
      %parallel_loop3A_655 = vector.broadcast %parallel_loop3A_654 : i32 to vector<16xi32>
      %parallel_loop3A_656 = arith.addi %parallel_loop3A_616, %parallel_loop3A_655 : vector<16xi32>
      %parallel_loop3A_657 = tpu.vector_load_idx %arg14[%parallel_loop3A_656] : memref<672xf32, #tpu.memory_space<vmem>>[vector<16xi32>], vector<16xf32>,
      %parallel_loop3A_658 = arith.constant 5 : i32
      %parallel_loop3A_659 = arith.index_cast %parallel_loop3A_658 : i32 to index
      %parallel_loop3A_660 = arith.index_cast %parallel_loop3A_614 : i32 to index
      %parallel_loop3A_661 = tpu.vector_load %arg13[%parallel_loop3A_659, %parallel_loop3A_660] {strides = array<i32>} : memref<6x4096xf32, #tpu.memory_space<vmem>>, vector<16xf32>,
      tpu.vector_store %arg13[%parallel_loop3A_659, %parallel_loop3A_660], %parallel_loop3A_657 {strides = array<i32>} : memref<6x4096xf32, #tpu.memory_space<vmem>>, vector<16xf32>,
    } {sc.loop_unroll_factor = 4 : i64, sc.parallel_access}
    %add3A_566 = arith.constant 53248 : i32
    %add3A_567 = arith.addi %mul3A_2, %add3A_566 : i32
    %dma_start3A_568 = arith.constant 0 : i32
    %dma_start3A_569 = tpu.memref_slice %arg8[%dma_start3A_568, %add3A_567] : memref<6x2097152xf32, #tpu.memory_space<hbm>> -> memref<6x4096xf32, #tpu.memory_space<hbm>>
    %dma_start3A_570 = arith.constant 0 : i32
    %dma_start3A_571 = tpu.memref_slice %arg8[%dma_start3A_570, %add3A_567] : memref<6x2097152xf32, #tpu.memory_space<hbm>> -> memref<6x4096xf32, #tpu.memory_space<hbm>>
    tpu.enqueue_dma source(%arg13 : memref<6x4096xf32, #tpu.memory_space<vmem>>) target(%dma_start3A_571 : memref<6x4096xf32, #tpu.memory_space<hbm>>) target_semaphore(%arg21 : memref<!tpu.dma_semaphore, #tpu.memory_space<semaphore_mem>>)
    %add3A_572 = arith.constant 61440 : i32
    %add3A_573 = arith.addi %mul3A_2, %add3A_572 : i32
    %dma_start3A_574 = tpu.memref_slice %arg2[%add3A_573] : memref<2097152xi32, #tpu.memory_space<hbm>> -> memref<4096xi32, #tpu.memory_space<hbm>>
    %dma_start3A_575 = tpu.memref_slice %arg2[%add3A_573] : memref<2097152xi32, #tpu.memory_space<hbm>> -> memref<4096xi32, #tpu.memory_space<hbm>>
    tpu.enqueue_dma source(%dma_start3A_575 : memref<4096xi32, #tpu.memory_space<hbm>>) target(%arg11 : memref<4096xi32, #tpu.memory_space<vmem>>) target_semaphore(%arg23 : memref<!tpu.dma_semaphore, #tpu.memory_space<semaphore_mem>>)
    %dma_wait3A_576 = tpu.memref_slice %arg2[%add3A_554] : memref<2097152xi32, #tpu.memory_space<hbm>> -> memref<4096xi32, #tpu.memory_space<hbm>>
    %dma_wait3A_577 = tpu.memref_slice %arg2[%add3A_554] : memref<2097152xi32, #tpu.memory_space<hbm>> -> memref<4096xi32, #tpu.memory_space<hbm>>
    tpu.wait_dma2 semaphore(%arg22 : memref<!tpu.dma_semaphore, #tpu.memory_space<semaphore_mem>>) src(%dma_wait3A_577 : memref<4096xi32, #tpu.memory_space<hbm>>) dst(%arg10 : memref<4096xi32, #tpu.memory_space<vmem>>)
    %dma_wait3A_578 = arith.constant 0 : i32
    %dma_wait3A_579 = tpu.memref_slice %arg8[%dma_wait3A_578, %add3A_548] : memref<6x2097152xf32, #tpu.memory_space<hbm>> -> memref<6x4096xf32, #tpu.memory_space<hbm>>
    %dma_wait3A_580 = arith.constant 0 : i32
    %dma_wait3A_581 = tpu.memref_slice %arg8[%dma_wait3A_580, %add3A_548] : memref<6x2097152xf32, #tpu.memory_space<hbm>> -> memref<6x4096xf32, #tpu.memory_space<hbm>>
    tpu.wait_dma2 semaphore(%arg20 : memref<!tpu.dma_semaphore, #tpu.memory_space<semaphore_mem>>) src(%arg12 : memref<6x4096xf32, #tpu.memory_space<vmem>>) dst(%dma_wait3A_581 : memref<6x4096xf32, #tpu.memory_space<hbm>>)
    %parallel_loop3A_582 = arith.constant 0 : i32
    %parallel_loop3A_583 = arith.constant 4096 : i32
    %parallel_loop3A_584 = arith.constant 16 : i32
    scf.for %parallel_loop3A_614 = %parallel_loop3A_582 to %parallel_loop3A_583 step %parallel_loop3A_584  : i32 {
      %parallel_loop3A_615 = arith.index_cast %parallel_loop3A_614 : i32 to index
      %parallel_loop3A_616 = tpu.vector_load %arg10[%parallel_loop3A_615] {strides = array<i32>} : memref<4096xi32, #tpu.memory_space<vmem>>, vector<16xi32>,
      %parallel_loop3A_617 = tpu.vector_load_idx %arg14[%parallel_loop3A_616] : memref<672xf32, #tpu.memory_space<vmem>>[vector<16xi32>], vector<16xf32>,
      %parallel_loop3A_618 = arith.constant 0 : i32
      %parallel_loop3A_619 = arith.index_cast %parallel_loop3A_618 : i32 to index
      %parallel_loop3A_620 = arith.index_cast %parallel_loop3A_614 : i32 to index
      %parallel_loop3A_621 = tpu.vector_load %arg12[%parallel_loop3A_619, %parallel_loop3A_620] {strides = array<i32>} : memref<6x4096xf32, #tpu.memory_space<vmem>>, vector<16xf32>,
      tpu.vector_store %arg12[%parallel_loop3A_619, %parallel_loop3A_620], %parallel_loop3A_617 {strides = array<i32>} : memref<6x4096xf32, #tpu.memory_space<vmem>>, vector<16xf32>,
      %parallel_loop3A_622 = arith.constant 112 : i32
      %parallel_loop3A_623 = vector.broadcast %parallel_loop3A_622 : i32 to vector<16xi32>
      %parallel_loop3A_624 = arith.addi %parallel_loop3A_616, %parallel_loop3A_623 : vector<16xi32>
      %parallel_loop3A_625 = tpu.vector_load_idx %arg14[%parallel_loop3A_624] : memref<672xf32, #tpu.memory_space<vmem>>[vector<16xi32>], vector<16xf32>,
      %parallel_loop3A_626 = arith.constant 1 : i32
      %parallel_loop3A_627 = arith.index_cast %parallel_loop3A_626 : i32 to index
      %parallel_loop3A_628 = arith.index_cast %parallel_loop3A_614 : i32 to index
      %parallel_loop3A_629 = tpu.vector_load %arg12[%parallel_loop3A_627, %parallel_loop3A_628] {strides = array<i32>} : memref<6x4096xf32, #tpu.memory_space<vmem>>, vector<16xf32>,
      tpu.vector_store %arg12[%parallel_loop3A_627, %parallel_loop3A_628], %parallel_loop3A_625 {strides = array<i32>} : memref<6x4096xf32, #tpu.memory_space<vmem>>, vector<16xf32>,
      %parallel_loop3A_630 = arith.constant 224 : i32
      %parallel_loop3A_631 = vector.broadcast %parallel_loop3A_630 : i32 to vector<16xi32>
      %parallel_loop3A_632 = arith.addi %parallel_loop3A_616, %parallel_loop3A_631 : vector<16xi32>
      %parallel_loop3A_633 = tpu.vector_load_idx %arg14[%parallel_loop3A_632] : memref<672xf32, #tpu.memory_space<vmem>>[vector<16xi32>], vector<16xf32>,
      %parallel_loop3A_634 = arith.constant 2 : i32
      %parallel_loop3A_635 = arith.index_cast %parallel_loop3A_634 : i32 to index
      %parallel_loop3A_636 = arith.index_cast %parallel_loop3A_614 : i32 to index
      %parallel_loop3A_637 = tpu.vector_load %arg12[%parallel_loop3A_635, %parallel_loop3A_636] {strides = array<i32>} : memref<6x4096xf32, #tpu.memory_space<vmem>>, vector<16xf32>,
      tpu.vector_store %arg12[%parallel_loop3A_635, %parallel_loop3A_636], %parallel_loop3A_633 {strides = array<i32>} : memref<6x4096xf32, #tpu.memory_space<vmem>>, vector<16xf32>,
      %parallel_loop3A_638 = arith.constant 336 : i32
      %parallel_loop3A_639 = vector.broadcast %parallel_loop3A_638 : i32 to vector<16xi32>
      %parallel_loop3A_640 = arith.addi %parallel_loop3A_616, %parallel_loop3A_639 : vector<16xi32>
      %parallel_loop3A_641 = tpu.vector_load_idx %arg14[%parallel_loop3A_640] : memref<672xf32, #tpu.memory_space<vmem>>[vector<16xi32>], vector<16xf32>,
      %parallel_loop3A_642 = arith.constant 3 : i32
      %parallel_loop3A_643 = arith.index_cast %parallel_loop3A_642 : i32 to index
      %parallel_loop3A_644 = arith.index_cast %parallel_loop3A_614 : i32 to index
      %parallel_loop3A_645 = tpu.vector_load %arg12[%parallel_loop3A_643, %parallel_loop3A_644] {strides = array<i32>} : memref<6x4096xf32, #tpu.memory_space<vmem>>, vector<16xf32>,
      tpu.vector_store %arg12[%parallel_loop3A_643, %parallel_loop3A_644], %parallel_loop3A_641 {strides = array<i32>} : memref<6x4096xf32, #tpu.memory_space<vmem>>, vector<16xf32>,
      %parallel_loop3A_646 = arith.constant 448 : i32
      %parallel_loop3A_647 = vector.broadcast %parallel_loop3A_646 : i32 to vector<16xi32>
      %parallel_loop3A_648 = arith.addi %parallel_loop3A_616, %parallel_loop3A_647 : vector<16xi32>
      %parallel_loop3A_649 = tpu.vector_load_idx %arg14[%parallel_loop3A_648] : memref<672xf32, #tpu.memory_space<vmem>>[vector<16xi32>], vector<16xf32>,
      %parallel_loop3A_650 = arith.constant 4 : i32
      %parallel_loop3A_651 = arith.index_cast %parallel_loop3A_650 : i32 to index
      %parallel_loop3A_652 = arith.index_cast %parallel_loop3A_614 : i32 to index
      %parallel_loop3A_653 = tpu.vector_load %arg12[%parallel_loop3A_651, %parallel_loop3A_652] {strides = array<i32>} : memref<6x4096xf32, #tpu.memory_space<vmem>>, vector<16xf32>,
      tpu.vector_store %arg12[%parallel_loop3A_651, %parallel_loop3A_652], %parallel_loop3A_649 {strides = array<i32>} : memref<6x4096xf32, #tpu.memory_space<vmem>>, vector<16xf32>,
      %parallel_loop3A_654 = arith.constant 560 : i32
      %parallel_loop3A_655 = vector.broadcast %parallel_loop3A_654 : i32 to vector<16xi32>
      %parallel_loop3A_656 = arith.addi %parallel_loop3A_616, %parallel_loop3A_655 : vector<16xi32>
      %parallel_loop3A_657 = tpu.vector_load_idx %arg14[%parallel_loop3A_656] : memref<672xf32, #tpu.memory_space<vmem>>[vector<16xi32>], vector<16xf32>,
      %parallel_loop3A_658 = arith.constant 5 : i32
      %parallel_loop3A_659 = arith.index_cast %parallel_loop3A_658 : i32 to index
      %parallel_loop3A_660 = arith.index_cast %parallel_loop3A_614 : i32 to index
      %parallel_loop3A_661 = tpu.vector_load %arg12[%parallel_loop3A_659, %parallel_loop3A_660] {strides = array<i32>} : memref<6x4096xf32, #tpu.memory_space<vmem>>, vector<16xf32>,
      tpu.vector_store %arg12[%parallel_loop3A_659, %parallel_loop3A_660], %parallel_loop3A_657 {strides = array<i32>} : memref<6x4096xf32, #tpu.memory_space<vmem>>, vector<16xf32>,
    } {sc.loop_unroll_factor = 4 : i64, sc.parallel_access}
    %add3A_585 = arith.constant 57344 : i32
    %add3A_586 = arith.addi %mul3A_2, %add3A_585 : i32
    %dma_start3A_587 = arith.constant 0 : i32
    %dma_start3A_588 = tpu.memref_slice %arg8[%dma_start3A_587, %add3A_586] : memref<6x2097152xf32, #tpu.memory_space<hbm>> -> memref<6x4096xf32, #tpu.memory_space<hbm>>
    %dma_start3A_589 = arith.constant 0 : i32
    %dma_start3A_590 = tpu.memref_slice %arg8[%dma_start3A_589, %add3A_586] : memref<6x2097152xf32, #tpu.memory_space<hbm>> -> memref<6x4096xf32, #tpu.memory_space<hbm>>
    tpu.enqueue_dma source(%arg12 : memref<6x4096xf32, #tpu.memory_space<vmem>>) target(%dma_start3A_590 : memref<6x4096xf32, #tpu.memory_space<hbm>>) target_semaphore(%arg20 : memref<!tpu.dma_semaphore, #tpu.memory_space<semaphore_mem>>)
    %dma_wait3A_591 = tpu.memref_slice %arg2[%add3A_573] : memref<2097152xi32, #tpu.memory_space<hbm>> -> memref<4096xi32, #tpu.memory_space<hbm>>
    %dma_wait3A_592 = tpu.memref_slice %arg2[%add3A_573] : memref<2097152xi32, #tpu.memory_space<hbm>> -> memref<4096xi32, #tpu.memory_space<hbm>>
    tpu.wait_dma2 semaphore(%arg23 : memref<!tpu.dma_semaphore, #tpu.memory_space<semaphore_mem>>) src(%dma_wait3A_592 : memref<4096xi32, #tpu.memory_space<hbm>>) dst(%arg11 : memref<4096xi32, #tpu.memory_space<vmem>>)
    %dma_wait3A_593 = arith.constant 0 : i32
    %dma_wait3A_594 = tpu.memref_slice %arg8[%dma_wait3A_593, %add3A_567] : memref<6x2097152xf32, #tpu.memory_space<hbm>> -> memref<6x4096xf32, #tpu.memory_space<hbm>>
    %dma_wait3A_595 = arith.constant 0 : i32
    %dma_wait3A_596 = tpu.memref_slice %arg8[%dma_wait3A_595, %add3A_567] : memref<6x2097152xf32, #tpu.memory_space<hbm>> -> memref<6x4096xf32, #tpu.memory_space<hbm>>
    tpu.wait_dma2 semaphore(%arg21 : memref<!tpu.dma_semaphore, #tpu.memory_space<semaphore_mem>>) src(%arg13 : memref<6x4096xf32, #tpu.memory_space<vmem>>) dst(%dma_wait3A_596 : memref<6x4096xf32, #tpu.memory_space<hbm>>)
    %parallel_loop3A_597 = arith.constant 0 : i32
    %parallel_loop3A_598 = arith.constant 4096 : i32
    %parallel_loop3A_599 = arith.constant 16 : i32
    scf.for %parallel_loop3A_614 = %parallel_loop3A_597 to %parallel_loop3A_598 step %parallel_loop3A_599  : i32 {
      %parallel_loop3A_615 = arith.index_cast %parallel_loop3A_614 : i32 to index
      %parallel_loop3A_616 = tpu.vector_load %arg11[%parallel_loop3A_615] {strides = array<i32>} : memref<4096xi32, #tpu.memory_space<vmem>>, vector<16xi32>,
      %parallel_loop3A_617 = tpu.vector_load_idx %arg14[%parallel_loop3A_616] : memref<672xf32, #tpu.memory_space<vmem>>[vector<16xi32>], vector<16xf32>,
      %parallel_loop3A_618 = arith.constant 0 : i32
      %parallel_loop3A_619 = arith.index_cast %parallel_loop3A_618 : i32 to index
      %parallel_loop3A_620 = arith.index_cast %parallel_loop3A_614 : i32 to index
      %parallel_loop3A_621 = tpu.vector_load %arg13[%parallel_loop3A_619, %parallel_loop3A_620] {strides = array<i32>} : memref<6x4096xf32, #tpu.memory_space<vmem>>, vector<16xf32>,
      tpu.vector_store %arg13[%parallel_loop3A_619, %parallel_loop3A_620], %parallel_loop3A_617 {strides = array<i32>} : memref<6x4096xf32, #tpu.memory_space<vmem>>, vector<16xf32>,
      %parallel_loop3A_622 = arith.constant 112 : i32
      %parallel_loop3A_623 = vector.broadcast %parallel_loop3A_622 : i32 to vector<16xi32>
      %parallel_loop3A_624 = arith.addi %parallel_loop3A_616, %parallel_loop3A_623 : vector<16xi32>
      %parallel_loop3A_625 = tpu.vector_load_idx %arg14[%parallel_loop3A_624] : memref<672xf32, #tpu.memory_space<vmem>>[vector<16xi32>], vector<16xf32>,
      %parallel_loop3A_626 = arith.constant 1 : i32
      %parallel_loop3A_627 = arith.index_cast %parallel_loop3A_626 : i32 to index
      %parallel_loop3A_628 = arith.index_cast %parallel_loop3A_614 : i32 to index
      %parallel_loop3A_629 = tpu.vector_load %arg13[%parallel_loop3A_627, %parallel_loop3A_628] {strides = array<i32>} : memref<6x4096xf32, #tpu.memory_space<vmem>>, vector<16xf32>,
      tpu.vector_store %arg13[%parallel_loop3A_627, %parallel_loop3A_628], %parallel_loop3A_625 {strides = array<i32>} : memref<6x4096xf32, #tpu.memory_space<vmem>>, vector<16xf32>,
      %parallel_loop3A_630 = arith.constant 224 : i32
      %parallel_loop3A_631 = vector.broadcast %parallel_loop3A_630 : i32 to vector<16xi32>
      %parallel_loop3A_632 = arith.addi %parallel_loop3A_616, %parallel_loop3A_631 : vector<16xi32>
      %parallel_loop3A_633 = tpu.vector_load_idx %arg14[%parallel_loop3A_632] : memref<672xf32, #tpu.memory_space<vmem>>[vector<16xi32>], vector<16xf32>,
      %parallel_loop3A_634 = arith.constant 2 : i32
      %parallel_loop3A_635 = arith.index_cast %parallel_loop3A_634 : i32 to index
      %parallel_loop3A_636 = arith.index_cast %parallel_loop3A_614 : i32 to index
      %parallel_loop3A_637 = tpu.vector_load %arg13[%parallel_loop3A_635, %parallel_loop3A_636] {strides = array<i32>} : memref<6x4096xf32, #tpu.memory_space<vmem>>, vector<16xf32>,
      tpu.vector_store %arg13[%parallel_loop3A_635, %parallel_loop3A_636], %parallel_loop3A_633 {strides = array<i32>} : memref<6x4096xf32, #tpu.memory_space<vmem>>, vector<16xf32>,
      %parallel_loop3A_638 = arith.constant 336 : i32
      %parallel_loop3A_639 = vector.broadcast %parallel_loop3A_638 : i32 to vector<16xi32>
      %parallel_loop3A_640 = arith.addi %parallel_loop3A_616, %parallel_loop3A_639 : vector<16xi32>
      %parallel_loop3A_641 = tpu.vector_load_idx %arg14[%parallel_loop3A_640] : memref<672xf32, #tpu.memory_space<vmem>>[vector<16xi32>], vector<16xf32>,
      %parallel_loop3A_642 = arith.constant 3 : i32
      %parallel_loop3A_643 = arith.index_cast %parallel_loop3A_642 : i32 to index
      %parallel_loop3A_644 = arith.index_cast %parallel_loop3A_614 : i32 to index
      %parallel_loop3A_645 = tpu.vector_load %arg13[%parallel_loop3A_643, %parallel_loop3A_644] {strides = array<i32>} : memref<6x4096xf32, #tpu.memory_space<vmem>>, vector<16xf32>,
      tpu.vector_store %arg13[%parallel_loop3A_643, %parallel_loop3A_644], %parallel_loop3A_641 {strides = array<i32>} : memref<6x4096xf32, #tpu.memory_space<vmem>>, vector<16xf32>,
      %parallel_loop3A_646 = arith.constant 448 : i32
      %parallel_loop3A_647 = vector.broadcast %parallel_loop3A_646 : i32 to vector<16xi32>
      %parallel_loop3A_648 = arith.addi %parallel_loop3A_616, %parallel_loop3A_647 : vector<16xi32>
      %parallel_loop3A_649 = tpu.vector_load_idx %arg14[%parallel_loop3A_648] : memref<672xf32, #tpu.memory_space<vmem>>[vector<16xi32>], vector<16xf32>,
      %parallel_loop3A_650 = arith.constant 4 : i32
      %parallel_loop3A_651 = arith.index_cast %parallel_loop3A_650 : i32 to index
      %parallel_loop3A_652 = arith.index_cast %parallel_loop3A_614 : i32 to index
      %parallel_loop3A_653 = tpu.vector_load %arg13[%parallel_loop3A_651, %parallel_loop3A_652] {strides = array<i32>} : memref<6x4096xf32, #tpu.memory_space<vmem>>, vector<16xf32>,
      tpu.vector_store %arg13[%parallel_loop3A_651, %parallel_loop3A_652], %parallel_loop3A_649 {strides = array<i32>} : memref<6x4096xf32, #tpu.memory_space<vmem>>, vector<16xf32>,
      %parallel_loop3A_654 = arith.constant 560 : i32
      %parallel_loop3A_655 = vector.broadcast %parallel_loop3A_654 : i32 to vector<16xi32>
      %parallel_loop3A_656 = arith.addi %parallel_loop3A_616, %parallel_loop3A_655 : vector<16xi32>
      %parallel_loop3A_657 = tpu.vector_load_idx %arg14[%parallel_loop3A_656] : memref<672xf32, #tpu.memory_space<vmem>>[vector<16xi32>], vector<16xf32>,
      %parallel_loop3A_658 = arith.constant 5 : i32
      %parallel_loop3A_659 = arith.index_cast %parallel_loop3A_658 : i32 to index
      %parallel_loop3A_660 = arith.index_cast %parallel_loop3A_614 : i32 to index
      %parallel_loop3A_661 = tpu.vector_load %arg13[%parallel_loop3A_659, %parallel_loop3A_660] {strides = array<i32>} : memref<6x4096xf32, #tpu.memory_space<vmem>>, vector<16xf32>,
      tpu.vector_store %arg13[%parallel_loop3A_659, %parallel_loop3A_660], %parallel_loop3A_657 {strides = array<i32>} : memref<6x4096xf32, #tpu.memory_space<vmem>>, vector<16xf32>,
    } {sc.loop_unroll_factor = 4 : i64, sc.parallel_access}
    %add3A_600 = arith.constant 61440 : i32
    %add3A_601 = arith.addi %mul3A_2, %add3A_600 : i32
    %dma_start3A_602 = arith.constant 0 : i32
    %dma_start3A_603 = tpu.memref_slice %arg8[%dma_start3A_602, %add3A_601] : memref<6x2097152xf32, #tpu.memory_space<hbm>> -> memref<6x4096xf32, #tpu.memory_space<hbm>>
    %dma_start3A_604 = arith.constant 0 : i32
    %dma_start3A_605 = tpu.memref_slice %arg8[%dma_start3A_604, %add3A_601] : memref<6x2097152xf32, #tpu.memory_space<hbm>> -> memref<6x4096xf32, #tpu.memory_space<hbm>>
    tpu.enqueue_dma source(%arg13 : memref<6x4096xf32, #tpu.memory_space<vmem>>) target(%dma_start3A_605 : memref<6x4096xf32, #tpu.memory_space<hbm>>) target_semaphore(%arg21 : memref<!tpu.dma_semaphore, #tpu.memory_space<semaphore_mem>>)
    %dma_wait3A_606 = arith.constant 0 : i32
    %dma_wait3A_607 = tpu.memref_slice %arg8[%dma_wait3A_606, %add3A_586] : memref<6x2097152xf32, #tpu.memory_space<hbm>> -> memref<6x4096xf32, #tpu.memory_space<hbm>>
    %dma_wait3A_608 = arith.constant 0 : i32
    %dma_wait3A_609 = tpu.memref_slice %arg8[%dma_wait3A_608, %add3A_586] : memref<6x2097152xf32, #tpu.memory_space<hbm>> -> memref<6x4096xf32, #tpu.memory_space<hbm>>
    tpu.wait_dma2 semaphore(%arg20 : memref<!tpu.dma_semaphore, #tpu.memory_space<semaphore_mem>>) src(%arg12 : memref<6x4096xf32, #tpu.memory_space<vmem>>) dst(%dma_wait3A_609 : memref<6x4096xf32, #tpu.memory_space<hbm>>)
    %dma_wait3A_610 = arith.constant 0 : i32
    %dma_wait3A_611 = tpu.memref_slice %arg8[%dma_wait3A_610, %add3A_601] : memref<6x2097152xf32, #tpu.memory_space<hbm>> -> memref<6x4096xf32, #tpu.memory_space<hbm>>
    %dma_wait3A_612 = arith.constant 0 : i32
    %dma_wait3A_613 = tpu.memref_slice %arg8[%dma_wait3A_612, %add3A_601] : memref<6x2097152xf32, #tpu.memory_space<hbm>> -> memref<6x4096xf32, #tpu.memory_space<hbm>>
    tpu.wait_dma2 semaphore(%arg21 : memref<!tpu.dma_semaphore, #tpu.memory_space<semaphore_mem>>) src(%arg13 : memref<6x4096xf32, #tpu.memory_space<vmem>>) dst(%dma_wait3A_613 : memref<6x4096xf32, #tpu.memory_space<hbm>>)
    return
  }
}

</mosaic_0001>

<sc_bundles>
// kernel: kernel.3.cloned.1.call-start
scs
__scs_entry_jumppad:
0x0: {  	(pc) =	sbr.rel $0x88, $3  }
0x1: {  	(tag) =	ssettag $0x0;
	lr =	simm.s32 $0x1  }
0x2: {  	[smem:$0x3F9B] =	sst lr;
	_ =	strace $0xD0000000  }
0x3: {  	_ = 	snop  }
0x4: {  	_ = 	snop  }
0x5: {  	_ = 	snop  }
0x6: {  	_ = 	snop  }
0x7: {  	_ = 	snop  }
__scs_overlays_trampoline_lowered:
0x8: {  	[smem:$0x3FAA] =	sst s0  }
0x9: {  	[smem:$0x3FAB] =	sst s1  }
0xa: {  	[smem:$0x3FAC] =	sst s2  }
0xb: {  	[smem:$0x3FAD] =	sst s3  }
0xc: {  	[smem:$0x3FAE] =	sst s4  }
0xd: {  	[smem:$0x3FAF] =	sst s5  }
0xe: {  	[smem:$0x3FB0] =	sst s6  }
0xf: {  	[smem:$0x3FB1] =	sst s7  }
0x10: {  	[smem:$0x3FB2] =	sst s8  }
0x11: {  	[smem:$0x3FB3] =	sst s9;
	s0 =	simm.s32 @!p0 $0x0  }
0x12: {  	s1 =	sld [smem:$0x3F99];
	s0 =	simm.s32 @p0 $0x1  }
0x13: {  	[smem:$0x3FB4] =	sst s0;
	s0 =	simm.s32 @!p1 $0x0  }
0x14: {  	s2 =	sld [smem:$0x3F98];
	s0 =	simm.s32 @p1 $0x1  }
0x15: {  	[smem:$0x3FB5] =	sst s0;
	s0 =	simm.s32 @!p2 $0x0  }
0x16: {  	s3 =	sld [smem:$0x3FDB];
	s0 =	simm.s32 @p2 $0x1  }
0x17: {  	s4 =	simm.s32 $0x1BF5;
	[smem:$0x3FB7] =	sst s0  }
0x18: {  	s0 =	sld [smem:$0x3F9A];
	_ =	swait.ge [sflag:s4], $0x0  }
0x19: {  	s7 =	sld [smem:$0x3F9B]  }
0x1a: {  	s8 =	sadd.s32 $0xFFFFE003, lr  }
0x1b: {  	s9 =	sadd.s32 $0xFFFFFEF7, lr;
	s5 =	simm.s32 $0xFFFFFFFF;
	p2 =	slt.u32 s8, $0xFFFFF086  }
0x1c: {  	p1 =	slt.u32 s9, $0xF7A;
	s5 =	simm.s32 @!p2 $0x0  }
0x1d: {  	s5 =	simm.s32 @p1 $0x1;
	p0 =	seq.s32 s7, s2  }
0x1e: {  	s7 =	smul.u32 @!p0 $0xF7A, s2;
	p2 =	seq.s32 @!p0 s5, $0x0  }
0x1f: {  	s9 =	smul.u32 $0xF7A, s1;
	s8 =	simm.s32 @!p0 $0x1BF5;
	p2 =	por !p2, p0  }
0x20: {  	[sflag:s8] =	ssyncset.s32 @!p0 $0xFFFFF086;
	s6 =	sadd.s32 @!p0 s3, s7;
	s7 =	simm.s32 @!p0 $0x108  }
0x21: {  	s3 =	sadd.s32 s3, s9;
	s6 =	sadd.s32 @!p0 $0x88, s6;
	s7 =	simm.s32 @p2 $0x1082  }
0x22: {  	[simem:s7], [sflag:s8] =	dma.local @!p0 [hbm:s6], $0xF7A  }
0x23: {  	s9 =	sor.u32 $0xD0000000, s2;
	s6 =	simm.s32 $0x108;
	_ =	swait.ge @!p0 [sflag:s8], $0x0  }
0x24: {  	s3 =	sadd.s32 $0x88, s3;
	s6 =	simm.s32 @!p1 $0x1082;
	[sflag:s4] =	ssyncset.s32 $0xFFFFF086  }
0x25: {  	[simem:s6], [sflag:s4] =	dma.local [hbm:s3], $0xF7A  }
0x26: {  	[smem:$0x3F9B] =	sst s1;
	(tag) =	ssettag s2;
	_ =	strace s9  }
0x27: {  	s1 =	sld [smem:$0x3FAB]  }
0x28: {  	s2 =	sld [smem:$0x3FAC]  }
0x29: {  	s4 =	sld [smem:$0x3FAE]  }
0x2a: {  	p0 =	seq.s32 s5, $0x0;
	s5 =	sld [smem:$0x3FAF]  }
0x2b: {  	s6 =	sld [smem:$0x3FB0]  }
0x2c: {  	s7 =	sld [smem:$0x3FB1]  }
0x2d: {  	s3 =	simm.s32 $0x108;
	s8 =	sld [smem:$0x3FB2]  }
0x2e: {  	s3 =	simm.s32 @!p0 $0x1082;
	s9 =	sld [smem:$0x3FB3]  }
0x2f: {  	lr =	sadd.s32 s0, s3;
	s0 =	sld [smem:$0x3FAA]  }
0x30: {  	s3 =	sld [smem:$0x3FAD]  }
0x31: {  	[smem:$0x3FB6] =	sst s10  }
0x32: {  	s10 =	sld [smem:$0x3FB4];
	_ =	sdelay $0x3  }
0x33: {  	p0 =	seq.s32 s10, $0x1;
	s10 =	sld [smem:$0x3FB6];
	_ =	sdelay $0x3  }
0x34: {  	[smem:$0x3FB6] =	sst s10  }
0x35: {  	s10 =	sld [smem:$0x3FB5];
	_ =	sdelay $0x3  }
0x36: {  	p1 =	seq.s32 s10, $0x1;
	s10 =	sld [smem:$0x3FB6];
	_ =	sdelay $0x3  }
0x37: {  	[smem:$0x3FB6] =	sst s10  }
0x38: {  	s10 =	sld [smem:$0x3FB7]  }
0x39: {  	_ = 	snop;
	(pc) =	sbr.ind lr, $3  }
0x3a: {  	_ = 	snop  }
0x3b: {  	_ = 	snop  }
0x3c: {  	p2 =	seq.s32 s10, $0x1;
	s10 =	sld [smem:$0x3FB6]  }
0x3d: {  	_ =	shalt  }
0x3e: {  	_ =	shalt  }
0x3f: {  	_ =	shalt  }
0x40: {  	_ =	shalt  }
0x41: {  	_ =	shalt  }
0x42: {  	_ =	shalt  }
0x43: {  	_ =	shalt  }
0x44: {  	_ =	shalt  }
0x45: {  	_ =	shalt  }
0x46: {  	_ =	shalt  }
0x47: {  	_ =	shalt  }
0x48: {  	_ =	shalt  }
0x49: {  	_ =	shalt  }
0x4a: {  	_ =	shalt  }
0x4b: {  	_ =	shalt  }
0x4c: {  	_ =	shalt  }
0x4d: {  	_ =	shalt  }
0x4e: {  	_ =	shalt  }
0x4f: {  	_ =	shalt  }
0x50: {  	_ =	shalt  }
0x51: {  	_ =	shalt  }
0x52: {  	_ =	shalt  }
0x53: {  	_ =	shalt  }
0x54: {  	_ =	shalt  }
0x55: {  	_ =	shalt  }
0x56: {  	_ =	shalt  }
0x57: {  	_ =	shalt  }
0x58: {  	_ =	shalt  }
0x59: {  	_ =	shalt  }
0x5a: {  	_ =	shalt  }
0x5b: {  	_ =	shalt  }
0x5c: {  	_ =	shalt  }
0x5d: {  	_ =	shalt  }
0x5e: {  	_ =	shalt  }
0x5f: {  	_ =	shalt  }
0x60: {  	_ =	shalt  }
0x61: {  	_ =	shalt  }
0x62: {  	_ =	shalt  }
0x63: {  	_ =	shalt  }
0x64: {  	_ =	shalt  }
0x65: {  	_ =	shalt  }
0x66: {  	_ =	shalt  }
0x67: {  	_ =	shalt  }
0x68: {  	_ =	shalt  }
0x69: {  	_ =	shalt  }
0x6a: {  	_ =	shalt  }
0x6b: {  	_ =	shalt  }
0x6c: {  	_ =	shalt  }
0x6d: {  	_ =	shalt  }
0x6e: {  	_ =	shalt  }
0x6f: {  	_ =	shalt  }
0x70: {  	_ =	shalt  }
0x71: {  	_ =	shalt  }
0x72: {  	_ =	shalt  }
0x73: {  	_ =	shalt  }
0x74: {  	_ =	shalt  }
0x75: {  	_ =	shalt  }
0x76: {  	_ =	shalt  }
0x77: {  	_ =	shalt  }
0x78: {  	_ =	shalt  }
0x79: {  	_ =	shalt  }
0x7a: {  	_ =	shalt  }
0x7b: {  	_ =	shalt  }
0x7c: {  	_ =	shalt  }
0x7d: {  	_ =	shalt  }
0x7e: {  	_ =	shalt  }
0x7f: {  	_ =	shalt  }
0x80: {  	_ =	shalt  }
0x81: {  	_ =	shalt  }
0x82: {  	_ =	shalt  }
0x83: {  	_ =	shalt  }
0x84: {  	_ =	shalt  }
0x85: {  	_ =	shalt  }
0x86: {  	_ =	shalt  }
0x87: {  	_ =	shalt  }
.Lfunc_end0:
.L_simem_size_0:
called_computation_lowered:
.L_overlay_start_0:
0x88: {  	s2 =	sld [smem:$0x3FD9]  }
0x89: {  	s3 =	sld [smem:$0x3FFE];
	_ =	sdelay $0x1  }
0x8a: {  	s1 =	srdreg.scid  }
0x8b: {  	s0 =	sand.u32 $0x1, s1  }
0x8c: {  	s14 =	sshll.u32 s0, $0xA;
	s2 =	sadd.s32 s3, s2  }
0x8d: {  	s2 =	sadd.s32 s2, s14  }
0x8e: {  	[smem:$0x3FC2] =	sst s2  }
0x8f: {  	_ = 	snop  }
0x90: {  	s2 =	sld [smem:$0x3FD0]  }
0x91: {  	s15 =	sld [smem:$0x3FC9]  }
0x92: {  	s4 =	sld [smem:$0x3FC8]  }
0x93: {  	s6 =	simm.s32 $0xA;
	s7 =	simm.s32 $0x10;
	s5 =	sld [smem:$0x3FC7]  }
0x94: {  	[smem:s7], [sflag:s6] =	dma.local [hbm:s2], $0x1  }
0x95: {  	_ =	swait.eq [sflag:s6], $0x1  }
0x96: {  	[sflag:s6] =	ssyncset.done $0x0  }
0x97: {  	s16 =	sld [smem:$0x10];
	[sflag:s6] =	ssyncadd.s32 $0xFFFFFFFF  }
0x98: {  	s17 =	sld [smem:$0x11];
	(tm) =	ssettm $0x1  }
0x99: {  	s18 =	sld [smem:$0x3FFB];
	_ =	sdelay $0x3  }
0x9a: {  	_ =	strace s18  }
0x9b: {  	s7 =	sld [smem:$0x3FFC];
	_ =	sdelay $0x3  }
0x9c: {  	_ =	strace s7  }
0x9d: {  	s7 =	sld [smem:$0x3FFD];
	_ =	sdelay $0x3  }
0x9e: {  	_ =	strace s7  }
0x9f: {  	_ =	strace $0x8FFFFFFF  }
0xa0: {  	s19 =	sld [smem:$0x3FDB];
	_ =	sdelay $0x1  }
0xa1: {  	s8 =	simm.s32 $_scs_section_size  }
0xa2: {  	s9 =	simm.s32 $_size__tile_overlayer_lowered;
	s10 =	simm.s32 $_tile_overlayer_lowered  }
0xa3: {  	s22 =	simm.s32 $0x1BFF;
	s21 =	sshll.u32 s10, $0x1;
	s7 =	sadd.s32 s8, s19  }
0xa4: {  	s11 =	simm.s32 $0x0;
	s20 =	sshll.u32 s9, $0x1;
	s9 =	sadd.s32 s21, s7  }
0xa5: {  	[timem:s11], [sflag:s22] =	dma.local [hbm:s9], s20  }
0xa6: {  	_ =	swait.ge [sflag:s22], s20  }
0xa7: {  	s8 =	ssub.s32 $0x0, s20;
	[sflag:s22] =	ssyncset.done $0x0  }
0xa8: {  	[sflag:s22] =	ssyncadd.s32 s8;
	_ =	sdelay $0x1  }
0xa9: {  	s23 =	simm.s32 $0x1B8B  }
0xaa: {  	_ =	swait.ge [sflag:s23], $0x1  }
0xab: {  	[sflag:s23] =	ssyncset.done $0x0  }
0xac: {  	s25 =	simm.s32 $0x1B8E;
	s24 =	sld [smem:$0x3FFE];
	[sflag:s23] =	ssyncadd.s32 $0xFFFFFFFF  }
0xad: {  	s26 =	simm.s32 $execute0_lowered;
	[smem:$0x3FD2] =	sst s25  }
0xae: {  	s9 =	sshll.u32 s26, $0x1;
	_ =	strace $0x80000046;
	[dreg:$0x1] =	wrdreg $0xFFFFFFFF  }
0xaf: {  	s28 =	simm.s32 $_size_execute0_lowered;
	s7 =	sadd.s32 s7, s9;
	[dreg:$0x0] =	wrdreg $0x0  }
0xb0: {  	s9 =	sshll.u32 s28, $0x1;
	[dreg:$0x2] =	wrdreg s7  }
0xb1: {  	[dreg:$0x3] =	wrdreg s9  }
0xb2: {  	[dreg:$0x4] =	wrdreg $0xC0  }
0xb3: {  	_ =	task [dreg:s11], $0x5FFFF  }
0xb4: {  	[dreg:$0x1] =	wrdreg $0xFFFFFFFF  }
0xb5: {  	[dreg:$0x0] =	wrdreg $0x60  }
0xb6: {  	[dreg:$0x2] =	wrdreg s15  }
0xb7: {  	[dreg:$0x3] =	wrdreg s4  }
0xb8: {  	[dreg:$0x4] =	wrdreg s5  }
0xb9: {  	[dreg:$0x5] =	wrdreg s17  }
0xba: {  	[dreg:$0x6] =	wrdreg s24  }
0xbb: {  	[dreg:$0x7] =	wrdreg s16  }
0xbc: {  	[dreg:$0x8] =	wrdreg $0x9  }
0xbd: {  	_ =	task.clear_ibuf [dreg:s11], $0x9FFFF;
	_ =	strace $0x90000046  }
0xbe: {  	s29 =	simm.s32 $0x9;
	_ =	strace $0x80000048  }
0xbf: {  	_ =	swait.ge [sflag:s29], $0x1  }
0xc0: {  	[sflag:s29] =	ssyncadd.s32 $0xFFFFFFFF  }
0xc1: {  	_ =	strace $0x90000048  }
0xc2: {  	_ =	sfence  }
0xc3: {  	s30 =	sld [smem:$0x0];
	_ =	sdelay $0x2  }
0xc4: {  	s31 =	sshll.u32 s1, $0xD;
	s1 =	sshrl.u32 s1, $0x2  }
0xc5: {  	s3 =	sand.u32 $0x4000, s31;
	s1 =	sadd.s32 s1, s30  }
0xc6: {  	s0 =	sor.u32 s3, s0;
	s1 =	sshll.u32 s1, $0x11  }
0xc7: {  	s0 =	sor.u32 s1, s0  }
0xc8: {  	s0 =	sadd.s32 $0x8F2B, s0  }
0xc9: {  	[sflag:s0] =	ssyncadd.remote.s32 $0x1  }
0xca: {  	_ =	sfence.sel $0xFFFF  }
0xcb: {  	[dreg:$0x0] =	wrdreg $0xFFFFFFFF;
	(pc) =	sbr.abs _section_cstart, $3  }
0xcc: {  	[dreg:$0x1] =	wrdreg $0xFFFFFFFF  }
0xcd: {  	_ =	task.clear_ibuf [dreg:s11], $0x2FFFF;
	_ =	strace $0x9FFFFFFF  }
0xce: {  	(tm) =	ssettm $0x7FFFFFFF  }
0xcf: {  	_ =	shalt  }
tec
execute0_lowered:
.L_overlay_start_1:
0x0: {  	(tag) =	ssettag $0x1  }
0x1: {  	s0 =	srdreg.scid  }
0x2: {  	s2 =	rddreg [dreg:$0x0];
	s3 =	stileid.u32  }
0x3: {  	s1 =	simm.s32 $0x0;
	s0 =	sand.u32 $0x1, s0;
	s3 =	sshll.u32 s3, $0x1  }
0x4: {  	[smem:$0x7FF] =	sst s1;
	s4 =	ssub.s32 $0x2, s0;
	s3 =	sor.u32 s0, s3  }
0x5: {  	s25 =	sshrl.u32 s4, $0x1;
	s26 =	sshll.u32 s3, $0x9;
	s5 =	sshll.u32 s3, $0xD  }
0x6: {  	s0 =	ssub.s32 s4, s25;
	s5 =	sadd.s32 s2, s5;
	s28 =	sor.u32 $0x20, s26  }
0x7: {  	s6 =	sor.u32 $0x40, s26;
	s9 =	sor.u32 $0x60, s26;
	s31 =	sor.u32 $0x80, s26  }
0x8: {  	s12 =	sor.u32 $0xC0, s26;
	s15 =	sor.u32 $0x120, s26;
	s25 =	rddreg [dreg:$0x5]  }
0x9: {  	s22 =	sor.u32 $0x1A0, s26;
	s4 =	sor.u32 $0x1E0, s26;
	[dreg:$0x7] =	wrdreg s5  }
0xa: {  	s7 =	sshll.u32 s28, $0x4;
	s8 =	sshll.u32 s6, $0x4;
	s30 =	sshll.u32 s9, $0x4  }
0xb: {  	s10 =	sshll.u32 s31, $0x4;
	s17 =	sshll.u32 s12, $0x4;
	s19 =	sshll.u32 s15, $0x4  }
0xc: {  	s24 =	sshll.u32 s4, $0x4;
	s5 =	sshll.u32 s28, $0x7;
	s28 =	sshll.u32 s6, $0x7  }
0xd: {  	s31 =	sshll.u32 s31, $0x7;
	s4 =	sshll.u32 s4, $0x7;
	s7 =	sadd.s32 s2, s7  }
0xe: {  	s29 =	sadd.s32 s2, s8;
	s8 =	sor.u32 $0xA0, s26;
	[dreg:$0x8] =	wrdreg s7  }
0xf: {  	s10 =	sadd.s32 s2, s10;
	s5 =	sadd.s32 s25, s5;
	[dreg:$0x9] =	wrdreg s29  }
0x10: {  	s7 =	sadd.s32 s2, s30;
	s11 =	sshll.u32 s8, $0x4;
	[dreg:$0xb] =	wrdreg s10  }
0x11: {  	s10 =	sadd.s32 s2, s17;
	[dreg:$0x18] =	wrdreg s5;
	s29 =	sshll.u32 s9, $0x7  }
0x12: {  	s5 =	sadd.s32 s25, s28;
	s6 =	sshll.u32 s8, $0x7;
	[dreg:$0xa] =	wrdreg s7  }
0x13: {  	s16 =	sadd.s32 s2, s11;
	[dreg:$0xd] =	wrdreg s10;
	s10 =	sor.u32 $0xE0, s26  }
0x14: {  	s11 =	sor.u32 $0x100, s26;
	[dreg:$0x19] =	wrdreg s5;
	s30 =	sadd.s32 s25, s29  }
0x15: {  	s5 =	sadd.s32 s25, s31;
	s7 =	sshll.u32 s12, $0x7;
	[dreg:$0xc] =	wrdreg s16  }
0x16: {  	s13 =	sshll.u32 s10, $0x4;
	s14 =	sshll.u32 s11, $0x4;
	[dreg:$0x1a] =	wrdreg s30  }
0x17: {  	[dreg:$0x1b] =	wrdreg s5;
	s5 =	sadd.s32 s25, s6;
	s8 =	sadd.s32 s25, s7  }
0x18: {  	s9 =	sshll.u32 s10, $0x7;
	s10 =	sshll.u32 s11, $0x7;
	[dreg:$0x1c] =	wrdreg s5  }
0x19: {  	s11 =	sshll.u32 s15, $0x7;
	s13 =	sadd.s32 s2, s13;
	[dreg:$0x1d] =	wrdreg s8  }
0x1a: {  	s18 =	sadd.s32 s2, s14;
	s14 =	sor.u32 $0x160, s26;
	[dreg:$0xe] =	wrdreg s13  }
0x1b: {  	s5 =	sadd.s32 s25, s9;
	s12 =	sadd.s32 s25, s11;
	[dreg:$0xf] =	wrdreg s18  }
0x1c: {  	s13 =	sadd.s32 s2, s19;
	s17 =	sshll.u32 s14, $0x4;
	[dreg:$0x1e] =	wrdreg s5  }
0x1d: {  	s18 =	sor.u32 $0x180, s26;
	s19 =	sshll.u32 s22, $0x4;
	[smem:$0x7F2] =	sst s12  }
0x1e: {  	s5 =	sadd.s32 s25, s10;
	[dreg:$0x10] =	wrdreg s13;
	s13 =	sor.u32 $0x140, s26  }
0x1f: {  	s20 =	sadd.s32 s2, s17;
	s17 =	sor.u32 $0x1C0, s26;
	[dreg:$0x1f] =	wrdreg s5  }
0x20: {  	s19 =	sadd.s32 s2, s19;
	s26 =	sshll.u32 s3, $0x10;
	[dreg:$0x12] =	wrdreg s20  }
0x21: {  	s6 =	simm.s32 $0x12800;
	[dreg:$0x14] =	wrdreg s19;
	s19 =	sadd.s32 s25, s26  }
0x22: {  	s11 =	simm.s32 $0x12000;
	s16 =	sshll.u32 s13, $0x4;
	[dreg:$0x17] =	wrdreg s19  }
0x23: {  	s20 =	sshll.u32 s17, $0x4;
	s16 =	sadd.s32 s2, s16;
	s19 =	rddreg [dreg:$0x1]  }
0x24: {  	s13 =	sshll.u32 s13, $0x7;
	s23 =	sadd.s32 s2, s20;
	[dreg:$0x11] =	wrdreg s16  }
0x25: {  	s15 =	sshll.u32 s14, $0x7;
	s5 =	sadd.s32 s25, s13;
	[dreg:$0x15] =	wrdreg s23  }
0x26: {  	s22 =	sshll.u32 s22, $0x7;
	s21 =	sshll.u32 s18, $0x4;
	[smem:$0x7F3] =	sst s5  }
0x27: {  	s10 =	smax.u32 s0, $0x1;
	s16 =	sadd.s32 s2, s21;
	s21 =	rddreg [dreg:$0x2]  }
0x28: {  	s12 =	simm.s32 $0x5;
	s2 =	sadd.s32 s2, s24;
	s24 =	rddreg [dreg:$0x4]  }
0x29: {  	s14 =	simm.s32 $0x3;
	s3 =	sshll.u32 s3, $0x6;
	[dreg:$0x13] =	wrdreg s16  }
0x2a: {  	s20 =	sshll.u32 s18, $0x7;
	s5 =	sadd.s32 s25, s15;
	[dreg:$0x16] =	wrdreg s2  }
0x2b: {  	s13 =	simm.s32 $0x1000;
	[smem:$0x7F4] =	sst s5;
	s5 =	sadd.s32 s25, s20  }
0x2c: {  	s18 =	simm.s32 $0xA000;
	s2 =	sadd.s32 s25, s4;
	[smem:$0x7F5] =	sst s5  }
0x2d: {  	s23 =	sshll.u32 s17, $0x7;
	s5 =	sadd.s32 s25, s22;
	[smem:$0x7F8] =	sst s2  }
0x2e: {  	s15 =	simm.s32 $0x1;
	[smem:$0x7F6] =	sst s5;
	s5 =	sadd.s32 s25, s23  }
0x2f: {  	s17 =	simm.s32 $0x4;
	s25 =	sadd.s32 s19, s3;
	[smem:$0x7F7] =	sst s5  }
0x30: {  	s26 =	sadd.s32 s21, s3;
	_ =	strace $0x80000047;
	[smem:$0x7F9] =	sst s25  }
0x31: {  	s28 =	sadd.s32 s3, s24;
	s29 =	sadd.s32 $0xA00, s24;
	[smem:$0x7FA] =	sst s26  }
0x32: {  	s30 =	sadd.s32 $0x800, s24;
	s16 =	simm.s32 $0x2000;
	[smem:$0x7FB] =	sst s29  }
0x33: {  	s20 =	simm.s32 $0x0;
	s31 =	sadd.s32 $0xC00, s28;
	[smem:$0x7FC] =	sst s30  }
0x34: {  	s9 =	sadd.s32 $0x1400, s28;
	s19 =	simm.s32 $0x2;
	[smem:$0x7FD] =	sst s31  }
.LBB2_1:
0x35: {  	s0 =	rddreg [dreg:$0x3]  }
0x36: {  	[tilespmem:s11], [sflag:$0x5] =	stream.linear.gather [hbm4b:s0+s1], $0x300, $0x38;
	[tilespmem:$0x12C00] =	vst v63  }
0x37: {  	_ =	swait.ge [sflag:s12], $0x300  }
0x38: {  	s25 =	sld [smem:$0x7FB]  }
0x39: {  	[sflag:s12] =	ssyncset.done $0x0  }
0x3a: {  	s2 =	simm.s32 $0x12300;
	[sflag:s12] =	ssyncadd.s32 $0xFFFFFD00  }
0x3b: {  	[tilespmem:s2], [sflag:$0x5] =	stream.linear.gather [hbm4b:s25+s1], $0xC, $0x38;
	[tilespmem:$0x12C00] =	vst v63  }
0x3c: {  	_ =	swait.ge [sflag:s12], $0xC  }
0x3d: {  	s26 =	sld [smem:$0x7FC]  }
0x3e: {  	[sflag:s12] =	ssyncset.done $0x0  }
0x3f: {  	s28 =	simm.s32 $0x12380;
	[sflag:s12] =	ssyncadd.s32 $0xFFFFFFF4  }
0x40: {  	[tilespmem:s28], [sflag:$0x5] =	stream.linear.gather [hbm4b:s26+s1], $0x4, $0x38;
	[tilespmem:$0x12C00] =	vst v63  }
0x41: {  	_ =	swait.ge [sflag:s12], $0x4  }
0x42: {  	s29 =	sld [smem:$0x7F9]  }
0x43: {  	[sflag:s12] =	ssyncset.done $0x0  }
0x44: {  	s21 =	simm.s32 $0x12400;
	[sflag:s12] =	ssyncadd.s32 $0xFFFFFFFC  }
0x45: {  	[tilespmem:s21], [sflag:$0x5] =	stream.linear.gather [hbm4b:s29+s1], $0x200, $0x38;
	[tilespmem:$0x12C00] =	vst v63  }
0x46: {  	_ =	swait.ge [sflag:s12], $0x200  }
0x47: {  	s30 =	sld [smem:$0x7FA]  }
0x48: {  	[sflag:s12] =	ssyncset.done $0x0  }
0x49: {  	s22 =	simm.s32 $0x12600;
	[sflag:s12] =	ssyncadd.s32 $0xFFFFFE00  }
0x4a: {  	[tilespmem:s22], [sflag:$0x5] =	stream.linear.gather [hbm4b:s30+s1], $0x200, $0x38;
	[tilespmem:$0x12C00] =	vst v63  }
0x4b: {  	_ =	swait.ge [sflag:s12], $0x200  }
0x4c: {  	[sflag:s12] =	ssyncset.done $0x0  }
0x4d: {  	[sflag:s12] =	ssyncadd.s32 $0xFFFFFE00  }
0x4e: {  	v2 =	vld [tilespmem:$0x12300];
	_ =	sdelay $0x4  }
0x4f: {  	(erf) = vrcp.f32 v2;
	_ =	sdelay $0x3  }
0x50: {  	v0 =	vld [tilespmem:$0x12380]  }
0x51: {  	v3 =	vld [tilespmem:$0x12000]  }
0x52: {  	v4 =	vld [tilespmem:$0x12010]  }
0x53: {  	v5 =	vld [tilespmem:$0x12020]  }
0x54: {  	v7 =	vld [tilespmem:$0x12030];
	v6 =	vbroadcast v2, $0x0  }
0x55: {  	v8 =	vld [tilespmem:$0x12040];
	v1 =	vpop (erf)  }
0x56: {  	v10 =	vld [tilespmem:$0x12050];
	v3 =	vsub.f32 v3, v6;
	v9 =	vbroadcast v1, $0x1  }
0x57: {  	v11 =	vld [tilespmem:$0x12060];
	v4 =	vsub.f32 v4, v6  }
0x58: {  	v12 =	vld [tilespmem:$0x12070];
	v5 =	vsub.f32 v5, v6;
	v3 =	vmul.f32 v3, v9  }
0x59: {  	v13 =	vld [tilespmem:$0x12080];
	v7 =	vsub.f32 v7, v6;
	v4 =	vmul.f32 v4, v9  }
0x5a: {  	v31 =	vld [tilespmem:$0x12090];
	[tilespmem:$0x12000] =	vst v3;
	v3 =	vmul.f32 v5, v9;
	v5 =	vsub.f32 v8, v6  }
0x5b: {  	v32 =	vld [tilespmem:$0x120A0];
	v14 =	vbroadcast v2, $0x2;
	[tilespmem:$0x12010] =	vst v4;
	v4 =	vmul.f32 v7, v9;
	v7 =	vsub.f32 v10, v6  }
0x5c: {  	[tilespmem:$0x12020] =	vst v3;
	v3 =	vmul.f32 v5, v9;
	v5 =	vsub.f32 v11, v6;
	v6 =	vld [tilespmem:$0x120B0]  }
0x5d: {  	v34 =	vld [tilespmem:$0x120C0];
	v33 =	vbroadcast v1, $0x3;
	[tilespmem:$0x12030] =	vst v4;
	v4 =	vmul.f32 v7, v9;
	v7 =	vsub.f32 v12, v14  }
0x5e: {  	v35 =	vld [tilespmem:$0x120D0];
	[tilespmem:$0x12040] =	vst v3;
	v3 =	vmul.f32 v5, v9;
	v5 =	vsub.f32 v13, v14  }
0x5f: {  	v36 =	vld [tilespmem:$0x120E0];
	[tilespmem:$0x12050] =	vst v4;
	v4 =	vmul.f32 v7, v33;
	v7 =	vsub.f32 v31, v14  }
0x60: {  	v37 =	vld [tilespmem:$0x120F0];
	[tilespmem:$0x12060] =	vst v3;
	v3 =	vmul.f32 v5, v33;
	v5 =	vsub.f32 v32, v14  }
0x61: {  	[tilespmem:$0x12070] =	vst v4;
	v4 =	vmul.f32 v7, v33;
	v7 =	vld [tilespmem:$0x12100];
	v6 =	vsub.f32 v6, v14  }
0x62: {  	v39 =	vld [tilespmem:$0x12110];
	v38 =	vbroadcast v2, $0x4;
	[tilespmem:$0x12080] =	vst v3;
	v3 =	vmul.f32 v5, v33;
	v5 =	vsub.f32 v34, v14  }
0x63: {  	v40 =	vld [tilespmem:$0x12120];
	[tilespmem:$0x12090] =	vst v4;
	v4 =	vmul.f32 v6, v33;
	v6 =	vsub.f32 v35, v14  }
0x64: {  	v42 =	vld [tilespmem:$0x12130];
	v41 =	vbroadcast v1, $0x5;
	[tilespmem:$0x120A0] =	vst v3;
	v3 =	vmul.f32 v5, v33;
	v5 =	vsub.f32 v36, v38  }
0x65: {  	v43 =	vld [tilespmem:$0x12140];
	[tilespmem:$0x120B0] =	vst v4;
	v4 =	vmul.f32 v6, v33;
	v6 =	vsub.f32 v37, v38  }
0x66: {  	[tilespmem:$0x120C0] =	vst v3;
	v3 =	vmul.f32 v5, v41;
	v5 =	vsub.f32 v7, v38;
	v7 =	vld [tilespmem:$0x12150]  }
0x67: {  	v44 =	vld [tilespmem:$0x12160];
	[tilespmem:$0x120D0] =	vst v4;
	v4 =	vmul.f32 v6, v41;
	v6 =	vsub.f32 v39, v38  }
0x68: {  	v45 =	vld [tilespmem:$0x12170];
	[tilespmem:$0x120E0] =	vst v3;
	v3 =	vmul.f32 v5, v41;
	v5 =	vsub.f32 v40, v38  }
0x69: {  	v47 =	vld [tilespmem:$0x12180];
	v46 =	vbroadcast v2, $0x6;
	[tilespmem:$0x120F0] =	vst v4;
	v4 =	vmul.f32 v6, v41;
	v6 =	vsub.f32 v42, v38  }
0x6a: {  	v48 =	vld [tilespmem:$0x12190];
	[tilespmem:$0x12100] =	vst v3;
	v3 =	vmul.f32 v5, v41;
	v5 =	vsub.f32 v43, v38  }
0x6b: {  	v49 =	vbroadcast v1, $0x7;
	[tilespmem:$0x12110] =	vst v4;
	v4 =	vmul.f32 v6, v41;
	v6 =	vsub.f32 v7, v46;
	v7 =	vld [tilespmem:$0x121A0]  }
0x6c: {  	v50 =	vld [tilespmem:$0x121B0];
	[tilespmem:$0x12120] =	vst v3;
	v3 =	vmul.f32 v5, v41;
	v5 =	vsub.f32 v44, v46  }
0x6d: {  	v51 =	vld [tilespmem:$0x121C0];
	[tilespmem:$0x12130] =	vst v4;
	v4 =	vmul.f32 v6, v49;
	v6 =	vsub.f32 v45, v46  }
0x6e: {  	v52 =	vld [tilespmem:$0x121D0];
	[tilespmem:$0x12140] =	vst v3;
	v3 =	vmul.f32 v5, v49;
	v5 =	vsub.f32 v47, v46  }
0x6f: {  	v53 =	vld [tilespmem:$0x121E0];
	[tilespmem:$0x12150] =	vst v4;
	v4 =	vmul.f32 v6, v49;
	v6 =	vsub.f32 v48, v46  }
0x70: {  	v54 =	vbroadcast v2, $0x8;
	[tilespmem:$0x12160] =	vst v3;
	v3 =	vmul.f32 v5, v49;
	v5 =	vsub.f32 v7, v46;
	v7 =	vld [tilespmem:$0x121F0]  }
0x71: {  	v55 =	vld [tilespmem:$0x12200];
	[tilespmem:$0x12170] =	vst v4;
	v4 =	vmul.f32 v6, v49;
	v6 =	vsub.f32 v50, v46  }
0x72: {  	v57 =	vld [tilespmem:$0x12210];
	v56 =	vbroadcast v1, $0x9;
	[tilespmem:$0x12180] =	vst v3;
	v3 =	vmul.f32 v5, v49;
	v5 =	vsub.f32 v51, v54  }
0x73: {  	v58 =	vld [tilespmem:$0x12220];
	[tilespmem:$0x12190] =	vst v4;
	v4 =	vmul.f32 v6, v49;
	v6 =	vsub.f32 v52, v54  }
0x74: {  	v59 =	vld [tilespmem:$0x12230];
	[tilespmem:$0x121A0] =	vst v3;
	v3 =	vmul.f32 v5, v56;
	v5 =	vsub.f32 v53, v54  }
0x75: {  	[tilespmem:$0x121B0] =	vst v4;
	v4 =	vmul.f32 v6, v56;
	v6 =	vsub.f32 v7, v54;
	v7 =	vld [tilespmem:$0x12240]  }
0x76: {  	v60 =	vld [tilespmem:$0x12250];
	[tilespmem:$0x121C0] =	vst v3;
	v3 =	vmul.f32 v5, v56;
	v5 =	vsub.f32 v55, v54  }
0x77: {  	v61 =	vld [tilespmem:$0x12260];
	v2 =	vbroadcast v2, $0xA;
	[tilespmem:$0x121D0] =	vst v4;
	v4 =	vmul.f32 v6, v56;
	v6 =	vsub.f32 v57, v54  }
0x78: {  	v62 =	vld [tilespmem:$0x12270];
	[tilespmem:$0x121E0] =	vst v3;
	v3 =	vmul.f32 v5, v56;
	v5 =	vsub.f32 v58, v54  }
0x79: {  	v63 =	vld [tilespmem:$0x12280];
	v1 =	vbroadcast v1, $0xB;
	[tilespmem:$0x121F0] =	vst v4;
	v4 =	vmul.f32 v6, v56;
	v6 =	vsub.f32 v59, v2  }
0x7a: {  	[tilespmem:$0x12200] =	vst v3;
	v3 =	vmul.f32 v5, v56;
	v5 =	vsub.f32 v7, v2;
	v7 =	vld [tilespmem:$0x12290]  }
0x7b: {  	[tilespmem:$0x12210] =	vst v4;
	v4 =	vmul.f32 v6, v1;
	v6 =	vsub.f32 v60, v2  }
0x7c: {  	[tilespmem:$0x12220] =	vst v3;
	v3 =	vmul.f32 v5, v1;
	v5 =	vsub.f32 v61, v2  }
0x7d: {  	[tilespmem:$0x12230] =	vst v4;
	v4 =	vmul.f32 v6, v1;
	v6 =	vsub.f32 v62, v2  }
0x7e: {  	[tilespmem:$0x12240] =	vst v3;
	v3 =	vmul.f32 v5, v1;
	v5 =	vsub.f32 v63, v2  }
0x7f: {  	(erf) = vrcp.f32 v0;
	[tilespmem:$0x12250] =	vst v4;
	v4 =	vmul.f32 v6, v1;
	v2 =	vsub.f32 v7, v2  }
0x80: {  	[tilespmem:$0x12260] =	vst v3;
	v3 =	vmul.f32 v5, v1  }
0x81: {  	[tilespmem:$0x12270] =	vst v4;
	v1 =	vmul.f32 v2, v1  }
0x82: {  	[tilespmem:$0x12280] =	vst v3  }
0x83: {  	[tilespmem:$0x12290] =	vst v1  }
0x84: {  	v3 =	vld [tilespmem:s21+$0x0]  }
0x85: {  	v4 =	vld [tilespmem:s22+$0x0];
	_ =	sdelay $0x1  }
0x86: {  	v1 =	vbroadcast v0, $0x0  }
0x87: {  	v2 =	vbroadcast v0, $0x2;
	v5 =	vpop (erf)  }
0x88: {  	v0 =	vbroadcast v5, $0x1;
	v6 =	vsub.f32 v3, v1  }
0x89: {  	v3 =	vbroadcast v5, $0x3;
	v4 =	vsub.f32 v4, v2  }
0x8a: {  	v5 =	vmul.f32 v6, v0  }
0x8b: {  	v4 =	vmul.f32 v4, v3  }
0x8c: {  	s31 =	sand.u32 $0x1F0, s1;
	[tilespmem:s6+$0x0] =	vst v5  }
0x8d: {  	s2 =	simm.s32 $0x12410;
	[tilespmem:s31+$0x12A00] =	vst v4  }
0x8e: {  	s4 =	simm.s32 $0x12610;
	v4 =	vld [tilespmem:s2+$0x0]  }
0x8f: {  	s5 =	simm.s32 $0x20;
	s3 =	simm.s32 $0x12800;
	s0 =	simm.s32 $0x10;
	v5 =	vld [tilespmem:s4+$0x0]  }
.LBB2_2:
0x90: {  	p0 =	sne.s32 s5, $0x1F0;
	_ =	sdelay $0x2  }
0x91: {  	v4 =	vsub.f32 v4, v1  }
0x92: {  	v5 =	vsub.f32 v5, v2  }
0x93: {  	v4 =	vmul.f32 v4, v0  }
.Ltmp0:
0x94: {  	s3 =	sadd.s32 $0x10, s3;
	v5 =	vmul.f32 v5, v3;
	(pc) =	sbr.rel @p0 .LBB2_2-.Ltmp0, $4  }
0x95: {  	s21 =	sand.u32 $0x1F0, s0;
	s0 =	smov.u32 s5;
	[tilespmem:s3+$0x0] =	vst v4  }
0x96: {  	s2 =	sadd.s32 $0x10, s2;
	[tilespmem:s21+$0x12A00] =	vst v5  }
0x97: {  	s4 =	sadd.s32 $0x10, s4;
	v4 =	vld [tilespmem:s2+$0x0]  }
0x98: {  	s5 =	sadd.s32 $0x10, s5;
	v5 =	vld [tilespmem:s4+$0x0]  }
0x99: {  	_ =	sdelay $0x2  }
0x9a: {  	v1 =	vsub.f32 v4, v1  }
0x9b: {  	v2 =	vsub.f32 v5, v2  }
0x9c: {  	v0 =	vmul.f32 v1, v0  }
0x9d: {  	s2 =	sadd.s32 $0x10, s3;
	s21 =	sld [smem:$0x7FD];
	v1 =	vmul.f32 v2, v3  }
0x9e: {  	s0 =	sand.u32 $0x1F0, s0;
	[tilespmem:s2+$0x0] =	vst v0  }
0x9f: {  	s8 =	simm.s32 $0x0;
	[tilespmem:s0+$0x12A00] =	vst v1  }
0xa0: {  	[hbm4b:s21+s8] =	stream.linear.scatter [tilespmem:s6], [sflag:$0x5], $0x200, $0x38;
	[tilespmem:$0x12C00] =	vst v63  }
0xa1: {  	_ =	swait.ge [sflag:s12], $0x200  }
0xa2: {  	[sflag:s12] =	ssyncset.done $0x0  }
0xa3: {  	s22 =	simm.s32 $0x12A00;
	[sflag:s12] =	ssyncadd.s32 $0xFFFFFE00  }
0xa4: {  	[hbm4b:s9+s8] =	stream.linear.scatter [tilespmem:s22], [sflag:$0x5], $0x200, $0x38;
	[tilespmem:$0x12C00] =	vst v63  }
0xa5: {  	_ =	swait.ge [sflag:s12], $0x200  }
0xa6: {  	[sflag:s12] =	ssyncset.done $0x0  }
0xa7: {  	s23 =	rddreg [dreg:$0x7];
	[sflag:s12] =	ssyncadd.s32 $0xFFFFFE00  }
0xa8: {  	[tilespmem:s8], [sflag:$0x3] =	stream.linear.gather [hbm4b:s23+s8], $0x1000, $0x38;
	[tilespmem:$0x12C00] =	vst v63  }
0xa9: {  	s25 =	simm.s32 $0x0;
	s24 =	rddreg [dreg:$0x8]  }
0xaa: {  	[tilespmem:s13], [sflag:$0x4] =	stream.linear.gather [hbm4b:s24+s8], $0x1000, $0x38;
	[tilespmem:$0x12C00] =	vst v63  }
0xab: {  	s26 =	sand.u32 $0x40, s25;
	_ =	swait.ge [sflag:s14], $0x1000  }
0xac: {  	s4 =	sor.u32 $0x30, s26;
	s2 =	sand.u32 $0xF80, s25;
	[sflag:s14] =	ssyncset.done $0x0  }
0xad: {  	s5 =	sor.u32 $0x10, s26;
	s21 =	sor.u32 s4, s2;
	[sflag:s14] =	ssyncadd.s32 $0xFFFFF000  }
0xae: {  	s22 =	sor.u32 s5, s2;
	s23 =	sor.u32 $0x20, s26;
	v3 =	vld [tilespmem:s21+$0x0]  }
0xaf: {  	s2 =	sor.u32 s23, s2;
	v4 =	vld [tilespmem:s22+$0x0]  }
0xb0: {  	v5 =	vld [tilespmem:s2+$0x0]  }
0xb1: {  	v0 =	vld [tilespmem:s8+$0x0];
	_ =	sdelay $0x4  }
0xb2: {  	v1 =	vld.idx.msk [tilespmem:v3+s11+$0x0], $0xffff  }
0xb3: {  	v6 =	vadd.s32 $0x70, v3;
	v2 =	vld.idx.msk [tilespmem:v4+s11+$0x0], $0xffff  }
0xb4: {  	s0 =	sand.u32 $0x7C00, s8;
	v7 =	vadd.s32 $0x70, v4;
	v8 =	vld.idx.msk [tilespmem:v5+s11+$0x0], $0xffff  }
0xb5: {  	s0 =	sadd.s32 $0x2000, s0;
	v10 =	vadd.s32 $0x70, v5;
	v9 =	vld.idx.msk [tilespmem:v0+s11+$0x0], $0xffff  }
0xb6: {  	s4 =	sor.u32 s4, s0;
	v11 =	vadd.s32 $0x70, v0  }
0xb7: {  	s7 =	sor.u32 s5, s0;
	[tilespmem:s4+$0x0] =	vst v1  }
0xb8: {  	s8 =	sor.u32 s23, s0;
	[tilespmem:s7+$0x0] =	vst v2;
	v1 =	vld.idx.msk [tilespmem:v6+s11+$0x0], $0xffff  }
0xb9: {  	s0 =	sor.u32 s26, s0;
	[tilespmem:s8+$0x0] =	vst v8;
	v2 =	vld.idx.msk [tilespmem:v7+s11+$0x0], $0xffff;
	v6 =	vadd.s32 $0xE0, v3  }
0xba: {  	[tilespmem:s0+$0x0] =	vst v9;
	v7 =	vadd.s32 $0xE0, v4;
	v8 =	vld.idx.msk [tilespmem:v10+s11+$0x0], $0xffff  }
0xbb: {  	v9 =	vadd.s32 $0xE0, v5;
	v10 =	vld.idx.msk [tilespmem:v11+s11+$0x0], $0xffff  }
0xbc: {  	s21 =	simm.s32 $0x40;
	v11 =	vadd.s32 $0xE0, v0  }
0xbd: {  	[tilespmem:s4+$0x80] =	vst v1;
	v1 =	vld [tilespmem:s21+$0x0]  }
0xbe: {  	[tilespmem:s7+$0x80] =	vst v2;
	s21 =	simm.s32 $0x40;
	v6 =	vld.idx.msk [tilespmem:v6+s11+$0x0], $0xffff  }
0xbf: {  	[tilespmem:s8+$0x80] =	vst v8;
	v7 =	vld.idx.msk [tilespmem:v7+s11+$0x0], $0xffff;
	s3 =	sand.u32 $0x40, s21  }
0xc0: {  	v8 =	vadd.s32 $0x150, v3;
	[tilespmem:s0+$0x80] =	vst v10;
	v9 =	vld.idx.msk [tilespmem:v9+s11+$0x0], $0xffff;
	s23 =	sand.u32 $0xF80, s21;
	s6 =	sor.u32 $0x30, s3  }
0xc1: {  	v10 =	vadd.s32 $0x150, v4;
	v11 =	vld.idx.msk [tilespmem:v11+s11+$0x0], $0xffff;
	s24 =	sor.u32 $0x10, s3;
	s25 =	sor.u32 s6, s23  }
0xc2: {  	v12 =	vadd.s32 $0x150, v5;
	s26 =	sor.u32 s24, s23;
	v2 =	vld [tilespmem:s25+$0x0];
	s25 =	sor.u32 $0x20, s3  }
0xc3: {  	v14 =	vadd.s32 $0x150, v0;
	v13 =	vld [tilespmem:s26+$0x0];
	s5 =	sor.u32 s25, s23  }
0xc4: {  	[tilespmem:s4+$0x100] =	vst v6;
	v18 =	vld [tilespmem:s5+$0x0]  }
0xc5: {  	[tilespmem:s7+$0x100] =	vst v7;
	v6 =	vld.idx.msk [tilespmem:v8+s11+$0x0], $0xffff  }
0xc6: {  	[tilespmem:s8+$0x100] =	vst v9;
	v7 =	vld.idx.msk [tilespmem:v10+s11+$0x0], $0xffff  }
0xc7: {  	[tilespmem:s0+$0x100] =	vst v11;
	v8 =	vadd.s32 $0x1C0, v3;
	v9 =	vld.idx.msk [tilespmem:v12+s11+$0x0], $0xffff  }
0xc8: {  	v11 =	vadd.s32 $0x1C0, v4;
	v10 =	vld.idx.msk [tilespmem:v14+s11+$0x0], $0xffff  }
0xc9: {  	v14 =	vadd.s32 $0x1C0, v5;
	v12 =	vld.idx.msk [tilespmem:v1+s11+$0x0], $0xffff  }
0xca: {  	v15 =	vld.idx.msk [tilespmem:v2+s11+$0x0], $0xffff  }
0xcb: {  	[tilespmem:s4+$0x180] =	vst v6;
	v6 =	vadd.s32 $0x1C0, v0;
	v16 =	vld.idx.msk [tilespmem:v13+s11+$0x0], $0xffff  }
0xcc: {  	p0 =	por $0x0, $0x0;
	s22 =	simm.s32 $0x200;
	s5 =	simm.s32 $0x1;
	v17 =	vadd.s32 $0x70, v2;
	[tilespmem:s7+$0x180] =	vst v7;
	v8 =	vld.idx.msk [tilespmem:v8+s11+$0x0], $0xffff  }
0xcd: {  	s5 =	simm.s32 @!p0 $0x0;
	v19 =	vadd.s32 $0x70, v13;
	s7 =	sand.u32 $0x7C00, s22;
	[tilespmem:s8+$0x180] =	vst v9;
	v11 =	vld.idx.msk [tilespmem:v11+s11+$0x0], $0xffff  }
0xce: {  	v3 =	vadd.s32 $0x230, v3;
	s5 =	sshll.u32 s5, $0x6;
	s8 =	sadd.s32 $0x2000, s7;
	v21 =	vld.idx.msk [tilespmem:v14+s11+$0x0], $0xffff  }
0xcf: {  	v22 =	vadd.s32 $0x70, v1;
	s4 =	sadd.s32 $0x0, s5;
	[tilespmem:s0+$0x180] =	vst v10;
	v7 =	vld.idx.msk [tilespmem:v18+s11+$0x0], $0xffff;
	s26 =	sor.u32 s6, s8  }
0xd0: {  	v20 =	vadd.s32 $0x70, v18;
	s5 =	sadd.s32 $0x30, s4;
	s24 =	sor.u32 s24, s8;
	[tilespmem:s26+$0x0] =	vst v15;
	v9 =	vld.idx.msk [tilespmem:v6+s11+$0x0], $0xffff  }
0xd1: {  	v4 =	vadd.s32 $0x230, v4;
	s6 =	sor.u32 $0x200, s5;
	[tilespmem:s24+$0x0] =	vst v16;
	v23 =	vld.idx.msk [tilespmem:v17+s11+$0x0], $0xffff  }
0xd2: {  	v24 =	vadd.s32 $0x230, v5;
	s23 =	sor.u32 s3, s8;
	[tilespmem:s6+$0x2000] =	vst v8;
	v15 =	vld.idx.msk [tilespmem:v19+s11+$0x0], $0xffff  }
0xd3: {  	s7 =	sadd.s32 $0x10, s4;
	s25 =	sor.u32 s25, s8;
	[tilespmem:s23+$0x0] =	vst v12;
	v14 =	vld.idx.msk [tilespmem:v3+s11+$0x0], $0xffff  }
0xd4: {  	s8 =	sadd.s32 $0x20, s4;
	s28 =	sor.u32 $0x200, s7;
	v17 =	vld.idx.msk [tilespmem:v22+s11+$0x0], $0xffff;
	v19 =	vadd.s32 $0xE0, v2;
	[tilespmem:s25+$0x0] =	vst v7  }
0xd5: {  	v5 =	vadd.s32 $0x1C0, v13;
	v10 =	vadd.s32 $0xE0, v13;
	s0 =	sor.u32 $0x200, s4;
	s29 =	sor.u32 $0x200, s8;
	v6 =	vadd.s32 $0x1C0, v18;
	[tilespmem:s28+$0x2000] =	vst v11;
	v16 =	vld.idx.msk [tilespmem:v20+s11+$0x0], $0xffff  }
0xd6: {  	s30 =	sor.u32 $0x280, s4;
	s2 =	sor.u32 $0x280, s7;
	s3 =	sor.u32 $0x280, s5;
	v11 =	vadd.s32 $0xE0, v18;
	[tilespmem:s29+$0x2000] =	vst v21;
	v7 =	vadd.s32 $0x150, v13;
	v3 =	vadd.s32 $0x230, v13;
	v13 =	vld.idx.msk [tilespmem:v4+s11+$0x0], $0xffff  }
0xd7: {  	s31 =	sor.u32 $0x280, s8;
	v8 =	vadd.s32 $0x150, v18;
	s29 =	simm.s32 $0x80;
	s28 =	simm.s32 $0x200;
	v4 =	vadd.s32 $0x230, v18;
	v18 =	vadd.s32 $0xE0, v1;
	v12 =	vld.idx.msk [tilespmem:v24+s11+$0x0], $0xffff;
	[tilespmem:s26+$0x80] =	vst v23  }
.LBB2_4:
0xd8: {  	v20 =	vadd.s32 $0x230, v0;
	[tilespmem:s3+$0x2000] =	vst v14;
	v0 =	vmov v1;
	v1 =	vld [tilespmem:s29+$0x0]  }
0xd9: {  	[tilespmem:s24+$0x80] =	vst v15;
	v14 =	vld.idx.msk [tilespmem:v19+s11+$0x0], $0xffff  }
0xda: {  	s21 =	sadd.s32 $0x40, s21;
	v10 =	vld.idx.msk [tilespmem:v10+s11+$0x0], $0xffff;
	[tilespmem:s25+$0x80] =	vst v16  }
0xdb: {  	s3 =	sand.u32 $0x40, s21;
	p1 =	slt.u32 s21, $0xFC0;
	v15 =	vadd.s32 $0x150, v2;
	[tilespmem:s23+$0x80] =	vst v17;
	v11 =	vld.idx.msk [tilespmem:v11+s11+$0x0], $0xffff  }
0xdc: {  	s6 =	sand.u32 $0xF80, s21;
	s4 =	sor.u32 $0x10, s3;
	s5 =	sor.u32 $0x30, s3;
	v16 =	vld.idx.msk [tilespmem:v18+s11+$0x0], $0xffff;
	[tilespmem:s0+$0x2000] =	vst v9  }
0xdd: {  	s7 =	sor.u32 s4, s6;
	s8 =	sor.u32 s5, s6;
	s0 =	sor.u32 $0x20, s3;
	v9 =	vld.idx.msk [tilespmem:v20+s11+$0x0], $0xffff;
	[tilespmem:s2+$0x2000] =	vst v13  }
0xde: {  	s2 =	sor.u32 s0, s6;
	v13 =	vld [tilespmem:s8+$0x0];
	[tilespmem:s31+$0x2000] =	vst v12  }
0xdf: {  	v17 =	vadd.s32 $0x150, v0;
	v12 =	vld [tilespmem:s7+$0x0];
	[tilespmem:s26+$0x100] =	vst v14  }
0xe0: {  	[tilespmem:s24+$0x100] =	vst v10;
	v14 =	vld.idx.msk [tilespmem:v15+s11+$0x0], $0xffff  }
0xe1: {  	v15 =	vld [tilespmem:s2+$0x0];
	[tilespmem:s25+$0x100] =	vst v11  }
0xe2: {  	v18 =	vadd.s32 $0x1C0, v2;
	[tilespmem:s23+$0x100] =	vst v16;
	v16 =	vld.idx.msk [tilespmem:v7+s11+$0x0], $0xffff  }
0xe3: {  	v19 =	vld.idx.msk [tilespmem:v8+s11+$0x0], $0xffff;
	[tilespmem:s30+$0x2000] =	vst v9  }
0xe4: {  	v20 =	vadd.s32 $0x70, v12;
	v10 =	vadd.s32 $0xE0, v12;
	v7 =	vadd.s32 $0x150, v12;
	v9 =	vld.idx.msk [tilespmem:v17+s11+$0x0], $0xffff  }
0xe5: {  	v21 =	vadd.s32 $0x1C0, v12;
	v22 =	vadd.s32 $0x230, v12;
	v17 =	vld.idx.msk [tilespmem:v1+s11+$0x0], $0xffff  }
0xe6: {  	v23 =	vadd.s32 $0x70, v15;
	v11 =	vadd.s32 $0xE0, v15;
	v8 =	vadd.s32 $0x150, v15;
	v24 =	vld.idx.msk [tilespmem:v13+s11+$0x0], $0xffff;
	[tilespmem:s26+$0x180] =	vst v14  }
0xe7: {  	p0 =	por !p0, !p0;
	v26 =	vadd.s32 $0x1C0, v0;
	s2 =	simm.s32 $0x1;
	v14 =	vadd.s32 $0x1C0, v15;
	v25 =	vadd.s32 $0x230, v15;
	v18 =	vld.idx.msk [tilespmem:v18+s11+$0x0], $0xffff  }
0xe8: {  	s22 =	sadd.s32 $0x200, s22;
	s2 =	simm.s32 @!p0 $0x0;
	v27 =	vadd.s32 $0x70, v13;
	v12 =	vld.idx.msk [tilespmem:v12+s11+$0x0], $0xffff;
	[tilespmem:s24+$0x180] =	vst v16  }
0xe9: {  	s6 =	sand.u32 $0x7C00, s22;
	s2 =	sshll.u32 s2, $0x6;
	v16 =	vld.idx.msk [tilespmem:v15+s11+$0x0], $0xffff;
	[tilespmem:s25+$0x180] =	vst v19;
	v15 =	vadd.s32 $0x230, v2;
	v2 =	vmov v13  }
0xea: {  	s6 =	sadd.s32 $0x2000, s6;
	s7 =	sadd.s32 s2, s28;
	s28 =	smov.u32 s22;
	[tilespmem:s23+$0x180] =	vst v9;
	v13 =	vld.idx.msk [tilespmem:v5+s11+$0x0], $0xffff;
	v5 =	vmov v21  }
0xeb: {  	s26 =	sor.u32 s5, s6;
	s24 =	sor.u32 s4, s6;
	s4 =	sadd.s32 $0x30, s7;
	v21 =	vld.idx.msk [tilespmem:v6+s11+$0x0], $0xffff;
	v6 =	vmov v14  }
0xec: {  	v28 =	vadd.s32 $0x70, v1;
	s25 =	sor.u32 s0, s6;
	s2 =	sor.u32 $0x200, s4;
	s23 =	sor.u32 s3, s6;
	[tilespmem:s26+$0x0] =	vst v24;
	v9 =	vld.idx.msk [tilespmem:v26+s11+$0x0], $0xffff  }
0xed: {  	s5 =	sadd.s32 $0x20, s7;
	s0 =	sor.u32 $0x200, s7;
	s3 =	sadd.s32 $0x10, s7;
	v24 =	vld.idx.msk [tilespmem:v27+s11+$0x0], $0xffff;
	[tilespmem:s2+$0x2000] =	vst v18  }
0xee: {  	s6 =	sor.u32 $0x200, s3;
	s2 =	sor.u32 $0x280, s3;
	s3 =	sor.u32 $0x200, s5;
	[tilespmem:s24+$0x0] =	vst v12;
	v14 =	vld.idx.msk [tilespmem:v15+s11+$0x0], $0xffff  }
.Ltmp1:
0xef: {  	s30 =	sor.u32 $0x280, s7;
	s31 =	sor.u32 $0x280, s5;
	v15 =	vld.idx.msk [tilespmem:v20+s11+$0x0], $0xffff;
	[tilespmem:s25+$0x0] =	vst v16;
	(pc) =	sbr.rel @p1 .LBB2_4-.Ltmp1, $4  }
0xf0: {  	v19 =	vadd.s32 $0xE0, v2;
	[tilespmem:s23+$0x0] =	vst v17;
	v16 =	vld.idx.msk [tilespmem:v23+s11+$0x0], $0xffff  }
0xf1: {  	v17 =	vld.idx.msk [tilespmem:v28+s11+$0x0], $0xffff;
	[tilespmem:s6+$0x2000] =	vst v13  }
0xf2: {  	v13 =	vld.idx.msk [tilespmem:v3+s11+$0x0], $0xffff;
	[tilespmem:s3+$0x2000] =	vst v21;
	v3 =	vmov v22  }
0xf3: {  	s29 =	sadd.s32 $0x40, s29;
	v18 =	vadd.s32 $0xE0, v1;
	s3 =	sor.u32 $0x280, s4;
	[tilespmem:s26+$0x80] =	vst v24;
	v12 =	vld.idx.msk [tilespmem:v4+s11+$0x0], $0xffff;
	v4 =	vmov v25  }
0xf4: {  	_ =	sdelay $0x3  }
0xf5: {  	[tilespmem:s24+$0x80] =	vst v15;
	v15 =	vld.idx.msk [tilespmem:v19+s11+$0x0], $0xffff  }
0xf6: {  	v10 =	vld.idx.msk [tilespmem:v10+s11+$0x0], $0xffff;
	[tilespmem:s25+$0x80] =	vst v16;
	v16 =	vadd.s32 $0x150, v2  }
0xf7: {  	[tilespmem:s23+$0x80] =	vst v17;
	v11 =	vld.idx.msk [tilespmem:v11+s11+$0x0], $0xffff  }
0xf8: {  	v17 =	vld.idx.msk [tilespmem:v18+s11+$0x0], $0xffff  }
0xf9: {  	v18 =	vadd.s32 $0x150, v1  }
0xfa: {  	[tilespmem:s26+$0x100] =	vst v15  }
0xfb: {  	[tilespmem:s24+$0x100] =	vst v10;
	v10 =	vld.idx.msk [tilespmem:v16+s11+$0x0], $0xffff  }
0xfc: {  	[tilespmem:s25+$0x100] =	vst v11;
	v7 =	vld.idx.msk [tilespmem:v7+s11+$0x0], $0xffff;
	v11 =	vadd.s32 $0x1C0, v2  }
0xfd: {  	[tilespmem:s23+$0x100] =	vst v17;
	v8 =	vld.idx.msk [tilespmem:v8+s11+$0x0], $0xffff  }
0xfe: {  	v15 =	vld.idx.msk [tilespmem:v18+s11+$0x0], $0xffff  }
0xff: {  	[tilespmem:s3+$0x2000] =	vst v14;
	v14 =	vadd.s32 $0x1C0, v1  }
0x100: {  	p0 =	por !p0, !p0;
	s3 =	simm.s32 $0x1;
	[tilespmem:s26+$0x180] =	vst v10  }
0x101: {  	v0 =	vadd.s32 $0x230, v0;
	s3 =	simm.s32 @!p0 $0x0;
	v10 =	vld.idx.msk [tilespmem:v11+s11+$0x0], $0xffff;
	[tilespmem:s24+$0x180] =	vst v7  }
0x102: {  	s3 =	sshll.u32 s3, $0x6;
	v2 =	vadd.s32 $0x230, v2;
	[tilespmem:s25+$0x180] =	vst v8;
	v5 =	vld.idx.msk [tilespmem:v5+s11+$0x0], $0xffff  }
0x103: {  	s3 =	sadd.s32 s3, s28;
	[tilespmem:s23+$0x180] =	vst v15;
	v6 =	vld.idx.msk [tilespmem:v6+s11+$0x0], $0xffff  }
0x104: {  	[tilespmem:s0+$0x2000] =	vst v9;
	s21 =	sadd.s32 $0x30, s3;
	v7 =	vld.idx.msk [tilespmem:v14+s11+$0x0], $0xffff  }
0x105: {  	[tilespmem:s2+$0x2000] =	vst v13;
	v1 =	vadd.s32 $0x230, v1;
	s4 =	sadd.s32 $0x10, s3;
	s22 =	sor.u32 $0x200, s21  }
0x106: {  	s5 =	sadd.s32 $0x20, s3;
	v0 =	vld.idx.msk [tilespmem:v0+s11+$0x0], $0xffff;
	s23 =	sor.u32 $0x200, s4;
	[tilespmem:s22+$0x2000] =	vst v10  }
0x107: {  	s6 =	sor.u32 $0x200, s5;
	v2 =	vld.idx.msk [tilespmem:v2+s11+$0x0], $0xffff;
	[tilespmem:s23+$0x2000] =	vst v5  }
0x108: {  	s24 =	sor.u32 $0x200, s3;
	v3 =	vld.idx.msk [tilespmem:v3+s11+$0x0], $0xffff;
	[tilespmem:s6+$0x2000] =	vst v6  }
0x109: {  	v4 =	vld.idx.msk [tilespmem:v4+s11+$0x0], $0xffff;
	[tilespmem:s24+$0x2000] =	vst v7  }
0x10a: {  	[tilespmem:s31+$0x2000] =	vst v12;
	v1 =	vld.idx.msk [tilespmem:v1+s11+$0x0], $0xffff  }
0x10b: {  	s0 =	sor.u32 $0x280, s21;
	[tilespmem:s30+$0x2000] =	vst v0  }
0x10c: {  	s25 =	sor.u32 $0x280, s4;
	[tilespmem:s0+$0x2000] =	vst v2  }
0x10d: {  	s26 =	sor.u32 $0x280, s5;
	[tilespmem:s25+$0x2000] =	vst v3  }
0x10e: {  	s4 =	sor.u32 $0x280, s3;
	[tilespmem:s26+$0x2000] =	vst v4  }
0x10f: {  	[tilespmem:s4+$0x2000] =	vst v1  }
0x110: {  	s5 =	simm.s32 $0x0;
	s2 =	rddreg [dreg:$0x17]  }
0x111: {  	[hbm4b:s2+s5] =	stream.linear.scatter [tilespmem:s16], [sflag:$0x1], $0x8000, $0x38;
	[tilespmem:$0x12C00] =	vst v63  }
0x112: {  	s21 =	simm.s32 $0x0;
	s8 =	rddreg [dreg:$0x9]  }
0x113: {  	[tilespmem:s5], [sflag:$0x3] =	stream.linear.gather [hbm4b:s8+s5], $0x1000, $0x38;
	[tilespmem:$0x12C00] =	vst v63  }
0x114: {  	s22 =	sand.u32 $0x40, s21;
	s2 =	sand.u32 $0xF80, s21;
	_ =	swait.ge [sflag:s17], $0x1000  }
0x115: {  	s23 =	sor.u32 $0x30, s22;
	s2 =	sor.u32 $0x1000, s2;
	[sflag:s17] =	ssyncset.done $0x0  }
0x116: {  	s24 =	sor.u32 $0x10, s22;
	s25 =	sor.u32 s23, s2;
	[sflag:s17] =	ssyncadd.s32 $0xFFFFF000  }
0x117: {  	s7 =	sor.u32 s24, s2;
	s8 =	sor.u32 $0x20, s22;
	v3 =	vld [tilespmem:s25+$0x0]  }
0x118: {  	s2 =	sor.u32 s8, s2;
	v4 =	vld [tilespmem:s7+$0x0]  }
0x119: {  	s26 =	simm.s32 $0x1000;
	v5 =	vld [tilespmem:s2+$0x0]  }
0x11a: {  	v0 =	vld [tilespmem:s26+$0x0];
	_ =	sdelay $0x4  }
0x11b: {  	v1 =	vld.idx.msk [tilespmem:v3+s11+$0x0], $0xffff  }
0x11c: {  	v6 =	vadd.s32 $0x70, v3;
	v2 =	vld.idx.msk [tilespmem:v4+s11+$0x0], $0xffff  }
0x11d: {  	s0 =	sand.u32 $0x7C00, s5;
	v7 =	vadd.s32 $0x70, v4;
	v8 =	vld.idx.msk [tilespmem:v5+s11+$0x0], $0xffff  }
0x11e: {  	s0 =	sadd.s32 $0xA000, s0;
	v10 =	vadd.s32 $0x70, v5;
	v9 =	vld.idx.msk [tilespmem:v0+s11+$0x0], $0xffff  }
0x11f: {  	s6 =	sor.u32 s23, s0;
	v11 =	vadd.s32 $0x70, v0  }
0x120: {  	s4 =	sor.u32 s24, s0;
	[tilespmem:s6+$0x0] =	vst v1  }
0x121: {  	s2 =	sor.u32 s8, s0;
	[tilespmem:s4+$0x0] =	vst v2;
	v1 =	vld.idx.msk [tilespmem:v6+s11+$0x0], $0xffff  }
0x122: {  	s0 =	sor.u32 s22, s0;
	[tilespmem:s2+$0x0] =	vst v8;
	v2 =	vld.idx.msk [tilespmem:v7+s11+$0x0], $0xffff;
	v6 =	vadd.s32 $0xE0, v3  }
0x123: {  	[tilespmem:s0+$0x0] =	vst v9;
	v7 =	vadd.s32 $0xE0, v4;
	v8 =	vld.idx.msk [tilespmem:v10+s11+$0x0], $0xffff  }
0x124: {  	v9 =	vadd.s32 $0xE0, v5;
	v10 =	vld.idx.msk [tilespmem:v11+s11+$0x0], $0xffff  }
0x125: {  	s5 =	simm.s32 $0x1040;
	v11 =	vadd.s32 $0xE0, v0  }
0x126: {  	[tilespmem:s6+$0x80] =	vst v1;
	v1 =	vld [tilespmem:s5+$0x0]  }
0x127: {  	s21 =	simm.s32 $0x40;
	[tilespmem:s4+$0x80] =	vst v2;
	v6 =	vld.idx.msk [tilespmem:v6+s11+$0x0], $0xffff  }
0x128: {  	s3 =	sand.u32 $0x40, s21;
	s7 =	sand.u32 $0xF80, s21;
	[tilespmem:s2+$0x80] =	vst v8;
	v7 =	vld.idx.msk [tilespmem:v7+s11+$0x0], $0xffff  }
0x129: {  	s8 =	sor.u32 $0x30, s3;
	v8 =	vadd.s32 $0x150, v3;
	[tilespmem:s0+$0x80] =	vst v10;
	s5 =	sor.u32 $0x1000, s7;
	v9 =	vld.idx.msk [tilespmem:v9+s11+$0x0], $0xffff  }
0x12a: {  	s24 =	sor.u32 $0x10, s3;
	v10 =	vadd.s32 $0x150, v4;
	v11 =	vld.idx.msk [tilespmem:v11+s11+$0x0], $0xffff;
	s22 =	sor.u32 s8, s5  }
0x12b: {  	s25 =	sor.u32 $0x20, s3;
	v12 =	vadd.s32 $0x150, v5;
	s26 =	sor.u32 s24, s5;
	v2 =	vld [tilespmem:s22+$0x0]  }
0x12c: {  	v14 =	vadd.s32 $0x150, v0;
	s5 =	sor.u32 s25, s5;
	v13 =	vld [tilespmem:s26+$0x0]  }
0x12d: {  	v18 =	vld [tilespmem:s5+$0x0];
	[tilespmem:s6+$0x100] =	vst v6  }
0x12e: {  	[tilespmem:s4+$0x100] =	vst v7;
	v6 =	vld.idx.msk [tilespmem:v8+s11+$0x0], $0xffff  }
0x12f: {  	[tilespmem:s2+$0x100] =	vst v9;
	v7 =	vld.idx.msk [tilespmem:v10+s11+$0x0], $0xffff  }
0x130: {  	[tilespmem:s0+$0x100] =	vst v11;
	v9 =	vld.idx.msk [tilespmem:v12+s11+$0x0], $0xffff  }
0x131: {  	v8 =	vadd.s32 $0x1C0, v3;
	v10 =	vld.idx.msk [tilespmem:v14+s11+$0x0], $0xffff  }
0x132: {  	v11 =	vadd.s32 $0x1C0, v4;
	v12 =	vld.idx.msk [tilespmem:v1+s11+$0x0], $0xffff  }
0x133: {  	v14 =	vadd.s32 $0x1C0, v5;
	v15 =	vld.idx.msk [tilespmem:v2+s11+$0x0], $0xffff  }
0x134: {  	s22 =	simm.s32 $0x200;
	v17 =	vadd.s32 $0x70, v2;
	v16 =	vld.idx.msk [tilespmem:v13+s11+$0x0], $0xffff;
	[tilespmem:s6+$0x180] =	vst v6  }
0x135: {  	p0 =	por $0x0, $0x0;
	s5 =	simm.s32 $0x1;
	v19 =	vadd.s32 $0x70, v13;
	[tilespmem:s4+$0x180] =	vst v7;
	s6 =	sand.u32 $0x7C00, s22;
	v7 =	vld.idx.msk [tilespmem:v18+s11+$0x0], $0xffff  }
0x136: {  	s5 =	simm.s32 @!p0 $0x0;
	v22 =	vadd.s32 $0x70, v1;
	v8 =	vld.idx.msk [tilespmem:v8+s11+$0x0], $0xffff;
	s23 =	sadd.s32 $0xA000, s6  }
0x137: {  	s5 =	sshll.u32 s5, $0x6;
	v3 =	vadd.s32 $0x230, v3;
	[tilespmem:s2+$0x180] =	vst v9;
	v11 =	vld.idx.msk [tilespmem:v11+s11+$0x0], $0xffff;
	s26 =	sor.u32 s8, s23  }
0x138: {  	v6 =	vadd.s32 $0x1C0, v0;
	s4 =	sadd.s32 $0x0, s5;
	v21 =	vld.idx.msk [tilespmem:v14+s11+$0x0], $0xffff;
	s24 =	sor.u32 s24, s23;
	[tilespmem:s26+$0x0] =	vst v15  }
0x139: {  	v20 =	vadd.s32 $0x70, v18;
	s5 =	sadd.s32 $0x30, s4;
	s25 =	sor.u32 s25, s23;
	s23 =	sor.u32 s3, s23;
	[tilespmem:s24+$0x0] =	vst v16;
	v23 =	vld.idx.msk [tilespmem:v17+s11+$0x0], $0xffff  }
0x13a: {  	v4 =	vadd.s32 $0x230, v4;
	s6 =	sor.u32 $0x200, s5;
	[tilespmem:s23+$0x0] =	vst v12;
	v15 =	vld.idx.msk [tilespmem:v19+s11+$0x0], $0xffff  }
0x13b: {  	v24 =	vadd.s32 $0x230, v5;
	v17 =	vld.idx.msk [tilespmem:v22+s11+$0x0], $0xffff;
	[tilespmem:s6+$0xA000] =	vst v8  }
0x13c: {  	[tilespmem:s0+$0x180] =	vst v10;
	s2 =	sadd.s32 $0x10, s4;
	v14 =	vld.idx.msk [tilespmem:v3+s11+$0x0], $0xffff  }
0x13d: {  	s3 =	sadd.s32 $0x20, s4;
	s7 =	sor.u32 $0x200, s2;
	v19 =	vadd.s32 $0xE0, v2;
	v9 =	vld.idx.msk [tilespmem:v6+s11+$0x0], $0xffff;
	[tilespmem:s25+$0x0] =	vst v7  }
0x13e: {  	s29 =	simm.s32 $0x1080;
	v5 =	vadd.s32 $0x1C0, v13;
	v10 =	vadd.s32 $0xE0, v13;
	s8 =	sor.u32 $0x200, s3;
	v7 =	vadd.s32 $0x150, v13;
	v16 =	vld.idx.msk [tilespmem:v20+s11+$0x0], $0xffff;
	[tilespmem:s7+$0xA000] =	vst v11  }
0x13f: {  	s28 =	simm.s32 $0x200;
	s0 =	sor.u32 $0x200, s4;
	s30 =	sor.u32 $0x280, s4;
	v6 =	vadd.s32 $0x1C0, v18;
	v11 =	vadd.s32 $0xE0, v18;
	[tilespmem:s8+$0xA000] =	vst v21;
	v3 =	vadd.s32 $0x230, v13;
	v13 =	vld.idx.msk [tilespmem:v4+s11+$0x0], $0xffff  }
0x140: {  	s2 =	sor.u32 $0x280, s2;
	s31 =	sor.u32 $0x280, s3;
	s3 =	sor.u32 $0x280, s5;
	v8 =	vadd.s32 $0x150, v18;
	v4 =	vadd.s32 $0x230, v18;
	v18 =	vadd.s32 $0xE0, v1;
	v12 =	vld.idx.msk [tilespmem:v24+s11+$0x0], $0xffff;
	[tilespmem:s26+$0x80] =	vst v23  }
.LBB2_6:
0x141: {  	v20 =	vadd.s32 $0x230, v0;
	[tilespmem:s3+$0xA000] =	vst v14;
	v0 =	vmov v1;
	v1 =	vld [tilespmem:s29+$0x0]  }
0x142: {  	[tilespmem:s24+$0x80] =	vst v15;
	v14 =	vld.idx.msk [tilespmem:v19+s11+$0x0], $0xffff  }
0x143: {  	s21 =	sadd.s32 $0x40, s21;
	v10 =	vld.idx.msk [tilespmem:v10+s11+$0x0], $0xffff;
	[tilespmem:s25+$0x80] =	vst v16  }
0x144: {  	s3 =	sand.u32 $0x40, s21;
	s5 =	sand.u32 $0xF80, s21;
	p1 =	slt.u32 s21, $0xFC0;
	v15 =	vadd.s32 $0x150, v2;
	[tilespmem:s23+$0x80] =	vst v17;
	v11 =	vld.idx.msk [tilespmem:v11+s11+$0x0], $0xffff  }
0x145: {  	s4 =	sor.u32 $0x10, s3;
	s6 =	sor.u32 $0x1000, s5;
	s5 =	sor.u32 $0x30, s3;
	v16 =	vld.idx.msk [tilespmem:v18+s11+$0x0], $0xffff;
	[tilespmem:s0+$0xA000] =	vst v9  }
0x146: {  	s7 =	sor.u32 s4, s6;
	s8 =	sor.u32 s5, s6;
	s0 =	sor.u32 $0x20, s3;
	v9 =	vld.idx.msk [tilespmem:v20+s11+$0x0], $0xffff;
	[tilespmem:s2+$0xA000] =	vst v13  }
0x147: {  	s2 =	sor.u32 s0, s6;
	v13 =	vld [tilespmem:s8+$0x0];
	[tilespmem:s31+$0xA000] =	vst v12  }
0x148: {  	v17 =	vadd.s32 $0x150, v0;
	v12 =	vld [tilespmem:s7+$0x0];
	[tilespmem:s26+$0x100] =	vst v14  }
0x149: {  	[tilespmem:s24+$0x100] =	vst v10;
	v14 =	vld.idx.msk [tilespmem:v15+s11+$0x0], $0xffff  }
0x14a: {  	v15 =	vld [tilespmem:s2+$0x0];
	[tilespmem:s25+$0x100] =	vst v11  }
0x14b: {  	v18 =	vadd.s32 $0x1C0, v2;
	[tilespmem:s23+$0x100] =	vst v16;
	v16 =	vld.idx.msk [tilespmem:v7+s11+$0x0], $0xffff  }
0x14c: {  	v19 =	vld.idx.msk [tilespmem:v8+s11+$0x0], $0xffff;
	[tilespmem:s30+$0xA000] =	vst v9  }
0x14d: {  	v20 =	vadd.s32 $0x70, v12;
	v10 =	vadd.s32 $0xE0, v12;
	v7 =	vadd.s32 $0x150, v12;
	v9 =	vld.idx.msk [tilespmem:v17+s11+$0x0], $0xffff  }
0x14e: {  	v21 =	vadd.s32 $0x1C0, v12;
	v22 =	vadd.s32 $0x230, v12;
	v17 =	vld.idx.msk [tilespmem:v1+s11+$0x0], $0xffff  }
0x14f: {  	v23 =	vadd.s32 $0x70, v15;
	v11 =	vadd.s32 $0xE0, v15;
	v8 =	vadd.s32 $0x150, v15;
	v24 =	vld.idx.msk [tilespmem:v13+s11+$0x0], $0xffff;
	[tilespmem:s26+$0x180] =	vst v14  }
0x150: {  	p0 =	por !p0, !p0;
	v26 =	vadd.s32 $0x1C0, v0;
	s2 =	simm.s32 $0x1;
	v14 =	vadd.s32 $0x1C0, v15;
	v25 =	vadd.s32 $0x230, v15;
	v18 =	vld.idx.msk [tilespmem:v18+s11+$0x0], $0xffff  }
0x151: {  	s22 =	sadd.s32 $0x200, s22;
	s2 =	simm.s32 @!p0 $0x0;
	v27 =	vadd.s32 $0x70, v13;
	v12 =	vld.idx.msk [tilespmem:v12+s11+$0x0], $0xffff;
	[tilespmem:s24+$0x180] =	vst v16  }
0x152: {  	s6 =	sand.u32 $0x7C00, s22;
	s2 =	sshll.u32 s2, $0x6;
	v16 =	vld.idx.msk [tilespmem:v15+s11+$0x0], $0xffff;
	[tilespmem:s25+$0x180] =	vst v19;
	v15 =	vadd.s32 $0x230, v2;
	v2 =	vmov v13  }
0x153: {  	s6 =	sadd.s32 $0xA000, s6;
	s7 =	sadd.s32 s2, s28;
	s28 =	smov.u32 s22;
	[tilespmem:s23+$0x180] =	vst v9;
	v13 =	vld.idx.msk [tilespmem:v5+s11+$0x0], $0xffff;
	v5 =	vmov v21  }
0x154: {  	s26 =	sor.u32 s5, s6;
	s24 =	sor.u32 s4, s6;
	s4 =	sadd.s32 $0x30, s7;
	v21 =	vld.idx.msk [tilespmem:v6+s11+$0x0], $0xffff;
	v6 =	vmov v14  }
0x155: {  	v28 =	vadd.s32 $0x70, v1;
	s25 =	sor.u32 s0, s6;
	s2 =	sor.u32 $0x200, s4;
	s23 =	sor.u32 s3, s6;
	[tilespmem:s26+$0x0] =	vst v24;
	v9 =	vld.idx.msk [tilespmem:v26+s11+$0x0], $0xffff  }
0x156: {  	s5 =	sadd.s32 $0x20, s7;
	s0 =	sor.u32 $0x200, s7;
	s3 =	sadd.s32 $0x10, s7;
	v24 =	vld.idx.msk [tilespmem:v27+s11+$0x0], $0xffff;
	[tilespmem:s2+$0xA000] =	vst v18  }
0x157: {  	s6 =	sor.u32 $0x200, s3;
	s2 =	sor.u32 $0x280, s3;
	s3 =	sor.u32 $0x200, s5;
	[tilespmem:s24+$0x0] =	vst v12;
	v14 =	vld.idx.msk [tilespmem:v15+s11+$0x0], $0xffff  }
.Ltmp2:
0x158: {  	s30 =	sor.u32 $0x280, s7;
	s31 =	sor.u32 $0x280, s5;
	v15 =	vld.idx.msk [tilespmem:v20+s11+$0x0], $0xffff;
	[tilespmem:s25+$0x0] =	vst v16;
	(pc) =	sbr.rel @p1 .LBB2_6-.Ltmp2, $4  }
0x159: {  	v19 =	vadd.s32 $0xE0, v2;
	[tilespmem:s23+$0x0] =	vst v17;
	v16 =	vld.idx.msk [tilespmem:v23+s11+$0x0], $0xffff  }
0x15a: {  	v17 =	vld.idx.msk [tilespmem:v28+s11+$0x0], $0xffff;
	[tilespmem:s6+$0xA000] =	vst v13  }
0x15b: {  	v13 =	vld.idx.msk [tilespmem:v3+s11+$0x0], $0xffff;
	[tilespmem:s3+$0xA000] =	vst v21;
	v3 =	vmov v22  }
0x15c: {  	s29 =	sadd.s32 $0x40, s29;
	v18 =	vadd.s32 $0xE0, v1;
	s3 =	sor.u32 $0x280, s4;
	[tilespmem:s26+$0x80] =	vst v24;
	v12 =	vld.idx.msk [tilespmem:v4+s11+$0x0], $0xffff;
	v4 =	vmov v25  }
0x15d: {  	_ =	sdelay $0x3  }
0x15e: {  	[tilespmem:s24+$0x80] =	vst v15;
	v15 =	vld.idx.msk [tilespmem:v19+s11+$0x0], $0xffff  }
0x15f: {  	v10 =	vld.idx.msk [tilespmem:v10+s11+$0x0], $0xffff;
	[tilespmem:s25+$0x80] =	vst v16;
	v16 =	vadd.s32 $0x150, v2  }
0x160: {  	[tilespmem:s23+$0x80] =	vst v17;
	v11 =	vld.idx.msk [tilespmem:v11+s11+$0x0], $0xffff  }
0x161: {  	v17 =	vld.idx.msk [tilespmem:v18+s11+$0x0], $0xffff  }
0x162: {  	v18 =	vadd.s32 $0x150, v1  }
0x163: {  	[tilespmem:s26+$0x100] =	vst v15  }
0x164: {  	[tilespmem:s24+$0x100] =	vst v10;
	v10 =	vld.idx.msk [tilespmem:v16+s11+$0x0], $0xffff  }
0x165: {  	[tilespmem:s25+$0x100] =	vst v11;
	v7 =	vld.idx.msk [tilespmem:v7+s11+$0x0], $0xffff;
	v11 =	vadd.s32 $0x1C0, v2  }
0x166: {  	[tilespmem:s23+$0x100] =	vst v17;
	v8 =	vld.idx.msk [tilespmem:v8+s11+$0x0], $0xffff  }
0x167: {  	v15 =	vld.idx.msk [tilespmem:v18+s11+$0x0], $0xffff  }
0x168: {  	[tilespmem:s3+$0xA000] =	vst v14;
	v14 =	vadd.s32 $0x1C0, v1  }
0x169: {  	p0 =	por !p0, !p0;
	s3 =	simm.s32 $0x1;
	[tilespmem:s26+$0x180] =	vst v10  }
0x16a: {  	v0 =	vadd.s32 $0x230, v0;
	s3 =	simm.s32 @!p0 $0x0;
	v10 =	vld.idx.msk [tilespmem:v11+s11+$0x0], $0xffff;
	[tilespmem:s24+$0x180] =	vst v7  }
0x16b: {  	s3 =	sshll.u32 s3, $0x6;
	v2 =	vadd.s32 $0x230, v2;
	[tilespmem:s25+$0x180] =	vst v8;
	v5 =	vld.idx.msk [tilespmem:v5+s11+$0x0], $0xffff  }
0x16c: {  	s3 =	sadd.s32 s3, s28;
	[tilespmem:s23+$0x180] =	vst v15;
	v6 =	vld.idx.msk [tilespmem:v6+s11+$0x0], $0xffff  }
0x16d: {  	[tilespmem:s0+$0xA000] =	vst v9;
	s21 =	sadd.s32 $0x30, s3;
	v7 =	vld.idx.msk [tilespmem:v14+s11+$0x0], $0xffff  }
0x16e: {  	[tilespmem:s2+$0xA000] =	vst v13;
	v1 =	vadd.s32 $0x230, v1;
	s4 =	sadd.s32 $0x10, s3;
	s22 =	sor.u32 $0x200, s21  }
0x16f: {  	s5 =	sadd.s32 $0x20, s3;
	v0 =	vld.idx.msk [tilespmem:v0+s11+$0x0], $0xffff;
	s23 =	sor.u32 $0x200, s4;
	[tilespmem:s22+$0xA000] =	vst v10  }
0x170: {  	s6 =	sor.u32 $0x200, s5;
	v2 =	vld.idx.msk [tilespmem:v2+s11+$0x0], $0xffff;
	[tilespmem:s23+$0xA000] =	vst v5  }
0x171: {  	s24 =	sor.u32 $0x200, s3;
	v3 =	vld.idx.msk [tilespmem:v3+s11+$0x0], $0xffff;
	[tilespmem:s6+$0xA000] =	vst v6  }
0x172: {  	v4 =	vld.idx.msk [tilespmem:v4+s11+$0x0], $0xffff;
	[tilespmem:s24+$0xA000] =	vst v7  }
0x173: {  	[tilespmem:s31+$0xA000] =	vst v12;
	v1 =	vld.idx.msk [tilespmem:v1+s11+$0x0], $0xffff  }
0x174: {  	s0 =	sor.u32 $0x280, s21;
	[tilespmem:s30+$0xA000] =	vst v0  }
0x175: {  	s25 =	sor.u32 $0x280, s4;
	[tilespmem:s0+$0xA000] =	vst v2  }
0x176: {  	s26 =	sor.u32 $0x280, s5;
	[tilespmem:s25+$0xA000] =	vst v3  }
0x177: {  	s4 =	sor.u32 $0x280, s3;
	[tilespmem:s26+$0xA000] =	vst v4  }
0x178: {  	[tilespmem:s4+$0xA000] =	vst v1  }
0x179: {  	s5 =	simm.s32 $0x0;
	s2 =	rddreg [dreg:$0x18]  }
0x17a: {  	[hbm4b:s2+s5] =	stream.linear.scatter [tilespmem:s18], [sflag:$0x2], $0x8000, $0x38;
	[tilespmem:$0x12C00] =	vst v63  }
0x17b: {  	s21 =	rddreg [dreg:$0xa]  }
0x17c: {  	[tilespmem:s13], [sflag:$0x4] =	stream.linear.gather [hbm4b:s21+s5], $0x1000, $0x38;
	[tilespmem:$0x12C00] =	vst v63  }
0x17d: {  	_ =	swait.ge [sflag:s14], $0x1000  }
0x17e: {  	[sflag:s14] =	ssyncset.done $0x0  }
0x17f: {  	s22 =	simm.s32 $0x0;
	[sflag:s14] =	ssyncadd.s32 $0xFFFFF000  }
0x180: {  	s23 =	sand.u32 $0x40, s22;
	_ =	swait.ge [sflag:s15], $0x8000  }
0x181: {  	s24 =	sor.u32 $0x30, s23;
	s2 =	sand.u32 $0xF80, s22;
	[sflag:s15] =	ssyncset.done $0x0  }
0x182: {  	s25 =	sor.u32 $0x10, s23;
	s26 =	sor.u32 s24, s2;
	[sflag:s15] =	ssyncadd.s32 $0xFFFF8000  }
0x183: {  	s7 =	sor.u32 s25, s2;
	v3 =	vld [tilespmem:s26+$0x0]  }
0x184: {  	s8 =	sor.u32 $0x20, s23;
	v4 =	vld [tilespmem:s7+$0x0]  }
0x185: {  	s2 =	sor.u32 s8, s2  }
0x186: {  	v5 =	vld [tilespmem:s2+$0x0]  }
0x187: {  	v0 =	vld [tilespmem:s5+$0x0];
	_ =	sdelay $0x3  }
0x188: {  	v1 =	vld.idx.msk [tilespmem:v3+s11+$0x0], $0xffff  }
0x189: {  	v6 =	vadd.s32 $0x70, v3;
	v2 =	vld.idx.msk [tilespmem:v4+s11+$0x0], $0xffff  }
0x18a: {  	s0 =	sand.u32 $0x7C00, s5;
	v7 =	vadd.s32 $0x70, v4  }
0x18b: {  	s0 =	sadd.s32 $0x2000, s0;
	v8 =	vld.idx.msk [tilespmem:v5+s11+$0x0], $0xffff  }
0x18c: {  	s6 =	sor.u32 s24, s0;
	s21 =	simm.s32 $0x40;
	v10 =	vadd.s32 $0x70, v5;
	v9 =	vld.idx.msk [tilespmem:v0+s11+$0x0], $0xffff  }
0x18d: {  	s4 =	sor.u32 s25, s0;
	s3 =	sand.u32 $0x40, s21;
	v11 =	vadd.s32 $0x70, v0;
	[tilespmem:s6+$0x0] =	vst v1  }
0x18e: {  	s24 =	sor.u32 $0x10, s3;
	s7 =	sand.u32 $0xF80, s21;
	[tilespmem:s4+$0x0] =	vst v2;
	v1 =	vld.idx.msk [tilespmem:v6+s11+$0x0], $0xffff  }
0x18f: {  	s2 =	sor.u32 s8, s0;
	s26 =	sor.u32 s24, s7;
	v2 =	vld.idx.msk [tilespmem:v7+s11+$0x0], $0xffff  }
0x190: {  	s0 =	sor.u32 s23, s0;
	v13 =	vld [tilespmem:s26+$0x0];
	[tilespmem:s2+$0x0] =	vst v8;
	v6 =	vadd.s32 $0xE0, v3  }
0x191: {  	[tilespmem:s0+$0x0] =	vst v9;
	v7 =	vadd.s32 $0xE0, v4;
	v8 =	vld.idx.msk [tilespmem:v10+s11+$0x0], $0xffff  }
0x192: {  	s5 =	simm.s32 $0x40;
	s8 =	sor.u32 $0x30, s3;
	v9 =	vadd.s32 $0xE0, v5;
	v10 =	vld.idx.msk [tilespmem:v11+s11+$0x0], $0xffff  }
0x193: {  	s22 =	sor.u32 s8, s7;
	v11 =	vadd.s32 $0xE0, v0;
	[tilespmem:s6+$0x80] =	vst v1;
	v1 =	vld [tilespmem:s5+$0x0]  }
0x194: {  	[tilespmem:s4+$0x80] =	vst v2;
	v2 =	vld [tilespmem:s22+$0x0]  }
0x195: {  	v6 =	vld.idx.msk [tilespmem:v6+s11+$0x0], $0xffff  }
0x196: {  	[tilespmem:s2+$0x80] =	vst v8;
	v8 =	vadd.s32 $0x150, v3;
	v7 =	vld.idx.msk [tilespmem:v7+s11+$0x0], $0xffff  }
0x197: {  	s25 =	sor.u32 $0x20, s3;
	[tilespmem:s0+$0x80] =	vst v10;
	v10 =	vadd.s32 $0x150, v4;
	v9 =	vld.idx.msk [tilespmem:v9+s11+$0x0], $0xffff  }
0x198: {  	v12 =	vadd.s32 $0x150, v5;
	s5 =	sor.u32 s25, s7;
	v11 =	vld.idx.msk [tilespmem:v11+s11+$0x0], $0xffff  }
0x199: {  	v14 =	vadd.s32 $0x150, v0;
	v18 =	vld [tilespmem:s5+$0x0]  }
0x19a: {  	v16 =	vld.idx.msk [tilespmem:v13+s11+$0x0], $0xffff;
	[tilespmem:s6+$0x100] =	vst v6  }
0x19b: {  	[tilespmem:s4+$0x100] =	vst v7;
	v6 =	vld.idx.msk [tilespmem:v8+s11+$0x0], $0xffff  }
0x19c: {  	[tilespmem:s2+$0x100] =	vst v9;
	v7 =	vld.idx.msk [tilespmem:v10+s11+$0x0], $0xffff  }
0x19d: {  	[tilespmem:s0+$0x100] =	vst v11;
	v8 =	vadd.s32 $0x1C0, v3;
	v9 =	vld.idx.msk [tilespmem:v12+s11+$0x0], $0xffff  }
0x19e: {  	v11 =	vadd.s32 $0x1C0, v4;
	v10 =	vld.idx.msk [tilespmem:v14+s11+$0x0], $0xffff  }
0x19f: {  	v14 =	vadd.s32 $0x1C0, v5;
	v15 =	vld.idx.msk [tilespmem:v2+s11+$0x0], $0xffff  }
0x1a0: {  	s22 =	simm.s32 $0x200;
	v17 =	vadd.s32 $0x70, v2;
	v12 =	vld.idx.msk [tilespmem:v1+s11+$0x0], $0xffff;
	[tilespmem:s6+$0x180] =	vst v6  }
0x1a1: {  	p0 =	por $0x0, $0x0;
	v19 =	vadd.s32 $0x70, v13;
	s5 =	simm.s32 $0x1;
	[tilespmem:s4+$0x180] =	vst v7;
	s6 =	sand.u32 $0x7C00, s22;
	v7 =	vld.idx.msk [tilespmem:v18+s11+$0x0], $0xffff  }
0x1a2: {  	s5 =	simm.s32 @!p0 $0x0;
	v22 =	vadd.s32 $0x70, v1;
	v8 =	vld.idx.msk [tilespmem:v8+s11+$0x0], $0xffff;
	s23 =	sadd.s32 $0x2000, s6  }
0x1a3: {  	s5 =	sshll.u32 s5, $0x6;
	v3 =	vadd.s32 $0x230, v3;
	[tilespmem:s2+$0x180] =	vst v9;
	v11 =	vld.idx.msk [tilespmem:v11+s11+$0x0], $0xffff;
	s26 =	sor.u32 s8, s23  }
0x1a4: {  	v6 =	vadd.s32 $0x1C0, v0;
	s4 =	sadd.s32 $0x0, s5;
	v21 =	vld.idx.msk [tilespmem:v14+s11+$0x0], $0xffff;
	s24 =	sor.u32 s24, s23;
	[tilespmem:s26+$0x0] =	vst v15  }
0x1a5: {  	v20 =	vadd.s32 $0x70, v18;
	s5 =	sadd.s32 $0x30, s4;
	s25 =	sor.u32 s25, s23;
	s23 =	sor.u32 s3, s23;
	[tilespmem:s24+$0x0] =	vst v16;
	v23 =	vld.idx.msk [tilespmem:v17+s11+$0x0], $0xffff  }
0x1a6: {  	v4 =	vadd.s32 $0x230, v4;
	s6 =	sor.u32 $0x200, s5;
	[tilespmem:s23+$0x0] =	vst v12;
	v15 =	vld.idx.msk [tilespmem:v19+s11+$0x0], $0xffff  }
0x1a7: {  	v24 =	vadd.s32 $0x230, v5;
	v17 =	vld.idx.msk [tilespmem:v22+s11+$0x0], $0xffff;
	[tilespmem:s6+$0x2000] =	vst v8  }
0x1a8: {  	[tilespmem:s0+$0x180] =	vst v10;
	s2 =	sadd.s32 $0x10, s4;
	v14 =	vld.idx.msk [tilespmem:v3+s11+$0x0], $0xffff  }
0x1a9: {  	s3 =	sadd.s32 $0x20, s4;
	s7 =	sor.u32 $0x200, s2;
	v19 =	vadd.s32 $0xE0, v2;
	v9 =	vld.idx.msk [tilespmem:v6+s11+$0x0], $0xffff;
	[tilespmem:s25+$0x0] =	vst v7  }
0x1aa: {  	s29 =	simm.s32 $0x80;
	v5 =	vadd.s32 $0x1C0, v13;
	v10 =	vadd.s32 $0xE0, v13;
	s8 =	sor.u32 $0x200, s3;
	v7 =	vadd.s32 $0x150, v13;
	v16 =	vld.idx.msk [tilespmem:v20+s11+$0x0], $0xffff;
	[tilespmem:s7+$0x2000] =	vst v11  }
0x1ab: {  	s28 =	simm.s32 $0x200;
	s0 =	sor.u32 $0x200, s4;
	s30 =	sor.u32 $0x280, s4;
	v6 =	vadd.s32 $0x1C0, v18;
	v11 =	vadd.s32 $0xE0, v18;
	[tilespmem:s8+$0x2000] =	vst v21;
	v3 =	vadd.s32 $0x230, v13;
	v13 =	vld.idx.msk [tilespmem:v4+s11+$0x0], $0xffff  }
0x1ac: {  	s2 =	sor.u32 $0x280, s2;
	s31 =	sor.u32 $0x280, s3;
	s3 =	sor.u32 $0x280, s5;
	v8 =	vadd.s32 $0x150, v18;
	v4 =	vadd.s32 $0x230, v18;
	v18 =	vadd.s32 $0xE0, v1;
	v12 =	vld.idx.msk [tilespmem:v24+s11+$0x0], $0xffff;
	[tilespmem:s26+$0x80] =	vst v23  }
.LBB2_8:
0x1ad: {  	v20 =	vadd.s32 $0x230, v0;
	[tilespmem:s3+$0x2000] =	vst v14;
	v0 =	vmov v1;
	v1 =	vld [tilespmem:s29+$0x0]  }
0x1ae: {  	[tilespmem:s24+$0x80] =	vst v15;
	v14 =	vld.idx.msk [tilespmem:v19+s11+$0x0], $0xffff  }
0x1af: {  	s21 =	sadd.s32 $0x40, s21;
	v10 =	vld.idx.msk [tilespmem:v10+s11+$0x0], $0xffff;
	[tilespmem:s25+$0x80] =	vst v16  }
0x1b0: {  	s3 =	sand.u32 $0x40, s21;
	p1 =	slt.u32 s21, $0xFC0;
	v15 =	vadd.s32 $0x150, v2;
	[tilespmem:s23+$0x80] =	vst v17;
	v11 =	vld.idx.msk [tilespmem:v11+s11+$0x0], $0xffff  }
0x1b1: {  	s6 =	sand.u32 $0xF80, s21;
	s4 =	sor.u32 $0x10, s3;
	s5 =	sor.u32 $0x30, s3;
	v16 =	vld.idx.msk [tilespmem:v18+s11+$0x0], $0xffff;
	[tilespmem:s0+$0x2000] =	vst v9  }
0x1b2: {  	s7 =	sor.u32 s4, s6;
	s8 =	sor.u32 s5, s6;
	s0 =	sor.u32 $0x20, s3;
	v9 =	vld.idx.msk [tilespmem:v20+s11+$0x0], $0xffff;
	[tilespmem:s2+$0x2000] =	vst v13  }
0x1b3: {  	s2 =	sor.u32 s0, s6;
	v13 =	vld [tilespmem:s8+$0x0];
	[tilespmem:s31+$0x2000] =	vst v12  }
0x1b4: {  	v17 =	vadd.s32 $0x150, v0;
	v12 =	vld [tilespmem:s7+$0x0];
	[tilespmem:s26+$0x100] =	vst v14  }
0x1b5: {  	[tilespmem:s24+$0x100] =	vst v10;
	v14 =	vld.idx.msk [tilespmem:v15+s11+$0x0], $0xffff  }
0x1b6: {  	v15 =	vld [tilespmem:s2+$0x0];
	[tilespmem:s25+$0x100] =	vst v11  }
0x1b7: {  	v18 =	vadd.s32 $0x1C0, v2;
	[tilespmem:s23+$0x100] =	vst v16;
	v16 =	vld.idx.msk [tilespmem:v7+s11+$0x0], $0xffff  }
0x1b8: {  	v19 =	vld.idx.msk [tilespmem:v8+s11+$0x0], $0xffff;
	[tilespmem:s30+$0x2000] =	vst v9  }
0x1b9: {  	v20 =	vadd.s32 $0x70, v12;
	v10 =	vadd.s32 $0xE0, v12;
	v7 =	vadd.s32 $0x150, v12;
	v9 =	vld.idx.msk [tilespmem:v17+s11+$0x0], $0xffff  }
0x1ba: {  	v21 =	vadd.s32 $0x1C0, v12;
	v22 =	vadd.s32 $0x230, v12;
	v17 =	vld.idx.msk [tilespmem:v1+s11+$0x0], $0xffff  }
0x1bb: {  	v23 =	vadd.s32 $0x70, v15;
	v11 =	vadd.s32 $0xE0, v15;
	v8 =	vadd.s32 $0x150, v15;
	v24 =	vld.idx.msk [tilespmem:v13+s11+$0x0], $0xffff;
	[tilespmem:s26+$0x180] =	vst v14  }
0x1bc: {  	p0 =	por !p0, !p0;
	v26 =	vadd.s32 $0x1C0, v0;
	s2 =	simm.s32 $0x1;
	v14 =	vadd.s32 $0x1C0, v15;
	v25 =	vadd.s32 $0x230, v15;
	v18 =	vld.idx.msk [tilespmem:v18+s11+$0x0], $0xffff  }
0x1bd: {  	s22 =	sadd.s32 $0x200, s22;
	s2 =	simm.s32 @!p0 $0x0;
	v27 =	vadd.s32 $0x70, v13;
	v12 =	vld.idx.msk [tilespmem:v12+s11+$0x0], $0xffff;
	[tilespmem:s24+$0x180] =	vst v16  }
0x1be: {  	s6 =	sand.u32 $0x7C00, s22;
	s2 =	sshll.u32 s2, $0x6;
	v16 =	vld.idx.msk [tilespmem:v15+s11+$0x0], $0xffff;
	[tilespmem:s25+$0x180] =	vst v19;
	v15 =	vadd.s32 $0x230, v2;
	v2 =	vmov v13  }
0x1bf: {  	s6 =	sadd.s32 $0x2000, s6;
	s7 =	sadd.s32 s2, s28;
	s28 =	smov.u32 s22;
	[tilespmem:s23+$0x180] =	vst v9;
	v13 =	vld.idx.msk [tilespmem:v5+s11+$0x0], $0xffff;
	v5 =	vmov v21  }
0x1c0: {  	s26 =	sor.u32 s5, s6;
	s24 =	sor.u32 s4, s6;
	s4 =	sadd.s32 $0x30, s7;
	v21 =	vld.idx.msk [tilespmem:v6+s11+$0x0], $0xffff;
	v6 =	vmov v14  }
0x1c1: {  	v28 =	vadd.s32 $0x70, v1;
	s25 =	sor.u32 s0, s6;
	s2 =	sor.u32 $0x200, s4;
	s23 =	sor.u32 s3, s6;
	[tilespmem:s26+$0x0] =	vst v24;
	v9 =	vld.idx.msk [tilespmem:v26+s11+$0x0], $0xffff  }
0x1c2: {  	s5 =	sadd.s32 $0x20, s7;
	s0 =	sor.u32 $0x200, s7;
	s3 =	sadd.s32 $0x10, s7;
	v24 =	vld.idx.msk [tilespmem:v27+s11+$0x0], $0xffff;
	[tilespmem:s2+$0x2000] =	vst v18  }
0x1c3: {  	s6 =	sor.u32 $0x200, s3;
	s2 =	sor.u32 $0x280, s3;
	s3 =	sor.u32 $0x200, s5;
	[tilespmem:s24+$0x0] =	vst v12;
	v14 =	vld.idx.msk [tilespmem:v15+s11+$0x0], $0xffff  }
.Ltmp3:
0x1c4: {  	s30 =	sor.u32 $0x280, s7;
	s31 =	sor.u32 $0x280, s5;
	v15 =	vld.idx.msk [tilespmem:v20+s11+$0x0], $0xffff;
	[tilespmem:s25+$0x0] =	vst v16;
	(pc) =	sbr.rel @p1 .LBB2_8-.Ltmp3, $4  }
0x1c5: {  	v19 =	vadd.s32 $0xE0, v2;
	[tilespmem:s23+$0x0] =	vst v17;
	v16 =	vld.idx.msk [tilespmem:v23+s11+$0x0], $0xffff  }
0x1c6: {  	v17 =	vld.idx.msk [tilespmem:v28+s11+$0x0], $0xffff;
	[tilespmem:s6+$0x2000] =	vst v13  }
0x1c7: {  	v13 =	vld.idx.msk [tilespmem:v3+s11+$0x0], $0xffff;
	[tilespmem:s3+$0x2000] =	vst v21;
	v3 =	vmov v22  }
0x1c8: {  	s29 =	sadd.s32 $0x40, s29;
	v18 =	vadd.s32 $0xE0, v1;
	s3 =	sor.u32 $0x280, s4;
	[tilespmem:s26+$0x80] =	vst v24;
	v12 =	vld.idx.msk [tilespmem:v4+s11+$0x0], $0xffff;
	v4 =	vmov v25  }
0x1c9: {  	_ =	sdelay $0x3  }
0x1ca: {  	[tilespmem:s24+$0x80] =	vst v15;
	v15 =	vld.idx.msk [tilespmem:v19+s11+$0x0], $0xffff  }
0x1cb: {  	v10 =	vld.idx.msk [tilespmem:v10+s11+$0x0], $0xffff;
	[tilespmem:s25+$0x80] =	vst v16;
	v16 =	vadd.s32 $0x150, v2  }
0x1cc: {  	[tilespmem:s23+$0x80] =	vst v17;
	v11 =	vld.idx.msk [tilespmem:v11+s11+$0x0], $0xffff  }
0x1cd: {  	v17 =	vld.idx.msk [tilespmem:v18+s11+$0x0], $0xffff  }
0x1ce: {  	v18 =	vadd.s32 $0x150, v1  }
0x1cf: {  	[tilespmem:s26+$0x100] =	vst v15  }
0x1d0: {  	[tilespmem:s24+$0x100] =	vst v10;
	v10 =	vld.idx.msk [tilespmem:v16+s11+$0x0], $0xffff  }
0x1d1: {  	[tilespmem:s25+$0x100] =	vst v11;
	v7 =	vld.idx.msk [tilespmem:v7+s11+$0x0], $0xffff;
	v11 =	vadd.s32 $0x1C0, v2  }
0x1d2: {  	[tilespmem:s23+$0x100] =	vst v17;
	v8 =	vld.idx.msk [tilespmem:v8+s11+$0x0], $0xffff  }
0x1d3: {  	v15 =	vld.idx.msk [tilespmem:v18+s11+$0x0], $0xffff  }
0x1d4: {  	[tilespmem:s3+$0x2000] =	vst v14;
	v14 =	vadd.s32 $0x1C0, v1  }
0x1d5: {  	p0 =	por !p0, !p0;
	s3 =	simm.s32 $0x1;
	[tilespmem:s26+$0x180] =	vst v10  }
0x1d6: {  	v0 =	vadd.s32 $0x230, v0;
	s3 =	simm.s32 @!p0 $0x0;
	v10 =	vld.idx.msk [tilespmem:v11+s11+$0x0], $0xffff;
	[tilespmem:s24+$0x180] =	vst v7  }
0x1d7: {  	s3 =	sshll.u32 s3, $0x6;
	v2 =	vadd.s32 $0x230, v2;
	[tilespmem:s25+$0x180] =	vst v8;
	v5 =	vld.idx.msk [tilespmem:v5+s11+$0x0], $0xffff  }
0x1d8: {  	s3 =	sadd.s32 s3, s28;
	[tilespmem:s23+$0x180] =	vst v15;
	v6 =	vld.idx.msk [tilespmem:v6+s11+$0x0], $0xffff  }
0x1d9: {  	[tilespmem:s0+$0x2000] =	vst v9;
	s21 =	sadd.s32 $0x30, s3;
	v7 =	vld.idx.msk [tilespmem:v14+s11+$0x0], $0xffff  }
0x1da: {  	[tilespmem:s2+$0x2000] =	vst v13;
	v1 =	vadd.s32 $0x230, v1;
	s4 =	sadd.s32 $0x10, s3;
	s22 =	sor.u32 $0x200, s21  }
0x1db: {  	s5 =	sadd.s32 $0x20, s3;
	v0 =	vld.idx.msk [tilespmem:v0+s11+$0x0], $0xffff;
	s23 =	sor.u32 $0x200, s4;
	[tilespmem:s22+$0x2000] =	vst v10  }
0x1dc: {  	s6 =	sor.u32 $0x200, s5;
	v2 =	vld.idx.msk [tilespmem:v2+s11+$0x0], $0xffff;
	[tilespmem:s23+$0x2000] =	vst v5  }
0x1dd: {  	s24 =	sor.u32 $0x200, s3;
	v3 =	vld.idx.msk [tilespmem:v3+s11+$0x0], $0xffff;
	[tilespmem:s6+$0x2000] =	vst v6  }
0x1de: {  	v4 =	vld.idx.msk [tilespmem:v4+s11+$0x0], $0xffff;
	[tilespmem:s24+$0x2000] =	vst v7  }
0x1df: {  	[tilespmem:s31+$0x2000] =	vst v12;
	v1 =	vld.idx.msk [tilespmem:v1+s11+$0x0], $0xffff  }
0x1e0: {  	s0 =	sor.u32 $0x280, s21;
	[tilespmem:s30+$0x2000] =	vst v0  }
0x1e1: {  	s25 =	sor.u32 $0x280, s4;
	[tilespmem:s0+$0x2000] =	vst v2  }
0x1e2: {  	s26 =	sor.u32 $0x280, s5;
	[tilespmem:s25+$0x2000] =	vst v3  }
0x1e3: {  	s4 =	sor.u32 $0x280, s3;
	[tilespmem:s26+$0x2000] =	vst v4  }
0x1e4: {  	[tilespmem:s4+$0x2000] =	vst v1  }
0x1e5: {  	s5 =	simm.s32 $0x0;
	s2 =	rddreg [dreg:$0x19]  }
0x1e6: {  	[hbm4b:s2+s5] =	stream.linear.scatter [tilespmem:s16], [sflag:$0x1], $0x8000, $0x38;
	[tilespmem:$0x12C00] =	vst v63  }
0x1e7: {  	s8 =	rddreg [dreg:$0xb]  }
0x1e8: {  	[tilespmem:s5], [sflag:$0x3] =	stream.linear.gather [hbm4b:s8+s5], $0x1000, $0x38;
	[tilespmem:$0x12C00] =	vst v63  }
0x1e9: {  	_ =	swait.ge [sflag:s17], $0x1000  }
0x1ea: {  	[sflag:s17] =	ssyncset.done $0x0  }
0x1eb: {  	s21 =	simm.s32 $0x0;
	[sflag:s17] =	ssyncadd.s32 $0xFFFFF000  }
0x1ec: {  	s22 =	sand.u32 $0x40, s21;
	s2 =	sand.u32 $0xF80, s21;
	_ =	swait.ge [sflag:s19], $0x8000  }
0x1ed: {  	s23 =	sor.u32 $0x30, s22;
	s2 =	sor.u32 $0x1000, s2;
	[sflag:s19] =	ssyncset.done $0x0  }
0x1ee: {  	s24 =	sor.u32 $0x10, s22;
	s25 =	sor.u32 s23, s2;
	[sflag:s19] =	ssyncadd.s32 $0xFFFF8000  }
0x1ef: {  	s7 =	sor.u32 s24, s2;
	s8 =	sor.u32 $0x20, s22;
	v3 =	vld [tilespmem:s25+$0x0]  }
0x1f0: {  	s2 =	sor.u32 s8, s2;
	v4 =	vld [tilespmem:s7+$0x0]  }
0x1f1: {  	s26 =	simm.s32 $0x1000;
	v5 =	vld [tilespmem:s2+$0x0]  }
0x1f2: {  	v0 =	vld [tilespmem:s26+$0x0];
	_ =	sdelay $0x4  }
0x1f3: {  	v1 =	vld.idx.msk [tilespmem:v3+s11+$0x0], $0xffff  }
0x1f4: {  	v6 =	vadd.s32 $0x70, v3;
	v2 =	vld.idx.msk [tilespmem:v4+s11+$0x0], $0xffff  }
0x1f5: {  	s0 =	sand.u32 $0x7C00, s5;
	v7 =	vadd.s32 $0x70, v4;
	v8 =	vld.idx.msk [tilespmem:v5+s11+$0x0], $0xffff  }
0x1f6: {  	s0 =	sadd.s32 $0xA000, s0;
	v10 =	vadd.s32 $0x70, v5;
	v9 =	vld.idx.msk [tilespmem:v0+s11+$0x0], $0xffff  }
0x1f7: {  	s6 =	sor.u32 s23, s0;
	v11 =	vadd.s32 $0x70, v0  }
0x1f8: {  	s4 =	sor.u32 s24, s0;
	[tilespmem:s6+$0x0] =	vst v1  }
0x1f9: {  	s2 =	sor.u32 s8, s0;
	[tilespmem:s4+$0x0] =	vst v2;
	v1 =	vld.idx.msk [tilespmem:v6+s11+$0x0], $0xffff  }
0x1fa: {  	s0 =	sor.u32 s22, s0;
	[tilespmem:s2+$0x0] =	vst v8;
	v2 =	vld.idx.msk [tilespmem:v7+s11+$0x0], $0xffff;
	v6 =	vadd.s32 $0xE0, v3  }
0x1fb: {  	[tilespmem:s0+$0x0] =	vst v9;
	v7 =	vadd.s32 $0xE0, v4;
	v8 =	vld.idx.msk [tilespmem:v10+s11+$0x0], $0xffff  }
0x1fc: {  	v9 =	vadd.s32 $0xE0, v5;
	v10 =	vld.idx.msk [tilespmem:v11+s11+$0x0], $0xffff  }
0x1fd: {  	s5 =	simm.s32 $0x1040;
	v11 =	vadd.s32 $0xE0, v0  }
0x1fe: {  	[tilespmem:s6+$0x80] =	vst v1;
	v1 =	vld [tilespmem:s5+$0x0]  }
0x1ff: {  	s21 =	simm.s32 $0x40;
	[tilespmem:s4+$0x80] =	vst v2;
	v6 =	vld.idx.msk [tilespmem:v6+s11+$0x0], $0xffff  }
0x200: {  	s3 =	sand.u32 $0x40, s21;
	s7 =	sand.u32 $0xF80, s21;
	[tilespmem:s2+$0x80] =	vst v8;
	v7 =	vld.idx.msk [tilespmem:v7+s11+$0x0], $0xffff  }
0x201: {  	s8 =	sor.u32 $0x30, s3;
	v8 =	vadd.s32 $0x150, v3;
	[tilespmem:s0+$0x80] =	vst v10;
	s5 =	sor.u32 $0x1000, s7;
	v9 =	vld.idx.msk [tilespmem:v9+s11+$0x0], $0xffff  }
0x202: {  	s24 =	sor.u32 $0x10, s3;
	v10 =	vadd.s32 $0x150, v4;
	v11 =	vld.idx.msk [tilespmem:v11+s11+$0x0], $0xffff;
	s22 =	sor.u32 s8, s5  }
0x203: {  	s25 =	sor.u32 $0x20, s3;
	v12 =	vadd.s32 $0x150, v5;
	s26 =	sor.u32 s24, s5;
	v2 =	vld [tilespmem:s22+$0x0]  }
0x204: {  	v14 =	vadd.s32 $0x150, v0;
	s5 =	sor.u32 s25, s5;
	v13 =	vld [tilespmem:s26+$0x0]  }
0x205: {  	v18 =	vld [tilespmem:s5+$0x0];
	[tilespmem:s6+$0x100] =	vst v6  }
0x206: {  	[tilespmem:s4+$0x100] =	vst v7;
	v6 =	vld.idx.msk [tilespmem:v8+s11+$0x0], $0xffff  }
0x207: {  	[tilespmem:s2+$0x100] =	vst v9;
	v7 =	vld.idx.msk [tilespmem:v10+s11+$0x0], $0xffff  }
0x208: {  	[tilespmem:s0+$0x100] =	vst v11;
	v9 =	vld.idx.msk [tilespmem:v12+s11+$0x0], $0xffff  }
0x209: {  	v8 =	vadd.s32 $0x1C0, v3;
	v10 =	vld.idx.msk [tilespmem:v14+s11+$0x0], $0xffff  }
0x20a: {  	v11 =	vadd.s32 $0x1C0, v4;
	v12 =	vld.idx.msk [tilespmem:v1+s11+$0x0], $0xffff  }
0x20b: {  	v14 =	vadd.s32 $0x1C0, v5;
	v15 =	vld.idx.msk [tilespmem:v2+s11+$0x0], $0xffff  }
0x20c: {  	s22 =	simm.s32 $0x200;
	v17 =	vadd.s32 $0x70, v2;
	v16 =	vld.idx.msk [tilespmem:v13+s11+$0x0], $0xffff;
	[tilespmem:s6+$0x180] =	vst v6  }
0x20d: {  	p0 =	por $0x0, $0x0;
	s5 =	simm.s32 $0x1;
	v19 =	vadd.s32 $0x70, v13;
	[tilespmem:s4+$0x180] =	vst v7;
	s6 =	sand.u32 $0x7C00, s22;
	v7 =	vld.idx.msk [tilespmem:v18+s11+$0x0], $0xffff  }
0x20e: {  	s5 =	simm.s32 @!p0 $0x0;
	v22 =	vadd.s32 $0x70, v1;
	v8 =	vld.idx.msk [tilespmem:v8+s11+$0x0], $0xffff;
	s23 =	sadd.s32 $0xA000, s6  }
0x20f: {  	s5 =	sshll.u32 s5, $0x6;
	v3 =	vadd.s32 $0x230, v3;
	[tilespmem:s2+$0x180] =	vst v9;
	v11 =	vld.idx.msk [tilespmem:v11+s11+$0x0], $0xffff;
	s26 =	sor.u32 s8, s23  }
0x210: {  	v6 =	vadd.s32 $0x1C0, v0;
	s4 =	sadd.s32 $0x0, s5;
	v21 =	vld.idx.msk [tilespmem:v14+s11+$0x0], $0xffff;
	s24 =	sor.u32 s24, s23;
	[tilespmem:s26+$0x0] =	vst v15  }
0x211: {  	v20 =	vadd.s32 $0x70, v18;
	s5 =	sadd.s32 $0x30, s4;
	s25 =	sor.u32 s25, s23;
	s23 =	sor.u32 s3, s23;
	[tilespmem:s24+$0x0] =	vst v16;
	v23 =	vld.idx.msk [tilespmem:v17+s11+$0x0], $0xffff  }
0x212: {  	v4 =	vadd.s32 $0x230, v4;
	s6 =	sor.u32 $0x200, s5;
	[tilespmem:s23+$0x0] =	vst v12;
	v15 =	vld.idx.msk [tilespmem:v19+s11+$0x0], $0xffff  }
0x213: {  	v24 =	vadd.s32 $0x230, v5;
	v17 =	vld.idx.msk [tilespmem:v22+s11+$0x0], $0xffff;
	[tilespmem:s6+$0xA000] =	vst v8  }
0x214: {  	[tilespmem:s0+$0x180] =	vst v10;
	s2 =	sadd.s32 $0x10, s4;
	v14 =	vld.idx.msk [tilespmem:v3+s11+$0x0], $0xffff  }
0x215: {  	s3 =	sadd.s32 $0x20, s4;
	s7 =	sor.u32 $0x200, s2;
	v19 =	vadd.s32 $0xE0, v2;
	v9 =	vld.idx.msk [tilespmem:v6+s11+$0x0], $0xffff;
	[tilespmem:s25+$0x0] =	vst v7  }
0x216: {  	s29 =	simm.s32 $0x1080;
	v5 =	vadd.s32 $0x1C0, v13;
	v10 =	vadd.s32 $0xE0, v13;
	s8 =	sor.u32 $0x200, s3;
	v7 =	vadd.s32 $0x150, v13;
	v16 =	vld.idx.msk [tilespmem:v20+s11+$0x0], $0xffff;
	[tilespmem:s7+$0xA000] =	vst v11  }
0x217: {  	s28 =	simm.s32 $0x200;
	s0 =	sor.u32 $0x200, s4;
	s30 =	sor.u32 $0x280, s4;
	v6 =	vadd.s32 $0x1C0, v18;
	v11 =	vadd.s32 $0xE0, v18;
	[tilespmem:s8+$0xA000] =	vst v21;
	v3 =	vadd.s32 $0x230, v13;
	v13 =	vld.idx.msk [tilespmem:v4+s11+$0x0], $0xffff  }
0x218: {  	s2 =	sor.u32 $0x280, s2;
	s31 =	sor.u32 $0x280, s3;
	s3 =	sor.u32 $0x280, s5;
	v8 =	vadd.s32 $0x150, v18;
	v4 =	vadd.s32 $0x230, v18;
	v18 =	vadd.s32 $0xE0, v1;
	v12 =	vld.idx.msk [tilespmem:v24+s11+$0x0], $0xffff;
	[tilespmem:s26+$0x80] =	vst v23  }
.LBB2_10:
0x219: {  	v20 =	vadd.s32 $0x230, v0;
	[tilespmem:s3+$0xA000] =	vst v14;
	v0 =	vmov v1;
	v1 =	vld [tilespmem:s29+$0x0]  }
0x21a: {  	[tilespmem:s24+$0x80] =	vst v15;
	v14 =	vld.idx.msk [tilespmem:v19+s11+$0x0], $0xffff  }
0x21b: {  	s21 =	sadd.s32 $0x40, s21;
	v10 =	vld.idx.msk [tilespmem:v10+s11+$0x0], $0xffff;
	[tilespmem:s25+$0x80] =	vst v16  }
0x21c: {  	s3 =	sand.u32 $0x40, s21;
	s5 =	sand.u32 $0xF80, s21;
	p1 =	slt.u32 s21, $0xFC0;
	v15 =	vadd.s32 $0x150, v2;
	[tilespmem:s23+$0x80] =	vst v17;
	v11 =	vld.idx.msk [tilespmem:v11+s11+$0x0], $0xffff  }
0x21d: {  	s4 =	sor.u32 $0x10, s3;
	s6 =	sor.u32 $0x1000, s5;
	s5 =	sor.u32 $0x30, s3;
	v16 =	vld.idx.msk [tilespmem:v18+s11+$0x0], $0xffff;
	[tilespmem:s0+$0xA000] =	vst v9  }
0x21e: {  	s7 =	sor.u32 s4, s6;
	s8 =	sor.u32 s5, s6;
	s0 =	sor.u32 $0x20, s3;
	v9 =	vld.idx.msk [tilespmem:v20+s11+$0x0], $0xffff;
	[tilespmem:s2+$0xA000] =	vst v13  }
0x21f: {  	s2 =	sor.u32 s0, s6;
	v13 =	vld [tilespmem:s8+$0x0];
	[tilespmem:s31+$0xA000] =	vst v12  }
0x220: {  	v17 =	vadd.s32 $0x150, v0;
	v12 =	vld [tilespmem:s7+$0x0];
	[tilespmem:s26+$0x100] =	vst v14  }
0x221: {  	[tilespmem:s24+$0x100] =	vst v10;
	v14 =	vld.idx.msk [tilespmem:v15+s11+$0x0], $0xffff  }
0x222: {  	v15 =	vld [tilespmem:s2+$0x0];
	[tilespmem:s25+$0x100] =	vst v11  }
0x223: {  	v18 =	vadd.s32 $0x1C0, v2;
	[tilespmem:s23+$0x100] =	vst v16;
	v16 =	vld.idx.msk [tilespmem:v7+s11+$0x0], $0xffff  }
0x224: {  	v19 =	vld.idx.msk [tilespmem:v8+s11+$0x0], $0xffff;
	[tilespmem:s30+$0xA000] =	vst v9  }
0x225: {  	v20 =	vadd.s32 $0x70, v12;
	v10 =	vadd.s32 $0xE0, v12;
	v7 =	vadd.s32 $0x150, v12;
	v9 =	vld.idx.msk [tilespmem:v17+s11+$0x0], $0xffff  }
0x226: {  	v21 =	vadd.s32 $0x1C0, v12;
	v22 =	vadd.s32 $0x230, v12;
	v17 =	vld.idx.msk [tilespmem:v1+s11+$0x0], $0xffff  }
0x227: {  	v23 =	vadd.s32 $0x70, v15;
	v11 =	vadd.s32 $0xE0, v15;
	v8 =	vadd.s32 $0x150, v15;
	v24 =	vld.idx.msk [tilespmem:v13+s11+$0x0], $0xffff;
	[tilespmem:s26+$0x180] =	vst v14  }
0x228: {  	p0 =	por !p0, !p0;
	v26 =	vadd.s32 $0x1C0, v0;
	s2 =	simm.s32 $0x1;
	v14 =	vadd.s32 $0x1C0, v15;
	v25 =	vadd.s32 $0x230, v15;
	v18 =	vld.idx.msk [tilespmem:v18+s11+$0x0], $0xffff  }
0x229: {  	s22 =	sadd.s32 $0x200, s22;
	s2 =	simm.s32 @!p0 $0x0;
	v27 =	vadd.s32 $0x70, v13;
	v12 =	vld.idx.msk [tilespmem:v12+s11+$0x0], $0xffff;
	[tilespmem:s24+$0x180] =	vst v16  }
0x22a: {  	s6 =	sand.u32 $0x7C00, s22;
	s2 =	sshll.u32 s2, $0x6;
	v16 =	vld.idx.msk [tilespmem:v15+s11+$0x0], $0xffff;
	[tilespmem:s25+$0x180] =	vst v19;
	v15 =	vadd.s32 $0x230, v2;
	v2 =	vmov v13  }
0x22b: {  	s6 =	sadd.s32 $0xA000, s6;
	s7 =	sadd.s32 s2, s28;
	s28 =	smov.u32 s22;
	[tilespmem:s23+$0x180] =	vst v9;
	v13 =	vld.idx.msk [tilespmem:v5+s11+$0x0], $0xffff;
	v5 =	vmov v21  }
0x22c: {  	s26 =	sor.u32 s5, s6;
	s24 =	sor.u32 s4, s6;
	s4 =	sadd.s32 $0x30, s7;
	v21 =	vld.idx.msk [tilespmem:v6+s11+$0x0], $0xffff;
	v6 =	vmov v14  }
0x22d: {  	v28 =	vadd.s32 $0x70, v1;
	s25 =	sor.u32 s0, s6;
	s2 =	sor.u32 $0x200, s4;
	s23 =	sor.u32 s3, s6;
	[tilespmem:s26+$0x0] =	vst v24;
	v9 =	vld.idx.msk [tilespmem:v26+s11+$0x0], $0xffff  }
0x22e: {  	s5 =	sadd.s32 $0x20, s7;
	s0 =	sor.u32 $0x200, s7;
	s3 =	sadd.s32 $0x10, s7;
	v24 =	vld.idx.msk [tilespmem:v27+s11+$0x0], $0xffff;
	[tilespmem:s2+$0xA000] =	vst v18  }
0x22f: {  	s6 =	sor.u32 $0x200, s3;
	s2 =	sor.u32 $0x280, s3;
	s3 =	sor.u32 $0x200, s5;
	[tilespmem:s24+$0x0] =	vst v12;
	v14 =	vld.idx.msk [tilespmem:v15+s11+$0x0], $0xffff  }
.Ltmp4:
0x230: {  	s30 =	sor.u32 $0x280, s7;
	s31 =	sor.u32 $0x280, s5;
	v15 =	vld.idx.msk [tilespmem:v20+s11+$0x0], $0xffff;
	[tilespmem:s25+$0x0] =	vst v16;
	(pc) =	sbr.rel @p1 .LBB2_10-.Ltmp4, $4  }
0x231: {  	v19 =	vadd.s32 $0xE0, v2;
	[tilespmem:s23+$0x0] =	vst v17;
	v16 =	vld.idx.msk [tilespmem:v23+s11+$0x0], $0xffff  }
0x232: {  	v17 =	vld.idx.msk [tilespmem:v28+s11+$0x0], $0xffff;
	[tilespmem:s6+$0xA000] =	vst v13  }
0x233: {  	v13 =	vld.idx.msk [tilespmem:v3+s11+$0x0], $0xffff;
	[tilespmem:s3+$0xA000] =	vst v21;
	v3 =	vmov v22  }
0x234: {  	s29 =	sadd.s32 $0x40, s29;
	v18 =	vadd.s32 $0xE0, v1;
	s3 =	sor.u32 $0x280, s4;
	[tilespmem:s26+$0x80] =	vst v24;
	v12 =	vld.idx.msk [tilespmem:v4+s11+$0x0], $0xffff;
	v4 =	vmov v25  }
0x235: {  	_ =	sdelay $0x3  }
0x236: {  	[tilespmem:s24+$0x80] =	vst v15;
	v15 =	vld.idx.msk [tilespmem:v19+s11+$0x0], $0xffff  }
0x237: {  	v10 =	vld.idx.msk [tilespmem:v10+s11+$0x0], $0xffff;
	[tilespmem:s25+$0x80] =	vst v16;
	v16 =	vadd.s32 $0x150, v2  }
0x238: {  	[tilespmem:s23+$0x80] =	vst v17;
	v11 =	vld.idx.msk [tilespmem:v11+s11+$0x0], $0xffff  }
0x239: {  	v17 =	vld.idx.msk [tilespmem:v18+s11+$0x0], $0xffff  }
0x23a: {  	v18 =	vadd.s32 $0x150, v1  }
0x23b: {  	[tilespmem:s26+$0x100] =	vst v15  }
0x23c: {  	[tilespmem:s24+$0x100] =	vst v10;
	v10 =	vld.idx.msk [tilespmem:v16+s11+$0x0], $0xffff  }
0x23d: {  	[tilespmem:s25+$0x100] =	vst v11;
	v7 =	vld.idx.msk [tilespmem:v7+s11+$0x0], $0xffff;
	v11 =	vadd.s32 $0x1C0, v2  }
0x23e: {  	[tilespmem:s23+$0x100] =	vst v17;
	v8 =	vld.idx.msk [tilespmem:v8+s11+$0x0], $0xffff  }
0x23f: {  	v15 =	vld.idx.msk [tilespmem:v18+s11+$0x0], $0xffff  }
0x240: {  	[tilespmem:s3+$0xA000] =	vst v14;
	v14 =	vadd.s32 $0x1C0, v1  }
0x241: {  	p0 =	por !p0, !p0;
	s3 =	simm.s32 $0x1;
	[tilespmem:s26+$0x180] =	vst v10  }
0x242: {  	v0 =	vadd.s32 $0x230, v0;
	s3 =	simm.s32 @!p0 $0x0;
	v10 =	vld.idx.msk [tilespmem:v11+s11+$0x0], $0xffff;
	[tilespmem:s24+$0x180] =	vst v7  }
0x243: {  	s3 =	sshll.u32 s3, $0x6;
	v2 =	vadd.s32 $0x230, v2;
	[tilespmem:s25+$0x180] =	vst v8;
	v5 =	vld.idx.msk [tilespmem:v5+s11+$0x0], $0xffff  }
0x244: {  	s3 =	sadd.s32 s3, s28;
	[tilespmem:s23+$0x180] =	vst v15;
	v6 =	vld.idx.msk [tilespmem:v6+s11+$0x0], $0xffff  }
0x245: {  	[tilespmem:s0+$0xA000] =	vst v9;
	s21 =	sadd.s32 $0x30, s3;
	v7 =	vld.idx.msk [tilespmem:v14+s11+$0x0], $0xffff  }
0x246: {  	[tilespmem:s2+$0xA000] =	vst v13;
	v1 =	vadd.s32 $0x230, v1;
	s4 =	sadd.s32 $0x10, s3;
	s22 =	sor.u32 $0x200, s21  }
0x247: {  	s5 =	sadd.s32 $0x20, s3;
	v0 =	vld.idx.msk [tilespmem:v0+s11+$0x0], $0xffff;
	s23 =	sor.u32 $0x200, s4;
	[tilespmem:s22+$0xA000] =	vst v10  }
0x248: {  	s6 =	sor.u32 $0x200, s5;
	v2 =	vld.idx.msk [tilespmem:v2+s11+$0x0], $0xffff;
	[tilespmem:s23+$0xA000] =	vst v5  }
0x249: {  	s24 =	sor.u32 $0x200, s3;
	v3 =	vld.idx.msk [tilespmem:v3+s11+$0x0], $0xffff;
	[tilespmem:s6+$0xA000] =	vst v6  }
0x24a: {  	v4 =	vld.idx.msk [tilespmem:v4+s11+$0x0], $0xffff;
	[tilespmem:s24+$0xA000] =	vst v7  }
0x24b: {  	[tilespmem:s31+$0xA000] =	vst v12;
	v1 =	vld.idx.msk [tilespmem:v1+s11+$0x0], $0xffff  }
0x24c: {  	s0 =	sor.u32 $0x280, s21;
	[tilespmem:s30+$0xA000] =	vst v0  }
0x24d: {  	s25 =	sor.u32 $0x280, s4;
	[tilespmem:s0+$0xA000] =	vst v2  }
0x24e: {  	s26 =	sor.u32 $0x280, s5;
	[tilespmem:s25+$0xA000] =	vst v3  }
0x24f: {  	s4 =	sor.u32 $0x280, s3;
	[tilespmem:s26+$0xA000] =	vst v4  }
0x250: {  	[tilespmem:s4+$0xA000] =	vst v1  }
0x251: {  	s5 =	simm.s32 $0x0;
	s2 =	rddreg [dreg:$0x1a]  }
0x252: {  	[hbm4b:s2+s5] =	stream.linear.scatter [tilespmem:s18], [sflag:$0x2], $0x8000, $0x38;
	[tilespmem:$0x12C00] =	vst v63  }
0x253: {  	s21 =	rddreg [dreg:$0xc]  }
0x254: {  	[tilespmem:s13], [sflag:$0x4] =	stream.linear.gather [hbm4b:s21+s5], $0x1000, $0x38;
	[tilespmem:$0x12C00] =	vst v63  }
0x255: {  	_ =	swait.ge [sflag:s14], $0x1000  }
0x256: {  	[sflag:s14] =	ssyncset.done $0x0  }
0x257: {  	s22 =	simm.s32 $0x0;
	[sflag:s14] =	ssyncadd.s32 $0xFFFFF000  }
0x258: {  	s23 =	sand.u32 $0x40, s22;
	_ =	swait.ge [sflag:s15], $0x8000  }
0x259: {  	s24 =	sor.u32 $0x30, s23;
	s2 =	sand.u32 $0xF80, s22;
	[sflag:s15] =	ssyncset.done $0x0  }
0x25a: {  	s25 =	sor.u32 $0x10, s23;
	s26 =	sor.u32 s24, s2;
	[sflag:s15] =	ssyncadd.s32 $0xFFFF8000  }
0x25b: {  	s7 =	sor.u32 s25, s2;
	v3 =	vld [tilespmem:s26+$0x0]  }
0x25c: {  	s8 =	sor.u32 $0x20, s23;
	v4 =	vld [tilespmem:s7+$0x0]  }
0x25d: {  	s2 =	sor.u32 s8, s2  }
0x25e: {  	v5 =	vld [tilespmem:s2+$0x0]  }
0x25f: {  	v0 =	vld [tilespmem:s5+$0x0];
	_ =	sdelay $0x3  }
0x260: {  	v1 =	vld.idx.msk [tilespmem:v3+s11+$0x0], $0xffff  }
0x261: {  	v6 =	vadd.s32 $0x70, v3;
	v2 =	vld.idx.msk [tilespmem:v4+s11+$0x0], $0xffff  }
0x262: {  	s0 =	sand.u32 $0x7C00, s5;
	v7 =	vadd.s32 $0x70, v4  }
0x263: {  	s0 =	sadd.s32 $0x2000, s0;
	v8 =	vld.idx.msk [tilespmem:v5+s11+$0x0], $0xffff  }
0x264: {  	s6 =	sor.u32 s24, s0;
	s21 =	simm.s32 $0x40;
	v10 =	vadd.s32 $0x70, v5;
	v9 =	vld.idx.msk [tilespmem:v0+s11+$0x0], $0xffff  }
0x265: {  	s4 =	sor.u32 s25, s0;
	s3 =	sand.u32 $0x40, s21;
	v11 =	vadd.s32 $0x70, v0;
	[tilespmem:s6+$0x0] =	vst v1  }
0x266: {  	s24 =	sor.u32 $0x10, s3;
	s7 =	sand.u32 $0xF80, s21;
	[tilespmem:s4+$0x0] =	vst v2;
	v1 =	vld.idx.msk [tilespmem:v6+s11+$0x0], $0xffff  }
0x267: {  	s2 =	sor.u32 s8, s0;
	s26 =	sor.u32 s24, s7;
	v2 =	vld.idx.msk [tilespmem:v7+s11+$0x0], $0xffff  }
0x268: {  	s0 =	sor.u32 s23, s0;
	v13 =	vld [tilespmem:s26+$0x0];
	[tilespmem:s2+$0x0] =	vst v8;
	v6 =	vadd.s32 $0xE0, v3  }
0x269: {  	[tilespmem:s0+$0x0] =	vst v9;
	v7 =	vadd.s32 $0xE0, v4;
	v8 =	vld.idx.msk [tilespmem:v10+s11+$0x0], $0xffff  }
0x26a: {  	s5 =	simm.s32 $0x40;
	s8 =	sor.u32 $0x30, s3;
	v9 =	vadd.s32 $0xE0, v5;
	v10 =	vld.idx.msk [tilespmem:v11+s11+$0x0], $0xffff  }
0x26b: {  	s22 =	sor.u32 s8, s7;
	v11 =	vadd.s32 $0xE0, v0;
	[tilespmem:s6+$0x80] =	vst v1;
	v1 =	vld [tilespmem:s5+$0x0]  }
0x26c: {  	[tilespmem:s4+$0x80] =	vst v2;
	v2 =	vld [tilespmem:s22+$0x0]  }
0x26d: {  	v6 =	vld.idx.msk [tilespmem:v6+s11+$0x0], $0xffff  }
0x26e: {  	[tilespmem:s2+$0x80] =	vst v8;
	v8 =	vadd.s32 $0x150, v3;
	v7 =	vld.idx.msk [tilespmem:v7+s11+$0x0], $0xffff  }
0x26f: {  	s25 =	sor.u32 $0x20, s3;
	[tilespmem:s0+$0x80] =	vst v10;
	v10 =	vadd.s32 $0x150, v4;
	v9 =	vld.idx.msk [tilespmem:v9+s11+$0x0], $0xffff  }
0x270: {  	v12 =	vadd.s32 $0x150, v5;
	s5 =	sor.u32 s25, s7;
	v11 =	vld.idx.msk [tilespmem:v11+s11+$0x0], $0xffff  }
0x271: {  	v14 =	vadd.s32 $0x150, v0;
	v18 =	vld [tilespmem:s5+$0x0]  }
0x272: {  	v16 =	vld.idx.msk [tilespmem:v13+s11+$0x0], $0xffff;
	[tilespmem:s6+$0x100] =	vst v6  }
0x273: {  	[tilespmem:s4+$0x100] =	vst v7;
	v6 =	vld.idx.msk [tilespmem:v8+s11+$0x0], $0xffff  }
0x274: {  	[tilespmem:s2+$0x100] =	vst v9;
	v7 =	vld.idx.msk [tilespmem:v10+s11+$0x0], $0xffff  }
0x275: {  	[tilespmem:s0+$0x100] =	vst v11;
	v8 =	vadd.s32 $0x1C0, v3;
	v9 =	vld.idx.msk [tilespmem:v12+s11+$0x0], $0xffff  }
0x276: {  	v11 =	vadd.s32 $0x1C0, v4;
	v10 =	vld.idx.msk [tilespmem:v14+s11+$0x0], $0xffff  }
0x277: {  	v14 =	vadd.s32 $0x1C0, v5;
	v15 =	vld.idx.msk [tilespmem:v2+s11+$0x0], $0xffff  }
0x278: {  	s22 =	simm.s32 $0x200;
	v17 =	vadd.s32 $0x70, v2;
	v12 =	vld.idx.msk [tilespmem:v1+s11+$0x0], $0xffff;
	[tilespmem:s6+$0x180] =	vst v6  }
0x279: {  	p0 =	por $0x0, $0x0;
	v19 =	vadd.s32 $0x70, v13;
	s5 =	simm.s32 $0x1;
	[tilespmem:s4+$0x180] =	vst v7;
	s6 =	sand.u32 $0x7C00, s22;
	v7 =	vld.idx.msk [tilespmem:v18+s11+$0x0], $0xffff  }
0x27a: {  	s5 =	simm.s32 @!p0 $0x0;
	v22 =	vadd.s32 $0x70, v1;
	v8 =	vld.idx.msk [tilespmem:v8+s11+$0x0], $0xffff;
	s23 =	sadd.s32 $0x2000, s6  }
0x27b: {  	s5 =	sshll.u32 s5, $0x6;
	v3 =	vadd.s32 $0x230, v3;
	[tilespmem:s2+$0x180] =	vst v9;
	v11 =	vld.idx.msk [tilespmem:v11+s11+$0x0], $0xffff;
	s26 =	sor.u32 s8, s23  }
0x27c: {  	v6 =	vadd.s32 $0x1C0, v0;
	s4 =	sadd.s32 $0x0, s5;
	v21 =	vld.idx.msk [tilespmem:v14+s11+$0x0], $0xffff;
	s24 =	sor.u32 s24, s23;
	[tilespmem:s26+$0x0] =	vst v15  }
0x27d: {  	v20 =	vadd.s32 $0x70, v18;
	s5 =	sadd.s32 $0x30, s4;
	s25 =	sor.u32 s25, s23;
	s23 =	sor.u32 s3, s23;
	[tilespmem:s24+$0x0] =	vst v16;
	v23 =	vld.idx.msk [tilespmem:v17+s11+$0x0], $0xffff  }
0x27e: {  	v4 =	vadd.s32 $0x230, v4;
	s6 =	sor.u32 $0x200, s5;
	[tilespmem:s23+$0x0] =	vst v12;
	v15 =	vld.idx.msk [tilespmem:v19+s11+$0x0], $0xffff  }
0x27f: {  	v24 =	vadd.s32 $0x230, v5;
	v17 =	vld.idx.msk [tilespmem:v22+s11+$0x0], $0xffff;
	[tilespmem:s6+$0x2000] =	vst v8  }
0x280: {  	[tilespmem:s0+$0x180] =	vst v10;
	s2 =	sadd.s32 $0x10, s4;
	v14 =	vld.idx.msk [tilespmem:v3+s11+$0x0], $0xffff  }
0x281: {  	s3 =	sadd.s32 $0x20, s4;
	s7 =	sor.u32 $0x200, s2;
	v19 =	vadd.s32 $0xE0, v2;
	v9 =	vld.idx.msk [tilespmem:v6+s11+$0x0], $0xffff;
	[tilespmem:s25+$0x0] =	vst v7  }
0x282: {  	s29 =	simm.s32 $0x80;
	v5 =	vadd.s32 $0x1C0, v13;
	v10 =	vadd.s32 $0xE0, v13;
	s8 =	sor.u32 $0x200, s3;
	v7 =	vadd.s32 $0x150, v13;
	v16 =	vld.idx.msk [tilespmem:v20+s11+$0x0], $0xffff;
	[tilespmem:s7+$0x2000] =	vst v11  }
0x283: {  	s28 =	simm.s32 $0x200;
	s0 =	sor.u32 $0x200, s4;
	s30 =	sor.u32 $0x280, s4;
	v6 =	vadd.s32 $0x1C0, v18;
	v11 =	vadd.s32 $0xE0, v18;
	[tilespmem:s8+$0x2000] =	vst v21;
	v3 =	vadd.s32 $0x230, v13;
	v13 =	vld.idx.msk [tilespmem:v4+s11+$0x0], $0xffff  }
0x284: {  	s2 =	sor.u32 $0x280, s2;
	s31 =	sor.u32 $0x280, s3;
	s3 =	sor.u32 $0x280, s5;
	v8 =	vadd.s32 $0x150, v18;
	v4 =	vadd.s32 $0x230, v18;
	v18 =	vadd.s32 $0xE0, v1;
	v12 =	vld.idx.msk [tilespmem:v24+s11+$0x0], $0xffff;
	[tilespmem:s26+$0x80] =	vst v23  }
.LBB2_12:
0x285: {  	v20 =	vadd.s32 $0x230, v0;
	[tilespmem:s3+$0x2000] =	vst v14;
	v0 =	vmov v1;
	v1 =	vld [tilespmem:s29+$0x0]  }
0x286: {  	[tilespmem:s24+$0x80] =	vst v15;
	v14 =	vld.idx.msk [tilespmem:v19+s11+$0x0], $0xffff  }
0x287: {  	s21 =	sadd.s32 $0x40, s21;
	v10 =	vld.idx.msk [tilespmem:v10+s11+$0x0], $0xffff;
	[tilespmem:s25+$0x80] =	vst v16  }
0x288: {  	s3 =	sand.u32 $0x40, s21;
	p1 =	slt.u32 s21, $0xFC0;
	v15 =	vadd.s32 $0x150, v2;
	[tilespmem:s23+$0x80] =	vst v17;
	v11 =	vld.idx.msk [tilespmem:v11+s11+$0x0], $0xffff  }
0x289: {  	s6 =	sand.u32 $0xF80, s21;
	s4 =	sor.u32 $0x10, s3;
	s5 =	sor.u32 $0x30, s3;
	v16 =	vld.idx.msk [tilespmem:v18+s11+$0x0], $0xffff;
	[tilespmem:s0+$0x2000] =	vst v9  }
0x28a: {  	s7 =	sor.u32 s4, s6;
	s8 =	sor.u32 s5, s6;
	s0 =	sor.u32 $0x20, s3;
	v9 =	vld.idx.msk [tilespmem:v20+s11+$0x0], $0xffff;
	[tilespmem:s2+$0x2000] =	vst v13  }
0x28b: {  	s2 =	sor.u32 s0, s6;
	v13 =	vld [tilespmem:s8+$0x0];
	[tilespmem:s31+$0x2000] =	vst v12  }
0x28c: {  	v17 =	vadd.s32 $0x150, v0;
	v12 =	vld [tilespmem:s7+$0x0];
	[tilespmem:s26+$0x100] =	vst v14  }
0x28d: {  	[tilespmem:s24+$0x100] =	vst v10;
	v14 =	vld.idx.msk [tilespmem:v15+s11+$0x0], $0xffff  }
0x28e: {  	v15 =	vld [tilespmem:s2+$0x0];
	[tilespmem:s25+$0x100] =	vst v11  }
0x28f: {  	v18 =	vadd.s32 $0x1C0, v2;
	[tilespmem:s23+$0x100] =	vst v16;
	v16 =	vld.idx.msk [tilespmem:v7+s11+$0x0], $0xffff  }
0x290: {  	v19 =	vld.idx.msk [tilespmem:v8+s11+$0x0], $0xffff;
	[tilespmem:s30+$0x2000] =	vst v9  }
0x291: {  	v20 =	vadd.s32 $0x70, v12;
	v10 =	vadd.s32 $0xE0, v12;
	v7 =	vadd.s32 $0x150, v12;
	v9 =	vld.idx.msk [tilespmem:v17+s11+$0x0], $0xffff  }
0x292: {  	v21 =	vadd.s32 $0x1C0, v12;
	v22 =	vadd.s32 $0x230, v12;
	v17 =	vld.idx.msk [tilespmem:v1+s11+$0x0], $0xffff  }
0x293: {  	v23 =	vadd.s32 $0x70, v15;
	v11 =	vadd.s32 $0xE0, v15;
	v8 =	vadd.s32 $0x150, v15;
	v24 =	vld.idx.msk [tilespmem:v13+s11+$0x0], $0xffff;
	[tilespmem:s26+$0x180] =	vst v14  }
0x294: {  	p0 =	por !p0, !p0;
	v26 =	vadd.s32 $0x1C0, v0;
	s2 =	simm.s32 $0x1;
	v14 =	vadd.s32 $0x1C0, v15;
	v25 =	vadd.s32 $0x230, v15;
	v18 =	vld.idx.msk [tilespmem:v18+s11+$0x0], $0xffff  }
0x295: {  	s22 =	sadd.s32 $0x200, s22;
	s2 =	simm.s32 @!p0 $0x0;
	v27 =	vadd.s32 $0x70, v13;
	v12 =	vld.idx.msk [tilespmem:v12+s11+$0x0], $0xffff;
	[tilespmem:s24+$0x180] =	vst v16  }
0x296: {  	s6 =	sand.u32 $0x7C00, s22;
	s2 =	sshll.u32 s2, $0x6;
	v16 =	vld.idx.msk [tilespmem:v15+s11+$0x0], $0xffff;
	[tilespmem:s25+$0x180] =	vst v19;
	v15 =	vadd.s32 $0x230, v2;
	v2 =	vmov v13  }
0x297: {  	s6 =	sadd.s32 $0x2000, s6;
	s7 =	sadd.s32 s2, s28;
	s28 =	smov.u32 s22;
	[tilespmem:s23+$0x180] =	vst v9;
	v13 =	vld.idx.msk [tilespmem:v5+s11+$0x0], $0xffff;
	v5 =	vmov v21  }
0x298: {  	s26 =	sor.u32 s5, s6;
	s24 =	sor.u32 s4, s6;
	s4 =	sadd.s32 $0x30, s7;
	v21 =	vld.idx.msk [tilespmem:v6+s11+$0x0], $0xffff;
	v6 =	vmov v14  }
0x299: {  	v28 =	vadd.s32 $0x70, v1;
	s25 =	sor.u32 s0, s6;
	s2 =	sor.u32 $0x200, s4;
	s23 =	sor.u32 s3, s6;
	[tilespmem:s26+$0x0] =	vst v24;
	v9 =	vld.idx.msk [tilespmem:v26+s11+$0x0], $0xffff  }
0x29a: {  	s5 =	sadd.s32 $0x20, s7;
	s0 =	sor.u32 $0x200, s7;
	s3 =	sadd.s32 $0x10, s7;
	v24 =	vld.idx.msk [tilespmem:v27+s11+$0x0], $0xffff;
	[tilespmem:s2+$0x2000] =	vst v18  }
0x29b: {  	s6 =	sor.u32 $0x200, s3;
	s2 =	sor.u32 $0x280, s3;
	s3 =	sor.u32 $0x200, s5;
	[tilespmem:s24+$0x0] =	vst v12;
	v14 =	vld.idx.msk [tilespmem:v15+s11+$0x0], $0xffff  }
.Ltmp5:
0x29c: {  	s30 =	sor.u32 $0x280, s7;
	s31 =	sor.u32 $0x280, s5;
	v15 =	vld.idx.msk [tilespmem:v20+s11+$0x0], $0xffff;
	[tilespmem:s25+$0x0] =	vst v16;
	(pc) =	sbr.rel @p1 .LBB2_12-.Ltmp5, $4  }
0x29d: {  	v19 =	vadd.s32 $0xE0, v2;
	[tilespmem:s23+$0x0] =	vst v17;
	v16 =	vld.idx.msk [tilespmem:v23+s11+$0x0], $0xffff  }
0x29e: {  	v17 =	vld.idx.msk [tilespmem:v28+s11+$0x0], $0xffff;
	[tilespmem:s6+$0x2000] =	vst v13  }
0x29f: {  	v13 =	vld.idx.msk [tilespmem:v3+s11+$0x0], $0xffff;
	[tilespmem:s3+$0x2000] =	vst v21;
	v3 =	vmov v22  }
0x2a0: {  	s29 =	sadd.s32 $0x40, s29;
	v18 =	vadd.s32 $0xE0, v1;
	s3 =	sor.u32 $0x280, s4;
	[tilespmem:s26+$0x80] =	vst v24;
	v12 =	vld.idx.msk [tilespmem:v4+s11+$0x0], $0xffff;
	v4 =	vmov v25  }
0x2a1: {  	_ =	sdelay $0x3  }
0x2a2: {  	[tilespmem:s24+$0x80] =	vst v15;
	v15 =	vld.idx.msk [tilespmem:v19+s11+$0x0], $0xffff  }
0x2a3: {  	v10 =	vld.idx.msk [tilespmem:v10+s11+$0x0], $0xffff;
	[tilespmem:s25+$0x80] =	vst v16;
	v16 =	vadd.s32 $0x150, v2  }
0x2a4: {  	[tilespmem:s23+$0x80] =	vst v17;
	v11 =	vld.idx.msk [tilespmem:v11+s11+$0x0], $0xffff  }
0x2a5: {  	v17 =	vld.idx.msk [tilespmem:v18+s11+$0x0], $0xffff  }
0x2a6: {  	v18 =	vadd.s32 $0x150, v1  }
0x2a7: {  	[tilespmem:s26+$0x100] =	vst v15  }
0x2a8: {  	[tilespmem:s24+$0x100] =	vst v10;
	v10 =	vld.idx.msk [tilespmem:v16+s11+$0x0], $0xffff  }
0x2a9: {  	[tilespmem:s25+$0x100] =	vst v11;
	v7 =	vld.idx.msk [tilespmem:v7+s11+$0x0], $0xffff;
	v11 =	vadd.s32 $0x1C0, v2  }
0x2aa: {  	[tilespmem:s23+$0x100] =	vst v17;
	v8 =	vld.idx.msk [tilespmem:v8+s11+$0x0], $0xffff  }
0x2ab: {  	v15 =	vld.idx.msk [tilespmem:v18+s11+$0x0], $0xffff  }
0x2ac: {  	[tilespmem:s3+$0x2000] =	vst v14;
	v14 =	vadd.s32 $0x1C0, v1  }
0x2ad: {  	p0 =	por !p0, !p0;
	s3 =	simm.s32 $0x1;
	[tilespmem:s26+$0x180] =	vst v10  }
0x2ae: {  	v0 =	vadd.s32 $0x230, v0;
	s3 =	simm.s32 @!p0 $0x0;
	v10 =	vld.idx.msk [tilespmem:v11+s11+$0x0], $0xffff;
	[tilespmem:s24+$0x180] =	vst v7  }
0x2af: {  	s3 =	sshll.u32 s3, $0x6;
	v2 =	vadd.s32 $0x230, v2;
	[tilespmem:s25+$0x180] =	vst v8;
	v5 =	vld.idx.msk [tilespmem:v5+s11+$0x0], $0xffff  }
0x2b0: {  	s3 =	sadd.s32 s3, s28;
	[tilespmem:s23+$0x180] =	vst v15;
	v6 =	vld.idx.msk [tilespmem:v6+s11+$0x0], $0xffff  }
0x2b1: {  	[tilespmem:s0+$0x2000] =	vst v9;
	s21 =	sadd.s32 $0x30, s3;
	v7 =	vld.idx.msk [tilespmem:v14+s11+$0x0], $0xffff  }
0x2b2: {  	[tilespmem:s2+$0x2000] =	vst v13;
	v1 =	vadd.s32 $0x230, v1;
	s4 =	sadd.s32 $0x10, s3;
	s22 =	sor.u32 $0x200, s21  }
0x2b3: {  	s5 =	sadd.s32 $0x20, s3;
	v0 =	vld.idx.msk [tilespmem:v0+s11+$0x0], $0xffff;
	s23 =	sor.u32 $0x200, s4;
	[tilespmem:s22+$0x2000] =	vst v10  }
0x2b4: {  	s6 =	sor.u32 $0x200, s5;
	v2 =	vld.idx.msk [tilespmem:v2+s11+$0x0], $0xffff;
	[tilespmem:s23+$0x2000] =	vst v5  }
0x2b5: {  	s24 =	sor.u32 $0x200, s3;
	v3 =	vld.idx.msk [tilespmem:v3+s11+$0x0], $0xffff;
	[tilespmem:s6+$0x2000] =	vst v6  }
0x2b6: {  	v4 =	vld.idx.msk [tilespmem:v4+s11+$0x0], $0xffff;
	[tilespmem:s24+$0x2000] =	vst v7  }
0x2b7: {  	[tilespmem:s31+$0x2000] =	vst v12;
	v1 =	vld.idx.msk [tilespmem:v1+s11+$0x0], $0xffff  }
0x2b8: {  	s0 =	sor.u32 $0x280, s21;
	[tilespmem:s30+$0x2000] =	vst v0  }
0x2b9: {  	s25 =	sor.u32 $0x280, s4;
	[tilespmem:s0+$0x2000] =	vst v2  }
0x2ba: {  	s26 =	sor.u32 $0x280, s5;
	[tilespmem:s25+$0x2000] =	vst v3  }
0x2bb: {  	s4 =	sor.u32 $0x280, s3;
	[tilespmem:s26+$0x2000] =	vst v4  }
0x2bc: {  	[tilespmem:s4+$0x2000] =	vst v1  }
0x2bd: {  	s5 =	simm.s32 $0x0;
	s2 =	rddreg [dreg:$0x1b]  }
0x2be: {  	[hbm4b:s2+s5] =	stream.linear.scatter [tilespmem:s16], [sflag:$0x1], $0x8000, $0x38;
	[tilespmem:$0x12C00] =	vst v63  }
0x2bf: {  	s8 =	rddreg [dreg:$0xd]  }
0x2c0: {  	[tilespmem:s5], [sflag:$0x3] =	stream.linear.gather [hbm4b:s8+s5], $0x1000, $0x38;
	[tilespmem:$0x12C00] =	vst v63  }
0x2c1: {  	_ =	swait.ge [sflag:s17], $0x1000  }
0x2c2: {  	[sflag:s17] =	ssyncset.done $0x0  }
0x2c3: {  	s21 =	simm.s32 $0x0;
	[sflag:s17] =	ssyncadd.s32 $0xFFFFF000  }
0x2c4: {  	s22 =	sand.u32 $0x40, s21;
	s2 =	sand.u32 $0xF80, s21;
	_ =	swait.ge [sflag:s19], $0x8000  }
0x2c5: {  	s23 =	sor.u32 $0x30, s22;
	s2 =	sor.u32 $0x1000, s2;
	[sflag:s19] =	ssyncset.done $0x0  }
0x2c6: {  	s24 =	sor.u32 $0x10, s22;
	s25 =	sor.u32 s23, s2;
	[sflag:s19] =	ssyncadd.s32 $0xFFFF8000  }
0x2c7: {  	s7 =	sor.u32 s24, s2;
	s8 =	sor.u32 $0x20, s22;
	v3 =	vld [tilespmem:s25+$0x0]  }
0x2c8: {  	s2 =	sor.u32 s8, s2;
	v4 =	vld [tilespmem:s7+$0x0]  }
0x2c9: {  	s26 =	simm.s32 $0x1000;
	v5 =	vld [tilespmem:s2+$0x0]  }
0x2ca: {  	v0 =	vld [tilespmem:s26+$0x0];
	_ =	sdelay $0x4  }
0x2cb: {  	v1 =	vld.idx.msk [tilespmem:v3+s11+$0x0], $0xffff  }
0x2cc: {  	v6 =	vadd.s32 $0x70, v3;
	v2 =	vld.idx.msk [tilespmem:v4+s11+$0x0], $0xffff  }
0x2cd: {  	s0 =	sand.u32 $0x7C00, s5;
	v7 =	vadd.s32 $0x70, v4;
	v8 =	vld.idx.msk [tilespmem:v5+s11+$0x0], $0xffff  }
0x2ce: {  	s0 =	sadd.s32 $0xA000, s0;
	v10 =	vadd.s32 $0x70, v5;
	v9 =	vld.idx.msk [tilespmem:v0+s11+$0x0], $0xffff  }
0x2cf: {  	s6 =	sor.u32 s23, s0;
	v11 =	vadd.s32 $0x70, v0  }
0x2d0: {  	s4 =	sor.u32 s24, s0;
	[tilespmem:s6+$0x0] =	vst v1  }
0x2d1: {  	s2 =	sor.u32 s8, s0;
	[tilespmem:s4+$0x0] =	vst v2;
	v1 =	vld.idx.msk [tilespmem:v6+s11+$0x0], $0xffff  }
0x2d2: {  	s0 =	sor.u32 s22, s0;
	[tilespmem:s2+$0x0] =	vst v8;
	v2 =	vld.idx.msk [tilespmem:v7+s11+$0x0], $0xffff;
	v6 =	vadd.s32 $0xE0, v3  }
0x2d3: {  	[tilespmem:s0+$0x0] =	vst v9;
	v7 =	vadd.s32 $0xE0, v4;
	v8 =	vld.idx.msk [tilespmem:v10+s11+$0x0], $0xffff  }
0x2d4: {  	v9 =	vadd.s32 $0xE0, v5;
	v10 =	vld.idx.msk [tilespmem:v11+s11+$0x0], $0xffff  }
0x2d5: {  	s5 =	simm.s32 $0x1040;
	v11 =	vadd.s32 $0xE0, v0  }
0x2d6: {  	[tilespmem:s6+$0x80] =	vst v1;
	v1 =	vld [tilespmem:s5+$0x0]  }
0x2d7: {  	s21 =	simm.s32 $0x40;
	[tilespmem:s4+$0x80] =	vst v2;
	v6 =	vld.idx.msk [tilespmem:v6+s11+$0x0], $0xffff  }
0x2d8: {  	s3 =	sand.u32 $0x40, s21;
	s7 =	sand.u32 $0xF80, s21;
	[tilespmem:s2+$0x80] =	vst v8;
	v7 =	vld.idx.msk [tilespmem:v7+s11+$0x0], $0xffff  }
0x2d9: {  	s8 =	sor.u32 $0x30, s3;
	v8 =	vadd.s32 $0x150, v3;
	[tilespmem:s0+$0x80] =	vst v10;
	s5 =	sor.u32 $0x1000, s7;
	v9 =	vld.idx.msk [tilespmem:v9+s11+$0x0], $0xffff  }
0x2da: {  	s24 =	sor.u32 $0x10, s3;
	v10 =	vadd.s32 $0x150, v4;
	v11 =	vld.idx.msk [tilespmem:v11+s11+$0x0], $0xffff;
	s22 =	sor.u32 s8, s5  }
0x2db: {  	s25 =	sor.u32 $0x20, s3;
	v12 =	vadd.s32 $0x150, v5;
	s26 =	sor.u32 s24, s5;
	v2 =	vld [tilespmem:s22+$0x0]  }
0x2dc: {  	v14 =	vadd.s32 $0x150, v0;
	s5 =	sor.u32 s25, s5;
	v13 =	vld [tilespmem:s26+$0x0]  }
0x2dd: {  	v18 =	vld [tilespmem:s5+$0x0];
	[tilespmem:s6+$0x100] =	vst v6  }
0x2de: {  	[tilespmem:s4+$0x100] =	vst v7;
	v6 =	vld.idx.msk [tilespmem:v8+s11+$0x0], $0xffff  }
0x2df: {  	[tilespmem:s2+$0x100] =	vst v9;
	v7 =	vld.idx.msk [tilespmem:v10+s11+$0x0], $0xffff  }
0x2e0: {  	[tilespmem:s0+$0x100] =	vst v11;
	v9 =	vld.idx.msk [tilespmem:v12+s11+$0x0], $0xffff  }
0x2e1: {  	v8 =	vadd.s32 $0x1C0, v3;
	v10 =	vld.idx.msk [tilespmem:v14+s11+$0x0], $0xffff  }
0x2e2: {  	v11 =	vadd.s32 $0x1C0, v4;
	v12 =	vld.idx.msk [tilespmem:v1+s11+$0x0], $0xffff  }
0x2e3: {  	v14 =	vadd.s32 $0x1C0, v5;
	v15 =	vld.idx.msk [tilespmem:v2+s11+$0x0], $0xffff  }
0x2e4: {  	s22 =	simm.s32 $0x200;
	v17 =	vadd.s32 $0x70, v2;
	v16 =	vld.idx.msk [tilespmem:v13+s11+$0x0], $0xffff;
	[tilespmem:s6+$0x180] =	vst v6  }
0x2e5: {  	p0 =	por $0x0, $0x0;
	s5 =	simm.s32 $0x1;
	v19 =	vadd.s32 $0x70, v13;
	[tilespmem:s4+$0x180] =	vst v7;
	s6 =	sand.u32 $0x7C00, s22;
	v7 =	vld.idx.msk [tilespmem:v18+s11+$0x0], $0xffff  }
0x2e6: {  	s5 =	simm.s32 @!p0 $0x0;
	v22 =	vadd.s32 $0x70, v1;
	v8 =	vld.idx.msk [tilespmem:v8+s11+$0x0], $0xffff;
	s23 =	sadd.s32 $0xA000, s6  }
0x2e7: {  	s5 =	sshll.u32 s5, $0x6;
	v3 =	vadd.s32 $0x230, v3;
	[tilespmem:s2+$0x180] =	vst v9;
	v11 =	vld.idx.msk [tilespmem:v11+s11+$0x0], $0xffff;
	s26 =	sor.u32 s8, s23  }
0x2e8: {  	v6 =	vadd.s32 $0x1C0, v0;
	s4 =	sadd.s32 $0x0, s5;
	v21 =	vld.idx.msk [tilespmem:v14+s11+$0x0], $0xffff;
	s24 =	sor.u32 s24, s23;
	[tilespmem:s26+$0x0] =	vst v15  }
0x2e9: {  	v20 =	vadd.s32 $0x70, v18;
	s5 =	sadd.s32 $0x30, s4;
	s25 =	sor.u32 s25, s23;
	s23 =	sor.u32 s3, s23;
	[tilespmem:s24+$0x0] =	vst v16;
	v23 =	vld.idx.msk [tilespmem:v17+s11+$0x0], $0xffff  }
0x2ea: {  	v4 =	vadd.s32 $0x230, v4;
	s6 =	sor.u32 $0x200, s5;
	[tilespmem:s23+$0x0] =	vst v12;
	v15 =	vld.idx.msk [tilespmem:v19+s11+$0x0], $0xffff  }
0x2eb: {  	v24 =	vadd.s32 $0x230, v5;
	v17 =	vld.idx.msk [tilespmem:v22+s11+$0x0], $0xffff;
	[tilespmem:s6+$0xA000] =	vst v8  }
0x2ec: {  	[tilespmem:s0+$0x180] =	vst v10;
	s2 =	sadd.s32 $0x10, s4;
	v14 =	vld.idx.msk [tilespmem:v3+s11+$0x0], $0xffff  }
0x2ed: {  	s3 =	sadd.s32 $0x20, s4;
	s7 =	sor.u32 $0x200, s2;
	v19 =	vadd.s32 $0xE0, v2;
	v9 =	vld.idx.msk [tilespmem:v6+s11+$0x0], $0xffff;
	[tilespmem:s25+$0x0] =	vst v7  }
0x2ee: {  	s29 =	simm.s32 $0x1080;
	v5 =	vadd.s32 $0x1C0, v13;
	v10 =	vadd.s32 $0xE0, v13;
	s8 =	sor.u32 $0x200, s3;
	v7 =	vadd.s32 $0x150, v13;
	v16 =	vld.idx.msk [tilespmem:v20+s11+$0x0], $0xffff;
	[tilespmem:s7+$0xA000] =	vst v11  }
0x2ef: {  	s28 =	simm.s32 $0x200;
	s0 =	sor.u32 $0x200, s4;
	s30 =	sor.u32 $0x280, s4;
	v6 =	vadd.s32 $0x1C0, v18;
	v11 =	vadd.s32 $0xE0, v18;
	[tilespmem:s8+$0xA000] =	vst v21;
	v3 =	vadd.s32 $0x230, v13;
	v13 =	vld.idx.msk [tilespmem:v4+s11+$0x0], $0xffff  }
0x2f0: {  	s2 =	sor.u32 $0x280, s2;
	s31 =	sor.u32 $0x280, s3;
	s3 =	sor.u32 $0x280, s5;
	v8 =	vadd.s32 $0x150, v18;
	v4 =	vadd.s32 $0x230, v18;
	v18 =	vadd.s32 $0xE0, v1;
	v12 =	vld.idx.msk [tilespmem:v24+s11+$0x0], $0xffff;
	[tilespmem:s26+$0x80] =	vst v23  }
.LBB2_14:
0x2f1: {  	v20 =	vadd.s32 $0x230, v0;
	[tilespmem:s3+$0xA000] =	vst v14;
	v0 =	vmov v1;
	v1 =	vld [tilespmem:s29+$0x0]  }
0x2f2: {  	[tilespmem:s24+$0x80] =	vst v15;
	v14 =	vld.idx.msk [tilespmem:v19+s11+$0x0], $0xffff  }
0x2f3: {  	s21 =	sadd.s32 $0x40, s21;
	v10 =	vld.idx.msk [tilespmem:v10+s11+$0x0], $0xffff;
	[tilespmem:s25+$0x80] =	vst v16  }
0x2f4: {  	s3 =	sand.u32 $0x40, s21;
	s5 =	sand.u32 $0xF80, s21;
	p1 =	slt.u32 s21, $0xFC0;
	v15 =	vadd.s32 $0x150, v2;
	[tilespmem:s23+$0x80] =	vst v17;
	v11 =	vld.idx.msk [tilespmem:v11+s11+$0x0], $0xffff  }
0x2f5: {  	s4 =	sor.u32 $0x10, s3;
	s6 =	sor.u32 $0x1000, s5;
	s5 =	sor.u32 $0x30, s3;
	v16 =	vld.idx.msk [tilespmem:v18+s11+$0x0], $0xffff;
	[tilespmem:s0+$0xA000] =	vst v9  }
0x2f6: {  	s7 =	sor.u32 s4, s6;
	s8 =	sor.u32 s5, s6;
	s0 =	sor.u32 $0x20, s3;
	v9 =	vld.idx.msk [tilespmem:v20+s11+$0x0], $0xffff;
	[tilespmem:s2+$0xA000] =	vst v13  }
0x2f7: {  	s2 =	sor.u32 s0, s6;
	v13 =	vld [tilespmem:s8+$0x0];
	[tilespmem:s31+$0xA000] =	vst v12  }
0x2f8: {  	v17 =	vadd.s32 $0x150, v0;
	v12 =	vld [tilespmem:s7+$0x0];
	[tilespmem:s26+$0x100] =	vst v14  }
0x2f9: {  	[tilespmem:s24+$0x100] =	vst v10;
	v14 =	vld.idx.msk [tilespmem:v15+s11+$0x0], $0xffff  }
0x2fa: {  	v15 =	vld [tilespmem:s2+$0x0];
	[tilespmem:s25+$0x100] =	vst v11  }
0x2fb: {  	v18 =	vadd.s32 $0x1C0, v2;
	[tilespmem:s23+$0x100] =	vst v16;
	v16 =	vld.idx.msk [tilespmem:v7+s11+$0x0], $0xffff  }
0x2fc: {  	v19 =	vld.idx.msk [tilespmem:v8+s11+$0x0], $0xffff;
	[tilespmem:s30+$0xA000] =	vst v9  }
0x2fd: {  	v20 =	vadd.s32 $0x70, v12;
	v10 =	vadd.s32 $0xE0, v12;
	v7 =	vadd.s32 $0x150, v12;
	v9 =	vld.idx.msk [tilespmem:v17+s11+$0x0], $0xffff  }
0x2fe: {  	v21 =	vadd.s32 $0x1C0, v12;
	v22 =	vadd.s32 $0x230, v12;
	v17 =	vld.idx.msk [tilespmem:v1+s11+$0x0], $0xffff  }
0x2ff: {  	v23 =	vadd.s32 $0x70, v15;
	v11 =	vadd.s32 $0xE0, v15;
	v8 =	vadd.s32 $0x150, v15;
	v24 =	vld.idx.msk [tilespmem:v13+s11+$0x0], $0xffff;
	[tilespmem:s26+$0x180] =	vst v14  }
0x300: {  	p0 =	por !p0, !p0;
	v26 =	vadd.s32 $0x1C0, v0;
	s2 =	simm.s32 $0x1;
	v14 =	vadd.s32 $0x1C0, v15;
	v25 =	vadd.s32 $0x230, v15;
	v18 =	vld.idx.msk [tilespmem:v18+s11+$0x0], $0xffff  }
0x301: {  	s22 =	sadd.s32 $0x200, s22;
	s2 =	simm.s32 @!p0 $0x0;
	v27 =	vadd.s32 $0x70, v13;
	v12 =	vld.idx.msk [tilespmem:v12+s11+$0x0], $0xffff;
	[tilespmem:s24+$0x180] =	vst v16  }
0x302: {  	s6 =	sand.u32 $0x7C00, s22;
	s2 =	sshll.u32 s2, $0x6;
	v16 =	vld.idx.msk [tilespmem:v15+s11+$0x0], $0xffff;
	[tilespmem:s25+$0x180] =	vst v19;
	v15 =	vadd.s32 $0x230, v2;
	v2 =	vmov v13  }
0x303: {  	s6 =	sadd.s32 $0xA000, s6;
	s7 =	sadd.s32 s2, s28;
	s28 =	smov.u32 s22;
	[tilespmem:s23+$0x180] =	vst v9;
	v13 =	vld.idx.msk [tilespmem:v5+s11+$0x0], $0xffff;
	v5 =	vmov v21  }
0x304: {  	s26 =	sor.u32 s5, s6;
	s24 =	sor.u32 s4, s6;
	s4 =	sadd.s32 $0x30, s7;
	v21 =	vld.idx.msk [tilespmem:v6+s11+$0x0], $0xffff;
	v6 =	vmov v14  }
0x305: {  	v28 =	vadd.s32 $0x70, v1;
	s25 =	sor.u32 s0, s6;
	s2 =	sor.u32 $0x200, s4;
	s23 =	sor.u32 s3, s6;
	[tilespmem:s26+$0x0] =	vst v24;
	v9 =	vld.idx.msk [tilespmem:v26+s11+$0x0], $0xffff  }
0x306: {  	s5 =	sadd.s32 $0x20, s7;
	s0 =	sor.u32 $0x200, s7;
	s3 =	sadd.s32 $0x10, s7;
	v24 =	vld.idx.msk [tilespmem:v27+s11+$0x0], $0xffff;
	[tilespmem:s2+$0xA000] =	vst v18  }
0x307: {  	s6 =	sor.u32 $0x200, s3;
	s2 =	sor.u32 $0x280, s3;
	s3 =	sor.u32 $0x200, s5;
	[tilespmem:s24+$0x0] =	vst v12;
	v14 =	vld.idx.msk [tilespmem:v15+s11+$0x0], $0xffff  }
.Ltmp6:
0x308: {  	s30 =	sor.u32 $0x280, s7;
	s31 =	sor.u32 $0x280, s5;
	v15 =	vld.idx.msk [tilespmem:v20+s11+$0x0], $0xffff;
	[tilespmem:s25+$0x0] =	vst v16;
	(pc) =	sbr.rel @p1 .LBB2_14-.Ltmp6, $4  }
0x309: {  	v19 =	vadd.s32 $0xE0, v2;
	[tilespmem:s23+$0x0] =	vst v17;
	v16 =	vld.idx.msk [tilespmem:v23+s11+$0x0], $0xffff  }
0x30a: {  	v17 =	vld.idx.msk [tilespmem:v28+s11+$0x0], $0xffff;
	[tilespmem:s6+$0xA000] =	vst v13  }
0x30b: {  	v13 =	vld.idx.msk [tilespmem:v3+s11+$0x0], $0xffff;
	[tilespmem:s3+$0xA000] =	vst v21;
	v3 =	vmov v22  }
0x30c: {  	s29 =	sadd.s32 $0x40, s29;
	v18 =	vadd.s32 $0xE0, v1;
	s3 =	sor.u32 $0x280, s4;
	[tilespmem:s26+$0x80] =	vst v24;
	v12 =	vld.idx.msk [tilespmem:v4+s11+$0x0], $0xffff;
	v4 =	vmov v25  }
0x30d: {  	_ =	sdelay $0x3  }
0x30e: {  	[tilespmem:s24+$0x80] =	vst v15;
	v15 =	vld.idx.msk [tilespmem:v19+s11+$0x0], $0xffff  }
0x30f: {  	v10 =	vld.idx.msk [tilespmem:v10+s11+$0x0], $0xffff;
	[tilespmem:s25+$0x80] =	vst v16;
	v16 =	vadd.s32 $0x150, v2  }
0x310: {  	[tilespmem:s23+$0x80] =	vst v17;
	v11 =	vld.idx.msk [tilespmem:v11+s11+$0x0], $0xffff  }
0x311: {  	v17 =	vld.idx.msk [tilespmem:v18+s11+$0x0], $0xffff  }
0x312: {  	v18 =	vadd.s32 $0x150, v1  }
0x313: {  	[tilespmem:s26+$0x100] =	vst v15  }
0x314: {  	[tilespmem:s24+$0x100] =	vst v10;
	v10 =	vld.idx.msk [tilespmem:v16+s11+$0x0], $0xffff  }
0x315: {  	[tilespmem:s25+$0x100] =	vst v11;
	v7 =	vld.idx.msk [tilespmem:v7+s11+$0x0], $0xffff;
	v11 =	vadd.s32 $0x1C0, v2  }
0x316: {  	[tilespmem:s23+$0x100] =	vst v17;
	v8 =	vld.idx.msk [tilespmem:v8+s11+$0x0], $0xffff  }
0x317: {  	v15 =	vld.idx.msk [tilespmem:v18+s11+$0x0], $0xffff  }
0x318: {  	[tilespmem:s3+$0xA000] =	vst v14;
	v14 =	vadd.s32 $0x1C0, v1  }
0x319: {  	p0 =	por !p0, !p0;
	s3 =	simm.s32 $0x1;
	[tilespmem:s26+$0x180] =	vst v10  }
0x31a: {  	v0 =	vadd.s32 $0x230, v0;
	s3 =	simm.s32 @!p0 $0x0;
	v10 =	vld.idx.msk [tilespmem:v11+s11+$0x0], $0xffff;
	[tilespmem:s24+$0x180] =	vst v7  }
0x31b: {  	s3 =	sshll.u32 s3, $0x6;
	v2 =	vadd.s32 $0x230, v2;
	[tilespmem:s25+$0x180] =	vst v8;
	v5 =	vld.idx.msk [tilespmem:v5+s11+$0x0], $0xffff  }
0x31c: {  	s3 =	sadd.s32 s3, s28;
	[tilespmem:s23+$0x180] =	vst v15;
	v6 =	vld.idx.msk [tilespmem:v6+s11+$0x0], $0xffff  }
0x31d: {  	[tilespmem:s0+$0xA000] =	vst v9;
	s21 =	sadd.s32 $0x30, s3;
	v7 =	vld.idx.msk [tilespmem:v14+s11+$0x0], $0xffff  }
0x31e: {  	[tilespmem:s2+$0xA000] =	vst v13;
	v1 =	vadd.s32 $0x230, v1;
	s4 =	sadd.s32 $0x10, s3;
	s22 =	sor.u32 $0x200, s21  }
0x31f: {  	s5 =	sadd.s32 $0x20, s3;
	v0 =	vld.idx.msk [tilespmem:v0+s11+$0x0], $0xffff;
	s23 =	sor.u32 $0x200, s4;
	[tilespmem:s22+$0xA000] =	vst v10  }
0x320: {  	s6 =	sor.u32 $0x200, s5;
	v2 =	vld.idx.msk [tilespmem:v2+s11+$0x0], $0xffff;
	[tilespmem:s23+$0xA000] =	vst v5  }
0x321: {  	s24 =	sor.u32 $0x200, s3;
	v3 =	vld.idx.msk [tilespmem:v3+s11+$0x0], $0xffff;
	[tilespmem:s6+$0xA000] =	vst v6  }
0x322: {  	v4 =	vld.idx.msk [tilespmem:v4+s11+$0x0], $0xffff;
	[tilespmem:s24+$0xA000] =	vst v7  }
0x323: {  	[tilespmem:s31+$0xA000] =	vst v12;
	v1 =	vld.idx.msk [tilespmem:v1+s11+$0x0], $0xffff  }
0x324: {  	s0 =	sor.u32 $0x280, s21;
	[tilespmem:s30+$0xA000] =	vst v0  }
0x325: {  	s25 =	sor.u32 $0x280, s4;
	[tilespmem:s0+$0xA000] =	vst v2  }
0x326: {  	s26 =	sor.u32 $0x280, s5;
	[tilespmem:s25+$0xA000] =	vst v3  }
0x327: {  	s4 =	sor.u32 $0x280, s3;
	[tilespmem:s26+$0xA000] =	vst v4  }
0x328: {  	[tilespmem:s4+$0xA000] =	vst v1  }
0x329: {  	s5 =	simm.s32 $0x0;
	s2 =	rddreg [dreg:$0x1c]  }
0x32a: {  	[hbm4b:s2+s5] =	stream.linear.scatter [tilespmem:s18], [sflag:$0x2], $0x8000, $0x38;
	[tilespmem:$0x12C00] =	vst v63  }
0x32b: {  	s21 =	rddreg [dreg:$0xe]  }
0x32c: {  	[tilespmem:s13], [sflag:$0x4] =	stream.linear.gather [hbm4b:s21+s5], $0x1000, $0x38;
	[tilespmem:$0x12C00] =	vst v63  }
0x32d: {  	_ =	swait.ge [sflag:s14], $0x1000  }
0x32e: {  	[sflag:s14] =	ssyncset.done $0x0  }
0x32f: {  	s22 =	simm.s32 $0x0;
	[sflag:s14] =	ssyncadd.s32 $0xFFFFF000  }
0x330: {  	s23 =	sand.u32 $0x40, s22;
	_ =	swait.ge [sflag:s15], $0x8000  }
0x331: {  	s24 =	sor.u32 $0x30, s23;
	s2 =	sand.u32 $0xF80, s22;
	[sflag:s15] =	ssyncset.done $0x0  }
0x332: {  	s25 =	sor.u32 $0x10, s23;
	s26 =	sor.u32 s24, s2;
	[sflag:s15] =	ssyncadd.s32 $0xFFFF8000  }
0x333: {  	s7 =	sor.u32 s25, s2;
	v3 =	vld [tilespmem:s26+$0x0]  }
0x334: {  	s8 =	sor.u32 $0x20, s23;
	v4 =	vld [tilespmem:s7+$0x0]  }
0x335: {  	s2 =	sor.u32 s8, s2  }
0x336: {  	v5 =	vld [tilespmem:s2+$0x0]  }
0x337: {  	v0 =	vld [tilespmem:s5+$0x0];
	_ =	sdelay $0x3  }
0x338: {  	v1 =	vld.idx.msk [tilespmem:v3+s11+$0x0], $0xffff  }
0x339: {  	v6 =	vadd.s32 $0x70, v3;
	v2 =	vld.idx.msk [tilespmem:v4+s11+$0x0], $0xffff  }
0x33a: {  	s0 =	sand.u32 $0x7C00, s5;
	v7 =	vadd.s32 $0x70, v4  }
0x33b: {  	s0 =	sadd.s32 $0x2000, s0;
	v8 =	vld.idx.msk [tilespmem:v5+s11+$0x0], $0xffff  }
0x33c: {  	s6 =	sor.u32 s24, s0;
	s21 =	simm.s32 $0x40;
	v10 =	vadd.s32 $0x70, v5;
	v9 =	vld.idx.msk [tilespmem:v0+s11+$0x0], $0xffff  }
0x33d: {  	s4 =	sor.u32 s25, s0;
	s3 =	sand.u32 $0x40, s21;
	v11 =	vadd.s32 $0x70, v0;
	[tilespmem:s6+$0x0] =	vst v1  }
0x33e: {  	s24 =	sor.u32 $0x10, s3;
	s7 =	sand.u32 $0xF80, s21;
	[tilespmem:s4+$0x0] =	vst v2;
	v1 =	vld.idx.msk [tilespmem:v6+s11+$0x0], $0xffff  }
0x33f: {  	s2 =	sor.u32 s8, s0;
	s26 =	sor.u32 s24, s7;
	v2 =	vld.idx.msk [tilespmem:v7+s11+$0x0], $0xffff  }
0x340: {  	s0 =	sor.u32 s23, s0;
	v13 =	vld [tilespmem:s26+$0x0];
	[tilespmem:s2+$0x0] =	vst v8;
	v6 =	vadd.s32 $0xE0, v3  }
0x341: {  	[tilespmem:s0+$0x0] =	vst v9;
	v7 =	vadd.s32 $0xE0, v4;
	v8 =	vld.idx.msk [tilespmem:v10+s11+$0x0], $0xffff  }
0x342: {  	s5 =	simm.s32 $0x40;
	s8 =	sor.u32 $0x30, s3;
	v9 =	vadd.s32 $0xE0, v5;
	v10 =	vld.idx.msk [tilespmem:v11+s11+$0x0], $0xffff  }
0x343: {  	s22 =	sor.u32 s8, s7;
	v11 =	vadd.s32 $0xE0, v0;
	[tilespmem:s6+$0x80] =	vst v1;
	v1 =	vld [tilespmem:s5+$0x0]  }
0x344: {  	[tilespmem:s4+$0x80] =	vst v2;
	v2 =	vld [tilespmem:s22+$0x0]  }
0x345: {  	v6 =	vld.idx.msk [tilespmem:v6+s11+$0x0], $0xffff  }
0x346: {  	[tilespmem:s2+$0x80] =	vst v8;
	v8 =	vadd.s32 $0x150, v3;
	v7 =	vld.idx.msk [tilespmem:v7+s11+$0x0], $0xffff  }
0x347: {  	s25 =	sor.u32 $0x20, s3;
	[tilespmem:s0+$0x80] =	vst v10;
	v10 =	vadd.s32 $0x150, v4;
	v9 =	vld.idx.msk [tilespmem:v9+s11+$0x0], $0xffff  }
0x348: {  	v12 =	vadd.s32 $0x150, v5;
	s5 =	sor.u32 s25, s7;
	v11 =	vld.idx.msk [tilespmem:v11+s11+$0x0], $0xffff  }
0x349: {  	v14 =	vadd.s32 $0x150, v0;
	v18 =	vld [tilespmem:s5+$0x0]  }
0x34a: {  	v16 =	vld.idx.msk [tilespmem:v13+s11+$0x0], $0xffff;
	[tilespmem:s6+$0x100] =	vst v6  }
0x34b: {  	[tilespmem:s4+$0x100] =	vst v7;
	v6 =	vld.idx.msk [tilespmem:v8+s11+$0x0], $0xffff  }
0x34c: {  	[tilespmem:s2+$0x100] =	vst v9;
	v7 =	vld.idx.msk [tilespmem:v10+s11+$0x0], $0xffff  }
0x34d: {  	[tilespmem:s0+$0x100] =	vst v11;
	v8 =	vadd.s32 $0x1C0, v3;
	v9 =	vld.idx.msk [tilespmem:v12+s11+$0x0], $0xffff  }
0x34e: {  	v11 =	vadd.s32 $0x1C0, v4;
	v10 =	vld.idx.msk [tilespmem:v14+s11+$0x0], $0xffff  }
0x34f: {  	v14 =	vadd.s32 $0x1C0, v5;
	v15 =	vld.idx.msk [tilespmem:v2+s11+$0x0], $0xffff  }
0x350: {  	s22 =	simm.s32 $0x200;
	v17 =	vadd.s32 $0x70, v2;
	v12 =	vld.idx.msk [tilespmem:v1+s11+$0x0], $0xffff;
	[tilespmem:s6+$0x180] =	vst v6  }
0x351: {  	p0 =	por $0x0, $0x0;
	v19 =	vadd.s32 $0x70, v13;
	s5 =	simm.s32 $0x1;
	[tilespmem:s4+$0x180] =	vst v7;
	s6 =	sand.u32 $0x7C00, s22;
	v7 =	vld.idx.msk [tilespmem:v18+s11+$0x0], $0xffff  }
0x352: {  	s5 =	simm.s32 @!p0 $0x0;
	v22 =	vadd.s32 $0x70, v1;
	v8 =	vld.idx.msk [tilespmem:v8+s11+$0x0], $0xffff;
	s23 =	sadd.s32 $0x2000, s6  }
0x353: {  	s5 =	sshll.u32 s5, $0x6;
	v3 =	vadd.s32 $0x230, v3;
	[tilespmem:s2+$0x180] =	vst v9;
	v11 =	vld.idx.msk [tilespmem:v11+s11+$0x0], $0xffff;
	s26 =	sor.u32 s8, s23  }
0x354: {  	v6 =	vadd.s32 $0x1C0, v0;
	s4 =	sadd.s32 $0x0, s5;
	v21 =	vld.idx.msk [tilespmem:v14+s11+$0x0], $0xffff;
	s24 =	sor.u32 s24, s23;
	[tilespmem:s26+$0x0] =	vst v15  }
0x355: {  	v20 =	vadd.s32 $0x70, v18;
	s5 =	sadd.s32 $0x30, s4;
	s25 =	sor.u32 s25, s23;
	s23 =	sor.u32 s3, s23;
	[tilespmem:s24+$0x0] =	vst v16;
	v23 =	vld.idx.msk [tilespmem:v17+s11+$0x0], $0xffff  }
0x356: {  	v4 =	vadd.s32 $0x230, v4;
	s6 =	sor.u32 $0x200, s5;
	[tilespmem:s23+$0x0] =	vst v12;
	v15 =	vld.idx.msk [tilespmem:v19+s11+$0x0], $0xffff  }
0x357: {  	v24 =	vadd.s32 $0x230, v5;
	v17 =	vld.idx.msk [tilespmem:v22+s11+$0x0], $0xffff;
	[tilespmem:s6+$0x2000] =	vst v8  }
0x358: {  	[tilespmem:s0+$0x180] =	vst v10;
	s2 =	sadd.s32 $0x10, s4;
	v14 =	vld.idx.msk [tilespmem:v3+s11+$0x0], $0xffff  }
0x359: {  	s3 =	sadd.s32 $0x20, s4;
	s7 =	sor.u32 $0x200, s2;
	v19 =	vadd.s32 $0xE0, v2;
	v9 =	vld.idx.msk [tilespmem:v6+s11+$0x0], $0xffff;
	[tilespmem:s25+$0x0] =	vst v7  }
0x35a: {  	s29 =	simm.s32 $0x80;
	v5 =	vadd.s32 $0x1C0, v13;
	v10 =	vadd.s32 $0xE0, v13;
	s8 =	sor.u32 $0x200, s3;
	v7 =	vadd.s32 $0x150, v13;
	v16 =	vld.idx.msk [tilespmem:v20+s11+$0x0], $0xffff;
	[tilespmem:s7+$0x2000] =	vst v11  }
0x35b: {  	s28 =	simm.s32 $0x200;
	s0 =	sor.u32 $0x200, s4;
	s30 =	sor.u32 $0x280, s4;
	v6 =	vadd.s32 $0x1C0, v18;
	v11 =	vadd.s32 $0xE0, v18;
	[tilespmem:s8+$0x2000] =	vst v21;
	v3 =	vadd.s32 $0x230, v13;
	v13 =	vld.idx.msk [tilespmem:v4+s11+$0x0], $0xffff  }
0x35c: {  	s2 =	sor.u32 $0x280, s2;
	s31 =	sor.u32 $0x280, s3;
	s3 =	sor.u32 $0x280, s5;
	v8 =	vadd.s32 $0x150, v18;
	v4 =	vadd.s32 $0x230, v18;
	v18 =	vadd.s32 $0xE0, v1;
	v12 =	vld.idx.msk [tilespmem:v24+s11+$0x0], $0xffff;
	[tilespmem:s26+$0x80] =	vst v23  }
.LBB2_16:
0x35d: {  	v20 =	vadd.s32 $0x230, v0;
	[tilespmem:s3+$0x2000] =	vst v14;
	v0 =	vmov v1;
	v1 =	vld [tilespmem:s29+$0x0]  }
0x35e: {  	[tilespmem:s24+$0x80] =	vst v15;
	v14 =	vld.idx.msk [tilespmem:v19+s11+$0x0], $0xffff  }
0x35f: {  	s21 =	sadd.s32 $0x40, s21;
	v10 =	vld.idx.msk [tilespmem:v10+s11+$0x0], $0xffff;
	[tilespmem:s25+$0x80] =	vst v16  }
0x360: {  	s3 =	sand.u32 $0x40, s21;
	p1 =	slt.u32 s21, $0xFC0;
	v15 =	vadd.s32 $0x150, v2;
	[tilespmem:s23+$0x80] =	vst v17;
	v11 =	vld.idx.msk [tilespmem:v11+s11+$0x0], $0xffff  }
0x361: {  	s6 =	sand.u32 $0xF80, s21;
	s4 =	sor.u32 $0x10, s3;
	s5 =	sor.u32 $0x30, s3;
	v16 =	vld.idx.msk [tilespmem:v18+s11+$0x0], $0xffff;
	[tilespmem:s0+$0x2000] =	vst v9  }
0x362: {  	s7 =	sor.u32 s4, s6;
	s8 =	sor.u32 s5, s6;
	s0 =	sor.u32 $0x20, s3;
	v9 =	vld.idx.msk [tilespmem:v20+s11+$0x0], $0xffff;
	[tilespmem:s2+$0x2000] =	vst v13  }
0x363: {  	s2 =	sor.u32 s0, s6;
	v13 =	vld [tilespmem:s8+$0x0];
	[tilespmem:s31+$0x2000] =	vst v12  }
0x364: {  	v17 =	vadd.s32 $0x150, v0;
	v12 =	vld [tilespmem:s7+$0x0];
	[tilespmem:s26+$0x100] =	vst v14  }
0x365: {  	[tilespmem:s24+$0x100] =	vst v10;
	v14 =	vld.idx.msk [tilespmem:v15+s11+$0x0], $0xffff  }
0x366: {  	v15 =	vld [tilespmem:s2+$0x0];
	[tilespmem:s25+$0x100] =	vst v11  }
0x367: {  	v18 =	vadd.s32 $0x1C0, v2;
	[tilespmem:s23+$0x100] =	vst v16;
	v16 =	vld.idx.msk [tilespmem:v7+s11+$0x0], $0xffff  }
0x368: {  	v19 =	vld.idx.msk [tilespmem:v8+s11+$0x0], $0xffff;
	[tilespmem:s30+$0x2000] =	vst v9  }
0x369: {  	v20 =	vadd.s32 $0x70, v12;
	v10 =	vadd.s32 $0xE0, v12;
	v7 =	vadd.s32 $0x150, v12;
	v9 =	vld.idx.msk [tilespmem:v17+s11+$0x0], $0xffff  }
0x36a: {  	v21 =	vadd.s32 $0x1C0, v12;
	v22 =	vadd.s32 $0x230, v12;
	v17 =	vld.idx.msk [tilespmem:v1+s11+$0x0], $0xffff  }
0x36b: {  	v23 =	vadd.s32 $0x70, v15;
	v11 =	vadd.s32 $0xE0, v15;
	v8 =	vadd.s32 $0x150, v15;
	v24 =	vld.idx.msk [tilespmem:v13+s11+$0x0], $0xffff;
	[tilespmem:s26+$0x180] =	vst v14  }
0x36c: {  	p0 =	por !p0, !p0;
	v26 =	vadd.s32 $0x1C0, v0;
	s2 =	simm.s32 $0x1;
	v14 =	vadd.s32 $0x1C0, v15;
	v25 =	vadd.s32 $0x230, v15;
	v18 =	vld.idx.msk [tilespmem:v18+s11+$0x0], $0xffff  }
0x36d: {  	s22 =	sadd.s32 $0x200, s22;
	s2 =	simm.s32 @!p0 $0x0;
	v27 =	vadd.s32 $0x70, v13;
	v12 =	vld.idx.msk [tilespmem:v12+s11+$0x0], $0xffff;
	[tilespmem:s24+$0x180] =	vst v16  }
0x36e: {  	s6 =	sand.u32 $0x7C00, s22;
	s2 =	sshll.u32 s2, $0x6;
	v16 =	vld.idx.msk [tilespmem:v15+s11+$0x0], $0xffff;
	[tilespmem:s25+$0x180] =	vst v19;
	v15 =	vadd.s32 $0x230, v2;
	v2 =	vmov v13  }
0x36f: {  	s6 =	sadd.s32 $0x2000, s6;
	s7 =	sadd.s32 s2, s28;
	s28 =	smov.u32 s22;
	[tilespmem:s23+$0x180] =	vst v9;
	v13 =	vld.idx.msk [tilespmem:v5+s11+$0x0], $0xffff;
	v5 =	vmov v21  }
0x370: {  	s26 =	sor.u32 s5, s6;
	s24 =	sor.u32 s4, s6;
	s4 =	sadd.s32 $0x30, s7;
	v21 =	vld.idx.msk [tilespmem:v6+s11+$0x0], $0xffff;
	v6 =	vmov v14  }
0x371: {  	v28 =	vadd.s32 $0x70, v1;
	s25 =	sor.u32 s0, s6;
	s2 =	sor.u32 $0x200, s4;
	s23 =	sor.u32 s3, s6;
	[tilespmem:s26+$0x0] =	vst v24;
	v9 =	vld.idx.msk [tilespmem:v26+s11+$0x0], $0xffff  }
0x372: {  	s5 =	sadd.s32 $0x20, s7;
	s0 =	sor.u32 $0x200, s7;
	s3 =	sadd.s32 $0x10, s7;
	v24 =	vld.idx.msk [tilespmem:v27+s11+$0x0], $0xffff;
	[tilespmem:s2+$0x2000] =	vst v18  }
0x373: {  	s6 =	sor.u32 $0x200, s3;
	s2 =	sor.u32 $0x280, s3;
	s3 =	sor.u32 $0x200, s5;
	[tilespmem:s24+$0x0] =	vst v12;
	v14 =	vld.idx.msk [tilespmem:v15+s11+$0x0], $0xffff  }
.Ltmp7:
0x374: {  	s30 =	sor.u32 $0x280, s7;
	s31 =	sor.u32 $0x280, s5;
	v15 =	vld.idx.msk [tilespmem:v20+s11+$0x0], $0xffff;
	[tilespmem:s25+$0x0] =	vst v16;
	(pc) =	sbr.rel @p1 .LBB2_16-.Ltmp7, $4  }
0x375: {  	v19 =	vadd.s32 $0xE0, v2;
	[tilespmem:s23+$0x0] =	vst v17;
	v16 =	vld.idx.msk [tilespmem:v23+s11+$0x0], $0xffff  }
0x376: {  	v17 =	vld.idx.msk [tilespmem:v28+s11+$0x0], $0xffff;
	[tilespmem:s6+$0x2000] =	vst v13  }
0x377: {  	v13 =	vld.idx.msk [tilespmem:v3+s11+$0x0], $0xffff;
	[tilespmem:s3+$0x2000] =	vst v21;
	v3 =	vmov v22  }
0x378: {  	s29 =	sadd.s32 $0x40, s29;
	v18 =	vadd.s32 $0xE0, v1;
	s3 =	sor.u32 $0x280, s4;
	[tilespmem:s26+$0x80] =	vst v24;
	v12 =	vld.idx.msk [tilespmem:v4+s11+$0x0], $0xffff;
	v4 =	vmov v25  }
0x379: {  	_ =	sdelay $0x3  }
0x37a: {  	[tilespmem:s24+$0x80] =	vst v15;
	v15 =	vld.idx.msk [tilespmem:v19+s11+$0x0], $0xffff  }
0x37b: {  	v10 =	vld.idx.msk [tilespmem:v10+s11+$0x0], $0xffff;
	[tilespmem:s25+$0x80] =	vst v16;
	v16 =	vadd.s32 $0x150, v2  }
0x37c: {  	[tilespmem:s23+$0x80] =	vst v17;
	v11 =	vld.idx.msk [tilespmem:v11+s11+$0x0], $0xffff  }
0x37d: {  	v17 =	vld.idx.msk [tilespmem:v18+s11+$0x0], $0xffff  }
0x37e: {  	v18 =	vadd.s32 $0x150, v1  }
0x37f: {  	[tilespmem:s26+$0x100] =	vst v15  }
0x380: {  	[tilespmem:s24+$0x100] =	vst v10;
	v10 =	vld.idx.msk [tilespmem:v16+s11+$0x0], $0xffff  }
0x381: {  	[tilespmem:s25+$0x100] =	vst v11;
	v7 =	vld.idx.msk [tilespmem:v7+s11+$0x0], $0xffff;
	v11 =	vadd.s32 $0x1C0, v2  }
0x382: {  	[tilespmem:s23+$0x100] =	vst v17;
	v8 =	vld.idx.msk [tilespmem:v8+s11+$0x0], $0xffff  }
0x383: {  	v15 =	vld.idx.msk [tilespmem:v18+s11+$0x0], $0xffff  }
0x384: {  	[tilespmem:s3+$0x2000] =	vst v14;
	v14 =	vadd.s32 $0x1C0, v1  }
0x385: {  	p0 =	por !p0, !p0;
	s3 =	simm.s32 $0x1;
	[tilespmem:s26+$0x180] =	vst v10  }
0x386: {  	v0 =	vadd.s32 $0x230, v0;
	s3 =	simm.s32 @!p0 $0x0;
	v10 =	vld.idx.msk [tilespmem:v11+s11+$0x0], $0xffff;
	[tilespmem:s24+$0x180] =	vst v7  }
0x387: {  	s3 =	sshll.u32 s3, $0x6;
	v2 =	vadd.s32 $0x230, v2;
	[tilespmem:s25+$0x180] =	vst v8;
	v5 =	vld.idx.msk [tilespmem:v5+s11+$0x0], $0xffff  }
0x388: {  	s3 =	sadd.s32 s3, s28;
	[tilespmem:s23+$0x180] =	vst v15;
	v6 =	vld.idx.msk [tilespmem:v6+s11+$0x0], $0xffff  }
0x389: {  	[tilespmem:s0+$0x2000] =	vst v9;
	s21 =	sadd.s32 $0x30, s3;
	v7 =	vld.idx.msk [tilespmem:v14+s11+$0x0], $0xffff  }
0x38a: {  	[tilespmem:s2+$0x2000] =	vst v13;
	v1 =	vadd.s32 $0x230, v1;
	s4 =	sadd.s32 $0x10, s3;
	s22 =	sor.u32 $0x200, s21  }
0x38b: {  	s5 =	sadd.s32 $0x20, s3;
	v0 =	vld.idx.msk [tilespmem:v0+s11+$0x0], $0xffff;
	s23 =	sor.u32 $0x200, s4;
	[tilespmem:s22+$0x2000] =	vst v10  }
0x38c: {  	s6 =	sor.u32 $0x200, s5;
	v2 =	vld.idx.msk [tilespmem:v2+s11+$0x0], $0xffff;
	[tilespmem:s23+$0x2000] =	vst v5  }
0x38d: {  	s24 =	sor.u32 $0x200, s3;
	v3 =	vld.idx.msk [tilespmem:v3+s11+$0x0], $0xffff;
	[tilespmem:s6+$0x2000] =	vst v6  }
0x38e: {  	v4 =	vld.idx.msk [tilespmem:v4+s11+$0x0], $0xffff;
	[tilespmem:s24+$0x2000] =	vst v7  }
0x38f: {  	[tilespmem:s31+$0x2000] =	vst v12;
	v1 =	vld.idx.msk [tilespmem:v1+s11+$0x0], $0xffff  }
0x390: {  	s0 =	sor.u32 $0x280, s21;
	[tilespmem:s30+$0x2000] =	vst v0  }
0x391: {  	s25 =	sor.u32 $0x280, s4;
	[tilespmem:s0+$0x2000] =	vst v2  }
0x392: {  	s26 =	sor.u32 $0x280, s5;
	[tilespmem:s25+$0x2000] =	vst v3  }
0x393: {  	s4 =	sor.u32 $0x280, s3;
	[tilespmem:s26+$0x2000] =	vst v4  }
0x394: {  	[tilespmem:s4+$0x2000] =	vst v1  }
0x395: {  	s5 =	simm.s32 $0x0;
	s2 =	rddreg [dreg:$0x1d]  }
0x396: {  	[hbm4b:s2+s5] =	stream.linear.scatter [tilespmem:s16], [sflag:$0x1], $0x8000, $0x38;
	[tilespmem:$0x12C00] =	vst v63  }
0x397: {  	s8 =	rddreg [dreg:$0xf]  }
0x398: {  	[tilespmem:s5], [sflag:$0x3] =	stream.linear.gather [hbm4b:s8+s5], $0x1000, $0x38;
	[tilespmem:$0x12C00] =	vst v63  }
0x399: {  	_ =	swait.ge [sflag:s17], $0x1000  }
0x39a: {  	[sflag:s17] =	ssyncset.done $0x0  }
0x39b: {  	s21 =	simm.s32 $0x0;
	[sflag:s17] =	ssyncadd.s32 $0xFFFFF000  }
0x39c: {  	s22 =	sand.u32 $0x40, s21;
	s2 =	sand.u32 $0xF80, s21;
	_ =	swait.ge [sflag:s19], $0x8000  }
0x39d: {  	s23 =	sor.u32 $0x30, s22;
	s2 =	sor.u32 $0x1000, s2;
	[sflag:s19] =	ssyncset.done $0x0  }
0x39e: {  	s24 =	sor.u32 $0x10, s22;
	s25 =	sor.u32 s23, s2;
	[sflag:s19] =	ssyncadd.s32 $0xFFFF8000  }
0x39f: {  	s7 =	sor.u32 s24, s2;
	s8 =	sor.u32 $0x20, s22;
	v3 =	vld [tilespmem:s25+$0x0]  }
0x3a0: {  	s2 =	sor.u32 s8, s2;
	v4 =	vld [tilespmem:s7+$0x0]  }
0x3a1: {  	s26 =	simm.s32 $0x1000;
	v5 =	vld [tilespmem:s2+$0x0]  }
0x3a2: {  	v0 =	vld [tilespmem:s26+$0x0];
	_ =	sdelay $0x4  }
0x3a3: {  	v1 =	vld.idx.msk [tilespmem:v3+s11+$0x0], $0xffff  }
0x3a4: {  	v6 =	vadd.s32 $0x70, v3;
	v2 =	vld.idx.msk [tilespmem:v4+s11+$0x0], $0xffff  }
0x3a5: {  	s0 =	sand.u32 $0x7C00, s5;
	v7 =	vadd.s32 $0x70, v4;
	v8 =	vld.idx.msk [tilespmem:v5+s11+$0x0], $0xffff  }
0x3a6: {  	s0 =	sadd.s32 $0xA000, s0;
	v10 =	vadd.s32 $0x70, v5;
	v9 =	vld.idx.msk [tilespmem:v0+s11+$0x0], $0xffff  }
0x3a7: {  	s6 =	sor.u32 s23, s0;
	v11 =	vadd.s32 $0x70, v0  }
0x3a8: {  	s4 =	sor.u32 s24, s0;
	[tilespmem:s6+$0x0] =	vst v1  }
0x3a9: {  	s2 =	sor.u32 s8, s0;
	[tilespmem:s4+$0x0] =	vst v2;
	v1 =	vld.idx.msk [tilespmem:v6+s11+$0x0], $0xffff  }
0x3aa: {  	s0 =	sor.u32 s22, s0;
	[tilespmem:s2+$0x0] =	vst v8;
	v2 =	vld.idx.msk [tilespmem:v7+s11+$0x0], $0xffff;
	v6 =	vadd.s32 $0xE0, v3  }
0x3ab: {  	[tilespmem:s0+$0x0] =	vst v9;
	v7 =	vadd.s32 $0xE0, v4;
	v8 =	vld.idx.msk [tilespmem:v10+s11+$0x0], $0xffff  }
0x3ac: {  	v9 =	vadd.s32 $0xE0, v5;
	v10 =	vld.idx.msk [tilespmem:v11+s11+$0x0], $0xffff  }
0x3ad: {  	s5 =	simm.s32 $0x1040;
	v11 =	vadd.s32 $0xE0, v0  }
0x3ae: {  	[tilespmem:s6+$0x80] =	vst v1;
	v1 =	vld [tilespmem:s5+$0x0]  }
0x3af: {  	s21 =	simm.s32 $0x40;
	[tilespmem:s4+$0x80] =	vst v2;
	v6 =	vld.idx.msk [tilespmem:v6+s11+$0x0], $0xffff  }
0x3b0: {  	s3 =	sand.u32 $0x40, s21;
	s7 =	sand.u32 $0xF80, s21;
	[tilespmem:s2+$0x80] =	vst v8;
	v7 =	vld.idx.msk [tilespmem:v7+s11+$0x0], $0xffff  }
0x3b1: {  	s8 =	sor.u32 $0x30, s3;
	v8 =	vadd.s32 $0x150, v3;
	[tilespmem:s0+$0x80] =	vst v10;
	s5 =	sor.u32 $0x1000, s7;
	v9 =	vld.idx.msk [tilespmem:v9+s11+$0x0], $0xffff  }
0x3b2: {  	s24 =	sor.u32 $0x10, s3;
	v10 =	vadd.s32 $0x150, v4;
	v11 =	vld.idx.msk [tilespmem:v11+s11+$0x0], $0xffff;
	s22 =	sor.u32 s8, s5  }
0x3b3: {  	s25 =	sor.u32 $0x20, s3;
	v12 =	vadd.s32 $0x150, v5;
	s26 =	sor.u32 s24, s5;
	v2 =	vld [tilespmem:s22+$0x0]  }
0x3b4: {  	v14 =	vadd.s32 $0x150, v0;
	s5 =	sor.u32 s25, s5;
	v13 =	vld [tilespmem:s26+$0x0]  }
0x3b5: {  	v18 =	vld [tilespmem:s5+$0x0];
	[tilespmem:s6+$0x100] =	vst v6  }
0x3b6: {  	[tilespmem:s4+$0x100] =	vst v7;
	v6 =	vld.idx.msk [tilespmem:v8+s11+$0x0], $0xffff  }
0x3b7: {  	[tilespmem:s2+$0x100] =	vst v9;
	v7 =	vld.idx.msk [tilespmem:v10+s11+$0x0], $0xffff  }
0x3b8: {  	[tilespmem:s0+$0x100] =	vst v11;
	v9 =	vld.idx.msk [tilespmem:v12+s11+$0x0], $0xffff  }
0x3b9: {  	v8 =	vadd.s32 $0x1C0, v3;
	v10 =	vld.idx.msk [tilespmem:v14+s11+$0x0], $0xffff  }
0x3ba: {  	v11 =	vadd.s32 $0x1C0, v4;
	v12 =	vld.idx.msk [tilespmem:v1+s11+$0x0], $0xffff  }
0x3bb: {  	v14 =	vadd.s32 $0x1C0, v5;
	v15 =	vld.idx.msk [tilespmem:v2+s11+$0x0], $0xffff  }
0x3bc: {  	s22 =	simm.s32 $0x200;
	v17 =	vadd.s32 $0x70, v2;
	v16 =	vld.idx.msk [tilespmem:v13+s11+$0x0], $0xffff;
	[tilespmem:s6+$0x180] =	vst v6  }
0x3bd: {  	p0 =	por $0x0, $0x0;
	s5 =	simm.s32 $0x1;
	v19 =	vadd.s32 $0x70, v13;
	[tilespmem:s4+$0x180] =	vst v7;
	s6 =	sand.u32 $0x7C00, s22;
	v7 =	vld.idx.msk [tilespmem:v18+s11+$0x0], $0xffff  }
0x3be: {  	s5 =	simm.s32 @!p0 $0x0;
	v22 =	vadd.s32 $0x70, v1;
	v8 =	vld.idx.msk [tilespmem:v8+s11+$0x0], $0xffff;
	s23 =	sadd.s32 $0xA000, s6  }
0x3bf: {  	s5 =	sshll.u32 s5, $0x6;
	v3 =	vadd.s32 $0x230, v3;
	[tilespmem:s2+$0x180] =	vst v9;
	v11 =	vld.idx.msk [tilespmem:v11+s11+$0x0], $0xffff;
	s26 =	sor.u32 s8, s23  }
0x3c0: {  	v6 =	vadd.s32 $0x1C0, v0;
	s4 =	sadd.s32 $0x0, s5;
	v21 =	vld.idx.msk [tilespmem:v14+s11+$0x0], $0xffff;
	s24 =	sor.u32 s24, s23;
	[tilespmem:s26+$0x0] =	vst v15  }
0x3c1: {  	v20 =	vadd.s32 $0x70, v18;
	s5 =	sadd.s32 $0x30, s4;
	s25 =	sor.u32 s25, s23;
	s23 =	sor.u32 s3, s23;
	[tilespmem:s24+$0x0] =	vst v16;
	v23 =	vld.idx.msk [tilespmem:v17+s11+$0x0], $0xffff  }
0x3c2: {  	v4 =	vadd.s32 $0x230, v4;
	s6 =	sor.u32 $0x200, s5;
	[tilespmem:s23+$0x0] =	vst v12;
	v15 =	vld.idx.msk [tilespmem:v19+s11+$0x0], $0xffff  }
0x3c3: {  	v24 =	vadd.s32 $0x230, v5;
	v17 =	vld.idx.msk [tilespmem:v22+s11+$0x0], $0xffff;
	[tilespmem:s6+$0xA000] =	vst v8  }
0x3c4: {  	[tilespmem:s0+$0x180] =	vst v10;
	s2 =	sadd.s32 $0x10, s4;
	v14 =	vld.idx.msk [tilespmem:v3+s11+$0x0], $0xffff  }
0x3c5: {  	s3 =	sadd.s32 $0x20, s4;
	s7 =	sor.u32 $0x200, s2;
	v19 =	vadd.s32 $0xE0, v2;
	v9 =	vld.idx.msk [tilespmem:v6+s11+$0x0], $0xffff;
	[tilespmem:s25+$0x0] =	vst v7  }
0x3c6: {  	s29 =	simm.s32 $0x1080;
	v5 =	vadd.s32 $0x1C0, v13;
	v10 =	vadd.s32 $0xE0, v13;
	s8 =	sor.u32 $0x200, s3;
	v7 =	vadd.s32 $0x150, v13;
	v16 =	vld.idx.msk [tilespmem:v20+s11+$0x0], $0xffff;
	[tilespmem:s7+$0xA000] =	vst v11  }
0x3c7: {  	s28 =	simm.s32 $0x200;
	s0 =	sor.u32 $0x200, s4;
	s30 =	sor.u32 $0x280, s4;
	v6 =	vadd.s32 $0x1C0, v18;
	v11 =	vadd.s32 $0xE0, v18;
	[tilespmem:s8+$0xA000] =	vst v21;
	v3 =	vadd.s32 $0x230, v13;
	v13 =	vld.idx.msk [tilespmem:v4+s11+$0x0], $0xffff  }
0x3c8: {  	s2 =	sor.u32 $0x280, s2;
	s31 =	sor.u32 $0x280, s3;
	s3 =	sor.u32 $0x280, s5;
	v8 =	vadd.s32 $0x150, v18;
	v4 =	vadd.s32 $0x230, v18;
	v18 =	vadd.s32 $0xE0, v1;
	v12 =	vld.idx.msk [tilespmem:v24+s11+$0x0], $0xffff;
	[tilespmem:s26+$0x80] =	vst v23  }
.LBB2_18:
0x3c9: {  	v20 =	vadd.s32 $0x230, v0;
	[tilespmem:s3+$0xA000] =	vst v14;
	v0 =	vmov v1;
	v1 =	vld [tilespmem:s29+$0x0]  }
0x3ca: {  	[tilespmem:s24+$0x80] =	vst v15;
	v14 =	vld.idx.msk [tilespmem:v19+s11+$0x0], $0xffff  }
0x3cb: {  	s21 =	sadd.s32 $0x40, s21;
	v10 =	vld.idx.msk [tilespmem:v10+s11+$0x0], $0xffff;
	[tilespmem:s25+$0x80] =	vst v16  }
0x3cc: {  	s3 =	sand.u32 $0x40, s21;
	s5 =	sand.u32 $0xF80, s21;
	p1 =	slt.u32 s21, $0xFC0;
	v15 =	vadd.s32 $0x150, v2;
	[tilespmem:s23+$0x80] =	vst v17;
	v11 =	vld.idx.msk [tilespmem:v11+s11+$0x0], $0xffff  }
0x3cd: {  	s4 =	sor.u32 $0x10, s3;
	s6 =	sor.u32 $0x1000, s5;
	s5 =	sor.u32 $0x30, s3;
	v16 =	vld.idx.msk [tilespmem:v18+s11+$0x0], $0xffff;
	[tilespmem:s0+$0xA000] =	vst v9  }
0x3ce: {  	s7 =	sor.u32 s4, s6;
	s8 =	sor.u32 s5, s6;
	s0 =	sor.u32 $0x20, s3;
	v9 =	vld.idx.msk [tilespmem:v20+s11+$0x0], $0xffff;
	[tilespmem:s2+$0xA000] =	vst v13  }
0x3cf: {  	s2 =	sor.u32 s0, s6;
	v13 =	vld [tilespmem:s8+$0x0];
	[tilespmem:s31+$0xA000] =	vst v12  }
0x3d0: {  	v17 =	vadd.s32 $0x150, v0;
	v12 =	vld [tilespmem:s7+$0x0];
	[tilespmem:s26+$0x100] =	vst v14  }
0x3d1: {  	[tilespmem:s24+$0x100] =	vst v10;
	v14 =	vld.idx.msk [tilespmem:v15+s11+$0x0], $0xffff  }
0x3d2: {  	v15 =	vld [tilespmem:s2+$0x0];
	[tilespmem:s25+$0x100] =	vst v11  }
0x3d3: {  	v18 =	vadd.s32 $0x1C0, v2;
	[tilespmem:s23+$0x100] =	vst v16;
	v16 =	vld.idx.msk [tilespmem:v7+s11+$0x0], $0xffff  }
0x3d4: {  	v19 =	vld.idx.msk [tilespmem:v8+s11+$0x0], $0xffff;
	[tilespmem:s30+$0xA000] =	vst v9  }
0x3d5: {  	v20 =	vadd.s32 $0x70, v12;
	v10 =	vadd.s32 $0xE0, v12;
	v7 =	vadd.s32 $0x150, v12;
	v9 =	vld.idx.msk [tilespmem:v17+s11+$0x0], $0xffff  }
0x3d6: {  	v21 =	vadd.s32 $0x1C0, v12;
	v22 =	vadd.s32 $0x230, v12;
	v17 =	vld.idx.msk [tilespmem:v1+s11+$0x0], $0xffff  }
0x3d7: {  	v23 =	vadd.s32 $0x70, v15;
	v11 =	vadd.s32 $0xE0, v15;
	v8 =	vadd.s32 $0x150, v15;
	v24 =	vld.idx.msk [tilespmem:v13+s11+$0x0], $0xffff;
	[tilespmem:s26+$0x180] =	vst v14  }
0x3d8: {  	p0 =	por !p0, !p0;
	v26 =	vadd.s32 $0x1C0, v0;
	s2 =	simm.s32 $0x1;
	v14 =	vadd.s32 $0x1C0, v15;
	v25 =	vadd.s32 $0x230, v15;
	v18 =	vld.idx.msk [tilespmem:v18+s11+$0x0], $0xffff  }
0x3d9: {  	s22 =	sadd.s32 $0x200, s22;
	s2 =	simm.s32 @!p0 $0x0;
	v27 =	vadd.s32 $0x70, v13;
	v12 =	vld.idx.msk [tilespmem:v12+s11+$0x0], $0xffff;
	[tilespmem:s24+$0x180] =	vst v16  }
0x3da: {  	s6 =	sand.u32 $0x7C00, s22;
	s2 =	sshll.u32 s2, $0x6;
	v16 =	vld.idx.msk [tilespmem:v15+s11+$0x0], $0xffff;
	[tilespmem:s25+$0x180] =	vst v19;
	v15 =	vadd.s32 $0x230, v2;
	v2 =	vmov v13  }
0x3db: {  	s6 =	sadd.s32 $0xA000, s6;
	s7 =	sadd.s32 s2, s28;
	s28 =	smov.u32 s22;
	[tilespmem:s23+$0x180] =	vst v9;
	v13 =	vld.idx.msk [tilespmem:v5+s11+$0x0], $0xffff;
	v5 =	vmov v21  }
0x3dc: {  	s26 =	sor.u32 s5, s6;
	s24 =	sor.u32 s4, s6;
	s4 =	sadd.s32 $0x30, s7;
	v21 =	vld.idx.msk [tilespmem:v6+s11+$0x0], $0xffff;
	v6 =	vmov v14  }
0x3dd: {  	v28 =	vadd.s32 $0x70, v1;
	s25 =	sor.u32 s0, s6;
	s2 =	sor.u32 $0x200, s4;
	s23 =	sor.u32 s3, s6;
	[tilespmem:s26+$0x0] =	vst v24;
	v9 =	vld.idx.msk [tilespmem:v26+s11+$0x0], $0xffff  }
0x3de: {  	s5 =	sadd.s32 $0x20, s7;
	s0 =	sor.u32 $0x200, s7;
	s3 =	sadd.s32 $0x10, s7;
	v24 =	vld.idx.msk [tilespmem:v27+s11+$0x0], $0xffff;
	[tilespmem:s2+$0xA000] =	vst v18  }
0x3df: {  	s6 =	sor.u32 $0x200, s3;
	s2 =	sor.u32 $0x280, s3;
	s3 =	sor.u32 $0x200, s5;
	[tilespmem:s24+$0x0] =	vst v12;
	v14 =	vld.idx.msk [tilespmem:v15+s11+$0x0], $0xffff  }
.Ltmp8:
0x3e0: {  	s30 =	sor.u32 $0x280, s7;
	s31 =	sor.u32 $0x280, s5;
	v15 =	vld.idx.msk [tilespmem:v20+s11+$0x0], $0xffff;
	[tilespmem:s25+$0x0] =	vst v16;
	(pc) =	sbr.rel @p1 .LBB2_18-.Ltmp8, $4  }
0x3e1: {  	v19 =	vadd.s32 $0xE0, v2;
	[tilespmem:s23+$0x0] =	vst v17;
	v16 =	vld.idx.msk [tilespmem:v23+s11+$0x0], $0xffff  }
0x3e2: {  	v17 =	vld.idx.msk [tilespmem:v28+s11+$0x0], $0xffff;
	[tilespmem:s6+$0xA000] =	vst v13  }
0x3e3: {  	v13 =	vld.idx.msk [tilespmem:v3+s11+$0x0], $0xffff;
	[tilespmem:s3+$0xA000] =	vst v21;
	v3 =	vmov v22  }
0x3e4: {  	s29 =	sadd.s32 $0x40, s29;
	v18 =	vadd.s32 $0xE0, v1;
	s3 =	sor.u32 $0x280, s4;
	[tilespmem:s26+$0x80] =	vst v24;
	v12 =	vld.idx.msk [tilespmem:v4+s11+$0x0], $0xffff;
	v4 =	vmov v25  }
0x3e5: {  	_ =	sdelay $0x3  }
0x3e6: {  	[tilespmem:s24+$0x80] =	vst v15;
	v15 =	vld.idx.msk [tilespmem:v19+s11+$0x0], $0xffff  }
0x3e7: {  	v10 =	vld.idx.msk [tilespmem:v10+s11+$0x0], $0xffff;
	[tilespmem:s25+$0x80] =	vst v16;
	v16 =	vadd.s32 $0x150, v2  }
0x3e8: {  	[tilespmem:s23+$0x80] =	vst v17;
	v11 =	vld.idx.msk [tilespmem:v11+s11+$0x0], $0xffff  }
0x3e9: {  	v17 =	vld.idx.msk [tilespmem:v18+s11+$0x0], $0xffff  }
0x3ea: {  	v18 =	vadd.s32 $0x150, v1  }
0x3eb: {  	[tilespmem:s26+$0x100] =	vst v15  }
0x3ec: {  	[tilespmem:s24+$0x100] =	vst v10;
	v10 =	vld.idx.msk [tilespmem:v16+s11+$0x0], $0xffff  }
0x3ed: {  	[tilespmem:s25+$0x100] =	vst v11;
	v7 =	vld.idx.msk [tilespmem:v7+s11+$0x0], $0xffff;
	v11 =	vadd.s32 $0x1C0, v2  }
0x3ee: {  	[tilespmem:s23+$0x100] =	vst v17;
	v8 =	vld.idx.msk [tilespmem:v8+s11+$0x0], $0xffff  }
0x3ef: {  	v15 =	vld.idx.msk [tilespmem:v18+s11+$0x0], $0xffff  }
0x3f0: {  	[tilespmem:s3+$0xA000] =	vst v14;
	v14 =	vadd.s32 $0x1C0, v1  }
0x3f1: {  	p0 =	por !p0, !p0;
	s3 =	simm.s32 $0x1;
	[tilespmem:s26+$0x180] =	vst v10  }
0x3f2: {  	v0 =	vadd.s32 $0x230, v0;
	s3 =	simm.s32 @!p0 $0x0;
	v10 =	vld.idx.msk [tilespmem:v11+s11+$0x0], $0xffff;
	[tilespmem:s24+$0x180] =	vst v7  }
0x3f3: {  	s3 =	sshll.u32 s3, $0x6;
	v2 =	vadd.s32 $0x230, v2;
	[tilespmem:s25+$0x180] =	vst v8;
	v5 =	vld.idx.msk [tilespmem:v5+s11+$0x0], $0xffff  }
0x3f4: {  	s3 =	sadd.s32 s3, s28;
	[tilespmem:s23+$0x180] =	vst v15;
	v6 =	vld.idx.msk [tilespmem:v6+s11+$0x0], $0xffff  }
0x3f5: {  	[tilespmem:s0+$0xA000] =	vst v9;
	s21 =	sadd.s32 $0x30, s3;
	v7 =	vld.idx.msk [tilespmem:v14+s11+$0x0], $0xffff  }
0x3f6: {  	[tilespmem:s2+$0xA000] =	vst v13;
	v1 =	vadd.s32 $0x230, v1;
	s4 =	sadd.s32 $0x10, s3;
	s22 =	sor.u32 $0x200, s21  }
0x3f7: {  	s5 =	sadd.s32 $0x20, s3;
	v0 =	vld.idx.msk [tilespmem:v0+s11+$0x0], $0xffff;
	s23 =	sor.u32 $0x200, s4;
	[tilespmem:s22+$0xA000] =	vst v10  }
0x3f8: {  	s6 =	sor.u32 $0x200, s5;
	v2 =	vld.idx.msk [tilespmem:v2+s11+$0x0], $0xffff;
	[tilespmem:s23+$0xA000] =	vst v5  }
0x3f9: {  	s24 =	sor.u32 $0x200, s3;
	v3 =	vld.idx.msk [tilespmem:v3+s11+$0x0], $0xffff;
	[tilespmem:s6+$0xA000] =	vst v6  }
0x3fa: {  	v4 =	vld.idx.msk [tilespmem:v4+s11+$0x0], $0xffff;
	[tilespmem:s24+$0xA000] =	vst v7  }
0x3fb: {  	[tilespmem:s31+$0xA000] =	vst v12;
	v1 =	vld.idx.msk [tilespmem:v1+s11+$0x0], $0xffff  }
0x3fc: {  	s0 =	sor.u32 $0x280, s21;
	[tilespmem:s30+$0xA000] =	vst v0  }
0x3fd: {  	s25 =	sor.u32 $0x280, s4;
	[tilespmem:s0+$0xA000] =	vst v2  }
0x3fe: {  	s26 =	sor.u32 $0x280, s5;
	[tilespmem:s25+$0xA000] =	vst v3  }
0x3ff: {  	s4 =	sor.u32 $0x280, s3;
	[tilespmem:s26+$0xA000] =	vst v4  }
0x400: {  	[tilespmem:s4+$0xA000] =	vst v1  }
0x401: {  	s5 =	simm.s32 $0x0;
	s2 =	rddreg [dreg:$0x1e]  }
0x402: {  	[hbm4b:s2+s5] =	stream.linear.scatter [tilespmem:s18], [sflag:$0x2], $0x8000, $0x38;
	[tilespmem:$0x12C00] =	vst v63  }
0x403: {  	s21 =	rddreg [dreg:$0x10]  }
0x404: {  	[tilespmem:s13], [sflag:$0x4] =	stream.linear.gather [hbm4b:s21+s5], $0x1000, $0x38;
	[tilespmem:$0x12C00] =	vst v63  }
0x405: {  	_ =	swait.ge [sflag:s14], $0x1000  }
0x406: {  	[sflag:s14] =	ssyncset.done $0x0  }
0x407: {  	s22 =	simm.s32 $0x0;
	[sflag:s14] =	ssyncadd.s32 $0xFFFFF000  }
0x408: {  	s23 =	sand.u32 $0x40, s22;
	_ =	swait.ge [sflag:s15], $0x8000  }
0x409: {  	s24 =	sor.u32 $0x30, s23;
	s2 =	sand.u32 $0xF80, s22;
	[sflag:s15] =	ssyncset.done $0x0  }
0x40a: {  	s25 =	sor.u32 $0x10, s23;
	s26 =	sor.u32 s24, s2;
	[sflag:s15] =	ssyncadd.s32 $0xFFFF8000  }
0x40b: {  	s7 =	sor.u32 s25, s2;
	v3 =	vld [tilespmem:s26+$0x0]  }
0x40c: {  	s8 =	sor.u32 $0x20, s23;
	v4 =	vld [tilespmem:s7+$0x0]  }
0x40d: {  	s2 =	sor.u32 s8, s2  }
0x40e: {  	v5 =	vld [tilespmem:s2+$0x0]  }
0x40f: {  	v0 =	vld [tilespmem:s5+$0x0];
	_ =	sdelay $0x3  }
0x410: {  	v1 =	vld.idx.msk [tilespmem:v3+s11+$0x0], $0xffff  }
0x411: {  	v6 =	vadd.s32 $0x70, v3;
	v2 =	vld.idx.msk [tilespmem:v4+s11+$0x0], $0xffff  }
0x412: {  	s0 =	sand.u32 $0x7C00, s5;
	v7 =	vadd.s32 $0x70, v4  }
0x413: {  	s0 =	sadd.s32 $0x2000, s0;
	v8 =	vld.idx.msk [tilespmem:v5+s11+$0x0], $0xffff  }
0x414: {  	s6 =	sor.u32 s24, s0;
	s21 =	simm.s32 $0x40;
	v10 =	vadd.s32 $0x70, v5;
	v9 =	vld.idx.msk [tilespmem:v0+s11+$0x0], $0xffff  }
0x415: {  	s4 =	sor.u32 s25, s0;
	s3 =	sand.u32 $0x40, s21;
	v11 =	vadd.s32 $0x70, v0;
	[tilespmem:s6+$0x0] =	vst v1  }
0x416: {  	s24 =	sor.u32 $0x10, s3;
	s7 =	sand.u32 $0xF80, s21;
	[tilespmem:s4+$0x0] =	vst v2;
	v1 =	vld.idx.msk [tilespmem:v6+s11+$0x0], $0xffff  }
0x417: {  	s2 =	sor.u32 s8, s0;
	s26 =	sor.u32 s24, s7;
	v2 =	vld.idx.msk [tilespmem:v7+s11+$0x0], $0xffff  }
0x418: {  	s0 =	sor.u32 s23, s0;
	v13 =	vld [tilespmem:s26+$0x0];
	[tilespmem:s2+$0x0] =	vst v8;
	v6 =	vadd.s32 $0xE0, v3  }
0x419: {  	[tilespmem:s0+$0x0] =	vst v9;
	v7 =	vadd.s32 $0xE0, v4;
	v8 =	vld.idx.msk [tilespmem:v10+s11+$0x0], $0xffff  }
0x41a: {  	s5 =	simm.s32 $0x40;
	s8 =	sor.u32 $0x30, s3;
	v9 =	vadd.s32 $0xE0, v5;
	v10 =	vld.idx.msk [tilespmem:v11+s11+$0x0], $0xffff  }
0x41b: {  	s22 =	sor.u32 s8, s7;
	v11 =	vadd.s32 $0xE0, v0;
	[tilespmem:s6+$0x80] =	vst v1;
	v1 =	vld [tilespmem:s5+$0x0]  }
0x41c: {  	[tilespmem:s4+$0x80] =	vst v2;
	v2 =	vld [tilespmem:s22+$0x0]  }
0x41d: {  	v6 =	vld.idx.msk [tilespmem:v6+s11+$0x0], $0xffff  }
0x41e: {  	[tilespmem:s2+$0x80] =	vst v8;
	v8 =	vadd.s32 $0x150, v3;
	v7 =	vld.idx.msk [tilespmem:v7+s11+$0x0], $0xffff  }
0x41f: {  	s25 =	sor.u32 $0x20, s3;
	[tilespmem:s0+$0x80] =	vst v10;
	v10 =	vadd.s32 $0x150, v4;
	v9 =	vld.idx.msk [tilespmem:v9+s11+$0x0], $0xffff  }
0x420: {  	v12 =	vadd.s32 $0x150, v5;
	s5 =	sor.u32 s25, s7;
	v11 =	vld.idx.msk [tilespmem:v11+s11+$0x0], $0xffff  }
0x421: {  	v14 =	vadd.s32 $0x150, v0;
	v18 =	vld [tilespmem:s5+$0x0]  }
0x422: {  	v16 =	vld.idx.msk [tilespmem:v13+s11+$0x0], $0xffff;
	[tilespmem:s6+$0x100] =	vst v6  }
0x423: {  	[tilespmem:s4+$0x100] =	vst v7;
	v6 =	vld.idx.msk [tilespmem:v8+s11+$0x0], $0xffff  }
0x424: {  	[tilespmem:s2+$0x100] =	vst v9;
	v7 =	vld.idx.msk [tilespmem:v10+s11+$0x0], $0xffff  }
0x425: {  	[tilespmem:s0+$0x100] =	vst v11;
	v8 =	vadd.s32 $0x1C0, v3;
	v9 =	vld.idx.msk [tilespmem:v12+s11+$0x0], $0xffff  }
0x426: {  	v11 =	vadd.s32 $0x1C0, v4;
	v10 =	vld.idx.msk [tilespmem:v14+s11+$0x0], $0xffff  }
0x427: {  	v14 =	vadd.s32 $0x1C0, v5;
	v15 =	vld.idx.msk [tilespmem:v2+s11+$0x0], $0xffff  }
0x428: {  	s22 =	simm.s32 $0x200;
	v17 =	vadd.s32 $0x70, v2;
	v12 =	vld.idx.msk [tilespmem:v1+s11+$0x0], $0xffff;
	[tilespmem:s6+$0x180] =	vst v6  }
0x429: {  	p0 =	por $0x0, $0x0;
	v19 =	vadd.s32 $0x70, v13;
	s5 =	simm.s32 $0x1;
	[tilespmem:s4+$0x180] =	vst v7;
	s6 =	sand.u32 $0x7C00, s22;
	v7 =	vld.idx.msk [tilespmem:v18+s11+$0x0], $0xffff  }
0x42a: {  	s5 =	simm.s32 @!p0 $0x0;
	v22 =	vadd.s32 $0x70, v1;
	v8 =	vld.idx.msk [tilespmem:v8+s11+$0x0], $0xffff;
	s23 =	sadd.s32 $0x2000, s6  }
0x42b: {  	s5 =	sshll.u32 s5, $0x6;
	v3 =	vadd.s32 $0x230, v3;
	[tilespmem:s2+$0x180] =	vst v9;
	v11 =	vld.idx.msk [tilespmem:v11+s11+$0x0], $0xffff;
	s26 =	sor.u32 s8, s23  }
0x42c: {  	v6 =	vadd.s32 $0x1C0, v0;
	s4 =	sadd.s32 $0x0, s5;
	v21 =	vld.idx.msk [tilespmem:v14+s11+$0x0], $0xffff;
	s24 =	sor.u32 s24, s23;
	[tilespmem:s26+$0x0] =	vst v15  }
0x42d: {  	v20 =	vadd.s32 $0x70, v18;
	s5 =	sadd.s32 $0x30, s4;
	s25 =	sor.u32 s25, s23;
	s23 =	sor.u32 s3, s23;
	[tilespmem:s24+$0x0] =	vst v16;
	v23 =	vld.idx.msk [tilespmem:v17+s11+$0x0], $0xffff  }
0x42e: {  	v4 =	vadd.s32 $0x230, v4;
	s6 =	sor.u32 $0x200, s5;
	[tilespmem:s23+$0x0] =	vst v12;
	v15 =	vld.idx.msk [tilespmem:v19+s11+$0x0], $0xffff  }
0x42f: {  	v24 =	vadd.s32 $0x230, v5;
	v17 =	vld.idx.msk [tilespmem:v22+s11+$0x0], $0xffff;
	[tilespmem:s6+$0x2000] =	vst v8  }
0x430: {  	[tilespmem:s0+$0x180] =	vst v10;
	s2 =	sadd.s32 $0x10, s4;
	v14 =	vld.idx.msk [tilespmem:v3+s11+$0x0], $0xffff  }
0x431: {  	s3 =	sadd.s32 $0x20, s4;
	s7 =	sor.u32 $0x200, s2;
	v19 =	vadd.s32 $0xE0, v2;
	v9 =	vld.idx.msk [tilespmem:v6+s11+$0x0], $0xffff;
	[tilespmem:s25+$0x0] =	vst v7  }
0x432: {  	s29 =	simm.s32 $0x80;
	v5 =	vadd.s32 $0x1C0, v13;
	v10 =	vadd.s32 $0xE0, v13;
	s8 =	sor.u32 $0x200, s3;
	v7 =	vadd.s32 $0x150, v13;
	v16 =	vld.idx.msk [tilespmem:v20+s11+$0x0], $0xffff;
	[tilespmem:s7+$0x2000] =	vst v11  }
0x433: {  	s28 =	simm.s32 $0x200;
	s0 =	sor.u32 $0x200, s4;
	s30 =	sor.u32 $0x280, s4;
	v6 =	vadd.s32 $0x1C0, v18;
	v11 =	vadd.s32 $0xE0, v18;
	[tilespmem:s8+$0x2000] =	vst v21;
	v3 =	vadd.s32 $0x230, v13;
	v13 =	vld.idx.msk [tilespmem:v4+s11+$0x0], $0xffff  }
0x434: {  	s2 =	sor.u32 $0x280, s2;
	s31 =	sor.u32 $0x280, s3;
	s3 =	sor.u32 $0x280, s5;
	v8 =	vadd.s32 $0x150, v18;
	v4 =	vadd.s32 $0x230, v18;
	v18 =	vadd.s32 $0xE0, v1;
	v12 =	vld.idx.msk [tilespmem:v24+s11+$0x0], $0xffff;
	[tilespmem:s26+$0x80] =	vst v23  }
.LBB2_20:
0x435: {  	v20 =	vadd.s32 $0x230, v0;
	[tilespmem:s3+$0x2000] =	vst v14;
	v0 =	vmov v1;
	v1 =	vld [tilespmem:s29+$0x0]  }
0x436: {  	[tilespmem:s24+$0x80] =	vst v15;
	v14 =	vld.idx.msk [tilespmem:v19+s11+$0x0], $0xffff  }
0x437: {  	s21 =	sadd.s32 $0x40, s21;
	v10 =	vld.idx.msk [tilespmem:v10+s11+$0x0], $0xffff;
	[tilespmem:s25+$0x80] =	vst v16  }
0x438: {  	s3 =	sand.u32 $0x40, s21;
	p1 =	slt.u32 s21, $0xFC0;
	v15 =	vadd.s32 $0x150, v2;
	[tilespmem:s23+$0x80] =	vst v17;
	v11 =	vld.idx.msk [tilespmem:v11+s11+$0x0], $0xffff  }
0x439: {  	s6 =	sand.u32 $0xF80, s21;
	s4 =	sor.u32 $0x10, s3;
	s5 =	sor.u32 $0x30, s3;
	v16 =	vld.idx.msk [tilespmem:v18+s11+$0x0], $0xffff;
	[tilespmem:s0+$0x2000] =	vst v9  }
0x43a: {  	s7 =	sor.u32 s4, s6;
	s8 =	sor.u32 s5, s6;
	s0 =	sor.u32 $0x20, s3;
	v9 =	vld.idx.msk [tilespmem:v20+s11+$0x0], $0xffff;
	[tilespmem:s2+$0x2000] =	vst v13  }
0x43b: {  	s2 =	sor.u32 s0, s6;
	v13 =	vld [tilespmem:s8+$0x0];
	[tilespmem:s31+$0x2000] =	vst v12  }
0x43c: {  	v17 =	vadd.s32 $0x150, v0;
	v12 =	vld [tilespmem:s7+$0x0];
	[tilespmem:s26+$0x100] =	vst v14  }
0x43d: {  	[tilespmem:s24+$0x100] =	vst v10;
	v14 =	vld.idx.msk [tilespmem:v15+s11+$0x0], $0xffff  }
0x43e: {  	v15 =	vld [tilespmem:s2+$0x0];
	[tilespmem:s25+$0x100] =	vst v11  }
0x43f: {  	v18 =	vadd.s32 $0x1C0, v2;
	[tilespmem:s23+$0x100] =	vst v16;
	v16 =	vld.idx.msk [tilespmem:v7+s11+$0x0], $0xffff  }
0x440: {  	v19 =	vld.idx.msk [tilespmem:v8+s11+$0x0], $0xffff;
	[tilespmem:s30+$0x2000] =	vst v9  }
0x441: {  	v20 =	vadd.s32 $0x70, v12;
	v10 =	vadd.s32 $0xE0, v12;
	v7 =	vadd.s32 $0x150, v12;
	v9 =	vld.idx.msk [tilespmem:v17+s11+$0x0], $0xffff  }
0x442: {  	v21 =	vadd.s32 $0x1C0, v12;
	v22 =	vadd.s32 $0x230, v12;
	v17 =	vld.idx.msk [tilespmem:v1+s11+$0x0], $0xffff  }
0x443: {  	v23 =	vadd.s32 $0x70, v15;
	v11 =	vadd.s32 $0xE0, v15;
	v8 =	vadd.s32 $0x150, v15;
	v24 =	vld.idx.msk [tilespmem:v13+s11+$0x0], $0xffff;
	[tilespmem:s26+$0x180] =	vst v14  }
0x444: {  	p0 =	por !p0, !p0;
	v26 =	vadd.s32 $0x1C0, v0;
	s2 =	simm.s32 $0x1;
	v14 =	vadd.s32 $0x1C0, v15;
	v25 =	vadd.s32 $0x230, v15;
	v18 =	vld.idx.msk [tilespmem:v18+s11+$0x0], $0xffff  }
0x445: {  	s22 =	sadd.s32 $0x200, s22;
	s2 =	simm.s32 @!p0 $0x0;
	v27 =	vadd.s32 $0x70, v13;
	v12 =	vld.idx.msk [tilespmem:v12+s11+$0x0], $0xffff;
	[tilespmem:s24+$0x180] =	vst v16  }
0x446: {  	s6 =	sand.u32 $0x7C00, s22;
	s2 =	sshll.u32 s2, $0x6;
	v16 =	vld.idx.msk [tilespmem:v15+s11+$0x0], $0xffff;
	[tilespmem:s25+$0x180] =	vst v19;
	v15 =	vadd.s32 $0x230, v2;
	v2 =	vmov v13  }
0x447: {  	s6 =	sadd.s32 $0x2000, s6;
	s7 =	sadd.s32 s2, s28;
	s28 =	smov.u32 s22;
	[tilespmem:s23+$0x180] =	vst v9;
	v13 =	vld.idx.msk [tilespmem:v5+s11+$0x0], $0xffff;
	v5 =	vmov v21  }
0x448: {  	s26 =	sor.u32 s5, s6;
	s24 =	sor.u32 s4, s6;
	s4 =	sadd.s32 $0x30, s7;
	v21 =	vld.idx.msk [tilespmem:v6+s11+$0x0], $0xffff;
	v6 =	vmov v14  }
0x449: {  	v28 =	vadd.s32 $0x70, v1;
	s25 =	sor.u32 s0, s6;
	s2 =	sor.u32 $0x200, s4;
	s23 =	sor.u32 s3, s6;
	[tilespmem:s26+$0x0] =	vst v24;
	v9 =	vld.idx.msk [tilespmem:v26+s11+$0x0], $0xffff  }
0x44a: {  	s5 =	sadd.s32 $0x20, s7;
	s0 =	sor.u32 $0x200, s7;
	s3 =	sadd.s32 $0x10, s7;
	v24 =	vld.idx.msk [tilespmem:v27+s11+$0x0], $0xffff;
	[tilespmem:s2+$0x2000] =	vst v18  }
0x44b: {  	s6 =	sor.u32 $0x200, s3;
	s2 =	sor.u32 $0x280, s3;
	s3 =	sor.u32 $0x200, s5;
	[tilespmem:s24+$0x0] =	vst v12;
	v14 =	vld.idx.msk [tilespmem:v15+s11+$0x0], $0xffff  }
.Ltmp9:
0x44c: {  	s30 =	sor.u32 $0x280, s7;
	s31 =	sor.u32 $0x280, s5;
	v15 =	vld.idx.msk [tilespmem:v20+s11+$0x0], $0xffff;
	[tilespmem:s25+$0x0] =	vst v16;
	(pc) =	sbr.rel @p1 .LBB2_20-.Ltmp9, $4  }
0x44d: {  	v19 =	vadd.s32 $0xE0, v2;
	[tilespmem:s23+$0x0] =	vst v17;
	v16 =	vld.idx.msk [tilespmem:v23+s11+$0x0], $0xffff  }
0x44e: {  	v17 =	vld.idx.msk [tilespmem:v28+s11+$0x0], $0xffff;
	[tilespmem:s6+$0x2000] =	vst v13  }
0x44f: {  	v13 =	vld.idx.msk [tilespmem:v3+s11+$0x0], $0xffff;
	[tilespmem:s3+$0x2000] =	vst v21;
	v3 =	vmov v22  }
0x450: {  	s29 =	sadd.s32 $0x40, s29;
	v18 =	vadd.s32 $0xE0, v1;
	s3 =	sor.u32 $0x280, s4;
	[tilespmem:s26+$0x80] =	vst v24;
	v12 =	vld.idx.msk [tilespmem:v4+s11+$0x0], $0xffff;
	v4 =	vmov v25  }
0x451: {  	_ =	sdelay $0x3  }
0x452: {  	[tilespmem:s24+$0x80] =	vst v15;
	v15 =	vld.idx.msk [tilespmem:v19+s11+$0x0], $0xffff  }
0x453: {  	v10 =	vld.idx.msk [tilespmem:v10+s11+$0x0], $0xffff;
	[tilespmem:s25+$0x80] =	vst v16;
	v16 =	vadd.s32 $0x150, v2  }
0x454: {  	[tilespmem:s23+$0x80] =	vst v17;
	v11 =	vld.idx.msk [tilespmem:v11+s11+$0x0], $0xffff  }
0x455: {  	v17 =	vld.idx.msk [tilespmem:v18+s11+$0x0], $0xffff  }
0x456: {  	v18 =	vadd.s32 $0x150, v1  }
0x457: {  	[tilespmem:s26+$0x100] =	vst v15  }
0x458: {  	[tilespmem:s24+$0x100] =	vst v10;
	v10 =	vld.idx.msk [tilespmem:v16+s11+$0x0], $0xffff  }
0x459: {  	[tilespmem:s25+$0x100] =	vst v11;
	v7 =	vld.idx.msk [tilespmem:v7+s11+$0x0], $0xffff;
	v11 =	vadd.s32 $0x1C0, v2  }
0x45a: {  	[tilespmem:s23+$0x100] =	vst v17;
	v8 =	vld.idx.msk [tilespmem:v8+s11+$0x0], $0xffff  }
0x45b: {  	v15 =	vld.idx.msk [tilespmem:v18+s11+$0x0], $0xffff  }
0x45c: {  	[tilespmem:s3+$0x2000] =	vst v14;
	v14 =	vadd.s32 $0x1C0, v1  }
0x45d: {  	p0 =	por !p0, !p0;
	s3 =	simm.s32 $0x1;
	[tilespmem:s26+$0x180] =	vst v10  }
0x45e: {  	v0 =	vadd.s32 $0x230, v0;
	s3 =	simm.s32 @!p0 $0x0;
	v10 =	vld.idx.msk [tilespmem:v11+s11+$0x0], $0xffff;
	[tilespmem:s24+$0x180] =	vst v7  }
0x45f: {  	s3 =	sshll.u32 s3, $0x6;
	v2 =	vadd.s32 $0x230, v2;
	[tilespmem:s25+$0x180] =	vst v8;
	v5 =	vld.idx.msk [tilespmem:v5+s11+$0x0], $0xffff  }
0x460: {  	s3 =	sadd.s32 s3, s28;
	[tilespmem:s23+$0x180] =	vst v15;
	v6 =	vld.idx.msk [tilespmem:v6+s11+$0x0], $0xffff  }
0x461: {  	[tilespmem:s0+$0x2000] =	vst v9;
	s21 =	sadd.s32 $0x30, s3;
	v7 =	vld.idx.msk [tilespmem:v14+s11+$0x0], $0xffff  }
0x462: {  	[tilespmem:s2+$0x2000] =	vst v13;
	v1 =	vadd.s32 $0x230, v1;
	s4 =	sadd.s32 $0x10, s3;
	s22 =	sor.u32 $0x200, s21  }
0x463: {  	s5 =	sadd.s32 $0x20, s3;
	v0 =	vld.idx.msk [tilespmem:v0+s11+$0x0], $0xffff;
	s23 =	sor.u32 $0x200, s4;
	[tilespmem:s22+$0x2000] =	vst v10  }
0x464: {  	s6 =	sor.u32 $0x200, s5;
	v2 =	vld.idx.msk [tilespmem:v2+s11+$0x0], $0xffff;
	[tilespmem:s23+$0x2000] =	vst v5  }
0x465: {  	s24 =	sor.u32 $0x200, s3;
	v3 =	vld.idx.msk [tilespmem:v3+s11+$0x0], $0xffff;
	[tilespmem:s6+$0x2000] =	vst v6  }
0x466: {  	v4 =	vld.idx.msk [tilespmem:v4+s11+$0x0], $0xffff;
	[tilespmem:s24+$0x2000] =	vst v7  }
0x467: {  	[tilespmem:s31+$0x2000] =	vst v12;
	v1 =	vld.idx.msk [tilespmem:v1+s11+$0x0], $0xffff  }
0x468: {  	s0 =	sor.u32 $0x280, s21;
	[tilespmem:s30+$0x2000] =	vst v0  }
0x469: {  	s25 =	sor.u32 $0x280, s4;
	[tilespmem:s0+$0x2000] =	vst v2  }
0x46a: {  	s26 =	sor.u32 $0x280, s5;
	[tilespmem:s25+$0x2000] =	vst v3  }
0x46b: {  	s4 =	sor.u32 $0x280, s3;
	[tilespmem:s26+$0x2000] =	vst v4  }
0x46c: {  	[tilespmem:s4+$0x2000] =	vst v1  }
0x46d: {  	s5 =	simm.s32 $0x0;
	s2 =	rddreg [dreg:$0x1f]  }
0x46e: {  	[hbm4b:s2+s5] =	stream.linear.scatter [tilespmem:s16], [sflag:$0x1], $0x8000, $0x38;
	[tilespmem:$0x12C00] =	vst v63  }
0x46f: {  	s8 =	rddreg [dreg:$0x11]  }
0x470: {  	[tilespmem:s5], [sflag:$0x3] =	stream.linear.gather [hbm4b:s8+s5], $0x1000, $0x38;
	[tilespmem:$0x12C00] =	vst v63  }
0x471: {  	_ =	swait.ge [sflag:s17], $0x1000  }
0x472: {  	[sflag:s17] =	ssyncset.done $0x0  }
0x473: {  	s21 =	simm.s32 $0x0;
	[sflag:s17] =	ssyncadd.s32 $0xFFFFF000  }
0x474: {  	s22 =	sand.u32 $0x40, s21;
	s2 =	sand.u32 $0xF80, s21;
	_ =	swait.ge [sflag:s19], $0x8000  }
0x475: {  	s23 =	sor.u32 $0x30, s22;
	s2 =	sor.u32 $0x1000, s2;
	[sflag:s19] =	ssyncset.done $0x0  }
0x476: {  	s24 =	sor.u32 $0x10, s22;
	s25 =	sor.u32 s23, s2;
	[sflag:s19] =	ssyncadd.s32 $0xFFFF8000  }
0x477: {  	s7 =	sor.u32 s24, s2;
	s8 =	sor.u32 $0x20, s22;
	v3 =	vld [tilespmem:s25+$0x0]  }
0x478: {  	s2 =	sor.u32 s8, s2;
	v4 =	vld [tilespmem:s7+$0x0]  }
0x479: {  	s26 =	simm.s32 $0x1000;
	v5 =	vld [tilespmem:s2+$0x0]  }
0x47a: {  	v0 =	vld [tilespmem:s26+$0x0];
	_ =	sdelay $0x4  }
0x47b: {  	v1 =	vld.idx.msk [tilespmem:v3+s11+$0x0], $0xffff  }
0x47c: {  	v6 =	vadd.s32 $0x70, v3;
	v2 =	vld.idx.msk [tilespmem:v4+s11+$0x0], $0xffff  }
0x47d: {  	s0 =	sand.u32 $0x7C00, s5;
	v7 =	vadd.s32 $0x70, v4;
	v8 =	vld.idx.msk [tilespmem:v5+s11+$0x0], $0xffff  }
0x47e: {  	s0 =	sadd.s32 $0xA000, s0;
	v10 =	vadd.s32 $0x70, v5;
	v9 =	vld.idx.msk [tilespmem:v0+s11+$0x0], $0xffff  }
0x47f: {  	s6 =	sor.u32 s23, s0;
	v11 =	vadd.s32 $0x70, v0  }
0x480: {  	s4 =	sor.u32 s24, s0;
	[tilespmem:s6+$0x0] =	vst v1  }
0x481: {  	s2 =	sor.u32 s8, s0;
	[tilespmem:s4+$0x0] =	vst v2;
	v1 =	vld.idx.msk [tilespmem:v6+s11+$0x0], $0xffff  }
0x482: {  	s0 =	sor.u32 s22, s0;
	[tilespmem:s2+$0x0] =	vst v8;
	v2 =	vld.idx.msk [tilespmem:v7+s11+$0x0], $0xffff;
	v6 =	vadd.s32 $0xE0, v3  }
0x483: {  	[tilespmem:s0+$0x0] =	vst v9;
	v7 =	vadd.s32 $0xE0, v4;
	v8 =	vld.idx.msk [tilespmem:v10+s11+$0x0], $0xffff  }
0x484: {  	v9 =	vadd.s32 $0xE0, v5;
	v10 =	vld.idx.msk [tilespmem:v11+s11+$0x0], $0xffff  }
0x485: {  	s5 =	simm.s32 $0x1040;
	v11 =	vadd.s32 $0xE0, v0  }
0x486: {  	[tilespmem:s6+$0x80] =	vst v1;
	v1 =	vld [tilespmem:s5+$0x0]  }
0x487: {  	s21 =	simm.s32 $0x40;
	[tilespmem:s4+$0x80] =	vst v2;
	v6 =	vld.idx.msk [tilespmem:v6+s11+$0x0], $0xffff  }
0x488: {  	s3 =	sand.u32 $0x40, s21;
	s7 =	sand.u32 $0xF80, s21;
	[tilespmem:s2+$0x80] =	vst v8;
	v7 =	vld.idx.msk [tilespmem:v7+s11+$0x0], $0xffff  }
0x489: {  	s8 =	sor.u32 $0x30, s3;
	v8 =	vadd.s32 $0x150, v3;
	[tilespmem:s0+$0x80] =	vst v10;
	s5 =	sor.u32 $0x1000, s7;
	v9 =	vld.idx.msk [tilespmem:v9+s11+$0x0], $0xffff  }
0x48a: {  	s24 =	sor.u32 $0x10, s3;
	v10 =	vadd.s32 $0x150, v4;
	v11 =	vld.idx.msk [tilespmem:v11+s11+$0x0], $0xffff;
	s22 =	sor.u32 s8, s5  }
0x48b: {  	s25 =	sor.u32 $0x20, s3;
	v12 =	vadd.s32 $0x150, v5;
	s26 =	sor.u32 s24, s5;
	v2 =	vld [tilespmem:s22+$0x0]  }
0x48c: {  	v14 =	vadd.s32 $0x150, v0;
	s5 =	sor.u32 s25, s5;
	v13 =	vld [tilespmem:s26+$0x0]  }
0x48d: {  	v18 =	vld [tilespmem:s5+$0x0];
	[tilespmem:s6+$0x100] =	vst v6  }
0x48e: {  	[tilespmem:s4+$0x100] =	vst v7;
	v6 =	vld.idx.msk [tilespmem:v8+s11+$0x0], $0xffff  }
0x48f: {  	[tilespmem:s2+$0x100] =	vst v9;
	v7 =	vld.idx.msk [tilespmem:v10+s11+$0x0], $0xffff  }
0x490: {  	[tilespmem:s0+$0x100] =	vst v11;
	v9 =	vld.idx.msk [tilespmem:v12+s11+$0x0], $0xffff  }
0x491: {  	v8 =	vadd.s32 $0x1C0, v3;
	v10 =	vld.idx.msk [tilespmem:v14+s11+$0x0], $0xffff  }
0x492: {  	v11 =	vadd.s32 $0x1C0, v4;
	v12 =	vld.idx.msk [tilespmem:v1+s11+$0x0], $0xffff  }
0x493: {  	v14 =	vadd.s32 $0x1C0, v5;
	v15 =	vld.idx.msk [tilespmem:v2+s11+$0x0], $0xffff  }
0x494: {  	s22 =	simm.s32 $0x200;
	v17 =	vadd.s32 $0x70, v2;
	v16 =	vld.idx.msk [tilespmem:v13+s11+$0x0], $0xffff;
	[tilespmem:s6+$0x180] =	vst v6  }
0x495: {  	p0 =	por $0x0, $0x0;
	s5 =	simm.s32 $0x1;
	v19 =	vadd.s32 $0x70, v13;
	[tilespmem:s4+$0x180] =	vst v7;
	s6 =	sand.u32 $0x7C00, s22;
	v7 =	vld.idx.msk [tilespmem:v18+s11+$0x0], $0xffff  }
0x496: {  	s5 =	simm.s32 @!p0 $0x0;
	v22 =	vadd.s32 $0x70, v1;
	v8 =	vld.idx.msk [tilespmem:v8+s11+$0x0], $0xffff;
	s23 =	sadd.s32 $0xA000, s6  }
0x497: {  	s5 =	sshll.u32 s5, $0x6;
	v3 =	vadd.s32 $0x230, v3;
	[tilespmem:s2+$0x180] =	vst v9;
	v11 =	vld.idx.msk [tilespmem:v11+s11+$0x0], $0xffff;
	s26 =	sor.u32 s8, s23  }
0x498: {  	v6 =	vadd.s32 $0x1C0, v0;
	s4 =	sadd.s32 $0x0, s5;
	v21 =	vld.idx.msk [tilespmem:v14+s11+$0x0], $0xffff;
	s24 =	sor.u32 s24, s23;
	[tilespmem:s26+$0x0] =	vst v15  }
0x499: {  	v20 =	vadd.s32 $0x70, v18;
	s5 =	sadd.s32 $0x30, s4;
	s25 =	sor.u32 s25, s23;
	s23 =	sor.u32 s3, s23;
	[tilespmem:s24+$0x0] =	vst v16;
	v23 =	vld.idx.msk [tilespmem:v17+s11+$0x0], $0xffff  }
0x49a: {  	v4 =	vadd.s32 $0x230, v4;
	s6 =	sor.u32 $0x200, s5;
	[tilespmem:s23+$0x0] =	vst v12;
	v15 =	vld.idx.msk [tilespmem:v19+s11+$0x0], $0xffff  }
0x49b: {  	v24 =	vadd.s32 $0x230, v5;
	v17 =	vld.idx.msk [tilespmem:v22+s11+$0x0], $0xffff;
	[tilespmem:s6+$0xA000] =	vst v8  }
0x49c: {  	[tilespmem:s0+$0x180] =	vst v10;
	s2 =	sadd.s32 $0x10, s4;
	v14 =	vld.idx.msk [tilespmem:v3+s11+$0x0], $0xffff  }
0x49d: {  	s3 =	sadd.s32 $0x20, s4;
	s7 =	sor.u32 $0x200, s2;
	v19 =	vadd.s32 $0xE0, v2;
	v9 =	vld.idx.msk [tilespmem:v6+s11+$0x0], $0xffff;
	[tilespmem:s25+$0x0] =	vst v7  }
0x49e: {  	s29 =	simm.s32 $0x1080;
	v5 =	vadd.s32 $0x1C0, v13;
	v10 =	vadd.s32 $0xE0, v13;
	s8 =	sor.u32 $0x200, s3;
	v7 =	vadd.s32 $0x150, v13;
	v16 =	vld.idx.msk [tilespmem:v20+s11+$0x0], $0xffff;
	[tilespmem:s7+$0xA000] =	vst v11  }
0x49f: {  	s28 =	simm.s32 $0x200;
	s0 =	sor.u32 $0x200, s4;
	s30 =	sor.u32 $0x280, s4;
	v6 =	vadd.s32 $0x1C0, v18;
	v11 =	vadd.s32 $0xE0, v18;
	[tilespmem:s8+$0xA000] =	vst v21;
	v3 =	vadd.s32 $0x230, v13;
	v13 =	vld.idx.msk [tilespmem:v4+s11+$0x0], $0xffff  }
0x4a0: {  	s2 =	sor.u32 $0x280, s2;
	s31 =	sor.u32 $0x280, s3;
	s3 =	sor.u32 $0x280, s5;
	v8 =	vadd.s32 $0x150, v18;
	v4 =	vadd.s32 $0x230, v18;
	v18 =	vadd.s32 $0xE0, v1;
	v12 =	vld.idx.msk [tilespmem:v24+s11+$0x0], $0xffff;
	[tilespmem:s26+$0x80] =	vst v23  }
.LBB2_22:
0x4a1: {  	v20 =	vadd.s32 $0x230, v0;
	[tilespmem:s3+$0xA000] =	vst v14;
	v0 =	vmov v1;
	v1 =	vld [tilespmem:s29+$0x0]  }
0x4a2: {  	[tilespmem:s24+$0x80] =	vst v15;
	v14 =	vld.idx.msk [tilespmem:v19+s11+$0x0], $0xffff  }
0x4a3: {  	s21 =	sadd.s32 $0x40, s21;
	v10 =	vld.idx.msk [tilespmem:v10+s11+$0x0], $0xffff;
	[tilespmem:s25+$0x80] =	vst v16  }
0x4a4: {  	s3 =	sand.u32 $0x40, s21;
	s5 =	sand.u32 $0xF80, s21;
	p1 =	slt.u32 s21, $0xFC0;
	v15 =	vadd.s32 $0x150, v2;
	[tilespmem:s23+$0x80] =	vst v17;
	v11 =	vld.idx.msk [tilespmem:v11+s11+$0x0], $0xffff  }
0x4a5: {  	s4 =	sor.u32 $0x10, s3;
	s6 =	sor.u32 $0x1000, s5;
	s5 =	sor.u32 $0x30, s3;
	v16 =	vld.idx.msk [tilespmem:v18+s11+$0x0], $0xffff;
	[tilespmem:s0+$0xA000] =	vst v9  }
0x4a6: {  	s7 =	sor.u32 s4, s6;
	s8 =	sor.u32 s5, s6;
	s0 =	sor.u32 $0x20, s3;
	v9 =	vld.idx.msk [tilespmem:v20+s11+$0x0], $0xffff;
	[tilespmem:s2+$0xA000] =	vst v13  }
0x4a7: {  	s2 =	sor.u32 s0, s6;
	v13 =	vld [tilespmem:s8+$0x0];
	[tilespmem:s31+$0xA000] =	vst v12  }
0x4a8: {  	v17 =	vadd.s32 $0x150, v0;
	v12 =	vld [tilespmem:s7+$0x0];
	[tilespmem:s26+$0x100] =	vst v14  }
0x4a9: {  	[tilespmem:s24+$0x100] =	vst v10;
	v14 =	vld.idx.msk [tilespmem:v15+s11+$0x0], $0xffff  }
0x4aa: {  	v15 =	vld [tilespmem:s2+$0x0];
	[tilespmem:s25+$0x100] =	vst v11  }
0x4ab: {  	v18 =	vadd.s32 $0x1C0, v2;
	[tilespmem:s23+$0x100] =	vst v16;
	v16 =	vld.idx.msk [tilespmem:v7+s11+$0x0], $0xffff  }
0x4ac: {  	v19 =	vld.idx.msk [tilespmem:v8+s11+$0x0], $0xffff;
	[tilespmem:s30+$0xA000] =	vst v9  }
0x4ad: {  	v20 =	vadd.s32 $0x70, v12;
	v10 =	vadd.s32 $0xE0, v12;
	v7 =	vadd.s32 $0x150, v12;
	v9 =	vld.idx.msk [tilespmem:v17+s11+$0x0], $0xffff  }
0x4ae: {  	v21 =	vadd.s32 $0x1C0, v12;
	v22 =	vadd.s32 $0x230, v12;
	v17 =	vld.idx.msk [tilespmem:v1+s11+$0x0], $0xffff  }
0x4af: {  	v23 =	vadd.s32 $0x70, v15;
	v11 =	vadd.s32 $0xE0, v15;
	v8 =	vadd.s32 $0x150, v15;
	v24 =	vld.idx.msk [tilespmem:v13+s11+$0x0], $0xffff;
	[tilespmem:s26+$0x180] =	vst v14  }
0x4b0: {  	p0 =	por !p0, !p0;
	v26 =	vadd.s32 $0x1C0, v0;
	s2 =	simm.s32 $0x1;
	v14 =	vadd.s32 $0x1C0, v15;
	v25 =	vadd.s32 $0x230, v15;
	v18 =	vld.idx.msk [tilespmem:v18+s11+$0x0], $0xffff  }
0x4b1: {  	s22 =	sadd.s32 $0x200, s22;
	s2 =	simm.s32 @!p0 $0x0;
	v27 =	vadd.s32 $0x70, v13;
	v12 =	vld.idx.msk [tilespmem:v12+s11+$0x0], $0xffff;
	[tilespmem:s24+$0x180] =	vst v16  }
0x4b2: {  	s6 =	sand.u32 $0x7C00, s22;
	s2 =	sshll.u32 s2, $0x6;
	v16 =	vld.idx.msk [tilespmem:v15+s11+$0x0], $0xffff;
	[tilespmem:s25+$0x180] =	vst v19;
	v15 =	vadd.s32 $0x230, v2;
	v2 =	vmov v13  }
0x4b3: {  	s6 =	sadd.s32 $0xA000, s6;
	s7 =	sadd.s32 s2, s28;
	s28 =	smov.u32 s22;
	[tilespmem:s23+$0x180] =	vst v9;
	v13 =	vld.idx.msk [tilespmem:v5+s11+$0x0], $0xffff;
	v5 =	vmov v21  }
0x4b4: {  	s26 =	sor.u32 s5, s6;
	s24 =	sor.u32 s4, s6;
	s4 =	sadd.s32 $0x30, s7;
	v21 =	vld.idx.msk [tilespmem:v6+s11+$0x0], $0xffff;
	v6 =	vmov v14  }
0x4b5: {  	v28 =	vadd.s32 $0x70, v1;
	s25 =	sor.u32 s0, s6;
	s2 =	sor.u32 $0x200, s4;
	s23 =	sor.u32 s3, s6;
	[tilespmem:s26+$0x0] =	vst v24;
	v9 =	vld.idx.msk [tilespmem:v26+s11+$0x0], $0xffff  }
0x4b6: {  	s5 =	sadd.s32 $0x20, s7;
	s0 =	sor.u32 $0x200, s7;
	s3 =	sadd.s32 $0x10, s7;
	v24 =	vld.idx.msk [tilespmem:v27+s11+$0x0], $0xffff;
	[tilespmem:s2+$0xA000] =	vst v18  }
0x4b7: {  	s6 =	sor.u32 $0x200, s3;
	s2 =	sor.u32 $0x280, s3;
	s3 =	sor.u32 $0x200, s5;
	[tilespmem:s24+$0x0] =	vst v12;
	v14 =	vld.idx.msk [tilespmem:v15+s11+$0x0], $0xffff  }
.Ltmp10:
0x4b8: {  	s30 =	sor.u32 $0x280, s7;
	s31 =	sor.u32 $0x280, s5;
	v15 =	vld.idx.msk [tilespmem:v20+s11+$0x0], $0xffff;
	[tilespmem:s25+$0x0] =	vst v16;
	(pc) =	sbr.rel @p1 .LBB2_22-.Ltmp10, $4  }
0x4b9: {  	v19 =	vadd.s32 $0xE0, v2;
	[tilespmem:s23+$0x0] =	vst v17;
	v16 =	vld.idx.msk [tilespmem:v23+s11+$0x0], $0xffff  }
0x4ba: {  	v17 =	vld.idx.msk [tilespmem:v28+s11+$0x0], $0xffff;
	[tilespmem:s6+$0xA000] =	vst v13  }
0x4bb: {  	v13 =	vld.idx.msk [tilespmem:v3+s11+$0x0], $0xffff;
	[tilespmem:s3+$0xA000] =	vst v21;
	v3 =	vmov v22  }
0x4bc: {  	s29 =	sadd.s32 $0x40, s29;
	v18 =	vadd.s32 $0xE0, v1;
	s3 =	sor.u32 $0x280, s4;
	[tilespmem:s26+$0x80] =	vst v24;
	v12 =	vld.idx.msk [tilespmem:v4+s11+$0x0], $0xffff;
	v4 =	vmov v25  }
0x4bd: {  	_ =	sdelay $0x3  }
0x4be: {  	[tilespmem:s24+$0x80] =	vst v15;
	v15 =	vld.idx.msk [tilespmem:v19+s11+$0x0], $0xffff  }
0x4bf: {  	v10 =	vld.idx.msk [tilespmem:v10+s11+$0x0], $0xffff;
	[tilespmem:s25+$0x80] =	vst v16;
	v16 =	vadd.s32 $0x150, v2  }
0x4c0: {  	[tilespmem:s23+$0x80] =	vst v17;
	v11 =	vld.idx.msk [tilespmem:v11+s11+$0x0], $0xffff  }
0x4c1: {  	v17 =	vld.idx.msk [tilespmem:v18+s11+$0x0], $0xffff  }
0x4c2: {  	v18 =	vadd.s32 $0x150, v1  }
0x4c3: {  	[tilespmem:s26+$0x100] =	vst v15  }
0x4c4: {  	[tilespmem:s24+$0x100] =	vst v10;
	v10 =	vld.idx.msk [tilespmem:v16+s11+$0x0], $0xffff  }
0x4c5: {  	[tilespmem:s25+$0x100] =	vst v11;
	v7 =	vld.idx.msk [tilespmem:v7+s11+$0x0], $0xffff;
	v11 =	vadd.s32 $0x1C0, v2  }
0x4c6: {  	[tilespmem:s23+$0x100] =	vst v17;
	v8 =	vld.idx.msk [tilespmem:v8+s11+$0x0], $0xffff  }
0x4c7: {  	v15 =	vld.idx.msk [tilespmem:v18+s11+$0x0], $0xffff  }
0x4c8: {  	[tilespmem:s3+$0xA000] =	vst v14;
	v14 =	vadd.s32 $0x1C0, v1  }
0x4c9: {  	p0 =	por !p0, !p0;
	s3 =	simm.s32 $0x1;
	[tilespmem:s26+$0x180] =	vst v10  }
0x4ca: {  	v0 =	vadd.s32 $0x230, v0;
	s3 =	simm.s32 @!p0 $0x0;
	v10 =	vld.idx.msk [tilespmem:v11+s11+$0x0], $0xffff;
	[tilespmem:s24+$0x180] =	vst v7  }
0x4cb: {  	s3 =	sshll.u32 s3, $0x6;
	v2 =	vadd.s32 $0x230, v2;
	[tilespmem:s25+$0x180] =	vst v8;
	v5 =	vld.idx.msk [tilespmem:v5+s11+$0x0], $0xffff  }
0x4cc: {  	s3 =	sadd.s32 s3, s28;
	[tilespmem:s23+$0x180] =	vst v15;
	v6 =	vld.idx.msk [tilespmem:v6+s11+$0x0], $0xffff  }
0x4cd: {  	[tilespmem:s0+$0xA000] =	vst v9;
	s21 =	sadd.s32 $0x30, s3;
	v7 =	vld.idx.msk [tilespmem:v14+s11+$0x0], $0xffff  }
0x4ce: {  	[tilespmem:s2+$0xA000] =	vst v13;
	v1 =	vadd.s32 $0x230, v1;
	s4 =	sadd.s32 $0x10, s3;
	s22 =	sor.u32 $0x200, s21  }
0x4cf: {  	s5 =	sadd.s32 $0x20, s3;
	v0 =	vld.idx.msk [tilespmem:v0+s11+$0x0], $0xffff;
	s23 =	sor.u32 $0x200, s4;
	[tilespmem:s22+$0xA000] =	vst v10  }
0x4d0: {  	s6 =	sor.u32 $0x200, s5;
	v2 =	vld.idx.msk [tilespmem:v2+s11+$0x0], $0xffff;
	[tilespmem:s23+$0xA000] =	vst v5  }
0x4d1: {  	s24 =	sor.u32 $0x200, s3;
	v3 =	vld.idx.msk [tilespmem:v3+s11+$0x0], $0xffff;
	[tilespmem:s6+$0xA000] =	vst v6  }
0x4d2: {  	v4 =	vld.idx.msk [tilespmem:v4+s11+$0x0], $0xffff;
	[tilespmem:s24+$0xA000] =	vst v7  }
0x4d3: {  	[tilespmem:s31+$0xA000] =	vst v12;
	v1 =	vld.idx.msk [tilespmem:v1+s11+$0x0], $0xffff  }
0x4d4: {  	s0 =	sor.u32 $0x280, s21;
	[tilespmem:s30+$0xA000] =	vst v0  }
0x4d5: {  	s25 =	sor.u32 $0x280, s4;
	[tilespmem:s0+$0xA000] =	vst v2  }
0x4d6: {  	s26 =	sor.u32 $0x280, s5;
	[tilespmem:s25+$0xA000] =	vst v3  }
0x4d7: {  	s4 =	sor.u32 $0x280, s3;
	[tilespmem:s26+$0xA000] =	vst v4  }
0x4d8: {  	[tilespmem:s4+$0xA000] =	vst v1  }
0x4d9: {  	s2 =	sld [smem:$0x7F2];
	_ =	sdelay $0x1  }
0x4da: {  	s5 =	simm.s32 $0x0  }
0x4db: {  	[hbm4b:s2+s5] =	stream.linear.scatter [tilespmem:s18], [sflag:$0x2], $0x8000, $0x38;
	[tilespmem:$0x12C00] =	vst v63  }
0x4dc: {  	s21 =	rddreg [dreg:$0x12]  }
0x4dd: {  	[tilespmem:s13], [sflag:$0x4] =	stream.linear.gather [hbm4b:s21+s5], $0x1000, $0x38;
	[tilespmem:$0x12C00] =	vst v63  }
0x4de: {  	_ =	swait.ge [sflag:s14], $0x1000  }
0x4df: {  	[sflag:s14] =	ssyncset.done $0x0  }
0x4e0: {  	s22 =	simm.s32 $0x0;
	[sflag:s14] =	ssyncadd.s32 $0xFFFFF000  }
0x4e1: {  	s23 =	sand.u32 $0x40, s22;
	_ =	swait.ge [sflag:s15], $0x8000  }
0x4e2: {  	s24 =	sor.u32 $0x30, s23;
	s2 =	sand.u32 $0xF80, s22;
	[sflag:s15] =	ssyncset.done $0x0  }
0x4e3: {  	s25 =	sor.u32 $0x10, s23;
	s26 =	sor.u32 s24, s2;
	[sflag:s15] =	ssyncadd.s32 $0xFFFF8000  }
0x4e4: {  	s7 =	sor.u32 s25, s2;
	v3 =	vld [tilespmem:s26+$0x0]  }
0x4e5: {  	s8 =	sor.u32 $0x20, s23;
	v4 =	vld [tilespmem:s7+$0x0]  }
0x4e6: {  	s2 =	sor.u32 s8, s2  }
0x4e7: {  	v5 =	vld [tilespmem:s2+$0x0]  }
0x4e8: {  	v0 =	vld [tilespmem:s5+$0x0];
	_ =	sdelay $0x3  }
0x4e9: {  	v1 =	vld.idx.msk [tilespmem:v3+s11+$0x0], $0xffff  }
0x4ea: {  	v6 =	vadd.s32 $0x70, v3;
	v2 =	vld.idx.msk [tilespmem:v4+s11+$0x0], $0xffff  }
0x4eb: {  	s0 =	sand.u32 $0x7C00, s5;
	v7 =	vadd.s32 $0x70, v4  }
0x4ec: {  	s0 =	sadd.s32 $0x2000, s0;
	v8 =	vld.idx.msk [tilespmem:v5+s11+$0x0], $0xffff  }
0x4ed: {  	s6 =	sor.u32 s24, s0;
	s21 =	simm.s32 $0x40;
	v10 =	vadd.s32 $0x70, v5;
	v9 =	vld.idx.msk [tilespmem:v0+s11+$0x0], $0xffff  }
0x4ee: {  	s4 =	sor.u32 s25, s0;
	s3 =	sand.u32 $0x40, s21;
	v11 =	vadd.s32 $0x70, v0;
	[tilespmem:s6+$0x0] =	vst v1  }
0x4ef: {  	s24 =	sor.u32 $0x10, s3;
	s7 =	sand.u32 $0xF80, s21;
	[tilespmem:s4+$0x0] =	vst v2;
	v1 =	vld.idx.msk [tilespmem:v6+s11+$0x0], $0xffff  }
0x4f0: {  	s2 =	sor.u32 s8, s0;
	s26 =	sor.u32 s24, s7;
	v2 =	vld.idx.msk [tilespmem:v7+s11+$0x0], $0xffff  }
0x4f1: {  	s0 =	sor.u32 s23, s0;
	v13 =	vld [tilespmem:s26+$0x0];
	[tilespmem:s2+$0x0] =	vst v8;
	v6 =	vadd.s32 $0xE0, v3  }
0x4f2: {  	[tilespmem:s0+$0x0] =	vst v9;
	v7 =	vadd.s32 $0xE0, v4;
	v8 =	vld.idx.msk [tilespmem:v10+s11+$0x0], $0xffff  }
0x4f3: {  	s5 =	simm.s32 $0x40;
	s8 =	sor.u32 $0x30, s3;
	v9 =	vadd.s32 $0xE0, v5;
	v10 =	vld.idx.msk [tilespmem:v11+s11+$0x0], $0xffff  }
0x4f4: {  	s22 =	sor.u32 s8, s7;
	v11 =	vadd.s32 $0xE0, v0;
	[tilespmem:s6+$0x80] =	vst v1;
	v1 =	vld [tilespmem:s5+$0x0]  }
0x4f5: {  	[tilespmem:s4+$0x80] =	vst v2;
	v2 =	vld [tilespmem:s22+$0x0]  }
0x4f6: {  	v6 =	vld.idx.msk [tilespmem:v6+s11+$0x0], $0xffff  }
0x4f7: {  	[tilespmem:s2+$0x80] =	vst v8;
	v8 =	vadd.s32 $0x150, v3;
	v7 =	vld.idx.msk [tilespmem:v7+s11+$0x0], $0xffff  }
0x4f8: {  	s25 =	sor.u32 $0x20, s3;
	[tilespmem:s0+$0x80] =	vst v10;
	v10 =	vadd.s32 $0x150, v4;
	v9 =	vld.idx.msk [tilespmem:v9+s11+$0x0], $0xffff  }
0x4f9: {  	v12 =	vadd.s32 $0x150, v5;
	s5 =	sor.u32 s25, s7;
	v11 =	vld.idx.msk [tilespmem:v11+s11+$0x0], $0xffff  }
0x4fa: {  	v14 =	vadd.s32 $0x150, v0;
	v18 =	vld [tilespmem:s5+$0x0]  }
0x4fb: {  	v16 =	vld.idx.msk [tilespmem:v13+s11+$0x0], $0xffff;
	[tilespmem:s6+$0x100] =	vst v6  }
0x4fc: {  	[tilespmem:s4+$0x100] =	vst v7;
	v6 =	vld.idx.msk [tilespmem:v8+s11+$0x0], $0xffff  }
0x4fd: {  	[tilespmem:s2+$0x100] =	vst v9;
	v7 =	vld.idx.msk [tilespmem:v10+s11+$0x0], $0xffff  }
0x4fe: {  	[tilespmem:s0+$0x100] =	vst v11;
	v8 =	vadd.s32 $0x1C0, v3;
	v9 =	vld.idx.msk [tilespmem:v12+s11+$0x0], $0xffff  }
0x4ff: {  	v11 =	vadd.s32 $0x1C0, v4;
	v10 =	vld.idx.msk [tilespmem:v14+s11+$0x0], $0xffff  }
0x500: {  	v14 =	vadd.s32 $0x1C0, v5;
	v15 =	vld.idx.msk [tilespmem:v2+s11+$0x0], $0xffff  }
0x501: {  	s22 =	simm.s32 $0x200;
	v17 =	vadd.s32 $0x70, v2;
	v12 =	vld.idx.msk [tilespmem:v1+s11+$0x0], $0xffff;
	[tilespmem:s6+$0x180] =	vst v6  }
0x502: {  	p0 =	por $0x0, $0x0;
	v19 =	vadd.s32 $0x70, v13;
	s5 =	simm.s32 $0x1;
	[tilespmem:s4+$0x180] =	vst v7;
	s6 =	sand.u32 $0x7C00, s22;
	v7 =	vld.idx.msk [tilespmem:v18+s11+$0x0], $0xffff  }
0x503: {  	s5 =	simm.s32 @!p0 $0x0;
	v22 =	vadd.s32 $0x70, v1;
	v8 =	vld.idx.msk [tilespmem:v8+s11+$0x0], $0xffff;
	s23 =	sadd.s32 $0x2000, s6  }
0x504: {  	s5 =	sshll.u32 s5, $0x6;
	v3 =	vadd.s32 $0x230, v3;
	[tilespmem:s2+$0x180] =	vst v9;
	v11 =	vld.idx.msk [tilespmem:v11+s11+$0x0], $0xffff;
	s26 =	sor.u32 s8, s23  }
0x505: {  	v6 =	vadd.s32 $0x1C0, v0;
	s4 =	sadd.s32 $0x0, s5;
	v21 =	vld.idx.msk [tilespmem:v14+s11+$0x0], $0xffff;
	s24 =	sor.u32 s24, s23;
	[tilespmem:s26+$0x0] =	vst v15  }
0x506: {  	v20 =	vadd.s32 $0x70, v18;
	s5 =	sadd.s32 $0x30, s4;
	s25 =	sor.u32 s25, s23;
	s23 =	sor.u32 s3, s23;
	[tilespmem:s24+$0x0] =	vst v16;
	v23 =	vld.idx.msk [tilespmem:v17+s11+$0x0], $0xffff  }
0x507: {  	v4 =	vadd.s32 $0x230, v4;
	s6 =	sor.u32 $0x200, s5;
	[tilespmem:s23+$0x0] =	vst v12;
	v15 =	vld.idx.msk [tilespmem:v19+s11+$0x0], $0xffff  }
0x508: {  	v24 =	vadd.s32 $0x230, v5;
	v17 =	vld.idx.msk [tilespmem:v22+s11+$0x0], $0xffff;
	[tilespmem:s6+$0x2000] =	vst v8  }
0x509: {  	[tilespmem:s0+$0x180] =	vst v10;
	s2 =	sadd.s32 $0x10, s4;
	v14 =	vld.idx.msk [tilespmem:v3+s11+$0x0], $0xffff  }
0x50a: {  	s3 =	sadd.s32 $0x20, s4;
	s7 =	sor.u32 $0x200, s2;
	v19 =	vadd.s32 $0xE0, v2;
	v9 =	vld.idx.msk [tilespmem:v6+s11+$0x0], $0xffff;
	[tilespmem:s25+$0x0] =	vst v7  }
0x50b: {  	s29 =	simm.s32 $0x80;
	v5 =	vadd.s32 $0x1C0, v13;
	v10 =	vadd.s32 $0xE0, v13;
	s8 =	sor.u32 $0x200, s3;
	v7 =	vadd.s32 $0x150, v13;
	v16 =	vld.idx.msk [tilespmem:v20+s11+$0x0], $0xffff;
	[tilespmem:s7+$0x2000] =	vst v11  }
0x50c: {  	s28 =	simm.s32 $0x200;
	s0 =	sor.u32 $0x200, s4;
	s30 =	sor.u32 $0x280, s4;
	v6 =	vadd.s32 $0x1C0, v18;
	v11 =	vadd.s32 $0xE0, v18;
	[tilespmem:s8+$0x2000] =	vst v21;
	v3 =	vadd.s32 $0x230, v13;
	v13 =	vld.idx.msk [tilespmem:v4+s11+$0x0], $0xffff  }
0x50d: {  	s2 =	sor.u32 $0x280, s2;
	s31 =	sor.u32 $0x280, s3;
	s3 =	sor.u32 $0x280, s5;
	v8 =	vadd.s32 $0x150, v18;
	v4 =	vadd.s32 $0x230, v18;
	v18 =	vadd.s32 $0xE0, v1;
	v12 =	vld.idx.msk [tilespmem:v24+s11+$0x0], $0xffff;
	[tilespmem:s26+$0x80] =	vst v23  }
.LBB2_24:
0x50e: {  	v20 =	vadd.s32 $0x230, v0;
	[tilespmem:s3+$0x2000] =	vst v14;
	v0 =	vmov v1;
	v1 =	vld [tilespmem:s29+$0x0]  }
0x50f: {  	[tilespmem:s24+$0x80] =	vst v15;
	v14 =	vld.idx.msk [tilespmem:v19+s11+$0x0], $0xffff  }
0x510: {  	s21 =	sadd.s32 $0x40, s21;
	v10 =	vld.idx.msk [tilespmem:v10+s11+$0x0], $0xffff;
	[tilespmem:s25+$0x80] =	vst v16  }
0x511: {  	s3 =	sand.u32 $0x40, s21;
	p1 =	slt.u32 s21, $0xFC0;
	v15 =	vadd.s32 $0x150, v2;
	[tilespmem:s23+$0x80] =	vst v17;
	v11 =	vld.idx.msk [tilespmem:v11+s11+$0x0], $0xffff  }
0x512: {  	s6 =	sand.u32 $0xF80, s21;
	s4 =	sor.u32 $0x10, s3;
	s5 =	sor.u32 $0x30, s3;
	v16 =	vld.idx.msk [tilespmem:v18+s11+$0x0], $0xffff;
	[tilespmem:s0+$0x2000] =	vst v9  }
0x513: {  	s7 =	sor.u32 s4, s6;
	s8 =	sor.u32 s5, s6;
	s0 =	sor.u32 $0x20, s3;
	v9 =	vld.idx.msk [tilespmem:v20+s11+$0x0], $0xffff;
	[tilespmem:s2+$0x2000] =	vst v13  }
0x514: {  	s2 =	sor.u32 s0, s6;
	v13 =	vld [tilespmem:s8+$0x0];
	[tilespmem:s31+$0x2000] =	vst v12  }
0x515: {  	v17 =	vadd.s32 $0x150, v0;
	v12 =	vld [tilespmem:s7+$0x0];
	[tilespmem:s26+$0x100] =	vst v14  }
0x516: {  	[tilespmem:s24+$0x100] =	vst v10;
	v14 =	vld.idx.msk [tilespmem:v15+s11+$0x0], $0xffff  }
0x517: {  	v15 =	vld [tilespmem:s2+$0x0];
	[tilespmem:s25+$0x100] =	vst v11  }
0x518: {  	v18 =	vadd.s32 $0x1C0, v2;
	[tilespmem:s23+$0x100] =	vst v16;
	v16 =	vld.idx.msk [tilespmem:v7+s11+$0x0], $0xffff  }
0x519: {  	v19 =	vld.idx.msk [tilespmem:v8+s11+$0x0], $0xffff;
	[tilespmem:s30+$0x2000] =	vst v9  }
0x51a: {  	v20 =	vadd.s32 $0x70, v12;
	v10 =	vadd.s32 $0xE0, v12;
	v7 =	vadd.s32 $0x150, v12;
	v9 =	vld.idx.msk [tilespmem:v17+s11+$0x0], $0xffff  }
0x51b: {  	v21 =	vadd.s32 $0x1C0, v12;
	v22 =	vadd.s32 $0x230, v12;
	v17 =	vld.idx.msk [tilespmem:v1+s11+$0x0], $0xffff  }
0x51c: {  	v23 =	vadd.s32 $0x70, v15;
	v11 =	vadd.s32 $0xE0, v15;
	v8 =	vadd.s32 $0x150, v15;
	v24 =	vld.idx.msk [tilespmem:v13+s11+$0x0], $0xffff;
	[tilespmem:s26+$0x180] =	vst v14  }
0x51d: {  	p0 =	por !p0, !p0;
	v26 =	vadd.s32 $0x1C0, v0;
	s2 =	simm.s32 $0x1;
	v14 =	vadd.s32 $0x1C0, v15;
	v25 =	vadd.s32 $0x230, v15;
	v18 =	vld.idx.msk [tilespmem:v18+s11+$0x0], $0xffff  }
0x51e: {  	s22 =	sadd.s32 $0x200, s22;
	s2 =	simm.s32 @!p0 $0x0;
	v27 =	vadd.s32 $0x70, v13;
	v12 =	vld.idx.msk [tilespmem:v12+s11+$0x0], $0xffff;
	[tilespmem:s24+$0x180] =	vst v16  }
0x51f: {  	s6 =	sand.u32 $0x7C00, s22;
	s2 =	sshll.u32 s2, $0x6;
	v16 =	vld.idx.msk [tilespmem:v15+s11+$0x0], $0xffff;
	[tilespmem:s25+$0x180] =	vst v19;
	v15 =	vadd.s32 $0x230, v2;
	v2 =	vmov v13  }
0x520: {  	s6 =	sadd.s32 $0x2000, s6;
	s7 =	sadd.s32 s2, s28;
	s28 =	smov.u32 s22;
	[tilespmem:s23+$0x180] =	vst v9;
	v13 =	vld.idx.msk [tilespmem:v5+s11+$0x0], $0xffff;
	v5 =	vmov v21  }
0x521: {  	s26 =	sor.u32 s5, s6;
	s24 =	sor.u32 s4, s6;
	s4 =	sadd.s32 $0x30, s7;
	v21 =	vld.idx.msk [tilespmem:v6+s11+$0x0], $0xffff;
	v6 =	vmov v14  }
0x522: {  	v28 =	vadd.s32 $0x70, v1;
	s25 =	sor.u32 s0, s6;
	s2 =	sor.u32 $0x200, s4;
	s23 =	sor.u32 s3, s6;
	[tilespmem:s26+$0x0] =	vst v24;
	v9 =	vld.idx.msk [tilespmem:v26+s11+$0x0], $0xffff  }
0x523: {  	s5 =	sadd.s32 $0x20, s7;
	s0 =	sor.u32 $0x200, s7;
	s3 =	sadd.s32 $0x10, s7;
	v24 =	vld.idx.msk [tilespmem:v27+s11+$0x0], $0xffff;
	[tilespmem:s2+$0x2000] =	vst v18  }
0x524: {  	s6 =	sor.u32 $0x200, s3;
	s2 =	sor.u32 $0x280, s3;
	s3 =	sor.u32 $0x200, s5;
	[tilespmem:s24+$0x0] =	vst v12;
	v14 =	vld.idx.msk [tilespmem:v15+s11+$0x0], $0xffff  }
.Ltmp11:
0x525: {  	s30 =	sor.u32 $0x280, s7;
	s31 =	sor.u32 $0x280, s5;
	v15 =	vld.idx.msk [tilespmem:v20+s11+$0x0], $0xffff;
	[tilespmem:s25+$0x0] =	vst v16;
	(pc) =	sbr.rel @p1 .LBB2_24-.Ltmp11, $4  }
0x526: {  	v19 =	vadd.s32 $0xE0, v2;
	[tilespmem:s23+$0x0] =	vst v17;
	v16 =	vld.idx.msk [tilespmem:v23+s11+$0x0], $0xffff  }
0x527: {  	v17 =	vld.idx.msk [tilespmem:v28+s11+$0x0], $0xffff;
	[tilespmem:s6+$0x2000] =	vst v13  }
0x528: {  	v13 =	vld.idx.msk [tilespmem:v3+s11+$0x0], $0xffff;
	[tilespmem:s3+$0x2000] =	vst v21;
	v3 =	vmov v22  }
0x529: {  	s29 =	sadd.s32 $0x40, s29;
	v18 =	vadd.s32 $0xE0, v1;
	s3 =	sor.u32 $0x280, s4;
	[tilespmem:s26+$0x80] =	vst v24;
	v12 =	vld.idx.msk [tilespmem:v4+s11+$0x0], $0xffff;
	v4 =	vmov v25  }
0x52a: {  	_ =	sdelay $0x3  }
0x52b: {  	[tilespmem:s24+$0x80] =	vst v15;
	v15 =	vld.idx.msk [tilespmem:v19+s11+$0x0], $0xffff  }
0x52c: {  	v10 =	vld.idx.msk [tilespmem:v10+s11+$0x0], $0xffff;
	[tilespmem:s25+$0x80] =	vst v16;
	v16 =	vadd.s32 $0x150, v2  }
0x52d: {  	[tilespmem:s23+$0x80] =	vst v17;
	v11 =	vld.idx.msk [tilespmem:v11+s11+$0x0], $0xffff  }
0x52e: {  	v17 =	vld.idx.msk [tilespmem:v18+s11+$0x0], $0xffff  }
0x52f: {  	v18 =	vadd.s32 $0x150, v1  }
0x530: {  	[tilespmem:s26+$0x100] =	vst v15  }
0x531: {  	[tilespmem:s24+$0x100] =	vst v10;
	v10 =	vld.idx.msk [tilespmem:v16+s11+$0x0], $0xffff  }
0x532: {  	[tilespmem:s25+$0x100] =	vst v11;
	v7 =	vld.idx.msk [tilespmem:v7+s11+$0x0], $0xffff;
	v11 =	vadd.s32 $0x1C0, v2  }
0x533: {  	[tilespmem:s23+$0x100] =	vst v17;
	v8 =	vld.idx.msk [tilespmem:v8+s11+$0x0], $0xffff  }
0x534: {  	v15 =	vld.idx.msk [tilespmem:v18+s11+$0x0], $0xffff  }
0x535: {  	[tilespmem:s3+$0x2000] =	vst v14;
	v14 =	vadd.s32 $0x1C0, v1  }
0x536: {  	p0 =	por !p0, !p0;
	s3 =	simm.s32 $0x1;
	[tilespmem:s26+$0x180] =	vst v10  }
0x537: {  	v0 =	vadd.s32 $0x230, v0;
	s3 =	simm.s32 @!p0 $0x0;
	v10 =	vld.idx.msk [tilespmem:v11+s11+$0x0], $0xffff;
	[tilespmem:s24+$0x180] =	vst v7  }
0x538: {  	s3 =	sshll.u32 s3, $0x6;
	v2 =	vadd.s32 $0x230, v2;
	[tilespmem:s25+$0x180] =	vst v8;
	v5 =	vld.idx.msk [tilespmem:v5+s11+$0x0], $0xffff  }
0x539: {  	s3 =	sadd.s32 s3, s28;
	[tilespmem:s23+$0x180] =	vst v15;
	v6 =	vld.idx.msk [tilespmem:v6+s11+$0x0], $0xffff  }
0x53a: {  	[tilespmem:s0+$0x2000] =	vst v9;
	s21 =	sadd.s32 $0x30, s3;
	v7 =	vld.idx.msk [tilespmem:v14+s11+$0x0], $0xffff  }
0x53b: {  	[tilespmem:s2+$0x2000] =	vst v13;
	v1 =	vadd.s32 $0x230, v1;
	s4 =	sadd.s32 $0x10, s3;
	s22 =	sor.u32 $0x200, s21  }
0x53c: {  	s5 =	sadd.s32 $0x20, s3;
	v0 =	vld.idx.msk [tilespmem:v0+s11+$0x0], $0xffff;
	s23 =	sor.u32 $0x200, s4;
	[tilespmem:s22+$0x2000] =	vst v10  }
0x53d: {  	s6 =	sor.u32 $0x200, s5;
	v2 =	vld.idx.msk [tilespmem:v2+s11+$0x0], $0xffff;
	[tilespmem:s23+$0x2000] =	vst v5  }
0x53e: {  	s24 =	sor.u32 $0x200, s3;
	v3 =	vld.idx.msk [tilespmem:v3+s11+$0x0], $0xffff;
	[tilespmem:s6+$0x2000] =	vst v6  }
0x53f: {  	v4 =	vld.idx.msk [tilespmem:v4+s11+$0x0], $0xffff;
	[tilespmem:s24+$0x2000] =	vst v7  }
0x540: {  	[tilespmem:s31+$0x2000] =	vst v12;
	v1 =	vld.idx.msk [tilespmem:v1+s11+$0x0], $0xffff  }
0x541: {  	s0 =	sor.u32 $0x280, s21;
	[tilespmem:s30+$0x2000] =	vst v0  }
0x542: {  	s25 =	sor.u32 $0x280, s4;
	[tilespmem:s0+$0x2000] =	vst v2  }
0x543: {  	s26 =	sor.u32 $0x280, s5;
	[tilespmem:s25+$0x2000] =	vst v3  }
0x544: {  	s4 =	sor.u32 $0x280, s3;
	[tilespmem:s26+$0x2000] =	vst v4  }
0x545: {  	[tilespmem:s4+$0x2000] =	vst v1  }
0x546: {  	s2 =	sld [smem:$0x7F3];
	_ =	sdelay $0x1  }
0x547: {  	s5 =	simm.s32 $0x0  }
0x548: {  	[hbm4b:s2+s5] =	stream.linear.scatter [tilespmem:s16], [sflag:$0x1], $0x8000, $0x38;
	[tilespmem:$0x12C00] =	vst v63  }
0x549: {  	s8 =	rddreg [dreg:$0x13]  }
0x54a: {  	[tilespmem:s5], [sflag:$0x3] =	stream.linear.gather [hbm4b:s8+s5], $0x1000, $0x38;
	[tilespmem:$0x12C00] =	vst v63  }
0x54b: {  	_ =	swait.ge [sflag:s17], $0x1000  }
0x54c: {  	[sflag:s17] =	ssyncset.done $0x0  }
0x54d: {  	s21 =	simm.s32 $0x0;
	[sflag:s17] =	ssyncadd.s32 $0xFFFFF000  }
0x54e: {  	s22 =	sand.u32 $0x40, s21;
	s2 =	sand.u32 $0xF80, s21;
	_ =	swait.ge [sflag:s19], $0x8000  }
0x54f: {  	s23 =	sor.u32 $0x30, s22;
	s2 =	sor.u32 $0x1000, s2;
	[sflag:s19] =	ssyncset.done $0x0  }
0x550: {  	s24 =	sor.u32 $0x10, s22;
	s25 =	sor.u32 s23, s2;
	[sflag:s19] =	ssyncadd.s32 $0xFFFF8000  }
0x551: {  	s7 =	sor.u32 s24, s2;
	s8 =	sor.u32 $0x20, s22;
	v3 =	vld [tilespmem:s25+$0x0]  }
0x552: {  	s2 =	sor.u32 s8, s2;
	v4 =	vld [tilespmem:s7+$0x0]  }
0x553: {  	s26 =	simm.s32 $0x1000;
	v5 =	vld [tilespmem:s2+$0x0]  }
0x554: {  	v0 =	vld [tilespmem:s26+$0x0];
	_ =	sdelay $0x4  }
0x555: {  	v1 =	vld.idx.msk [tilespmem:v3+s11+$0x0], $0xffff  }
0x556: {  	v6 =	vadd.s32 $0x70, v3;
	v2 =	vld.idx.msk [tilespmem:v4+s11+$0x0], $0xffff  }
0x557: {  	s0 =	sand.u32 $0x7C00, s5;
	v7 =	vadd.s32 $0x70, v4;
	v8 =	vld.idx.msk [tilespmem:v5+s11+$0x0], $0xffff  }
0x558: {  	s0 =	sadd.s32 $0xA000, s0;
	v10 =	vadd.s32 $0x70, v5;
	v9 =	vld.idx.msk [tilespmem:v0+s11+$0x0], $0xffff  }
0x559: {  	s6 =	sor.u32 s23, s0;
	v11 =	vadd.s32 $0x70, v0  }
0x55a: {  	s4 =	sor.u32 s24, s0;
	[tilespmem:s6+$0x0] =	vst v1  }
0x55b: {  	s2 =	sor.u32 s8, s0;
	[tilespmem:s4+$0x0] =	vst v2;
	v1 =	vld.idx.msk [tilespmem:v6+s11+$0x0], $0xffff  }
0x55c: {  	s0 =	sor.u32 s22, s0;
	[tilespmem:s2+$0x0] =	vst v8;
	v2 =	vld.idx.msk [tilespmem:v7+s11+$0x0], $0xffff;
	v6 =	vadd.s32 $0xE0, v3  }
0x55d: {  	[tilespmem:s0+$0x0] =	vst v9;
	v7 =	vadd.s32 $0xE0, v4;
	v8 =	vld.idx.msk [tilespmem:v10+s11+$0x0], $0xffff  }
0x55e: {  	v9 =	vadd.s32 $0xE0, v5;
	v10 =	vld.idx.msk [tilespmem:v11+s11+$0x0], $0xffff  }
0x55f: {  	s5 =	simm.s32 $0x1040;
	v11 =	vadd.s32 $0xE0, v0  }
0x560: {  	[tilespmem:s6+$0x80] =	vst v1;
	v1 =	vld [tilespmem:s5+$0x0]  }
0x561: {  	s21 =	simm.s32 $0x40;
	[tilespmem:s4+$0x80] =	vst v2;
	v6 =	vld.idx.msk [tilespmem:v6+s11+$0x0], $0xffff  }
0x562: {  	s3 =	sand.u32 $0x40, s21;
	s7 =	sand.u32 $0xF80, s21;
	[tilespmem:s2+$0x80] =	vst v8;
	v7 =	vld.idx.msk [tilespmem:v7+s11+$0x0], $0xffff  }
0x563: {  	s8 =	sor.u32 $0x30, s3;
	v8 =	vadd.s32 $0x150, v3;
	[tilespmem:s0+$0x80] =	vst v10;
	s5 =	sor.u32 $0x1000, s7;
	v9 =	vld.idx.msk [tilespmem:v9+s11+$0x0], $0xffff  }
0x564: {  	s24 =	sor.u32 $0x10, s3;
	v10 =	vadd.s32 $0x150, v4;
	v11 =	vld.idx.msk [tilespmem:v11+s11+$0x0], $0xffff;
	s22 =	sor.u32 s8, s5  }
0x565: {  	s25 =	sor.u32 $0x20, s3;
	v12 =	vadd.s32 $0x150, v5;
	s26 =	sor.u32 s24, s5;
	v2 =	vld [tilespmem:s22+$0x0]  }
0x566: {  	v14 =	vadd.s32 $0x150, v0;
	s5 =	sor.u32 s25, s5;
	v13 =	vld [tilespmem:s26+$0x0]  }
0x567: {  	v18 =	vld [tilespmem:s5+$0x0];
	[tilespmem:s6+$0x100] =	vst v6  }
0x568: {  	[tilespmem:s4+$0x100] =	vst v7;
	v6 =	vld.idx.msk [tilespmem:v8+s11+$0x0], $0xffff  }
0x569: {  	[tilespmem:s2+$0x100] =	vst v9;
	v7 =	vld.idx.msk [tilespmem:v10+s11+$0x0], $0xffff  }
0x56a: {  	[tilespmem:s0+$0x100] =	vst v11;
	v9 =	vld.idx.msk [tilespmem:v12+s11+$0x0], $0xffff  }
0x56b: {  	v8 =	vadd.s32 $0x1C0, v3;
	v10 =	vld.idx.msk [tilespmem:v14+s11+$0x0], $0xffff  }
0x56c: {  	v11 =	vadd.s32 $0x1C0, v4;
	v12 =	vld.idx.msk [tilespmem:v1+s11+$0x0], $0xffff  }
0x56d: {  	v14 =	vadd.s32 $0x1C0, v5;
	v15 =	vld.idx.msk [tilespmem:v2+s11+$0x0], $0xffff  }
0x56e: {  	s22 =	simm.s32 $0x200;
	v17 =	vadd.s32 $0x70, v2;
	v16 =	vld.idx.msk [tilespmem:v13+s11+$0x0], $0xffff;
	[tilespmem:s6+$0x180] =	vst v6  }
0x56f: {  	p0 =	por $0x0, $0x0;
	s5 =	simm.s32 $0x1;
	v19 =	vadd.s32 $0x70, v13;
	[tilespmem:s4+$0x180] =	vst v7;
	s6 =	sand.u32 $0x7C00, s22;
	v7 =	vld.idx.msk [tilespmem:v18+s11+$0x0], $0xffff  }
0x570: {  	s5 =	simm.s32 @!p0 $0x0;
	v22 =	vadd.s32 $0x70, v1;
	v8 =	vld.idx.msk [tilespmem:v8+s11+$0x0], $0xffff;
	s23 =	sadd.s32 $0xA000, s6  }
0x571: {  	s5 =	sshll.u32 s5, $0x6;
	v3 =	vadd.s32 $0x230, v3;
	[tilespmem:s2+$0x180] =	vst v9;
	v11 =	vld.idx.msk [tilespmem:v11+s11+$0x0], $0xffff;
	s26 =	sor.u32 s8, s23  }
0x572: {  	v6 =	vadd.s32 $0x1C0, v0;
	s4 =	sadd.s32 $0x0, s5;
	v21 =	vld.idx.msk [tilespmem:v14+s11+$0x0], $0xffff;
	s24 =	sor.u32 s24, s23;
	[tilespmem:s26+$0x0] =	vst v15  }
0x573: {  	v20 =	vadd.s32 $0x70, v18;
	s5 =	sadd.s32 $0x30, s4;
	s25 =	sor.u32 s25, s23;
	s23 =	sor.u32 s3, s23;
	[tilespmem:s24+$0x0] =	vst v16;
	v23 =	vld.idx.msk [tilespmem:v17+s11+$0x0], $0xffff  }
0x574: {  	v4 =	vadd.s32 $0x230, v4;
	s6 =	sor.u32 $0x200, s5;
	[tilespmem:s23+$0x0] =	vst v12;
	v15 =	vld.idx.msk [tilespmem:v19+s11+$0x0], $0xffff  }
0x575: {  	v24 =	vadd.s32 $0x230, v5;
	v17 =	vld.idx.msk [tilespmem:v22+s11+$0x0], $0xffff;
	[tilespmem:s6+$0xA000] =	vst v8  }
0x576: {  	[tilespmem:s0+$0x180] =	vst v10;
	s2 =	sadd.s32 $0x10, s4;
	v14 =	vld.idx.msk [tilespmem:v3+s11+$0x0], $0xffff  }
0x577: {  	s3 =	sadd.s32 $0x20, s4;
	s7 =	sor.u32 $0x200, s2;
	v19 =	vadd.s32 $0xE0, v2;
	v9 =	vld.idx.msk [tilespmem:v6+s11+$0x0], $0xffff;
	[tilespmem:s25+$0x0] =	vst v7  }
0x578: {  	s29 =	simm.s32 $0x1080;
	v5 =	vadd.s32 $0x1C0, v13;
	v10 =	vadd.s32 $0xE0, v13;
	s8 =	sor.u32 $0x200, s3;
	v7 =	vadd.s32 $0x150, v13;
	v16 =	vld.idx.msk [tilespmem:v20+s11+$0x0], $0xffff;
	[tilespmem:s7+$0xA000] =	vst v11  }
0x579: {  	s28 =	simm.s32 $0x200;
	s0 =	sor.u32 $0x200, s4;
	s30 =	sor.u32 $0x280, s4;
	v6 =	vadd.s32 $0x1C0, v18;
	v11 =	vadd.s32 $0xE0, v18;
	[tilespmem:s8+$0xA000] =	vst v21;
	v3 =	vadd.s32 $0x230, v13;
	v13 =	vld.idx.msk [tilespmem:v4+s11+$0x0], $0xffff  }
0x57a: {  	s2 =	sor.u32 $0x280, s2;
	s31 =	sor.u32 $0x280, s3;
	s3 =	sor.u32 $0x280, s5;
	v8 =	vadd.s32 $0x150, v18;
	v4 =	vadd.s32 $0x230, v18;
	v18 =	vadd.s32 $0xE0, v1;
	v12 =	vld.idx.msk [tilespmem:v24+s11+$0x0], $0xffff;
	[tilespmem:s26+$0x80] =	vst v23  }
.LBB2_26:
0x57b: {  	v20 =	vadd.s32 $0x230, v0;
	[tilespmem:s3+$0xA000] =	vst v14;
	v0 =	vmov v1;
	v1 =	vld [tilespmem:s29+$0x0]  }
0x57c: {  	[tilespmem:s24+$0x80] =	vst v15;
	v14 =	vld.idx.msk [tilespmem:v19+s11+$0x0], $0xffff  }
0x57d: {  	s21 =	sadd.s32 $0x40, s21;
	v10 =	vld.idx.msk [tilespmem:v10+s11+$0x0], $0xffff;
	[tilespmem:s25+$0x80] =	vst v16  }
0x57e: {  	s3 =	sand.u32 $0x40, s21;
	s5 =	sand.u32 $0xF80, s21;
	p1 =	slt.u32 s21, $0xFC0;
	v15 =	vadd.s32 $0x150, v2;
	[tilespmem:s23+$0x80] =	vst v17;
	v11 =	vld.idx.msk [tilespmem:v11+s11+$0x0], $0xffff  }
0x57f: {  	s4 =	sor.u32 $0x10, s3;
	s6 =	sor.u32 $0x1000, s5;
	s5 =	sor.u32 $0x30, s3;
	v16 =	vld.idx.msk [tilespmem:v18+s11+$0x0], $0xffff;
	[tilespmem:s0+$0xA000] =	vst v9  }
0x580: {  	s7 =	sor.u32 s4, s6;
	s8 =	sor.u32 s5, s6;
	s0 =	sor.u32 $0x20, s3;
	v9 =	vld.idx.msk [tilespmem:v20+s11+$0x0], $0xffff;
	[tilespmem:s2+$0xA000] =	vst v13  }
0x581: {  	s2 =	sor.u32 s0, s6;
	v13 =	vld [tilespmem:s8+$0x0];
	[tilespmem:s31+$0xA000] =	vst v12  }
0x582: {  	v17 =	vadd.s32 $0x150, v0;
	v12 =	vld [tilespmem:s7+$0x0];
	[tilespmem:s26+$0x100] =	vst v14  }
0x583: {  	[tilespmem:s24+$0x100] =	vst v10;
	v14 =	vld.idx.msk [tilespmem:v15+s11+$0x0], $0xffff  }
0x584: {  	v15 =	vld [tilespmem:s2+$0x0];
	[tilespmem:s25+$0x100] =	vst v11  }
0x585: {  	v18 =	vadd.s32 $0x1C0, v2;
	[tilespmem:s23+$0x100] =	vst v16;
	v16 =	vld.idx.msk [tilespmem:v7+s11+$0x0], $0xffff  }
0x586: {  	v19 =	vld.idx.msk [tilespmem:v8+s11+$0x0], $0xffff;
	[tilespmem:s30+$0xA000] =	vst v9  }
0x587: {  	v20 =	vadd.s32 $0x70, v12;
	v10 =	vadd.s32 $0xE0, v12;
	v7 =	vadd.s32 $0x150, v12;
	v9 =	vld.idx.msk [tilespmem:v17+s11+$0x0], $0xffff  }
0x588: {  	v21 =	vadd.s32 $0x1C0, v12;
	v22 =	vadd.s32 $0x230, v12;
	v17 =	vld.idx.msk [tilespmem:v1+s11+$0x0], $0xffff  }
0x589: {  	v23 =	vadd.s32 $0x70, v15;
	v11 =	vadd.s32 $0xE0, v15;
	v8 =	vadd.s32 $0x150, v15;
	v24 =	vld.idx.msk [tilespmem:v13+s11+$0x0], $0xffff;
	[tilespmem:s26+$0x180] =	vst v14  }
0x58a: {  	p0 =	por !p0, !p0;
	v26 =	vadd.s32 $0x1C0, v0;
	s2 =	simm.s32 $0x1;
	v14 =	vadd.s32 $0x1C0, v15;
	v25 =	vadd.s32 $0x230, v15;
	v18 =	vld.idx.msk [tilespmem:v18+s11+$0x0], $0xffff  }
0x58b: {  	s22 =	sadd.s32 $0x200, s22;
	s2 =	simm.s32 @!p0 $0x0;
	v27 =	vadd.s32 $0x70, v13;
	v12 =	vld.idx.msk [tilespmem:v12+s11+$0x0], $0xffff;
	[tilespmem:s24+$0x180] =	vst v16  }
0x58c: {  	s6 =	sand.u32 $0x7C00, s22;
	s2 =	sshll.u32 s2, $0x6;
	v16 =	vld.idx.msk [tilespmem:v15+s11+$0x0], $0xffff;
	[tilespmem:s25+$0x180] =	vst v19;
	v15 =	vadd.s32 $0x230, v2;
	v2 =	vmov v13  }
0x58d: {  	s6 =	sadd.s32 $0xA000, s6;
	s7 =	sadd.s32 s2, s28;
	s28 =	smov.u32 s22;
	[tilespmem:s23+$0x180] =	vst v9;
	v13 =	vld.idx.msk [tilespmem:v5+s11+$0x0], $0xffff;
	v5 =	vmov v21  }
0x58e: {  	s26 =	sor.u32 s5, s6;
	s24 =	sor.u32 s4, s6;
	s4 =	sadd.s32 $0x30, s7;
	v21 =	vld.idx.msk [tilespmem:v6+s11+$0x0], $0xffff;
	v6 =	vmov v14  }
0x58f: {  	v28 =	vadd.s32 $0x70, v1;
	s25 =	sor.u32 s0, s6;
	s2 =	sor.u32 $0x200, s4;
	s23 =	sor.u32 s3, s6;
	[tilespmem:s26+$0x0] =	vst v24;
	v9 =	vld.idx.msk [tilespmem:v26+s11+$0x0], $0xffff  }
0x590: {  	s5 =	sadd.s32 $0x20, s7;
	s0 =	sor.u32 $0x200, s7;
	s3 =	sadd.s32 $0x10, s7;
	v24 =	vld.idx.msk [tilespmem:v27+s11+$0x0], $0xffff;
	[tilespmem:s2+$0xA000] =	vst v18  }
0x591: {  	s6 =	sor.u32 $0x200, s3;
	s2 =	sor.u32 $0x280, s3;
	s3 =	sor.u32 $0x200, s5;
	[tilespmem:s24+$0x0] =	vst v12;
	v14 =	vld.idx.msk [tilespmem:v15+s11+$0x0], $0xffff  }
.Ltmp12:
0x592: {  	s30 =	sor.u32 $0x280, s7;
	s31 =	sor.u32 $0x280, s5;
	v15 =	vld.idx.msk [tilespmem:v20+s11+$0x0], $0xffff;
	[tilespmem:s25+$0x0] =	vst v16;
	(pc) =	sbr.rel @p1 .LBB2_26-.Ltmp12, $4  }
0x593: {  	v19 =	vadd.s32 $0xE0, v2;
	[tilespmem:s23+$0x0] =	vst v17;
	v16 =	vld.idx.msk [tilespmem:v23+s11+$0x0], $0xffff  }
0x594: {  	v17 =	vld.idx.msk [tilespmem:v28+s11+$0x0], $0xffff;
	[tilespmem:s6+$0xA000] =	vst v13  }
0x595: {  	v13 =	vld.idx.msk [tilespmem:v3+s11+$0x0], $0xffff;
	[tilespmem:s3+$0xA000] =	vst v21;
	v3 =	vmov v22  }
0x596: {  	s29 =	sadd.s32 $0x40, s29;
	v18 =	vadd.s32 $0xE0, v1;
	s3 =	sor.u32 $0x280, s4;
	[tilespmem:s26+$0x80] =	vst v24;
	v12 =	vld.idx.msk [tilespmem:v4+s11+$0x0], $0xffff;
	v4 =	vmov v25  }
0x597: {  	_ =	sdelay $0x3  }
0x598: {  	[tilespmem:s24+$0x80] =	vst v15;
	v15 =	vld.idx.msk [tilespmem:v19+s11+$0x0], $0xffff  }
0x599: {  	v10 =	vld.idx.msk [tilespmem:v10+s11+$0x0], $0xffff;
	[tilespmem:s25+$0x80] =	vst v16;
	v16 =	vadd.s32 $0x150, v2  }
0x59a: {  	[tilespmem:s23+$0x80] =	vst v17;
	v11 =	vld.idx.msk [tilespmem:v11+s11+$0x0], $0xffff  }
0x59b: {  	v17 =	vld.idx.msk [tilespmem:v18+s11+$0x0], $0xffff  }
0x59c: {  	v18 =	vadd.s32 $0x150, v1  }
0x59d: {  	[tilespmem:s26+$0x100] =	vst v15  }
0x59e: {  	[tilespmem:s24+$0x100] =	vst v10;
	v10 =	vld.idx.msk [tilespmem:v16+s11+$0x0], $0xffff  }
0x59f: {  	[tilespmem:s25+$0x100] =	vst v11;
	v7 =	vld.idx.msk [tilespmem:v7+s11+$0x0], $0xffff;
	v11 =	vadd.s32 $0x1C0, v2  }
0x5a0: {  	[tilespmem:s23+$0x100] =	vst v17;
	v8 =	vld.idx.msk [tilespmem:v8+s11+$0x0], $0xffff  }
0x5a1: {  	v15 =	vld.idx.msk [tilespmem:v18+s11+$0x0], $0xffff  }
0x5a2: {  	[tilespmem:s3+$0xA000] =	vst v14;
	v14 =	vadd.s32 $0x1C0, v1  }
0x5a3: {  	p0 =	por !p0, !p0;
	s3 =	simm.s32 $0x1;
	[tilespmem:s26+$0x180] =	vst v10  }
0x5a4: {  	v0 =	vadd.s32 $0x230, v0;
	s3 =	simm.s32 @!p0 $0x0;
	v10 =	vld.idx.msk [tilespmem:v11+s11+$0x0], $0xffff;
	[tilespmem:s24+$0x180] =	vst v7  }
0x5a5: {  	s3 =	sshll.u32 s3, $0x6;
	v2 =	vadd.s32 $0x230, v2;
	[tilespmem:s25+$0x180] =	vst v8;
	v5 =	vld.idx.msk [tilespmem:v5+s11+$0x0], $0xffff  }
0x5a6: {  	s3 =	sadd.s32 s3, s28;
	[tilespmem:s23+$0x180] =	vst v15;
	v6 =	vld.idx.msk [tilespmem:v6+s11+$0x0], $0xffff  }
0x5a7: {  	[tilespmem:s0+$0xA000] =	vst v9;
	s21 =	sadd.s32 $0x30, s3;
	v7 =	vld.idx.msk [tilespmem:v14+s11+$0x0], $0xffff  }
0x5a8: {  	[tilespmem:s2+$0xA000] =	vst v13;
	v1 =	vadd.s32 $0x230, v1;
	s4 =	sadd.s32 $0x10, s3;
	s22 =	sor.u32 $0x200, s21  }
0x5a9: {  	s5 =	sadd.s32 $0x20, s3;
	v0 =	vld.idx.msk [tilespmem:v0+s11+$0x0], $0xffff;
	s23 =	sor.u32 $0x200, s4;
	[tilespmem:s22+$0xA000] =	vst v10  }
0x5aa: {  	s6 =	sor.u32 $0x200, s5;
	v2 =	vld.idx.msk [tilespmem:v2+s11+$0x0], $0xffff;
	[tilespmem:s23+$0xA000] =	vst v5  }
0x5ab: {  	s24 =	sor.u32 $0x200, s3;
	v3 =	vld.idx.msk [tilespmem:v3+s11+$0x0], $0xffff;
	[tilespmem:s6+$0xA000] =	vst v6  }
0x5ac: {  	v4 =	vld.idx.msk [tilespmem:v4+s11+$0x0], $0xffff;
	[tilespmem:s24+$0xA000] =	vst v7  }
0x5ad: {  	[tilespmem:s31+$0xA000] =	vst v12;
	v1 =	vld.idx.msk [tilespmem:v1+s11+$0x0], $0xffff  }
0x5ae: {  	s0 =	sor.u32 $0x280, s21;
	[tilespmem:s30+$0xA000] =	vst v0  }
0x5af: {  	s25 =	sor.u32 $0x280, s4;
	[tilespmem:s0+$0xA000] =	vst v2  }
0x5b0: {  	s26 =	sor.u32 $0x280, s5;
	[tilespmem:s25+$0xA000] =	vst v3  }
0x5b1: {  	s4 =	sor.u32 $0x280, s3;
	[tilespmem:s26+$0xA000] =	vst v4  }
0x5b2: {  	[tilespmem:s4+$0xA000] =	vst v1  }
0x5b3: {  	s2 =	sld [smem:$0x7F4];
	_ =	sdelay $0x1  }
0x5b4: {  	s5 =	simm.s32 $0x0  }
0x5b5: {  	[hbm4b:s2+s5] =	stream.linear.scatter [tilespmem:s18], [sflag:$0x2], $0x8000, $0x38;
	[tilespmem:$0x12C00] =	vst v63  }
0x5b6: {  	s21 =	rddreg [dreg:$0x14]  }
0x5b7: {  	[tilespmem:s13], [sflag:$0x4] =	stream.linear.gather [hbm4b:s21+s5], $0x1000, $0x38;
	[tilespmem:$0x12C00] =	vst v63  }
0x5b8: {  	_ =	swait.ge [sflag:s14], $0x1000  }
0x5b9: {  	[sflag:s14] =	ssyncset.done $0x0  }
0x5ba: {  	s22 =	simm.s32 $0x0;
	[sflag:s14] =	ssyncadd.s32 $0xFFFFF000  }
0x5bb: {  	s23 =	sand.u32 $0x40, s22;
	_ =	swait.ge [sflag:s15], $0x8000  }
0x5bc: {  	s24 =	sor.u32 $0x30, s23;
	s2 =	sand.u32 $0xF80, s22;
	[sflag:s15] =	ssyncset.done $0x0  }
0x5bd: {  	s25 =	sor.u32 $0x10, s23;
	s26 =	sor.u32 s24, s2;
	[sflag:s15] =	ssyncadd.s32 $0xFFFF8000  }
0x5be: {  	s7 =	sor.u32 s25, s2;
	v3 =	vld [tilespmem:s26+$0x0]  }
0x5bf: {  	s8 =	sor.u32 $0x20, s23;
	v4 =	vld [tilespmem:s7+$0x0]  }
0x5c0: {  	s2 =	sor.u32 s8, s2  }
0x5c1: {  	v5 =	vld [tilespmem:s2+$0x0]  }
0x5c2: {  	v0 =	vld [tilespmem:s5+$0x0];
	_ =	sdelay $0x3  }
0x5c3: {  	v1 =	vld.idx.msk [tilespmem:v3+s11+$0x0], $0xffff  }
0x5c4: {  	v6 =	vadd.s32 $0x70, v3;
	v2 =	vld.idx.msk [tilespmem:v4+s11+$0x0], $0xffff  }
0x5c5: {  	s0 =	sand.u32 $0x7C00, s5;
	v7 =	vadd.s32 $0x70, v4  }
0x5c6: {  	s0 =	sadd.s32 $0x2000, s0;
	v8 =	vld.idx.msk [tilespmem:v5+s11+$0x0], $0xffff  }
0x5c7: {  	s6 =	sor.u32 s24, s0;
	s21 =	simm.s32 $0x40;
	v10 =	vadd.s32 $0x70, v5;
	v9 =	vld.idx.msk [tilespmem:v0+s11+$0x0], $0xffff  }
0x5c8: {  	s4 =	sor.u32 s25, s0;
	s3 =	sand.u32 $0x40, s21;
	v11 =	vadd.s32 $0x70, v0;
	[tilespmem:s6+$0x0] =	vst v1  }
0x5c9: {  	s24 =	sor.u32 $0x10, s3;
	s7 =	sand.u32 $0xF80, s21;
	[tilespmem:s4+$0x0] =	vst v2;
	v1 =	vld.idx.msk [tilespmem:v6+s11+$0x0], $0xffff  }
0x5ca: {  	s2 =	sor.u32 s8, s0;
	s26 =	sor.u32 s24, s7;
	v2 =	vld.idx.msk [tilespmem:v7+s11+$0x0], $0xffff  }
0x5cb: {  	s0 =	sor.u32 s23, s0;
	v13 =	vld [tilespmem:s26+$0x0];
	[tilespmem:s2+$0x0] =	vst v8;
	v6 =	vadd.s32 $0xE0, v3  }
0x5cc: {  	[tilespmem:s0+$0x0] =	vst v9;
	v7 =	vadd.s32 $0xE0, v4;
	v8 =	vld.idx.msk [tilespmem:v10+s11+$0x0], $0xffff  }
0x5cd: {  	s5 =	simm.s32 $0x40;
	s8 =	sor.u32 $0x30, s3;
	v9 =	vadd.s32 $0xE0, v5;
	v10 =	vld.idx.msk [tilespmem:v11+s11+$0x0], $0xffff  }
0x5ce: {  	s22 =	sor.u32 s8, s7;
	v11 =	vadd.s32 $0xE0, v0;
	[tilespmem:s6+$0x80] =	vst v1;
	v1 =	vld [tilespmem:s5+$0x0]  }
0x5cf: {  	[tilespmem:s4+$0x80] =	vst v2;
	v2 =	vld [tilespmem:s22+$0x0]  }
0x5d0: {  	v6 =	vld.idx.msk [tilespmem:v6+s11+$0x0], $0xffff  }
0x5d1: {  	[tilespmem:s2+$0x80] =	vst v8;
	v8 =	vadd.s32 $0x150, v3;
	v7 =	vld.idx.msk [tilespmem:v7+s11+$0x0], $0xffff  }
0x5d2: {  	s25 =	sor.u32 $0x20, s3;
	[tilespmem:s0+$0x80] =	vst v10;
	v10 =	vadd.s32 $0x150, v4;
	v9 =	vld.idx.msk [tilespmem:v9+s11+$0x0], $0xffff  }
0x5d3: {  	v12 =	vadd.s32 $0x150, v5;
	s5 =	sor.u32 s25, s7;
	v11 =	vld.idx.msk [tilespmem:v11+s11+$0x0], $0xffff  }
0x5d4: {  	v14 =	vadd.s32 $0x150, v0;
	v18 =	vld [tilespmem:s5+$0x0]  }
0x5d5: {  	v16 =	vld.idx.msk [tilespmem:v13+s11+$0x0], $0xffff;
	[tilespmem:s6+$0x100] =	vst v6  }
0x5d6: {  	[tilespmem:s4+$0x100] =	vst v7;
	v6 =	vld.idx.msk [tilespmem:v8+s11+$0x0], $0xffff  }
0x5d7: {  	[tilespmem:s2+$0x100] =	vst v9;
	v7 =	vld.idx.msk [tilespmem:v10+s11+$0x0], $0xffff  }
0x5d8: {  	[tilespmem:s0+$0x100] =	vst v11;
	v8 =	vadd.s32 $0x1C0, v3;
	v9 =	vld.idx.msk [tilespmem:v12+s11+$0x0], $0xffff  }
0x5d9: {  	v11 =	vadd.s32 $0x1C0, v4;
	v10 =	vld.idx.msk [tilespmem:v14+s11+$0x0], $0xffff  }
0x5da: {  	v14 =	vadd.s32 $0x1C0, v5;
	v15 =	vld.idx.msk [tilespmem:v2+s11+$0x0], $0xffff  }
0x5db: {  	s22 =	simm.s32 $0x200;
	v17 =	vadd.s32 $0x70, v2;
	v12 =	vld.idx.msk [tilespmem:v1+s11+$0x0], $0xffff;
	[tilespmem:s6+$0x180] =	vst v6  }
0x5dc: {  	p0 =	por $0x0, $0x0;
	v19 =	vadd.s32 $0x70, v13;
	s5 =	simm.s32 $0x1;
	[tilespmem:s4+$0x180] =	vst v7;
	s6 =	sand.u32 $0x7C00, s22;
	v7 =	vld.idx.msk [tilespmem:v18+s11+$0x0], $0xffff  }
0x5dd: {  	s5 =	simm.s32 @!p0 $0x0;
	v22 =	vadd.s32 $0x70, v1;
	v8 =	vld.idx.msk [tilespmem:v8+s11+$0x0], $0xffff;
	s23 =	sadd.s32 $0x2000, s6  }
0x5de: {  	s5 =	sshll.u32 s5, $0x6;
	v3 =	vadd.s32 $0x230, v3;
	[tilespmem:s2+$0x180] =	vst v9;
	v11 =	vld.idx.msk [tilespmem:v11+s11+$0x0], $0xffff;
	s26 =	sor.u32 s8, s23  }
0x5df: {  	v6 =	vadd.s32 $0x1C0, v0;
	s4 =	sadd.s32 $0x0, s5;
	v21 =	vld.idx.msk [tilespmem:v14+s11+$0x0], $0xffff;
	s24 =	sor.u32 s24, s23;
	[tilespmem:s26+$0x0] =	vst v15  }
0x5e0: {  	v20 =	vadd.s32 $0x70, v18;
	s5 =	sadd.s32 $0x30, s4;
	s25 =	sor.u32 s25, s23;
	s23 =	sor.u32 s3, s23;
	[tilespmem:s24+$0x0] =	vst v16;
	v23 =	vld.idx.msk [tilespmem:v17+s11+$0x0], $0xffff  }
0x5e1: {  	v4 =	vadd.s32 $0x230, v4;
	s6 =	sor.u32 $0x200, s5;
	[tilespmem:s23+$0x0] =	vst v12;
	v15 =	vld.idx.msk [tilespmem:v19+s11+$0x0], $0xffff  }
0x5e2: {  	v24 =	vadd.s32 $0x230, v5;
	v17 =	vld.idx.msk [tilespmem:v22+s11+$0x0], $0xffff;
	[tilespmem:s6+$0x2000] =	vst v8  }
0x5e3: {  	[tilespmem:s0+$0x180] =	vst v10;
	s2 =	sadd.s32 $0x10, s4;
	v14 =	vld.idx.msk [tilespmem:v3+s11+$0x0], $0xffff  }
0x5e4: {  	s3 =	sadd.s32 $0x20, s4;
	s7 =	sor.u32 $0x200, s2;
	v19 =	vadd.s32 $0xE0, v2;
	v9 =	vld.idx.msk [tilespmem:v6+s11+$0x0], $0xffff;
	[tilespmem:s25+$0x0] =	vst v7  }
0x5e5: {  	s29 =	simm.s32 $0x80;
	v5 =	vadd.s32 $0x1C0, v13;
	v10 =	vadd.s32 $0xE0, v13;
	s8 =	sor.u32 $0x200, s3;
	v7 =	vadd.s32 $0x150, v13;
	v16 =	vld.idx.msk [tilespmem:v20+s11+$0x0], $0xffff;
	[tilespmem:s7+$0x2000] =	vst v11  }
0x5e6: {  	s28 =	simm.s32 $0x200;
	s0 =	sor.u32 $0x200, s4;
	s30 =	sor.u32 $0x280, s4;
	v6 =	vadd.s32 $0x1C0, v18;
	v11 =	vadd.s32 $0xE0, v18;
	[tilespmem:s8+$0x2000] =	vst v21;
	v3 =	vadd.s32 $0x230, v13;
	v13 =	vld.idx.msk [tilespmem:v4+s11+$0x0], $0xffff  }
0x5e7: {  	s2 =	sor.u32 $0x280, s2;
	s31 =	sor.u32 $0x280, s3;
	s3 =	sor.u32 $0x280, s5;
	v8 =	vadd.s32 $0x150, v18;
	v4 =	vadd.s32 $0x230, v18;
	v18 =	vadd.s32 $0xE0, v1;
	v12 =	vld.idx.msk [tilespmem:v24+s11+$0x0], $0xffff;
	[tilespmem:s26+$0x80] =	vst v23  }
.LBB2_28:
0x5e8: {  	v20 =	vadd.s32 $0x230, v0;
	[tilespmem:s3+$0x2000] =	vst v14;
	v0 =	vmov v1;
	v1 =	vld [tilespmem:s29+$0x0]  }
0x5e9: {  	[tilespmem:s24+$0x80] =	vst v15;
	v14 =	vld.idx.msk [tilespmem:v19+s11+$0x0], $0xffff  }
0x5ea: {  	s21 =	sadd.s32 $0x40, s21;
	v10 =	vld.idx.msk [tilespmem:v10+s11+$0x0], $0xffff;
	[tilespmem:s25+$0x80] =	vst v16  }
0x5eb: {  	s3 =	sand.u32 $0x40, s21;
	p1 =	slt.u32 s21, $0xFC0;
	v15 =	vadd.s32 $0x150, v2;
	[tilespmem:s23+$0x80] =	vst v17;
	v11 =	vld.idx.msk [tilespmem:v11+s11+$0x0], $0xffff  }
0x5ec: {  	s6 =	sand.u32 $0xF80, s21;
	s4 =	sor.u32 $0x10, s3;
	s5 =	sor.u32 $0x30, s3;
	v16 =	vld.idx.msk [tilespmem:v18+s11+$0x0], $0xffff;
	[tilespmem:s0+$0x2000] =	vst v9  }
0x5ed: {  	s7 =	sor.u32 s4, s6;
	s8 =	sor.u32 s5, s6;
	s0 =	sor.u32 $0x20, s3;
	v9 =	vld.idx.msk [tilespmem:v20+s11+$0x0], $0xffff;
	[tilespmem:s2+$0x2000] =	vst v13  }
0x5ee: {  	s2 =	sor.u32 s0, s6;
	v13 =	vld [tilespmem:s8+$0x0];
	[tilespmem:s31+$0x2000] =	vst v12  }
0x5ef: {  	v17 =	vadd.s32 $0x150, v0;
	v12 =	vld [tilespmem:s7+$0x0];
	[tilespmem:s26+$0x100] =	vst v14  }
0x5f0: {  	[tilespmem:s24+$0x100] =	vst v10;
	v14 =	vld.idx.msk [tilespmem:v15+s11+$0x0], $0xffff  }
0x5f1: {  	v15 =	vld [tilespmem:s2+$0x0];
	[tilespmem:s25+$0x100] =	vst v11  }
0x5f2: {  	v18 =	vadd.s32 $0x1C0, v2;
	[tilespmem:s23+$0x100] =	vst v16;
	v16 =	vld.idx.msk [tilespmem:v7+s11+$0x0], $0xffff  }
0x5f3: {  	v19 =	vld.idx.msk [tilespmem:v8+s11+$0x0], $0xffff;
	[tilespmem:s30+$0x2000] =	vst v9  }
0x5f4: {  	v20 =	vadd.s32 $0x70, v12;
	v10 =	vadd.s32 $0xE0, v12;
	v7 =	vadd.s32 $0x150, v12;
	v9 =	vld.idx.msk [tilespmem:v17+s11+$0x0], $0xffff  }
0x5f5: {  	v21 =	vadd.s32 $0x1C0, v12;
	v22 =	vadd.s32 $0x230, v12;
	v17 =	vld.idx.msk [tilespmem:v1+s11+$0x0], $0xffff  }
0x5f6: {  	v23 =	vadd.s32 $0x70, v15;
	v11 =	vadd.s32 $0xE0, v15;
	v8 =	vadd.s32 $0x150, v15;
	v24 =	vld.idx.msk [tilespmem:v13+s11+$0x0], $0xffff;
	[tilespmem:s26+$0x180] =	vst v14  }
0x5f7: {  	p0 =	por !p0, !p0;
	v26 =	vadd.s32 $0x1C0, v0;
	s2 =	simm.s32 $0x1;
	v14 =	vadd.s32 $0x1C0, v15;
	v25 =	vadd.s32 $0x230, v15;
	v18 =	vld.idx.msk [tilespmem:v18+s11+$0x0], $0xffff  }
0x5f8: {  	s22 =	sadd.s32 $0x200, s22;
	s2 =	simm.s32 @!p0 $0x0;
	v27 =	vadd.s32 $0x70, v13;
	v12 =	vld.idx.msk [tilespmem:v12+s11+$0x0], $0xffff;
	[tilespmem:s24+$0x180] =	vst v16  }
0x5f9: {  	s6 =	sand.u32 $0x7C00, s22;
	s2 =	sshll.u32 s2, $0x6;
	v16 =	vld.idx.msk [tilespmem:v15+s11+$0x0], $0xffff;
	[tilespmem:s25+$0x180] =	vst v19;
	v15 =	vadd.s32 $0x230, v2;
	v2 =	vmov v13  }
0x5fa: {  	s6 =	sadd.s32 $0x2000, s6;
	s7 =	sadd.s32 s2, s28;
	s28 =	smov.u32 s22;
	[tilespmem:s23+$0x180] =	vst v9;
	v13 =	vld.idx.msk [tilespmem:v5+s11+$0x0], $0xffff;
	v5 =	vmov v21  }
0x5fb: {  	s26 =	sor.u32 s5, s6;
	s24 =	sor.u32 s4, s6;
	s4 =	sadd.s32 $0x30, s7;
	v21 =	vld.idx.msk [tilespmem:v6+s11+$0x0], $0xffff;
	v6 =	vmov v14  }
0x5fc: {  	v28 =	vadd.s32 $0x70, v1;
	s25 =	sor.u32 s0, s6;
	s2 =	sor.u32 $0x200, s4;
	s23 =	sor.u32 s3, s6;
	[tilespmem:s26+$0x0] =	vst v24;
	v9 =	vld.idx.msk [tilespmem:v26+s11+$0x0], $0xffff  }
0x5fd: {  	s5 =	sadd.s32 $0x20, s7;
	s0 =	sor.u32 $0x200, s7;
	s3 =	sadd.s32 $0x10, s7;
	v24 =	vld.idx.msk [tilespmem:v27+s11+$0x0], $0xffff;
	[tilespmem:s2+$0x2000] =	vst v18  }
0x5fe: {  	s6 =	sor.u32 $0x200, s3;
	s2 =	sor.u32 $0x280, s3;
	s3 =	sor.u32 $0x200, s5;
	[tilespmem:s24+$0x0] =	vst v12;
	v14 =	vld.idx.msk [tilespmem:v15+s11+$0x0], $0xffff  }
.Ltmp13:
0x5ff: {  	s30 =	sor.u32 $0x280, s7;
	s31 =	sor.u32 $0x280, s5;
	v15 =	vld.idx.msk [tilespmem:v20+s11+$0x0], $0xffff;
	[tilespmem:s25+$0x0] =	vst v16;
	(pc) =	sbr.rel @p1 .LBB2_28-.Ltmp13, $4  }
0x600: {  	v19 =	vadd.s32 $0xE0, v2;
	[tilespmem:s23+$0x0] =	vst v17;
	v16 =	vld.idx.msk [tilespmem:v23+s11+$0x0], $0xffff  }
0x601: {  	v17 =	vld.idx.msk [tilespmem:v28+s11+$0x0], $0xffff;
	[tilespmem:s6+$0x2000] =	vst v13  }
0x602: {  	v13 =	vld.idx.msk [tilespmem:v3+s11+$0x0], $0xffff;
	[tilespmem:s3+$0x2000] =	vst v21;
	v3 =	vmov v22  }
0x603: {  	s29 =	sadd.s32 $0x40, s29;
	v18 =	vadd.s32 $0xE0, v1;
	s3 =	sor.u32 $0x280, s4;
	[tilespmem:s26+$0x80] =	vst v24;
	v12 =	vld.idx.msk [tilespmem:v4+s11+$0x0], $0xffff;
	v4 =	vmov v25  }
0x604: {  	_ =	sdelay $0x3  }
0x605: {  	[tilespmem:s24+$0x80] =	vst v15;
	v15 =	vld.idx.msk [tilespmem:v19+s11+$0x0], $0xffff  }
0x606: {  	v10 =	vld.idx.msk [tilespmem:v10+s11+$0x0], $0xffff;
	[tilespmem:s25+$0x80] =	vst v16;
	v16 =	vadd.s32 $0x150, v2  }
0x607: {  	[tilespmem:s23+$0x80] =	vst v17;
	v11 =	vld.idx.msk [tilespmem:v11+s11+$0x0], $0xffff  }
0x608: {  	v17 =	vld.idx.msk [tilespmem:v18+s11+$0x0], $0xffff  }
0x609: {  	v18 =	vadd.s32 $0x150, v1  }
0x60a: {  	[tilespmem:s26+$0x100] =	vst v15  }
0x60b: {  	[tilespmem:s24+$0x100] =	vst v10;
	v10 =	vld.idx.msk [tilespmem:v16+s11+$0x0], $0xffff  }
0x60c: {  	[tilespmem:s25+$0x100] =	vst v11;
	v7 =	vld.idx.msk [tilespmem:v7+s11+$0x0], $0xffff;
	v11 =	vadd.s32 $0x1C0, v2  }
0x60d: {  	[tilespmem:s23+$0x100] =	vst v17;
	v8 =	vld.idx.msk [tilespmem:v8+s11+$0x0], $0xffff  }
0x60e: {  	v15 =	vld.idx.msk [tilespmem:v18+s11+$0x0], $0xffff  }
0x60f: {  	[tilespmem:s3+$0x2000] =	vst v14;
	v14 =	vadd.s32 $0x1C0, v1  }
0x610: {  	p0 =	por !p0, !p0;
	s3 =	simm.s32 $0x1;
	[tilespmem:s26+$0x180] =	vst v10  }
0x611: {  	v0 =	vadd.s32 $0x230, v0;
	s3 =	simm.s32 @!p0 $0x0;
	v10 =	vld.idx.msk [tilespmem:v11+s11+$0x0], $0xffff;
	[tilespmem:s24+$0x180] =	vst v7  }
0x612: {  	s3 =	sshll.u32 s3, $0x6;
	v2 =	vadd.s32 $0x230, v2;
	[tilespmem:s25+$0x180] =	vst v8;
	v5 =	vld.idx.msk [tilespmem:v5+s11+$0x0], $0xffff  }
0x613: {  	s3 =	sadd.s32 s3, s28;
	[tilespmem:s23+$0x180] =	vst v15;
	v6 =	vld.idx.msk [tilespmem:v6+s11+$0x0], $0xffff  }
0x614: {  	[tilespmem:s0+$0x2000] =	vst v9;
	s21 =	sadd.s32 $0x30, s3;
	v7 =	vld.idx.msk [tilespmem:v14+s11+$0x0], $0xffff  }
0x615: {  	[tilespmem:s2+$0x2000] =	vst v13;
	v1 =	vadd.s32 $0x230, v1;
	s4 =	sadd.s32 $0x10, s3;
	s22 =	sor.u32 $0x200, s21  }
0x616: {  	s5 =	sadd.s32 $0x20, s3;
	v0 =	vld.idx.msk [tilespmem:v0+s11+$0x0], $0xffff;
	s23 =	sor.u32 $0x200, s4;
	[tilespmem:s22+$0x2000] =	vst v10  }
0x617: {  	s6 =	sor.u32 $0x200, s5;
	v2 =	vld.idx.msk [tilespmem:v2+s11+$0x0], $0xffff;
	[tilespmem:s23+$0x2000] =	vst v5  }
0x618: {  	s24 =	sor.u32 $0x200, s3;
	v3 =	vld.idx.msk [tilespmem:v3+s11+$0x0], $0xffff;
	[tilespmem:s6+$0x2000] =	vst v6  }
0x619: {  	v4 =	vld.idx.msk [tilespmem:v4+s11+$0x0], $0xffff;
	[tilespmem:s24+$0x2000] =	vst v7  }
0x61a: {  	[tilespmem:s31+$0x2000] =	vst v12;
	v1 =	vld.idx.msk [tilespmem:v1+s11+$0x0], $0xffff  }
0x61b: {  	s0 =	sor.u32 $0x280, s21;
	[tilespmem:s30+$0x2000] =	vst v0  }
0x61c: {  	s25 =	sor.u32 $0x280, s4;
	[tilespmem:s0+$0x2000] =	vst v2  }
0x61d: {  	s26 =	sor.u32 $0x280, s5;
	[tilespmem:s25+$0x2000] =	vst v3  }
0x61e: {  	s4 =	sor.u32 $0x280, s3;
	[tilespmem:s26+$0x2000] =	vst v4  }
0x61f: {  	[tilespmem:s4+$0x2000] =	vst v1  }
0x620: {  	s2 =	sld [smem:$0x7F5];
	_ =	sdelay $0x1  }
0x621: {  	s5 =	simm.s32 $0x0  }
0x622: {  	[hbm4b:s2+s5] =	stream.linear.scatter [tilespmem:s16], [sflag:$0x1], $0x8000, $0x38;
	[tilespmem:$0x12C00] =	vst v63  }
0x623: {  	s8 =	rddreg [dreg:$0x15]  }
0x624: {  	[tilespmem:s5], [sflag:$0x3] =	stream.linear.gather [hbm4b:s8+s5], $0x1000, $0x38;
	[tilespmem:$0x12C00] =	vst v63  }
0x625: {  	_ =	swait.ge [sflag:s17], $0x1000  }
0x626: {  	[sflag:s17] =	ssyncset.done $0x0  }
0x627: {  	s21 =	simm.s32 $0x0;
	[sflag:s17] =	ssyncadd.s32 $0xFFFFF000  }
0x628: {  	s22 =	sand.u32 $0x40, s21;
	s2 =	sand.u32 $0xF80, s21;
	_ =	swait.ge [sflag:s19], $0x8000  }
0x629: {  	s23 =	sor.u32 $0x30, s22;
	s2 =	sor.u32 $0x1000, s2;
	[sflag:s19] =	ssyncset.done $0x0  }
0x62a: {  	s24 =	sor.u32 $0x10, s22;
	s25 =	sor.u32 s23, s2;
	[sflag:s19] =	ssyncadd.s32 $0xFFFF8000  }
0x62b: {  	s7 =	sor.u32 s24, s2;
	s8 =	sor.u32 $0x20, s22;
	v3 =	vld [tilespmem:s25+$0x0]  }
0x62c: {  	s2 =	sor.u32 s8, s2;
	v4 =	vld [tilespmem:s7+$0x0]  }
0x62d: {  	s26 =	simm.s32 $0x1000;
	v5 =	vld [tilespmem:s2+$0x0]  }
0x62e: {  	v0 =	vld [tilespmem:s26+$0x0];
	_ =	sdelay $0x4  }
0x62f: {  	v1 =	vld.idx.msk [tilespmem:v3+s11+$0x0], $0xffff  }
0x630: {  	v6 =	vadd.s32 $0x70, v3;
	v2 =	vld.idx.msk [tilespmem:v4+s11+$0x0], $0xffff  }
0x631: {  	s0 =	sand.u32 $0x7C00, s5;
	v7 =	vadd.s32 $0x70, v4;
	v8 =	vld.idx.msk [tilespmem:v5+s11+$0x0], $0xffff  }
0x632: {  	s0 =	sadd.s32 $0xA000, s0;
	v10 =	vadd.s32 $0x70, v5;
	v9 =	vld.idx.msk [tilespmem:v0+s11+$0x0], $0xffff  }
0x633: {  	s6 =	sor.u32 s23, s0;
	v11 =	vadd.s32 $0x70, v0  }
0x634: {  	s4 =	sor.u32 s24, s0;
	[tilespmem:s6+$0x0] =	vst v1  }
0x635: {  	s2 =	sor.u32 s8, s0;
	[tilespmem:s4+$0x0] =	vst v2;
	v1 =	vld.idx.msk [tilespmem:v6+s11+$0x0], $0xffff  }
0x636: {  	s0 =	sor.u32 s22, s0;
	[tilespmem:s2+$0x0] =	vst v8;
	v2 =	vld.idx.msk [tilespmem:v7+s11+$0x0], $0xffff;
	v6 =	vadd.s32 $0xE0, v3  }
0x637: {  	[tilespmem:s0+$0x0] =	vst v9;
	v7 =	vadd.s32 $0xE0, v4;
	v8 =	vld.idx.msk [tilespmem:v10+s11+$0x0], $0xffff  }
0x638: {  	v9 =	vadd.s32 $0xE0, v5;
	v10 =	vld.idx.msk [tilespmem:v11+s11+$0x0], $0xffff  }
0x639: {  	s5 =	simm.s32 $0x1040;
	v11 =	vadd.s32 $0xE0, v0  }
0x63a: {  	[tilespmem:s6+$0x80] =	vst v1;
	v1 =	vld [tilespmem:s5+$0x0]  }
0x63b: {  	s21 =	simm.s32 $0x40;
	[tilespmem:s4+$0x80] =	vst v2;
	v6 =	vld.idx.msk [tilespmem:v6+s11+$0x0], $0xffff  }
0x63c: {  	s3 =	sand.u32 $0x40, s21;
	s7 =	sand.u32 $0xF80, s21;
	[tilespmem:s2+$0x80] =	vst v8;
	v7 =	vld.idx.msk [tilespmem:v7+s11+$0x0], $0xffff  }
0x63d: {  	s8 =	sor.u32 $0x30, s3;
	v8 =	vadd.s32 $0x150, v3;
	[tilespmem:s0+$0x80] =	vst v10;
	s5 =	sor.u32 $0x1000, s7;
	v9 =	vld.idx.msk [tilespmem:v9+s11+$0x0], $0xffff  }
0x63e: {  	s24 =	sor.u32 $0x10, s3;
	v10 =	vadd.s32 $0x150, v4;
	v11 =	vld.idx.msk [tilespmem:v11+s11+$0x0], $0xffff;
	s22 =	sor.u32 s8, s5  }
0x63f: {  	s25 =	sor.u32 $0x20, s3;
	v12 =	vadd.s32 $0x150, v5;
	s26 =	sor.u32 s24, s5;
	v2 =	vld [tilespmem:s22+$0x0]  }
0x640: {  	v14 =	vadd.s32 $0x150, v0;
	s5 =	sor.u32 s25, s5;
	v13 =	vld [tilespmem:s26+$0x0]  }
0x641: {  	v18 =	vld [tilespmem:s5+$0x0];
	[tilespmem:s6+$0x100] =	vst v6  }
0x642: {  	[tilespmem:s4+$0x100] =	vst v7;
	v6 =	vld.idx.msk [tilespmem:v8+s11+$0x0], $0xffff  }
0x643: {  	[tilespmem:s2+$0x100] =	vst v9;
	v7 =	vld.idx.msk [tilespmem:v10+s11+$0x0], $0xffff  }
0x644: {  	[tilespmem:s0+$0x100] =	vst v11;
	v9 =	vld.idx.msk [tilespmem:v12+s11+$0x0], $0xffff  }
0x645: {  	v8 =	vadd.s32 $0x1C0, v3;
	v10 =	vld.idx.msk [tilespmem:v14+s11+$0x0], $0xffff  }
0x646: {  	v11 =	vadd.s32 $0x1C0, v4;
	v12 =	vld.idx.msk [tilespmem:v1+s11+$0x0], $0xffff  }
0x647: {  	v14 =	vadd.s32 $0x1C0, v5;
	v15 =	vld.idx.msk [tilespmem:v2+s11+$0x0], $0xffff  }
0x648: {  	s22 =	simm.s32 $0x200;
	v17 =	vadd.s32 $0x70, v2;
	v16 =	vld.idx.msk [tilespmem:v13+s11+$0x0], $0xffff;
	[tilespmem:s6+$0x180] =	vst v6  }
0x649: {  	p0 =	por $0x0, $0x0;
	s5 =	simm.s32 $0x1;
	v19 =	vadd.s32 $0x70, v13;
	[tilespmem:s4+$0x180] =	vst v7;
	s6 =	sand.u32 $0x7C00, s22;
	v7 =	vld.idx.msk [tilespmem:v18+s11+$0x0], $0xffff  }
0x64a: {  	s5 =	simm.s32 @!p0 $0x0;
	v22 =	vadd.s32 $0x70, v1;
	v8 =	vld.idx.msk [tilespmem:v8+s11+$0x0], $0xffff;
	s23 =	sadd.s32 $0xA000, s6  }
0x64b: {  	s5 =	sshll.u32 s5, $0x6;
	v3 =	vadd.s32 $0x230, v3;
	[tilespmem:s2+$0x180] =	vst v9;
	v11 =	vld.idx.msk [tilespmem:v11+s11+$0x0], $0xffff;
	s26 =	sor.u32 s8, s23  }
0x64c: {  	v6 =	vadd.s32 $0x1C0, v0;
	s4 =	sadd.s32 $0x0, s5;
	v21 =	vld.idx.msk [tilespmem:v14+s11+$0x0], $0xffff;
	s24 =	sor.u32 s24, s23;
	[tilespmem:s26+$0x0] =	vst v15  }
0x64d: {  	v20 =	vadd.s32 $0x70, v18;
	s5 =	sadd.s32 $0x30, s4;
	s25 =	sor.u32 s25, s23;
	s23 =	sor.u32 s3, s23;
	[tilespmem:s24+$0x0] =	vst v16;
	v23 =	vld.idx.msk [tilespmem:v17+s11+$0x0], $0xffff  }
0x64e: {  	v4 =	vadd.s32 $0x230, v4;
	s6 =	sor.u32 $0x200, s5;
	[tilespmem:s23+$0x0] =	vst v12;
	v15 =	vld.idx.msk [tilespmem:v19+s11+$0x0], $0xffff  }
0x64f: {  	v24 =	vadd.s32 $0x230, v5;
	v17 =	vld.idx.msk [tilespmem:v22+s11+$0x0], $0xffff;
	[tilespmem:s6+$0xA000] =	vst v8  }
0x650: {  	[tilespmem:s0+$0x180] =	vst v10;
	s2 =	sadd.s32 $0x10, s4;
	v14 =	vld.idx.msk [tilespmem:v3+s11+$0x0], $0xffff  }
0x651: {  	s3 =	sadd.s32 $0x20, s4;
	s7 =	sor.u32 $0x200, s2;
	v19 =	vadd.s32 $0xE0, v2;
	v9 =	vld.idx.msk [tilespmem:v6+s11+$0x0], $0xffff;
	[tilespmem:s25+$0x0] =	vst v7  }
0x652: {  	s29 =	simm.s32 $0x1080;
	v5 =	vadd.s32 $0x1C0, v13;
	v10 =	vadd.s32 $0xE0, v13;
	s8 =	sor.u32 $0x200, s3;
	v7 =	vadd.s32 $0x150, v13;
	v16 =	vld.idx.msk [tilespmem:v20+s11+$0x0], $0xffff;
	[tilespmem:s7+$0xA000] =	vst v11  }
0x653: {  	s28 =	simm.s32 $0x200;
	s0 =	sor.u32 $0x200, s4;
	s30 =	sor.u32 $0x280, s4;
	v6 =	vadd.s32 $0x1C0, v18;
	v11 =	vadd.s32 $0xE0, v18;
	[tilespmem:s8+$0xA000] =	vst v21;
	v3 =	vadd.s32 $0x230, v13;
	v13 =	vld.idx.msk [tilespmem:v4+s11+$0x0], $0xffff  }
0x654: {  	s2 =	sor.u32 $0x280, s2;
	s31 =	sor.u32 $0x280, s3;
	s3 =	sor.u32 $0x280, s5;
	v8 =	vadd.s32 $0x150, v18;
	v4 =	vadd.s32 $0x230, v18;
	v18 =	vadd.s32 $0xE0, v1;
	v12 =	vld.idx.msk [tilespmem:v24+s11+$0x0], $0xffff;
	[tilespmem:s26+$0x80] =	vst v23  }
.LBB2_30:
0x655: {  	v20 =	vadd.s32 $0x230, v0;
	[tilespmem:s3+$0xA000] =	vst v14;
	v0 =	vmov v1;
	v1 =	vld [tilespmem:s29+$0x0]  }
0x656: {  	[tilespmem:s24+$0x80] =	vst v15;
	v14 =	vld.idx.msk [tilespmem:v19+s11+$0x0], $0xffff  }
0x657: {  	s21 =	sadd.s32 $0x40, s21;
	v10 =	vld.idx.msk [tilespmem:v10+s11+$0x0], $0xffff;
	[tilespmem:s25+$0x80] =	vst v16  }
0x658: {  	s3 =	sand.u32 $0x40, s21;
	s5 =	sand.u32 $0xF80, s21;
	p1 =	slt.u32 s21, $0xFC0;
	v15 =	vadd.s32 $0x150, v2;
	[tilespmem:s23+$0x80] =	vst v17;
	v11 =	vld.idx.msk [tilespmem:v11+s11+$0x0], $0xffff  }
0x659: {  	s4 =	sor.u32 $0x10, s3;
	s6 =	sor.u32 $0x1000, s5;
	s5 =	sor.u32 $0x30, s3;
	v16 =	vld.idx.msk [tilespmem:v18+s11+$0x0], $0xffff;
	[tilespmem:s0+$0xA000] =	vst v9  }
0x65a: {  	s7 =	sor.u32 s4, s6;
	s8 =	sor.u32 s5, s6;
	s0 =	sor.u32 $0x20, s3;
	v9 =	vld.idx.msk [tilespmem:v20+s11+$0x0], $0xffff;
	[tilespmem:s2+$0xA000] =	vst v13  }
0x65b: {  	s2 =	sor.u32 s0, s6;
	v13 =	vld [tilespmem:s8+$0x0];
	[tilespmem:s31+$0xA000] =	vst v12  }
0x65c: {  	v17 =	vadd.s32 $0x150, v0;
	v12 =	vld [tilespmem:s7+$0x0];
	[tilespmem:s26+$0x100] =	vst v14  }
0x65d: {  	[tilespmem:s24+$0x100] =	vst v10;
	v14 =	vld.idx.msk [tilespmem:v15+s11+$0x0], $0xffff  }
0x65e: {  	v15 =	vld [tilespmem:s2+$0x0];
	[tilespmem:s25+$0x100] =	vst v11  }
0x65f: {  	v18 =	vadd.s32 $0x1C0, v2;
	[tilespmem:s23+$0x100] =	vst v16;
	v16 =	vld.idx.msk [tilespmem:v7+s11+$0x0], $0xffff  }
0x660: {  	v19 =	vld.idx.msk [tilespmem:v8+s11+$0x0], $0xffff;
	[tilespmem:s30+$0xA000] =	vst v9  }
0x661: {  	v20 =	vadd.s32 $0x70, v12;
	v10 =	vadd.s32 $0xE0, v12;
	v7 =	vadd.s32 $0x150, v12;
	v9 =	vld.idx.msk [tilespmem:v17+s11+$0x0], $0xffff  }
0x662: {  	v21 =	vadd.s32 $0x1C0, v12;
	v22 =	vadd.s32 $0x230, v12;
	v17 =	vld.idx.msk [tilespmem:v1+s11+$0x0], $0xffff  }
0x663: {  	v23 =	vadd.s32 $0x70, v15;
	v11 =	vadd.s32 $0xE0, v15;
	v8 =	vadd.s32 $0x150, v15;
	v24 =	vld.idx.msk [tilespmem:v13+s11+$0x0], $0xffff;
	[tilespmem:s26+$0x180] =	vst v14  }
0x664: {  	p0 =	por !p0, !p0;
	v26 =	vadd.s32 $0x1C0, v0;
	s2 =	simm.s32 $0x1;
	v14 =	vadd.s32 $0x1C0, v15;
	v25 =	vadd.s32 $0x230, v15;
	v18 =	vld.idx.msk [tilespmem:v18+s11+$0x0], $0xffff  }
0x665: {  	s22 =	sadd.s32 $0x200, s22;
	s2 =	simm.s32 @!p0 $0x0;
	v27 =	vadd.s32 $0x70, v13;
	v12 =	vld.idx.msk [tilespmem:v12+s11+$0x0], $0xffff;
	[tilespmem:s24+$0x180] =	vst v16  }
0x666: {  	s6 =	sand.u32 $0x7C00, s22;
	s2 =	sshll.u32 s2, $0x6;
	v16 =	vld.idx.msk [tilespmem:v15+s11+$0x0], $0xffff;
	[tilespmem:s25+$0x180] =	vst v19;
	v15 =	vadd.s32 $0x230, v2;
	v2 =	vmov v13  }
0x667: {  	s6 =	sadd.s32 $0xA000, s6;
	s7 =	sadd.s32 s2, s28;
	s28 =	smov.u32 s22;
	[tilespmem:s23+$0x180] =	vst v9;
	v13 =	vld.idx.msk [tilespmem:v5+s11+$0x0], $0xffff;
	v5 =	vmov v21  }
0x668: {  	s26 =	sor.u32 s5, s6;
	s24 =	sor.u32 s4, s6;
	s4 =	sadd.s32 $0x30, s7;
	v21 =	vld.idx.msk [tilespmem:v6+s11+$0x0], $0xffff;
	v6 =	vmov v14  }
0x669: {  	v28 =	vadd.s32 $0x70, v1;
	s25 =	sor.u32 s0, s6;
	s2 =	sor.u32 $0x200, s4;
	s23 =	sor.u32 s3, s6;
	[tilespmem:s26+$0x0] =	vst v24;
	v9 =	vld.idx.msk [tilespmem:v26+s11+$0x0], $0xffff  }
0x66a: {  	s5 =	sadd.s32 $0x20, s7;
	s0 =	sor.u32 $0x200, s7;
	s3 =	sadd.s32 $0x10, s7;
	v24 =	vld.idx.msk [tilespmem:v27+s11+$0x0], $0xffff;
	[tilespmem:s2+$0xA000] =	vst v18  }
0x66b: {  	s6 =	sor.u32 $0x200, s3;
	s2 =	sor.u32 $0x280, s3;
	s3 =	sor.u32 $0x200, s5;
	[tilespmem:s24+$0x0] =	vst v12;
	v14 =	vld.idx.msk [tilespmem:v15+s11+$0x0], $0xffff  }
.Ltmp14:
0x66c: {  	s30 =	sor.u32 $0x280, s7;
	s31 =	sor.u32 $0x280, s5;
	v15 =	vld.idx.msk [tilespmem:v20+s11+$0x0], $0xffff;
	[tilespmem:s25+$0x0] =	vst v16;
	(pc) =	sbr.rel @p1 .LBB2_30-.Ltmp14, $4  }
0x66d: {  	v19 =	vadd.s32 $0xE0, v2;
	[tilespmem:s23+$0x0] =	vst v17;
	v16 =	vld.idx.msk [tilespmem:v23+s11+$0x0], $0xffff  }
0x66e: {  	v17 =	vld.idx.msk [tilespmem:v28+s11+$0x0], $0xffff;
	[tilespmem:s6+$0xA000] =	vst v13  }
0x66f: {  	v13 =	vld.idx.msk [tilespmem:v3+s11+$0x0], $0xffff;
	[tilespmem:s3+$0xA000] =	vst v21;
	v3 =	vmov v22  }
0x670: {  	s29 =	sadd.s32 $0x40, s29;
	v18 =	vadd.s32 $0xE0, v1;
	s3 =	sor.u32 $0x280, s4;
	[tilespmem:s26+$0x80] =	vst v24;
	v12 =	vld.idx.msk [tilespmem:v4+s11+$0x0], $0xffff;
	v4 =	vmov v25  }
0x671: {  	_ =	sdelay $0x3  }
0x672: {  	[tilespmem:s24+$0x80] =	vst v15;
	v15 =	vld.idx.msk [tilespmem:v19+s11+$0x0], $0xffff  }
0x673: {  	v10 =	vld.idx.msk [tilespmem:v10+s11+$0x0], $0xffff;
	[tilespmem:s25+$0x80] =	vst v16;
	v16 =	vadd.s32 $0x150, v2  }
0x674: {  	[tilespmem:s23+$0x80] =	vst v17;
	v11 =	vld.idx.msk [tilespmem:v11+s11+$0x0], $0xffff  }
0x675: {  	v17 =	vld.idx.msk [tilespmem:v18+s11+$0x0], $0xffff  }
0x676: {  	v18 =	vadd.s32 $0x150, v1  }
0x677: {  	[tilespmem:s26+$0x100] =	vst v15  }
0x678: {  	[tilespmem:s24+$0x100] =	vst v10;
	v10 =	vld.idx.msk [tilespmem:v16+s11+$0x0], $0xffff  }
0x679: {  	[tilespmem:s25+$0x100] =	vst v11;
	v7 =	vld.idx.msk [tilespmem:v7+s11+$0x0], $0xffff;
	v11 =	vadd.s32 $0x1C0, v2  }
0x67a: {  	[tilespmem:s23+$0x100] =	vst v17;
	v8 =	vld.idx.msk [tilespmem:v8+s11+$0x0], $0xffff  }
0x67b: {  	v15 =	vld.idx.msk [tilespmem:v18+s11+$0x0], $0xffff  }
0x67c: {  	[tilespmem:s3+$0xA000] =	vst v14;
	v14 =	vadd.s32 $0x1C0, v1  }
0x67d: {  	p0 =	por !p0, !p0;
	s3 =	simm.s32 $0x1;
	[tilespmem:s26+$0x180] =	vst v10  }
0x67e: {  	v0 =	vadd.s32 $0x230, v0;
	s3 =	simm.s32 @!p0 $0x0;
	v10 =	vld.idx.msk [tilespmem:v11+s11+$0x0], $0xffff;
	[tilespmem:s24+$0x180] =	vst v7  }
0x67f: {  	s3 =	sshll.u32 s3, $0x6;
	v2 =	vadd.s32 $0x230, v2;
	[tilespmem:s25+$0x180] =	vst v8;
	v5 =	vld.idx.msk [tilespmem:v5+s11+$0x0], $0xffff  }
0x680: {  	s3 =	sadd.s32 s3, s28;
	[tilespmem:s23+$0x180] =	vst v15;
	v6 =	vld.idx.msk [tilespmem:v6+s11+$0x0], $0xffff  }
0x681: {  	[tilespmem:s0+$0xA000] =	vst v9;
	s21 =	sadd.s32 $0x30, s3;
	v7 =	vld.idx.msk [tilespmem:v14+s11+$0x0], $0xffff  }
0x682: {  	[tilespmem:s2+$0xA000] =	vst v13;
	v1 =	vadd.s32 $0x230, v1;
	s4 =	sadd.s32 $0x10, s3;
	s22 =	sor.u32 $0x200, s21  }
0x683: {  	s5 =	sadd.s32 $0x20, s3;
	v0 =	vld.idx.msk [tilespmem:v0+s11+$0x0], $0xffff;
	s23 =	sor.u32 $0x200, s4;
	[tilespmem:s22+$0xA000] =	vst v10  }
0x684: {  	s6 =	sor.u32 $0x200, s5;
	v2 =	vld.idx.msk [tilespmem:v2+s11+$0x0], $0xffff;
	[tilespmem:s23+$0xA000] =	vst v5  }
0x685: {  	s24 =	sor.u32 $0x200, s3;
	v3 =	vld.idx.msk [tilespmem:v3+s11+$0x0], $0xffff;
	[tilespmem:s6+$0xA000] =	vst v6  }
0x686: {  	v4 =	vld.idx.msk [tilespmem:v4+s11+$0x0], $0xffff;
	[tilespmem:s24+$0xA000] =	vst v7  }
0x687: {  	[tilespmem:s31+$0xA000] =	vst v12;
	v1 =	vld.idx.msk [tilespmem:v1+s11+$0x0], $0xffff  }
0x688: {  	s0 =	sor.u32 $0x280, s21;
	[tilespmem:s30+$0xA000] =	vst v0  }
0x689: {  	s25 =	sor.u32 $0x280, s4;
	[tilespmem:s0+$0xA000] =	vst v2  }
0x68a: {  	s26 =	sor.u32 $0x280, s5;
	[tilespmem:s25+$0xA000] =	vst v3  }
0x68b: {  	s4 =	sor.u32 $0x280, s3;
	[tilespmem:s26+$0xA000] =	vst v4  }
0x68c: {  	[tilespmem:s4+$0xA000] =	vst v1  }
0x68d: {  	s2 =	sld [smem:$0x7F6];
	_ =	sdelay $0x1  }
0x68e: {  	s5 =	simm.s32 $0x0  }
0x68f: {  	[hbm4b:s2+s5] =	stream.linear.scatter [tilespmem:s18], [sflag:$0x2], $0x8000, $0x38;
	[tilespmem:$0x12C00] =	vst v63  }
0x690: {  	s21 =	rddreg [dreg:$0x16]  }
0x691: {  	[tilespmem:s13], [sflag:$0x4] =	stream.linear.gather [hbm4b:s21+s5], $0x1000, $0x38;
	[tilespmem:$0x12C00] =	vst v63  }
0x692: {  	_ =	swait.ge [sflag:s14], $0x1000  }
0x693: {  	[sflag:s14] =	ssyncset.done $0x0  }
0x694: {  	s22 =	simm.s32 $0x0;
	[sflag:s14] =	ssyncadd.s32 $0xFFFFF000  }
0x695: {  	s23 =	sand.u32 $0x40, s22;
	_ =	swait.ge [sflag:s15], $0x8000  }
0x696: {  	s24 =	sor.u32 $0x30, s23;
	s2 =	sand.u32 $0xF80, s22;
	[sflag:s15] =	ssyncset.done $0x0  }
0x697: {  	s25 =	sor.u32 $0x10, s23;
	s26 =	sor.u32 s24, s2;
	[sflag:s15] =	ssyncadd.s32 $0xFFFF8000  }
0x698: {  	s7 =	sor.u32 s25, s2;
	v3 =	vld [tilespmem:s26+$0x0]  }
0x699: {  	s8 =	sor.u32 $0x20, s23;
	v4 =	vld [tilespmem:s7+$0x0]  }
0x69a: {  	s2 =	sor.u32 s8, s2  }
0x69b: {  	v5 =	vld [tilespmem:s2+$0x0]  }
0x69c: {  	v0 =	vld [tilespmem:s5+$0x0];
	_ =	sdelay $0x3  }
0x69d: {  	v1 =	vld.idx.msk [tilespmem:v3+s11+$0x0], $0xffff  }
0x69e: {  	v6 =	vadd.s32 $0x70, v3;
	v2 =	vld.idx.msk [tilespmem:v4+s11+$0x0], $0xffff  }
0x69f: {  	s0 =	sand.u32 $0x7C00, s5;
	v7 =	vadd.s32 $0x70, v4  }
0x6a0: {  	s0 =	sadd.s32 $0x2000, s0;
	v8 =	vld.idx.msk [tilespmem:v5+s11+$0x0], $0xffff  }
0x6a1: {  	s6 =	sor.u32 s24, s0;
	s21 =	simm.s32 $0x40;
	v10 =	vadd.s32 $0x70, v5;
	v9 =	vld.idx.msk [tilespmem:v0+s11+$0x0], $0xffff  }
0x6a2: {  	s4 =	sor.u32 s25, s0;
	s3 =	sand.u32 $0x40, s21;
	v11 =	vadd.s32 $0x70, v0;
	[tilespmem:s6+$0x0] =	vst v1  }
0x6a3: {  	s24 =	sor.u32 $0x10, s3;
	s7 =	sand.u32 $0xF80, s21;
	[tilespmem:s4+$0x0] =	vst v2;
	v1 =	vld.idx.msk [tilespmem:v6+s11+$0x0], $0xffff  }
0x6a4: {  	s2 =	sor.u32 s8, s0;
	s26 =	sor.u32 s24, s7;
	v2 =	vld.idx.msk [tilespmem:v7+s11+$0x0], $0xffff  }
0x6a5: {  	s0 =	sor.u32 s23, s0;
	v13 =	vld [tilespmem:s26+$0x0];
	[tilespmem:s2+$0x0] =	vst v8;
	v6 =	vadd.s32 $0xE0, v3  }
0x6a6: {  	[tilespmem:s0+$0x0] =	vst v9;
	v7 =	vadd.s32 $0xE0, v4;
	v8 =	vld.idx.msk [tilespmem:v10+s11+$0x0], $0xffff  }
0x6a7: {  	s5 =	simm.s32 $0x40;
	s8 =	sor.u32 $0x30, s3;
	v9 =	vadd.s32 $0xE0, v5;
	v10 =	vld.idx.msk [tilespmem:v11+s11+$0x0], $0xffff  }
0x6a8: {  	s22 =	sor.u32 s8, s7;
	v11 =	vadd.s32 $0xE0, v0;
	[tilespmem:s6+$0x80] =	vst v1;
	v1 =	vld [tilespmem:s5+$0x0]  }
0x6a9: {  	[tilespmem:s4+$0x80] =	vst v2;
	v2 =	vld [tilespmem:s22+$0x0]  }
0x6aa: {  	v6 =	vld.idx.msk [tilespmem:v6+s11+$0x0], $0xffff  }
0x6ab: {  	[tilespmem:s2+$0x80] =	vst v8;
	v8 =	vadd.s32 $0x150, v3;
	v7 =	vld.idx.msk [tilespmem:v7+s11+$0x0], $0xffff  }
0x6ac: {  	s25 =	sor.u32 $0x20, s3;
	[tilespmem:s0+$0x80] =	vst v10;
	v10 =	vadd.s32 $0x150, v4;
	v9 =	vld.idx.msk [tilespmem:v9+s11+$0x0], $0xffff  }
0x6ad: {  	v12 =	vadd.s32 $0x150, v5;
	s5 =	sor.u32 s25, s7;
	v11 =	vld.idx.msk [tilespmem:v11+s11+$0x0], $0xffff  }
0x6ae: {  	v14 =	vadd.s32 $0x150, v0;
	v18 =	vld [tilespmem:s5+$0x0]  }
0x6af: {  	v16 =	vld.idx.msk [tilespmem:v13+s11+$0x0], $0xffff;
	[tilespmem:s6+$0x100] =	vst v6  }
0x6b0: {  	[tilespmem:s4+$0x100] =	vst v7;
	v6 =	vld.idx.msk [tilespmem:v8+s11+$0x0], $0xffff  }
0x6b1: {  	[tilespmem:s2+$0x100] =	vst v9;
	v7 =	vld.idx.msk [tilespmem:v10+s11+$0x0], $0xffff  }
0x6b2: {  	[tilespmem:s0+$0x100] =	vst v11;
	v8 =	vadd.s32 $0x1C0, v3;
	v9 =	vld.idx.msk [tilespmem:v12+s11+$0x0], $0xffff  }
0x6b3: {  	v11 =	vadd.s32 $0x1C0, v4;
	v10 =	vld.idx.msk [tilespmem:v14+s11+$0x0], $0xffff  }
0x6b4: {  	v14 =	vadd.s32 $0x1C0, v5;
	v15 =	vld.idx.msk [tilespmem:v2+s11+$0x0], $0xffff  }
0x6b5: {  	s22 =	simm.s32 $0x200;
	v17 =	vadd.s32 $0x70, v2;
	v12 =	vld.idx.msk [tilespmem:v1+s11+$0x0], $0xffff;
	[tilespmem:s6+$0x180] =	vst v6  }
0x6b6: {  	p0 =	por $0x0, $0x0;
	v19 =	vadd.s32 $0x70, v13;
	s5 =	simm.s32 $0x1;
	[tilespmem:s4+$0x180] =	vst v7;
	s6 =	sand.u32 $0x7C00, s22;
	v7 =	vld.idx.msk [tilespmem:v18+s11+$0x0], $0xffff  }
0x6b7: {  	s5 =	simm.s32 @!p0 $0x0;
	v22 =	vadd.s32 $0x70, v1;
	v8 =	vld.idx.msk [tilespmem:v8+s11+$0x0], $0xffff;
	s23 =	sadd.s32 $0x2000, s6  }
0x6b8: {  	s5 =	sshll.u32 s5, $0x6;
	v3 =	vadd.s32 $0x230, v3;
	[tilespmem:s2+$0x180] =	vst v9;
	v11 =	vld.idx.msk [tilespmem:v11+s11+$0x0], $0xffff;
	s26 =	sor.u32 s8, s23  }
0x6b9: {  	v6 =	vadd.s32 $0x1C0, v0;
	s4 =	sadd.s32 $0x0, s5;
	v21 =	vld.idx.msk [tilespmem:v14+s11+$0x0], $0xffff;
	s24 =	sor.u32 s24, s23;
	[tilespmem:s26+$0x0] =	vst v15  }
0x6ba: {  	v20 =	vadd.s32 $0x70, v18;
	s5 =	sadd.s32 $0x30, s4;
	s25 =	sor.u32 s25, s23;
	s23 =	sor.u32 s3, s23;
	[tilespmem:s24+$0x0] =	vst v16;
	v23 =	vld.idx.msk [tilespmem:v17+s11+$0x0], $0xffff  }
0x6bb: {  	v4 =	vadd.s32 $0x230, v4;
	s6 =	sor.u32 $0x200, s5;
	[tilespmem:s23+$0x0] =	vst v12;
	v15 =	vld.idx.msk [tilespmem:v19+s11+$0x0], $0xffff  }
0x6bc: {  	v24 =	vadd.s32 $0x230, v5;
	v17 =	vld.idx.msk [tilespmem:v22+s11+$0x0], $0xffff;
	[tilespmem:s6+$0x2000] =	vst v8  }
0x6bd: {  	[tilespmem:s0+$0x180] =	vst v10;
	s2 =	sadd.s32 $0x10, s4;
	v14 =	vld.idx.msk [tilespmem:v3+s11+$0x0], $0xffff  }
0x6be: {  	s3 =	sadd.s32 $0x20, s4;
	s7 =	sor.u32 $0x200, s2;
	v19 =	vadd.s32 $0xE0, v2;
	v9 =	vld.idx.msk [tilespmem:v6+s11+$0x0], $0xffff;
	[tilespmem:s25+$0x0] =	vst v7  }
0x6bf: {  	s29 =	simm.s32 $0x80;
	v5 =	vadd.s32 $0x1C0, v13;
	v10 =	vadd.s32 $0xE0, v13;
	s8 =	sor.u32 $0x200, s3;
	v7 =	vadd.s32 $0x150, v13;
	v16 =	vld.idx.msk [tilespmem:v20+s11+$0x0], $0xffff;
	[tilespmem:s7+$0x2000] =	vst v11  }
0x6c0: {  	s28 =	simm.s32 $0x200;
	s0 =	sor.u32 $0x200, s4;
	s30 =	sor.u32 $0x280, s4;
	v6 =	vadd.s32 $0x1C0, v18;
	v11 =	vadd.s32 $0xE0, v18;
	[tilespmem:s8+$0x2000] =	vst v21;
	v3 =	vadd.s32 $0x230, v13;
	v13 =	vld.idx.msk [tilespmem:v4+s11+$0x0], $0xffff  }
0x6c1: {  	s2 =	sor.u32 $0x280, s2;
	s31 =	sor.u32 $0x280, s3;
	s3 =	sor.u32 $0x280, s5;
	v8 =	vadd.s32 $0x150, v18;
	v4 =	vadd.s32 $0x230, v18;
	v18 =	vadd.s32 $0xE0, v1;
	v12 =	vld.idx.msk [tilespmem:v24+s11+$0x0], $0xffff;
	[tilespmem:s26+$0x80] =	vst v23  }
.LBB2_32:
0x6c2: {  	v20 =	vadd.s32 $0x230, v0;
	[tilespmem:s3+$0x2000] =	vst v14;
	v0 =	vmov v1;
	v1 =	vld [tilespmem:s29+$0x0]  }
0x6c3: {  	[tilespmem:s24+$0x80] =	vst v15;
	v14 =	vld.idx.msk [tilespmem:v19+s11+$0x0], $0xffff  }
0x6c4: {  	s21 =	sadd.s32 $0x40, s21;
	v10 =	vld.idx.msk [tilespmem:v10+s11+$0x0], $0xffff;
	[tilespmem:s25+$0x80] =	vst v16  }
0x6c5: {  	s3 =	sand.u32 $0x40, s21;
	p1 =	slt.u32 s21, $0xFC0;
	v15 =	vadd.s32 $0x150, v2;
	[tilespmem:s23+$0x80] =	vst v17;
	v11 =	vld.idx.msk [tilespmem:v11+s11+$0x0], $0xffff  }
0x6c6: {  	s6 =	sand.u32 $0xF80, s21;
	s4 =	sor.u32 $0x10, s3;
	s5 =	sor.u32 $0x30, s3;
	v16 =	vld.idx.msk [tilespmem:v18+s11+$0x0], $0xffff;
	[tilespmem:s0+$0x2000] =	vst v9  }
0x6c7: {  	s7 =	sor.u32 s4, s6;
	s8 =	sor.u32 s5, s6;
	s0 =	sor.u32 $0x20, s3;
	v9 =	vld.idx.msk [tilespmem:v20+s11+$0x0], $0xffff;
	[tilespmem:s2+$0x2000] =	vst v13  }
0x6c8: {  	s2 =	sor.u32 s0, s6;
	v13 =	vld [tilespmem:s8+$0x0];
	[tilespmem:s31+$0x2000] =	vst v12  }
0x6c9: {  	v17 =	vadd.s32 $0x150, v0;
	v12 =	vld [tilespmem:s7+$0x0];
	[tilespmem:s26+$0x100] =	vst v14  }
0x6ca: {  	[tilespmem:s24+$0x100] =	vst v10;
	v14 =	vld.idx.msk [tilespmem:v15+s11+$0x0], $0xffff  }
0x6cb: {  	v15 =	vld [tilespmem:s2+$0x0];
	[tilespmem:s25+$0x100] =	vst v11  }
0x6cc: {  	v18 =	vadd.s32 $0x1C0, v2;
	[tilespmem:s23+$0x100] =	vst v16;
	v16 =	vld.idx.msk [tilespmem:v7+s11+$0x0], $0xffff  }
0x6cd: {  	v19 =	vld.idx.msk [tilespmem:v8+s11+$0x0], $0xffff;
	[tilespmem:s30+$0x2000] =	vst v9  }
0x6ce: {  	v20 =	vadd.s32 $0x70, v12;
	v10 =	vadd.s32 $0xE0, v12;
	v7 =	vadd.s32 $0x150, v12;
	v9 =	vld.idx.msk [tilespmem:v17+s11+$0x0], $0xffff  }
0x6cf: {  	v21 =	vadd.s32 $0x1C0, v12;
	v22 =	vadd.s32 $0x230, v12;
	v17 =	vld.idx.msk [tilespmem:v1+s11+$0x0], $0xffff  }
0x6d0: {  	v23 =	vadd.s32 $0x70, v15;
	v11 =	vadd.s32 $0xE0, v15;
	v8 =	vadd.s32 $0x150, v15;
	v24 =	vld.idx.msk [tilespmem:v13+s11+$0x0], $0xffff;
	[tilespmem:s26+$0x180] =	vst v14  }
0x6d1: {  	p0 =	por !p0, !p0;
	v26 =	vadd.s32 $0x1C0, v0;
	s2 =	simm.s32 $0x1;
	v14 =	vadd.s32 $0x1C0, v15;
	v25 =	vadd.s32 $0x230, v15;
	v18 =	vld.idx.msk [tilespmem:v18+s11+$0x0], $0xffff  }
0x6d2: {  	s22 =	sadd.s32 $0x200, s22;
	s2 =	simm.s32 @!p0 $0x0;
	v27 =	vadd.s32 $0x70, v13;
	v12 =	vld.idx.msk [tilespmem:v12+s11+$0x0], $0xffff;
	[tilespmem:s24+$0x180] =	vst v16  }
0x6d3: {  	s6 =	sand.u32 $0x7C00, s22;
	s2 =	sshll.u32 s2, $0x6;
	v16 =	vld.idx.msk [tilespmem:v15+s11+$0x0], $0xffff;
	[tilespmem:s25+$0x180] =	vst v19;
	v15 =	vadd.s32 $0x230, v2;
	v2 =	vmov v13  }
0x6d4: {  	s6 =	sadd.s32 $0x2000, s6;
	s7 =	sadd.s32 s2, s28;
	s28 =	smov.u32 s22;
	[tilespmem:s23+$0x180] =	vst v9;
	v13 =	vld.idx.msk [tilespmem:v5+s11+$0x0], $0xffff;
	v5 =	vmov v21  }
0x6d5: {  	s26 =	sor.u32 s5, s6;
	s24 =	sor.u32 s4, s6;
	s4 =	sadd.s32 $0x30, s7;
	v21 =	vld.idx.msk [tilespmem:v6+s11+$0x0], $0xffff;
	v6 =	vmov v14  }
0x6d6: {  	v28 =	vadd.s32 $0x70, v1;
	s25 =	sor.u32 s0, s6;
	s2 =	sor.u32 $0x200, s4;
	s23 =	sor.u32 s3, s6;
	[tilespmem:s26+$0x0] =	vst v24;
	v9 =	vld.idx.msk [tilespmem:v26+s11+$0x0], $0xffff  }
0x6d7: {  	s5 =	sadd.s32 $0x20, s7;
	s0 =	sor.u32 $0x200, s7;
	s3 =	sadd.s32 $0x10, s7;
	v24 =	vld.idx.msk [tilespmem:v27+s11+$0x0], $0xffff;
	[tilespmem:s2+$0x2000] =	vst v18  }
0x6d8: {  	s6 =	sor.u32 $0x200, s3;
	s2 =	sor.u32 $0x280, s3;
	s3 =	sor.u32 $0x200, s5;
	[tilespmem:s24+$0x0] =	vst v12;
	v14 =	vld.idx.msk [tilespmem:v15+s11+$0x0], $0xffff  }
.Ltmp15:
0x6d9: {  	s30 =	sor.u32 $0x280, s7;
	s31 =	sor.u32 $0x280, s5;
	v15 =	vld.idx.msk [tilespmem:v20+s11+$0x0], $0xffff;
	[tilespmem:s25+$0x0] =	vst v16;
	(pc) =	sbr.rel @p1 .LBB2_32-.Ltmp15, $4  }
0x6da: {  	v19 =	vadd.s32 $0xE0, v2;
	[tilespmem:s23+$0x0] =	vst v17;
	v16 =	vld.idx.msk [tilespmem:v23+s11+$0x0], $0xffff  }
0x6db: {  	v17 =	vld.idx.msk [tilespmem:v28+s11+$0x0], $0xffff;
	[tilespmem:s6+$0x2000] =	vst v13  }
0x6dc: {  	v13 =	vld.idx.msk [tilespmem:v3+s11+$0x0], $0xffff;
	[tilespmem:s3+$0x2000] =	vst v21;
	v3 =	vmov v22  }
0x6dd: {  	s29 =	sadd.s32 $0x40, s29;
	v18 =	vadd.s32 $0xE0, v1;
	s3 =	sor.u32 $0x280, s4;
	[tilespmem:s26+$0x80] =	vst v24;
	v12 =	vld.idx.msk [tilespmem:v4+s11+$0x0], $0xffff;
	v4 =	vmov v25  }
0x6de: {  	_ =	sdelay $0x3  }
0x6df: {  	[tilespmem:s24+$0x80] =	vst v15;
	v15 =	vld.idx.msk [tilespmem:v19+s11+$0x0], $0xffff  }
0x6e0: {  	v10 =	vld.idx.msk [tilespmem:v10+s11+$0x0], $0xffff;
	[tilespmem:s25+$0x80] =	vst v16;
	v16 =	vadd.s32 $0x150, v2  }
0x6e1: {  	[tilespmem:s23+$0x80] =	vst v17;
	v11 =	vld.idx.msk [tilespmem:v11+s11+$0x0], $0xffff  }
0x6e2: {  	v17 =	vld.idx.msk [tilespmem:v18+s11+$0x0], $0xffff  }
0x6e3: {  	v18 =	vadd.s32 $0x150, v1  }
0x6e4: {  	[tilespmem:s26+$0x100] =	vst v15  }
0x6e5: {  	[tilespmem:s24+$0x100] =	vst v10;
	v10 =	vld.idx.msk [tilespmem:v16+s11+$0x0], $0xffff  }
0x6e6: {  	[tilespmem:s25+$0x100] =	vst v11;
	v7 =	vld.idx.msk [tilespmem:v7+s11+$0x0], $0xffff;
	v11 =	vadd.s32 $0x1C0, v2  }
0x6e7: {  	[tilespmem:s23+$0x100] =	vst v17;
	v8 =	vld.idx.msk [tilespmem:v8+s11+$0x0], $0xffff  }
0x6e8: {  	v15 =	vld.idx.msk [tilespmem:v18+s11+$0x0], $0xffff  }
0x6e9: {  	[tilespmem:s3+$0x2000] =	vst v14;
	v14 =	vadd.s32 $0x1C0, v1  }
0x6ea: {  	p0 =	por !p0, !p0;
	s3 =	simm.s32 $0x1;
	[tilespmem:s26+$0x180] =	vst v10  }
0x6eb: {  	v0 =	vadd.s32 $0x230, v0;
	s3 =	simm.s32 @!p0 $0x0;
	v10 =	vld.idx.msk [tilespmem:v11+s11+$0x0], $0xffff;
	[tilespmem:s24+$0x180] =	vst v7  }
0x6ec: {  	s3 =	sshll.u32 s3, $0x6;
	v2 =	vadd.s32 $0x230, v2;
	[tilespmem:s25+$0x180] =	vst v8;
	v5 =	vld.idx.msk [tilespmem:v5+s11+$0x0], $0xffff  }
0x6ed: {  	s3 =	sadd.s32 s3, s28;
	[tilespmem:s23+$0x180] =	vst v15;
	v6 =	vld.idx.msk [tilespmem:v6+s11+$0x0], $0xffff  }
0x6ee: {  	[tilespmem:s0+$0x2000] =	vst v9;
	s21 =	sadd.s32 $0x30, s3;
	v7 =	vld.idx.msk [tilespmem:v14+s11+$0x0], $0xffff  }
0x6ef: {  	[tilespmem:s2+$0x2000] =	vst v13;
	v1 =	vadd.s32 $0x230, v1;
	s4 =	sadd.s32 $0x10, s3;
	s22 =	sor.u32 $0x200, s21  }
0x6f0: {  	s5 =	sadd.s32 $0x20, s3;
	v0 =	vld.idx.msk [tilespmem:v0+s11+$0x0], $0xffff;
	s23 =	sor.u32 $0x200, s4;
	[tilespmem:s22+$0x2000] =	vst v10  }
0x6f1: {  	s6 =	sor.u32 $0x200, s5;
	v2 =	vld.idx.msk [tilespmem:v2+s11+$0x0], $0xffff;
	[tilespmem:s23+$0x2000] =	vst v5  }
0x6f2: {  	s24 =	sor.u32 $0x200, s3;
	v3 =	vld.idx.msk [tilespmem:v3+s11+$0x0], $0xffff;
	[tilespmem:s6+$0x2000] =	vst v6  }
0x6f3: {  	v4 =	vld.idx.msk [tilespmem:v4+s11+$0x0], $0xffff;
	[tilespmem:s24+$0x2000] =	vst v7  }
0x6f4: {  	[tilespmem:s31+$0x2000] =	vst v12;
	v1 =	vld.idx.msk [tilespmem:v1+s11+$0x0], $0xffff  }
0x6f5: {  	s0 =	sor.u32 $0x280, s21;
	[tilespmem:s30+$0x2000] =	vst v0  }
0x6f6: {  	s25 =	sor.u32 $0x280, s4;
	[tilespmem:s0+$0x2000] =	vst v2  }
0x6f7: {  	s26 =	sor.u32 $0x280, s5;
	[tilespmem:s25+$0x2000] =	vst v3  }
0x6f8: {  	s4 =	sor.u32 $0x280, s3;
	[tilespmem:s26+$0x2000] =	vst v4  }
0x6f9: {  	[tilespmem:s4+$0x2000] =	vst v1  }
0x6fa: {  	s2 =	sld [smem:$0x7F7];
	_ =	sdelay $0x1  }
0x6fb: {  	s5 =	simm.s32 $0x0  }
0x6fc: {  	[hbm4b:s2+s5] =	stream.linear.scatter [tilespmem:s16], [sflag:$0x1], $0x8000, $0x38;
	[tilespmem:$0x12C00] =	vst v63  }
0x6fd: {  	_ =	swait.ge [sflag:s17], $0x1000  }
0x6fe: {  	[sflag:s17] =	ssyncset.done $0x0  }
0x6ff: {  	s21 =	simm.s32 $0x0;
	[sflag:s17] =	ssyncadd.s32 $0xFFFFF000  }
0x700: {  	s22 =	sand.u32 $0x40, s21;
	s2 =	sand.u32 $0xF80, s21;
	_ =	swait.ge [sflag:s19], $0x8000  }
0x701: {  	s23 =	sor.u32 $0x30, s22;
	s2 =	sor.u32 $0x1000, s2;
	[sflag:s19] =	ssyncset.done $0x0  }
0x702: {  	s24 =	sor.u32 $0x10, s22;
	s25 =	sor.u32 s23, s2;
	[sflag:s19] =	ssyncadd.s32 $0xFFFF8000  }
0x703: {  	s8 =	sor.u32 $0x20, s22;
	s7 =	sor.u32 s24, s2;
	v3 =	vld [tilespmem:s25+$0x0]  }
0x704: {  	s2 =	sor.u32 s8, s2;
	v4 =	vld [tilespmem:s7+$0x0]  }
0x705: {  	s26 =	simm.s32 $0x1000;
	v5 =	vld [tilespmem:s2+$0x0]  }
0x706: {  	v0 =	vld [tilespmem:s26+$0x0];
	_ =	sdelay $0x4  }
0x707: {  	v1 =	vld.idx.msk [tilespmem:v3+s11+$0x0], $0xffff  }
0x708: {  	v6 =	vadd.s32 $0x70, v3;
	v2 =	vld.idx.msk [tilespmem:v4+s11+$0x0], $0xffff  }
0x709: {  	s0 =	sand.u32 $0x7C00, s5;
	v7 =	vadd.s32 $0x70, v4;
	v8 =	vld.idx.msk [tilespmem:v5+s11+$0x0], $0xffff  }
0x70a: {  	s0 =	sadd.s32 $0xA000, s0;
	v10 =	vadd.s32 $0x70, v5;
	v9 =	vld.idx.msk [tilespmem:v0+s11+$0x0], $0xffff  }
0x70b: {  	s6 =	sor.u32 s23, s0;
	v11 =	vadd.s32 $0x70, v0  }
0x70c: {  	s4 =	sor.u32 s24, s0;
	[tilespmem:s6+$0x0] =	vst v1  }
0x70d: {  	s2 =	sor.u32 s8, s0;
	[tilespmem:s4+$0x0] =	vst v2;
	v1 =	vld.idx.msk [tilespmem:v6+s11+$0x0], $0xffff  }
0x70e: {  	s0 =	sor.u32 s22, s0;
	[tilespmem:s2+$0x0] =	vst v8;
	v2 =	vld.idx.msk [tilespmem:v7+s11+$0x0], $0xffff;
	v6 =	vadd.s32 $0xE0, v3  }
0x70f: {  	[tilespmem:s0+$0x0] =	vst v9;
	v7 =	vadd.s32 $0xE0, v4;
	v8 =	vld.idx.msk [tilespmem:v10+s11+$0x0], $0xffff  }
0x710: {  	v9 =	vadd.s32 $0xE0, v5;
	v10 =	vld.idx.msk [tilespmem:v11+s11+$0x0], $0xffff  }
0x711: {  	s5 =	simm.s32 $0x1040;
	v11 =	vadd.s32 $0xE0, v0  }
0x712: {  	[tilespmem:s6+$0x80] =	vst v1;
	v1 =	vld [tilespmem:s5+$0x0]  }
0x713: {  	s21 =	simm.s32 $0x40;
	[tilespmem:s4+$0x80] =	vst v2;
	v6 =	vld.idx.msk [tilespmem:v6+s11+$0x0], $0xffff  }
0x714: {  	s3 =	sand.u32 $0x40, s21;
	s7 =	sand.u32 $0xF80, s21;
	[tilespmem:s2+$0x80] =	vst v8;
	v7 =	vld.idx.msk [tilespmem:v7+s11+$0x0], $0xffff  }
0x715: {  	s8 =	sor.u32 $0x30, s3;
	v8 =	vadd.s32 $0x150, v3;
	[tilespmem:s0+$0x80] =	vst v10;
	s5 =	sor.u32 $0x1000, s7;
	v9 =	vld.idx.msk [tilespmem:v9+s11+$0x0], $0xffff  }
0x716: {  	s24 =	sor.u32 $0x10, s3;
	v10 =	vadd.s32 $0x150, v4;
	v11 =	vld.idx.msk [tilespmem:v11+s11+$0x0], $0xffff;
	s22 =	sor.u32 s8, s5  }
0x717: {  	s25 =	sor.u32 $0x20, s3;
	v12 =	vadd.s32 $0x150, v5;
	s26 =	sor.u32 s24, s5;
	v2 =	vld [tilespmem:s22+$0x0]  }
0x718: {  	v14 =	vadd.s32 $0x150, v0;
	s5 =	sor.u32 s25, s5;
	v13 =	vld [tilespmem:s26+$0x0]  }
0x719: {  	v18 =	vld [tilespmem:s5+$0x0];
	[tilespmem:s6+$0x100] =	vst v6  }
0x71a: {  	[tilespmem:s4+$0x100] =	vst v7;
	v6 =	vld.idx.msk [tilespmem:v8+s11+$0x0], $0xffff  }
0x71b: {  	[tilespmem:s2+$0x100] =	vst v9;
	v7 =	vld.idx.msk [tilespmem:v10+s11+$0x0], $0xffff  }
0x71c: {  	[tilespmem:s0+$0x100] =	vst v11;
	v9 =	vld.idx.msk [tilespmem:v12+s11+$0x0], $0xffff  }
0x71d: {  	v8 =	vadd.s32 $0x1C0, v3;
	v10 =	vld.idx.msk [tilespmem:v14+s11+$0x0], $0xffff  }
0x71e: {  	v11 =	vadd.s32 $0x1C0, v4;
	v12 =	vld.idx.msk [tilespmem:v1+s11+$0x0], $0xffff  }
0x71f: {  	v14 =	vadd.s32 $0x1C0, v5;
	v15 =	vld.idx.msk [tilespmem:v2+s11+$0x0], $0xffff  }
0x720: {  	s22 =	simm.s32 $0x200;
	v17 =	vadd.s32 $0x70, v2;
	v16 =	vld.idx.msk [tilespmem:v13+s11+$0x0], $0xffff;
	[tilespmem:s6+$0x180] =	vst v6  }
0x721: {  	p0 =	por $0x0, $0x0;
	s5 =	simm.s32 $0x1;
	v19 =	vadd.s32 $0x70, v13;
	[tilespmem:s4+$0x180] =	vst v7;
	s6 =	sand.u32 $0x7C00, s22;
	v7 =	vld.idx.msk [tilespmem:v18+s11+$0x0], $0xffff  }
0x722: {  	s5 =	simm.s32 @!p0 $0x0;
	v22 =	vadd.s32 $0x70, v1;
	v8 =	vld.idx.msk [tilespmem:v8+s11+$0x0], $0xffff;
	s23 =	sadd.s32 $0xA000, s6  }
0x723: {  	s5 =	sshll.u32 s5, $0x6;
	v3 =	vadd.s32 $0x230, v3;
	[tilespmem:s2+$0x180] =	vst v9;
	v11 =	vld.idx.msk [tilespmem:v11+s11+$0x0], $0xffff;
	s26 =	sor.u32 s8, s23  }
0x724: {  	v6 =	vadd.s32 $0x1C0, v0;
	s4 =	sadd.s32 $0x0, s5;
	v21 =	vld.idx.msk [tilespmem:v14+s11+$0x0], $0xffff;
	s24 =	sor.u32 s24, s23;
	[tilespmem:s26+$0x0] =	vst v15  }
0x725: {  	v20 =	vadd.s32 $0x70, v18;
	s5 =	sadd.s32 $0x30, s4;
	s25 =	sor.u32 s25, s23;
	s23 =	sor.u32 s3, s23;
	[tilespmem:s24+$0x0] =	vst v16;
	v23 =	vld.idx.msk [tilespmem:v17+s11+$0x0], $0xffff  }
0x726: {  	v4 =	vadd.s32 $0x230, v4;
	s6 =	sor.u32 $0x200, s5;
	[tilespmem:s23+$0x0] =	vst v12;
	v15 =	vld.idx.msk [tilespmem:v19+s11+$0x0], $0xffff  }
0x727: {  	v24 =	vadd.s32 $0x230, v5;
	v17 =	vld.idx.msk [tilespmem:v22+s11+$0x0], $0xffff;
	[tilespmem:s6+$0xA000] =	vst v8  }
0x728: {  	[tilespmem:s0+$0x180] =	vst v10;
	s2 =	sadd.s32 $0x10, s4;
	v14 =	vld.idx.msk [tilespmem:v3+s11+$0x0], $0xffff  }
0x729: {  	s3 =	sadd.s32 $0x20, s4;
	s7 =	sor.u32 $0x200, s2;
	v19 =	vadd.s32 $0xE0, v2;
	v9 =	vld.idx.msk [tilespmem:v6+s11+$0x0], $0xffff;
	[tilespmem:s25+$0x0] =	vst v7  }
0x72a: {  	s29 =	simm.s32 $0x1080;
	v5 =	vadd.s32 $0x1C0, v13;
	v10 =	vadd.s32 $0xE0, v13;
	s8 =	sor.u32 $0x200, s3;
	v7 =	vadd.s32 $0x150, v13;
	v16 =	vld.idx.msk [tilespmem:v20+s11+$0x0], $0xffff;
	[tilespmem:s7+$0xA000] =	vst v11  }
0x72b: {  	s28 =	simm.s32 $0x200;
	s0 =	sor.u32 $0x200, s4;
	s30 =	sor.u32 $0x280, s4;
	v6 =	vadd.s32 $0x1C0, v18;
	v11 =	vadd.s32 $0xE0, v18;
	[tilespmem:s8+$0xA000] =	vst v21;
	v3 =	vadd.s32 $0x230, v13;
	v13 =	vld.idx.msk [tilespmem:v4+s11+$0x0], $0xffff  }
0x72c: {  	s2 =	sor.u32 $0x280, s2;
	s31 =	sor.u32 $0x280, s3;
	s3 =	sor.u32 $0x280, s5;
	v8 =	vadd.s32 $0x150, v18;
	v4 =	vadd.s32 $0x230, v18;
	v18 =	vadd.s32 $0xE0, v1;
	v12 =	vld.idx.msk [tilespmem:v24+s11+$0x0], $0xffff;
	[tilespmem:s26+$0x80] =	vst v23  }
.LBB2_34:
0x72d: {  	v20 =	vadd.s32 $0x230, v0;
	[tilespmem:s3+$0xA000] =	vst v14;
	v0 =	vmov v1;
	v1 =	vld [tilespmem:s29+$0x0]  }
0x72e: {  	[tilespmem:s24+$0x80] =	vst v15;
	v14 =	vld.idx.msk [tilespmem:v19+s11+$0x0], $0xffff  }
0x72f: {  	s21 =	sadd.s32 $0x40, s21;
	v10 =	vld.idx.msk [tilespmem:v10+s11+$0x0], $0xffff;
	[tilespmem:s25+$0x80] =	vst v16  }
0x730: {  	s3 =	sand.u32 $0x40, s21;
	s5 =	sand.u32 $0xF80, s21;
	p1 =	slt.u32 s21, $0xFC0;
	v15 =	vadd.s32 $0x150, v2;
	[tilespmem:s23+$0x80] =	vst v17;
	v11 =	vld.idx.msk [tilespmem:v11+s11+$0x0], $0xffff  }
0x731: {  	s4 =	sor.u32 $0x10, s3;
	s6 =	sor.u32 $0x1000, s5;
	s5 =	sor.u32 $0x30, s3;
	v16 =	vld.idx.msk [tilespmem:v18+s11+$0x0], $0xffff;
	[tilespmem:s0+$0xA000] =	vst v9  }
0x732: {  	s7 =	sor.u32 s4, s6;
	s8 =	sor.u32 s5, s6;
	s0 =	sor.u32 $0x20, s3;
	v9 =	vld.idx.msk [tilespmem:v20+s11+$0x0], $0xffff;
	[tilespmem:s2+$0xA000] =	vst v13  }
0x733: {  	s2 =	sor.u32 s0, s6;
	v13 =	vld [tilespmem:s8+$0x0];
	[tilespmem:s31+$0xA000] =	vst v12  }
0x734: {  	v17 =	vadd.s32 $0x150, v0;
	v12 =	vld [tilespmem:s7+$0x0];
	[tilespmem:s26+$0x100] =	vst v14  }
0x735: {  	[tilespmem:s24+$0x100] =	vst v10;
	v14 =	vld.idx.msk [tilespmem:v15+s11+$0x0], $0xffff  }
0x736: {  	v15 =	vld [tilespmem:s2+$0x0];
	[tilespmem:s25+$0x100] =	vst v11  }
0x737: {  	v18 =	vadd.s32 $0x1C0, v2;
	[tilespmem:s23+$0x100] =	vst v16;
	v16 =	vld.idx.msk [tilespmem:v7+s11+$0x0], $0xffff  }
0x738: {  	v19 =	vld.idx.msk [tilespmem:v8+s11+$0x0], $0xffff;
	[tilespmem:s30+$0xA000] =	vst v9  }
0x739: {  	v20 =	vadd.s32 $0x70, v12;
	v10 =	vadd.s32 $0xE0, v12;
	v7 =	vadd.s32 $0x150, v12;
	v9 =	vld.idx.msk [tilespmem:v17+s11+$0x0], $0xffff  }
0x73a: {  	v21 =	vadd.s32 $0x1C0, v12;
	v22 =	vadd.s32 $0x230, v12;
	v17 =	vld.idx.msk [tilespmem:v1+s11+$0x0], $0xffff  }
0x73b: {  	v23 =	vadd.s32 $0x70, v15;
	v11 =	vadd.s32 $0xE0, v15;
	v8 =	vadd.s32 $0x150, v15;
	v24 =	vld.idx.msk [tilespmem:v13+s11+$0x0], $0xffff;
	[tilespmem:s26+$0x180] =	vst v14  }
0x73c: {  	p0 =	por !p0, !p0;
	v26 =	vadd.s32 $0x1C0, v0;
	s2 =	simm.s32 $0x1;
	v14 =	vadd.s32 $0x1C0, v15;
	v25 =	vadd.s32 $0x230, v15;
	v18 =	vld.idx.msk [tilespmem:v18+s11+$0x0], $0xffff  }
0x73d: {  	s22 =	sadd.s32 $0x200, s22;
	s2 =	simm.s32 @!p0 $0x0;
	v27 =	vadd.s32 $0x70, v13;
	v12 =	vld.idx.msk [tilespmem:v12+s11+$0x0], $0xffff;
	[tilespmem:s24+$0x180] =	vst v16  }
0x73e: {  	s6 =	sand.u32 $0x7C00, s22;
	s2 =	sshll.u32 s2, $0x6;
	v16 =	vld.idx.msk [tilespmem:v15+s11+$0x0], $0xffff;
	[tilespmem:s25+$0x180] =	vst v19;
	v15 =	vadd.s32 $0x230, v2;
	v2 =	vmov v13  }
0x73f: {  	s6 =	sadd.s32 $0xA000, s6;
	s7 =	sadd.s32 s2, s28;
	s28 =	smov.u32 s22;
	[tilespmem:s23+$0x180] =	vst v9;
	v13 =	vld.idx.msk [tilespmem:v5+s11+$0x0], $0xffff;
	v5 =	vmov v21  }
0x740: {  	s26 =	sor.u32 s5, s6;
	s24 =	sor.u32 s4, s6;
	s4 =	sadd.s32 $0x30, s7;
	v21 =	vld.idx.msk [tilespmem:v6+s11+$0x0], $0xffff;
	v6 =	vmov v14  }
0x741: {  	v28 =	vadd.s32 $0x70, v1;
	s25 =	sor.u32 s0, s6;
	s2 =	sor.u32 $0x200, s4;
	s23 =	sor.u32 s3, s6;
	[tilespmem:s26+$0x0] =	vst v24;
	v9 =	vld.idx.msk [tilespmem:v26+s11+$0x0], $0xffff  }
0x742: {  	s5 =	sadd.s32 $0x20, s7;
	s0 =	sor.u32 $0x200, s7;
	s3 =	sadd.s32 $0x10, s7;
	v24 =	vld.idx.msk [tilespmem:v27+s11+$0x0], $0xffff;
	[tilespmem:s2+$0xA000] =	vst v18  }
0x743: {  	s6 =	sor.u32 $0x200, s3;
	s2 =	sor.u32 $0x280, s3;
	s3 =	sor.u32 $0x200, s5;
	[tilespmem:s24+$0x0] =	vst v12;
	v14 =	vld.idx.msk [tilespmem:v15+s11+$0x0], $0xffff  }
.Ltmp16:
0x744: {  	s30 =	sor.u32 $0x280, s7;
	s31 =	sor.u32 $0x280, s5;
	v15 =	vld.idx.msk [tilespmem:v20+s11+$0x0], $0xffff;
	[tilespmem:s25+$0x0] =	vst v16;
	(pc) =	sbr.rel @p1 .LBB2_34-.Ltmp16, $4  }
0x745: {  	v19 =	vadd.s32 $0xE0, v2;
	[tilespmem:s23+$0x0] =	vst v17;
	v16 =	vld.idx.msk [tilespmem:v23+s11+$0x0], $0xffff  }
0x746: {  	v17 =	vld.idx.msk [tilespmem:v28+s11+$0x0], $0xffff;
	[tilespmem:s6+$0xA000] =	vst v13  }
0x747: {  	v13 =	vld.idx.msk [tilespmem:v3+s11+$0x0], $0xffff;
	[tilespmem:s3+$0xA000] =	vst v21;
	v3 =	vmov v22  }
0x748: {  	s29 =	sadd.s32 $0x40, s29;
	v18 =	vadd.s32 $0xE0, v1;
	s3 =	sor.u32 $0x280, s4;
	[tilespmem:s26+$0x80] =	vst v24;
	v12 =	vld.idx.msk [tilespmem:v4+s11+$0x0], $0xffff;
	v4 =	vmov v25  }
0x749: {  	_ =	sdelay $0x3  }
0x74a: {  	[tilespmem:s24+$0x80] =	vst v15;
	v54 =	vld.idx.msk [tilespmem:v19+s11+$0x0], $0xffff  }
0x74b: {  	v55 =	vadd.s32 $0x150, v2;
	v10 =	vld.idx.msk [tilespmem:v10+s11+$0x0], $0xffff;
	[tilespmem:s25+$0x80] =	vst v16  }
0x74c: {  	[tilespmem:s23+$0x80] =	vst v17;
	v11 =	vld.idx.msk [tilespmem:v11+s11+$0x0], $0xffff  }
0x74d: {  	v17 =	vld.idx.msk [tilespmem:v18+s11+$0x0], $0xffff  }
0x74e: {  	v56 =	vadd.s32 $0x150, v1  }
0x74f: {  	[tilespmem:s26+$0x100] =	vst v54  }
0x750: {  	[tilespmem:s24+$0x100] =	vst v10;
	v57 =	vld.idx.msk [tilespmem:v55+s11+$0x0], $0xffff  }
0x751: {  	v58 =	vadd.s32 $0x1C0, v2;
	[tilespmem:s25+$0x100] =	vst v11;
	v7 =	vld.idx.msk [tilespmem:v7+s11+$0x0], $0xffff  }
0x752: {  	[tilespmem:s23+$0x100] =	vst v17;
	v8 =	vld.idx.msk [tilespmem:v8+s11+$0x0], $0xffff  }
0x753: {  	v59 =	vld.idx.msk [tilespmem:v56+s11+$0x0], $0xffff  }
0x754: {  	[tilespmem:s3+$0xA000] =	vst v14;
	v60 =	vadd.s32 $0x1C0, v1  }
0x755: {  	p0 =	por !p0, !p0;
	s3 =	simm.s32 $0x1;
	[tilespmem:s26+$0x180] =	vst v57  }
0x756: {  	v0 =	vadd.s32 $0x230, v0;
	s3 =	simm.s32 @!p0 $0x0;
	v10 =	vld.idx.msk [tilespmem:v58+s11+$0x0], $0xffff;
	[tilespmem:s24+$0x180] =	vst v7  }
0x757: {  	v61 =	vadd.s32 $0x230, v2;
	s3 =	sshll.u32 s3, $0x6;
	[tilespmem:s25+$0x180] =	vst v8;
	v5 =	vld.idx.msk [tilespmem:v5+s11+$0x0], $0xffff  }
0x758: {  	s3 =	sadd.s32 s3, s28;
	[tilespmem:s23+$0x180] =	vst v59;
	v6 =	vld.idx.msk [tilespmem:v6+s11+$0x0], $0xffff  }
0x759: {  	[tilespmem:s0+$0xA000] =	vst v9;
	s24 =	sadd.s32 $0x30, s3;
	v62 =	vld.idx.msk [tilespmem:v60+s11+$0x0], $0xffff  }
0x75a: {  	v63 =	vadd.s32 $0x230, v1;
	[tilespmem:s2+$0xA000] =	vst v13;
	s4 =	sadd.s32 $0x10, s3;
	s25 =	sor.u32 $0x200, s24  }
0x75b: {  	s5 =	sadd.s32 $0x20, s3;
	v0 =	vld.idx.msk [tilespmem:v0+s11+$0x0], $0xffff;
	s26 =	sor.u32 $0x200, s4;
	[tilespmem:s25+$0xA000] =	vst v10  }
0x75c: {  	s6 =	sor.u32 $0x200, s5;
	v2 =	vld.idx.msk [tilespmem:v61+s11+$0x0], $0xffff;
	[tilespmem:s26+$0xA000] =	vst v5  }
0x75d: {  	s28 =	sor.u32 $0x200, s3;
	v3 =	vld.idx.msk [tilespmem:v3+s11+$0x0], $0xffff;
	[tilespmem:s6+$0xA000] =	vst v6  }
0x75e: {  	v4 =	vld.idx.msk [tilespmem:v4+s11+$0x0], $0xffff;
	[tilespmem:s28+$0xA000] =	vst v62  }
0x75f: {  	[tilespmem:s31+$0xA000] =	vst v12;
	v1 =	vld.idx.msk [tilespmem:v63+s11+$0x0], $0xffff  }
0x760: {  	[tilespmem:s30+$0xA000] =	vst v0;
	s0 =	sor.u32 $0x280, s24  }
0x761: {  	s29 =	sor.u32 $0x280, s4;
	[tilespmem:s0+$0xA000] =	vst v2  }
0x762: {  	s30 =	sor.u32 $0x280, s5;
	[tilespmem:s29+$0xA000] =	vst v3  }
0x763: {  	s31 =	sor.u32 $0x280, s3;
	[tilespmem:s30+$0xA000] =	vst v4  }
0x764: {  	[tilespmem:s31+$0xA000] =	vst v1  }
0x765: {  	s0 =	sld [smem:$0x7F8];
	_ =	sdelay $0x1  }
0x766: {  	s20 =	sadd.s32 $0x1, s20  }
0x767: {  	[hbm4b:s0+s1] =	stream.linear.scatter [tilespmem:s18], [sflag:$0x2], $0x8000, $0x38;
	[tilespmem:$0x12C00] =	vst v63  }
0x768: {  	p0 =	sne.s32 s20, s10;
	_ =	swait.ge [sflag:s15], $0x8000  }
.Ltmp17:
0x769: {  	[sflag:s15] =	ssyncset.done $0x0;
	(pc) =	sbr.rel @p0 .LBB2_1-.Ltmp17, $4  }
0x76a: {  	[sflag:s15] =	ssyncadd.s32 $0xFFFF8000  }
0x76b: {  	_ =	swait.ge [sflag:s19], $0x8000  }
0x76c: {  	[sflag:s19] =	ssyncset.done $0x0  }
0x76d: {  	s6 =	simm.s32 $0x12800;
	[sflag:s19] =	ssyncadd.s32 $0xFFFF8000  }
0x76e: {  	_ =	sfence.sel $0x180000  }
0x76f: {  	[bflag:$0x0] =	sbarrier.arrive $0xFFFF  }
0x770: {  	_ =	strace $0x90000047  }
0x771: {  	s0 =	stileid.u32;
	[bflag:$0x2] =	sbarrier.arrive $0xFFFF  }
0x772: {  	p0 =	sne.s32 s0, $0x0;
	s0 =	rddreg [dreg:$0x6]  }
0x773: {  	s0 =	sadd.s32 @!p0 $0x100000, s0  }
0x774: {  	[sflag:s0] =	ssyncadd.tile.s32 @!p0 $0x1;
	_ =	shalt  }
.Lfunc_end2:
_tile_overlayer_lowered:
.L_overlay_start_2:
0x775: {  	(tag) =	ssettag $0x2  }
0x776: {  	s0 =	rddreg [dreg:$0x0];
	s2 =	stileid.u32  }
0x777: {  	s1 =	rddreg [dreg:$0x1];
	p0 =	sne.s32 s2, $0x0  }
0x778: {  	s3 =	rddreg [dreg:$0x2];
	[bflag:$0x3] =	sbarrier.arrive $0xFFFF;
	s2 =	simm.s32 @!p0 $0x1C05  }
0x779: {  	[timem:s3], [sflag:s2] =	dma.local @!p0 [hbm:s0], s1  }
0x77a: {  	s0 =	simm.s32 @!p0 $0x5  }
0x77b: {  	_ =	swait.ge @!p0 [sflag:s0], s1  }
0x77c: {  	s1 =	ssub.s32 @!p0 $0x0, s1;
	[sflag:s0] =	ssyncset.done @!p0 $0x0  }
0x77d: {  	[sflag:s0] =	ssyncadd.s32 @!p0 s1  }
0x77e: {  	[bflag:$0x3] =	sbarrier.arrive $0xFFFF  }
0x77f: {  	_ =	shalt  }

</sc_bundles>
